<compile_context>
chip_gen: v7x
topology: tpu7x:2x2x1
jax: 0.10.2.dev20260603
libtpu: 0.0.44.dev20260713+nightly
codegen_flags: <defaults>
</compile_context>

<pallas_src>
import functools

import jax
import jax.numpy as jnp
from jax import lax
from jax.experimental import pallas as pl
from jax.experimental.pallas import tpu as pltpu
from jax.experimental.pallas import tpu_sc as plsc

N = 10000
NP = 10112
F = 64
E = 320000
NC = 2
NS = 16
NW = NC * NS
CHUNK = 128
NCH = 81
NBUF = 3
EPT = NCH * CHUNK
EPAD = NW * EPT
RPT = NP // NS

_mesh = plsc.VectorSubcoreMesh(core_axis_name="c", subcore_axis_name="s")
_sc_params = pltpu.CompilerParams(use_tc_tiling_on_sc=False)



@functools.partial(
    pl.kernel,
    out_type=jax.ShapeDtypeStruct((NC, NP, F), jnp.float32),
    mesh=_mesh,
    scratch_types=[
        pltpu.VMEM((NCH, CHUNK), jnp.int32),
        pltpu.VMEM((NCH, CHUNK), jnp.int32),
        pltpu.VMEM((NBUF, CHUNK, F), jnp.float32),
        pltpu.VMEM_SHARED((NP, F), jnp.float32),
        pltpu.VMEM_SHARED((NP, F), jnp.float32),
        pltpu.SemaphoreType.DMA,
        pltpu.SemaphoreType.DMA,
        pltpu.SemaphoreType.DMA,
        pltpu.SemaphoreType.DMA,
        pltpu.SemaphoreType.DMA,
        pltpu.SemaphoreType.DMA,
    ],
    compiler_params=_sc_params,
)
def _hop(g_hbm, src_hbm, dst_hbm, zeros_hbm, out_hbm,
         src_v, dst_v, rows_v, g_sh, agg_sh,
         gsem0, gsem1, gsem2, ssem0, ssem1, ssem2):
    gsems = [gsem0, gsem1, gsem2]
    ssems = [ssem0, ssem1, ssem2]
    c = lax.axis_index("c")
    s = lax.axis_index("s")
    wid = s * NC + c
    pltpu.sync_copy(zeros_hbm.at[pl.ds(s * RPT, RPT)],
                    agg_sh.at[pl.ds(s * RPT, RPT)])
    pltpu.sync_copy(g_hbm.at[pl.ds(s * RPT, RPT)],
                    g_sh.at[pl.ds(s * RPT, RPT)])
    pltpu.sync_copy(src_hbm.at[wid], src_v)
    pltpu.sync_copy(dst_hbm.at[wid], dst_v)
    plsc.subcore_barrier()

    def gather(j, b):
        pltpu.async_copy(g_sh.at[src_v.at[j]], rows_v.at[b], gsems[b])

    def gather_wait(b):
        pltpu.make_async_copy(g_sh.at[src_v.at[0]], rows_v.at[b],
                              gsems[b]).wait()

    def scatter(j, b):
        pltpu.async_copy(rows_v.at[b], agg_sh.at[dst_v.at[j]], ssems[b],
                         add=True)

    def scatter_wait(b):
        pltpu.make_async_copy(rows_v.at[b], agg_sh.at[dst_v.at[0]],
                              ssems[b]).wait()

    for b in range(NBUF):
        gather(b, b)

    def body(j4, carry):
        for b in range(NBUF):
            j = j4 * NBUF + b
            gather_wait(b)
            scatter(j, b)
            bp = (b - 1) % NBUF
            if b == 0:
                @pl.when(j4 > 0)
                def _():
                    scatter_wait(bp)

                @pl.when((j4 > 0) & (j + NBUF - 1 < NCH))
                def _():
                    gather(j + NBUF - 1, bp)
            else:
                scatter_wait(bp)

                @pl.when(j + NBUF - 1 < NCH)
                def _():
                    gather(j + NBUF - 1, bp)
        return carry

    lax.fori_loop(0, NCH // NBUF, body, 0)
    scatter_wait((NCH - 1) % NBUF)
    plsc.subcore_barrier()
    pltpu.sync_copy(agg_sh.at[pl.ds(s * RPT, RPT)],
                    out_hbm.at[c, pl.ds(s * RPT, RPT)])


@functools.partial(
    pl.kernel,
    out_type=jax.ShapeDtypeStruct((NC, 3, NP, 16), jnp.float32),
    mesh=_mesh,
    scratch_types=[
        pltpu.VMEM((NCH, CHUNK), jnp.int32),
        pltpu.VMEM((CHUNK, 16), jnp.float32),
        pltpu.VMEM_SHARED((NP, 16), jnp.float32),
        pltpu.SemaphoreType.DMA,
    ],
    compiler_params=_sc_params,
)
def _deg(dst3_hbm, ones_hbm, zeros_hbm, out_hbm, dst_v, ones_v, dega_sh, sem):
    c = lax.axis_index("c")
    s = lax.axis_index("s")
    wid = s * NC + c
    pltpu.sync_copy(ones_hbm, ones_v)
    for r in range(3):
        pltpu.sync_copy(zeros_hbm.at[pl.ds(s * RPT, RPT)],
                        dega_sh.at[pl.ds(s * RPT, RPT)])
        pltpu.sync_copy(dst3_hbm.at[r, wid], dst_v)
        plsc.subcore_barrier()

        def body(j, carry):
            pltpu.sync_copy(ones_v, dega_sh.at[dst_v.at[j]], add=True)
            return carry

        lax.fori_loop(0, NCH, body, 0)
        plsc.subcore_barrier()
        pltpu.sync_copy(dega_sh.at[pl.ds(s * RPT, RPT)],
                        out_hbm.at[c, r, pl.ds(s * RPT, RPT)])



def _act(x):
    return jnp.where(x > 0, x, 0.01 * x)


def _dot(a, b):
    return jnp.dot(a.astype(jnp.bfloat16), b.astype(jnp.bfloat16),
                   preferred_element_type=jnp.float32)


def _mlp_body(x_ref, w1_ref, b1_ref, w2_ref, b2_ref, o_ref):
    h = _act(_dot(x_ref[...], w1_ref[...]) + b1_ref[...])
    o_ref[...] = _act(_dot(h, w2_ref[...]) + b2_ref[...])


def _ug_body(degp_ref, h_ref, u3_ref, g_ref):
    us = []
    for r in range(3):
        deg = degp_ref[0, r, :, 0:1] + degp_ref[1, r, :, 0:1]
        us.append(jnp.power(jnp.maximum(deg, 1.0), -0.5))
    u3_ref[...] = jnp.concatenate(us, axis=1)
    g_ref[...] = h_ref[...] * us[0]


def _comb_body(r, p_ref, f_ref, u3_ref, f1_ref, g1_ref):
    u = u3_ref[:, r:r + 1]
    f1 = f_ref[...] - (p_ref[0] + p_ref[1]) * u
    f1_ref[...] = f1
    g1_ref[...] = f1 * u


def _poly(p_ref, f0_ref, f1_ref, u3_ref, w3_ref, b3_ref, hs_ref, r):
    f0 = f0_ref[...]
    f1 = f1_ref[...]
    f2 = f1 - (p_ref[0] + p_ref[1]) * u3_ref[:, r:r + 1]
    w3 = w3_ref[...]
    h0 = 3.0 * f0 - 3.0 * f1 + 0.75 * f2
    h1 = 3.0 * f1 - 1.5 * f2
    h2 = 0.75 * f2
    h = _dot(h0, w3[0:64]) + _dot(h1, w3[64:128]) + _dot(h2, w3[128:192])
    h += b3_ref[...]
    return h, hs_ref[...] + h


def _fin_mid_body(r, p_ref, f0_ref, f1_ref, u3_ref, w3_ref, b3_ref, hs_ref,
                  h_ref, hso_ref, g_ref):
    h, hs = _poly(p_ref, f0_ref, f1_ref, u3_ref, w3_ref, b3_ref, hs_ref, r)
    h_ref[...] = h
    hso_ref[...] = hs
    g_ref[...] = h * u3_ref[:, r + 1:r + 2]


def _fin_last_body(r, p_ref, f0_ref, f1_ref, u3_ref, w3_ref, b3_ref, hs_ref,
                   w4_ref, b4_ref, o_ref):
    _, hs = _poly(p_ref, f0_ref, f1_ref, u3_ref, w3_ref, b3_ref, hs_ref, r)
    o_ref[...] = _dot(_act(hs), w4_ref[...]) + b4_ref[...]


BLK = 1264
_TGRID = (NP // BLK,)


def _rows(w):
    return pl.BlockSpec((BLK, w), lambda i: (i, 0))


def _bcast(*shape):
    return pl.BlockSpec(shape, lambda i: tuple(0 for _ in shape))


_F_OUT = jax.ShapeDtypeStruct((NP, F), jnp.float32)

_mlp = pl.pallas_call(
    _mlp_body, grid=_TGRID,
    in_specs=[_rows(128), _bcast(128, F), _bcast(1, F), _bcast(F, F),
              _bcast(1, F)],
    out_specs=_rows(F), out_shape=_F_OUT)
_ug = pl.pallas_call(
    _ug_body, grid=_TGRID,
    in_specs=[pl.BlockSpec((NC, 3, BLK, 16), lambda i: (0, 0, i, 0)),
              _rows(F)],
    out_specs=(_rows(3), _rows(F)),
    out_shape=(jax.ShapeDtypeStruct((NP, 3), jnp.float32), _F_OUT))

_P_SPEC = pl.BlockSpec((NC, BLK, F), lambda i: (0, i, 0))


def _comb(r):
    return pl.pallas_call(
        functools.partial(_comb_body, r), grid=_TGRID,
        in_specs=[_P_SPEC, _rows(F), _rows(3)],
        out_specs=(_rows(F), _rows(F)),
        out_shape=(_F_OUT, _F_OUT))


def _fin_mid(r):
    return pl.pallas_call(
        functools.partial(_fin_mid_body, r), grid=_TGRID,
        in_specs=[_P_SPEC, _rows(F), _rows(F), _rows(3),
                  _bcast(3 * F, F), _bcast(1, F), _rows(F)],
        out_specs=(_rows(F), _rows(F), _rows(F)),
        out_shape=(_F_OUT, _F_OUT, _F_OUT))


_fin_last = pl.pallas_call(
    functools.partial(_fin_last_body, 2), grid=_TGRID,
    in_specs=[_P_SPEC, _rows(F), _rows(F), _rows(3),
              _bcast(3 * F, F), _bcast(1, F), _rows(F),
              _bcast(F, 128), _bcast(1, 128)],
    out_specs=_rows(128),
    out_shape=jax.ShapeDtypeStruct((NP, 128), jnp.float32))


def _prep_edges(ei):
    pad = N + jnp.arange(EPAD - E, dtype=jnp.int32) % (NP - N)
    srcp = jnp.concatenate([ei[0].astype(jnp.int32), pad]).reshape(
        NW, NCH, CHUNK)
    dstp = jnp.concatenate([ei[1].astype(jnp.int32), pad]).reshape(
        NW, NCH, CHUNK)
    return srcp, dstp


@jax.jit
def kernel(in_feat, edge_index_r0, edge_index_r1, edge_index_r2,
           W1, b1, W2, b2, W3, b3, W4, b4):
    xp = jnp.pad(in_feat, ((0, NP - N), (0, 0)))
    edges = [_prep_edges(e) for e in (edge_index_r0, edge_index_r1,
                                      edge_index_r2)]
    dst3 = jnp.stack([d for (_, d) in edges])
    z64 = jnp.zeros((NP, F), jnp.float32)
    z16 = jnp.zeros((NP, 16), jnp.float32)
    ones16 = jnp.ones((CHUNK, 16), jnp.float32)

    degp = _deg(dst3, ones16, z16)
    h = _mlp(xp, W1, b1.reshape(1, F), W2, b2.reshape(1, F))
    u3, g = _ug(degp, h)

    b3r = b3.reshape(1, F)
    w4p = jnp.pad(W4, ((0, 0), (0, 126)))
    b4p = jnp.pad(b4, (0, 126)).reshape(1, 128)

    hsum = z64
    for r, (srcp, dstp) in enumerate(edges):
        p1 = _hop(g, srcp, dstp, z64)
        f1, g1 = _comb(r)(p1, h, u3)
        p2 = _hop(g1, srcp, dstp, z64)
        if r < 2:
            h, hsum, g = _fin_mid(r)(p2, h, f1, u3, W3, b3r, hsum)
        else:
            logits = _fin_last(p2, h, f1, u3, W3, b3r, hsum, w4p, b4p)
    return logits[:N, :2]

# --- scband reference (transcript-rebuilt; emitter-appended) ---
"""Pipeline reference for scband-bwgnn-hetero-86157043957976 (READ-ONLY COPY).

The authoritative reference and input builder live on the scoring server;
editing this copy changes nothing except your own understanding.
"""

import jax, jax.numpy as jnp
import numpy as np

N = 10000
E = 320000
IN_FEATS = 128
H_FEATS = 64
NUM_CLASSES = 2

# calculate_theta2(d=2) Beta-wavelet polynomial coefficients (lowest degree first)
THETAS = [[3.0, -3.0, 0.75], [0.0, 3.0, -1.5], [0.0, 0.0, 0.75]]


def _poly_conv(theta, src, dst, feat, d_invsqrt):
    # h = sum_k theta[k] * L^k feat, where L f = f - D^-1/2 A D^-1/2 f (unnLaplacian)
    h = theta[0] * feat
    f = feat
    for k in range(1, len(theta)):
        m = (f * d_invsqrt)[src]
        agg = jnp.zeros_like(f).at[dst].add(m)
        f = f - agg * d_invsqrt
        h = h + theta[k] * f
    return h


def setup_inputs(seed: int = 0) -> dict:
    key = jax.random.key(seed)
    ks = jax.random.split(key, 16)
    inp = {}
    inp["in_feat"] = jax.random.normal(ks[0], (N, IN_FEATS), dtype=jnp.float32)
    inp["edge_index_r0"] = jax.random.randint(ks[1], (2, E), 0, N, dtype=jnp.int32)
    inp["edge_index_r1"] = jax.random.randint(ks[2], (2, E), 0, N, dtype=jnp.int32)
    inp["edge_index_r2"] = jax.random.randint(ks[3], (2, E), 0, N, dtype=jnp.int32)

    def xavier(k, fan_in, fan_out):
        lim = float(np.sqrt(6.0 / (fan_in + fan_out)))
        return jax.random.uniform(k, (fan_in, fan_out), jnp.float32, -lim, lim)

    inp["W1"] = xavier(ks[4], IN_FEATS, H_FEATS)
    inp["b1"] = jnp.zeros((H_FEATS,), jnp.float32)
    inp["W2"] = xavier(ks[5], H_FEATS, H_FEATS)
    inp["b2"] = jnp.zeros((H_FEATS,), jnp.float32)
    inp["W3"] = xavier(ks[6], 3 * H_FEATS, H_FEATS)
    inp["b3"] = jnp.zeros((H_FEATS,), jnp.float32)
    inp["W4"] = xavier(ks[7], H_FEATS, NUM_CLASSES)
    inp["b4"] = jnp.zeros((NUM_CLASSES,), jnp.float32)
    return inp


def reference(in_feat, edge_index_r0, edge_index_r1, edge_index_r2,
              W1, b1, W2, b2, W3, b3, W4, b4):
    act = lambda x: jax.nn.leaky_relu(x, 0.01)
    n = in_feat.shape[0]
    h = act(in_feat @ W1 + b1)
    h = act(h @ W2 + b2)
    h_all = []
    for ei in (edge_index_r0, edge_index_r1, edge_index_r2):
        src, dst = ei[0], ei[1]
        deg = jnp.zeros((n,), jnp.float32).at[dst].add(1.0)
        d_invsqrt = jnp.power(jnp.clip(deg, 1.0, None), -0.5)[:, None]
        hs = [_poly_conv(theta, src, dst, h, d_invsqrt) for theta in THETAS]
        h_final = jnp.concatenate(hs, axis=-1)
        h = h_final @ W3 + b3
        h_all.append(h)
    h_sum = act(jnp.sum(jnp.stack(h_all, axis=0), axis=0))
    return h_sum @ W4 + b4

if __name__ == "__main__":
    import jax
    _d = setup_inputs()
    print(jax.jit(kernel)(*tuple(_d.values())))

</pallas_src>

<mosaic_0001>
#map = affine_map<(d0, d1) -> (0, 0, 0, 0)>
#map1 = affine_map<(d0, d1) -> (0, 0)>
module attributes {stable_mosaic.version = 14 : i64} {
  func.func @_deg(%arg0: i32, %arg1: i32, %arg2: memref<3x32x81x128xi32, #tpu.memory_space<hbm>>, %arg3: memref<128x16xf32, #tpu.memory_space<hbm>>, %arg4: memref<10112x16xf32, #tpu.memory_space<hbm>>, %arg5: memref<2x3x10112x16xf32, #tpu.memory_space<hbm>>, %arg6: memref<81x128xi32, #tpu.memory_space<vmem>>, %arg7: memref<128x16xf32, #tpu.memory_space<vmem>>, %arg8: memref<10112x16xf32, #tpu.memory_space<vmem_shared>>, %arg9: memref<!tpu.dma_semaphore, #tpu.memory_space<semaphore_mem>>) attributes {dimension_semantics = [#tpu.dimension_semantics<core_parallel>, #tpu.dimension_semantics<subcore_parallel>], iteration_bounds = array<i64: 2, 16>, scalar_prefetch = 0 : i64, scratch_operands = 4 : i64, tpu.core_type = #tpu.core_type<sc_vector_subcore>, window_params = [{transform_indices = #map}, {transform_indices = #map1}, {transform_indices = #map1}, {transform_indices = #map}]} {
    %mul3A = arith.constant 2 : i32
    %mul3A_0 = arith.muli %arg1, %mul3A : i32
    %add3A = arith.addi %mul3A_0, %arg0 : i32
    "tpu.region"() ({
      %run_scoped3A_52 = tpu.sem_alloc : memref<!tpu.dma_semaphore, #tpu.memory_space<semaphore_mem>>
      tpu.enqueue_dma source(%arg3 : memref<128x16xf32, #tpu.memory_space<hbm>>) target(%arg7 : memref<128x16xf32, #tpu.memory_space<vmem>>) target_semaphore(%run_scoped3A_52 : memref<!tpu.dma_semaphore, #tpu.memory_space<semaphore_mem>>)
      tpu.wait_dma2 semaphore(%run_scoped3A_52 : memref<!tpu.dma_semaphore, #tpu.memory_space<semaphore_mem>>) src(%arg3 : memref<128x16xf32, #tpu.memory_space<hbm>>) dst(%arg7 : memref<128x16xf32, #tpu.memory_space<vmem>>)
      tpu.yield
    }) : () -> ()
    %mul3A_1 = arith.constant 632 : i32
    %mul3A_2 = arith.muli %arg1, %mul3A_1 : i32
    %mul3A_3 = arith.constant 632 : i32
    %mul3A_4 = arith.muli %arg1, %mul3A_3 : i32
    "tpu.region"() ({
      %run_scoped3A_52 = tpu.sem_alloc : memref<!tpu.dma_semaphore, #tpu.memory_space<semaphore_mem>>
      %dma_start3A = arith.constant 0 : i32
      %dma_start3A_53 = tpu.memref_slice %arg8[%mul3A_4, %dma_start3A] : memref<10112x16xf32, #tpu.memory_space<vmem_shared>> -> memref<632x16xf32, #tpu.memory_space<vmem_shared>>
      %dma_start3A_54 = arith.constant 0 : i32
      %dma_start3A_55 = tpu.memref_slice %arg4[%mul3A_2, %dma_start3A_54] : memref<10112x16xf32, #tpu.memory_space<hbm>> -> memref<632x16xf32, #tpu.memory_space<hbm>>
      tpu.enqueue_dma source(%dma_start3A_55 : memref<632x16xf32, #tpu.memory_space<hbm>>) target(%dma_start3A_53 : memref<632x16xf32, #tpu.memory_space<vmem_shared>>) target_semaphore(%run_scoped3A_52 : memref<!tpu.dma_semaphore, #tpu.memory_space<semaphore_mem>>)
      %dma_wait3A = arith.constant 0 : i32
      %dma_wait3A_56 = tpu.memref_slice %arg8[%mul3A_4, %dma_wait3A] : memref<10112x16xf32, #tpu.memory_space<vmem_shared>> -> memref<632x16xf32, #tpu.memory_space<vmem_shared>>
      %dma_wait3A_57 = arith.constant 0 : i32
      %dma_wait3A_58 = tpu.memref_slice %arg4[%mul3A_2, %dma_wait3A_57] : memref<10112x16xf32, #tpu.memory_space<hbm>> -> memref<632x16xf32, #tpu.memory_space<hbm>>
      tpu.wait_dma2 semaphore(%run_scoped3A_52 : memref<!tpu.dma_semaphore, #tpu.memory_space<semaphore_mem>>) src(%dma_wait3A_58 : memref<632x16xf32, #tpu.memory_space<hbm>>) dst(%dma_wait3A_56 : memref<632x16xf32, #tpu.memory_space<vmem_shared>>)
      tpu.yield
    }) : () -> ()
    %run_scoped3A = arith.constant 0 : i32
    "tpu.region"() ({
      %run_scoped3A_52 = tpu.sem_alloc : memref<!tpu.dma_semaphore, #tpu.memory_space<semaphore_mem>>
      %dma_start3A = arith.constant 0 : i32
      %dma_start3A_53 = arith.constant 0 : i32
      %dma_start3A_54 = tpu.memref_slice %arg2[%run_scoped3A, %add3A, %dma_start3A, %dma_start3A_53] : memref<3x32x81x128xi32, #tpu.memory_space<hbm>> -> memref<1x1x81x128xi32, #tpu.memory_space<hbm>>
      %dma_start3A_55 = tpu.memref_squeeze %dma_start3A_54 : memref<1x1x81x128xi32, #tpu.memory_space<hbm>> -> memref<81x128xi32, #tpu.memory_space<hbm>>
      %dma_start3A_56 = arith.constant 0 : i32
      %dma_start3A_57 = arith.constant 0 : i32
      %dma_start3A_58 = tpu.memref_slice %arg2[%run_scoped3A, %add3A, %dma_start3A_56, %dma_start3A_57] : memref<3x32x81x128xi32, #tpu.memory_space<hbm>> -> memref<1x1x81x128xi32, #tpu.memory_space<hbm>>
      %dma_start3A_59 = tpu.memref_squeeze %dma_start3A_58 : memref<1x1x81x128xi32, #tpu.memory_space<hbm>> -> memref<81x128xi32, #tpu.memory_space<hbm>>
      tpu.enqueue_dma source(%dma_start3A_59 : memref<81x128xi32, #tpu.memory_space<hbm>>) target(%arg6 : memref<81x128xi32, #tpu.memory_space<vmem>>) target_semaphore(%run_scoped3A_52 : memref<!tpu.dma_semaphore, #tpu.memory_space<semaphore_mem>>)
      %dma_wait3A = arith.constant 0 : i32
      %dma_wait3A_60 = arith.constant 0 : i32
      %dma_wait3A_61 = tpu.memref_slice %arg2[%run_scoped3A, %add3A, %dma_wait3A, %dma_wait3A_60] : memref<3x32x81x128xi32, #tpu.memory_space<hbm>> -> memref<1x1x81x128xi32, #tpu.memory_space<hbm>>
      %dma_wait3A_62 = tpu.memref_squeeze %dma_wait3A_61 : memref<1x1x81x128xi32, #tpu.memory_space<hbm>> -> memref<81x128xi32, #tpu.memory_space<hbm>>
      %dma_wait3A_63 = arith.constant 0 : i32
      %dma_wait3A_64 = arith.constant 0 : i32
      %dma_wait3A_65 = tpu.memref_slice %arg2[%run_scoped3A, %add3A, %dma_wait3A_63, %dma_wait3A_64] : memref<3x32x81x128xi32, #tpu.memory_space<hbm>> -> memref<1x1x81x128xi32, #tpu.memory_space<hbm>>
      %dma_wait3A_66 = tpu.memref_squeeze %dma_wait3A_65 : memref<1x1x81x128xi32, #tpu.memory_space<hbm>> -> memref<81x128xi32, #tpu.memory_space<hbm>>
      tpu.wait_dma2 semaphore(%run_scoped3A_52 : memref<!tpu.dma_semaphore, #tpu.memory_space<semaphore_mem>>) src(%dma_wait3A_66 : memref<81x128xi32, #tpu.memory_space<hbm>>) dst(%arg6 : memref<81x128xi32, #tpu.memory_space<vmem>>)
      tpu.yield
    }) : () -> ()
    %barrier3A = arith.constant 0 : index
    tpu.barrier barrier_id(%barrier3A)
    %scan3A = arith.constant 0 : i32
    %scan3A_5 = arith.constant 0 : i32
    %scan3A_6 = arith.constant 81 : i32
    %scan3A_7 = arith.addi %scan3A_5, %scan3A_6 : i32
    %scan3A_8 = arith.constant 1 : i32
    scf.for %scan3A_52 = %scan3A_5 to %scan3A_7 step %scan3A_8  : i32 {
      "tpu.region"() ({
        %run_scoped3A_53 = tpu.sem_alloc : memref<!tpu.dma_semaphore, #tpu.memory_space<semaphore_mem>>
        %dma_start3A = arith.constant 0 : i32
        %dma_start3A_54 = tpu.memref_slice %arg6[%scan3A_52, %dma_start3A] : memref<81x128xi32, #tpu.memory_space<vmem>> -> memref<1x128xi32, #tpu.memory_space<vmem>>
        %dma_start3A_55 = tpu.memref_squeeze %dma_start3A_54 : memref<1x128xi32, #tpu.memory_space<vmem>> -> memref<128xi32, #tpu.memory_space<vmem>>
        %dma_start3A_56 = arith.constant 0 : i32
        %dma_start3A_57 = arith.constant 0 : i32
        %dma_start3A_58 = tpu.memref_slice %arg8[%dma_start3A_56, %dma_start3A_57] : memref<10112x16xf32, #tpu.memory_space<vmem_shared>> -> memref<10112x16xf32, #tpu.memory_space<vmem_shared>>
        tpu.enqueue_indirect_dma source(%arg7 : memref<128x16xf32, #tpu.memory_space<vmem>>) target(%dma_start3A_58 : memref<10112x16xf32, #tpu.memory_space<vmem_shared>>) offsets(%dma_start3A_55 : memref<128xi32, #tpu.memory_space<vmem>>) semaphore(%run_scoped3A_53 : memref<!tpu.dma_semaphore, #tpu.memory_space<semaphore_mem>>) {add = true}
        %dma_wait3A = arith.constant 0 : i32
        %dma_wait3A_59 = tpu.memref_slice %arg6[%scan3A_52, %dma_wait3A] : memref<81x128xi32, #tpu.memory_space<vmem>> -> memref<1x128xi32, #tpu.memory_space<vmem>>
        %dma_wait3A_60 = tpu.memref_squeeze %dma_wait3A_59 : memref<1x128xi32, #tpu.memory_space<vmem>> -> memref<128xi32, #tpu.memory_space<vmem>>
        %dma_wait3A_61 = arith.constant 0 : i32
        %dma_wait3A_62 = arith.constant 0 : i32
        %dma_wait3A_63 = tpu.memref_slice %arg8[%dma_wait3A_61, %dma_wait3A_62] : memref<10112x16xf32, #tpu.memory_space<vmem_shared>> -> memref<10112x16xf32, #tpu.memory_space<vmem_shared>>
        tpu.wait_indirect_dma semaphore(%run_scoped3A_53 : memref<!tpu.dma_semaphore, #tpu.memory_space<semaphore_mem>>) src(%arg7 : memref<128x16xf32, #tpu.memory_space<vmem>>) dst(%dma_wait3A_63 : memref<10112x16xf32, #tpu.memory_space<vmem_shared>>)
        tpu.yield
      }) : () -> ()
    }
    %scan3A_9 = arith.constant 81 : i32
    %barrier3A_10 = arith.constant 0 : index
    tpu.barrier barrier_id(%barrier3A_10)
    %mul3A_11 = arith.constant 632 : i32
    %mul3A_12 = arith.muli %arg1, %mul3A_11 : i32
    %mul3A_13 = arith.constant 632 : i32
    %mul3A_14 = arith.muli %arg1, %mul3A_13 : i32
    %run_scoped3A_15 = arith.constant 0 : i32
    "tpu.region"() ({
      %run_scoped3A_52 = tpu.sem_alloc : memref<!tpu.dma_semaphore, #tpu.memory_space<semaphore_mem>>
      %dma_start3A = arith.constant 0 : i32
      %dma_start3A_53 = tpu.memref_slice %arg5[%arg0, %run_scoped3A_15, %mul3A_14, %dma_start3A] : memref<2x3x10112x16xf32, #tpu.memory_space<hbm>> -> memref<1x1x632x16xf32, #tpu.memory_space<hbm>>
      %dma_start3A_54 = tpu.memref_squeeze %dma_start3A_53 : memref<1x1x632x16xf32, #tpu.memory_space<hbm>> -> memref<632x16xf32, #tpu.memory_space<hbm>>
      %dma_start3A_55 = arith.constant 0 : i32
      %dma_start3A_56 = tpu.memref_slice %arg8[%mul3A_12, %dma_start3A_55] : memref<10112x16xf32, #tpu.memory_space<vmem_shared>> -> memref<632x16xf32, #tpu.memory_space<vmem_shared>>
      tpu.enqueue_dma source(%dma_start3A_56 : memref<632x16xf32, #tpu.memory_space<vmem_shared>>) target(%dma_start3A_54 : memref<632x16xf32, #tpu.memory_space<hbm>>) target_semaphore(%run_scoped3A_52 : memref<!tpu.dma_semaphore, #tpu.memory_space<semaphore_mem>>)
      %dma_wait3A = arith.constant 0 : i32
      %dma_wait3A_57 = tpu.memref_slice %arg5[%arg0, %run_scoped3A_15, %mul3A_14, %dma_wait3A] : memref<2x3x10112x16xf32, #tpu.memory_space<hbm>> -> memref<1x1x632x16xf32, #tpu.memory_space<hbm>>
      %dma_wait3A_58 = tpu.memref_squeeze %dma_wait3A_57 : memref<1x1x632x16xf32, #tpu.memory_space<hbm>> -> memref<632x16xf32, #tpu.memory_space<hbm>>
      %dma_wait3A_59 = arith.constant 0 : i32
      %dma_wait3A_60 = tpu.memref_slice %arg8[%mul3A_12, %dma_wait3A_59] : memref<10112x16xf32, #tpu.memory_space<vmem_shared>> -> memref<632x16xf32, #tpu.memory_space<vmem_shared>>
      tpu.wait_dma2 semaphore(%run_scoped3A_52 : memref<!tpu.dma_semaphore, #tpu.memory_space<semaphore_mem>>) src(%dma_wait3A_60 : memref<632x16xf32, #tpu.memory_space<vmem_shared>>) dst(%dma_wait3A_58 : memref<632x16xf32, #tpu.memory_space<hbm>>)
      tpu.yield
    }) : () -> ()
    %mul3A_16 = arith.constant 632 : i32
    %mul3A_17 = arith.muli %arg1, %mul3A_16 : i32
    %mul3A_18 = arith.constant 632 : i32
    %mul3A_19 = arith.muli %arg1, %mul3A_18 : i32
    "tpu.region"() ({
      %run_scoped3A_52 = tpu.sem_alloc : memref<!tpu.dma_semaphore, #tpu.memory_space<semaphore_mem>>
      %dma_start3A = arith.constant 0 : i32
      %dma_start3A_53 = tpu.memref_slice %arg8[%mul3A_19, %dma_start3A] : memref<10112x16xf32, #tpu.memory_space<vmem_shared>> -> memref<632x16xf32, #tpu.memory_space<vmem_shared>>
      %dma_start3A_54 = arith.constant 0 : i32
      %dma_start3A_55 = tpu.memref_slice %arg4[%mul3A_17, %dma_start3A_54] : memref<10112x16xf32, #tpu.memory_space<hbm>> -> memref<632x16xf32, #tpu.memory_space<hbm>>
      tpu.enqueue_dma source(%dma_start3A_55 : memref<632x16xf32, #tpu.memory_space<hbm>>) target(%dma_start3A_53 : memref<632x16xf32, #tpu.memory_space<vmem_shared>>) target_semaphore(%run_scoped3A_52 : memref<!tpu.dma_semaphore, #tpu.memory_space<semaphore_mem>>)
      %dma_wait3A = arith.constant 0 : i32
      %dma_wait3A_56 = tpu.memref_slice %arg8[%mul3A_19, %dma_wait3A] : memref<10112x16xf32, #tpu.memory_space<vmem_shared>> -> memref<632x16xf32, #tpu.memory_space<vmem_shared>>
      %dma_wait3A_57 = arith.constant 0 : i32
      %dma_wait3A_58 = tpu.memref_slice %arg4[%mul3A_17, %dma_wait3A_57] : memref<10112x16xf32, #tpu.memory_space<hbm>> -> memref<632x16xf32, #tpu.memory_space<hbm>>
      tpu.wait_dma2 semaphore(%run_scoped3A_52 : memref<!tpu.dma_semaphore, #tpu.memory_space<semaphore_mem>>) src(%dma_wait3A_58 : memref<632x16xf32, #tpu.memory_space<hbm>>) dst(%dma_wait3A_56 : memref<632x16xf32, #tpu.memory_space<vmem_shared>>)
      tpu.yield
    }) : () -> ()
    %run_scoped3A_20 = arith.constant 1 : i32
    "tpu.region"() ({
      %run_scoped3A_52 = tpu.sem_alloc : memref<!tpu.dma_semaphore, #tpu.memory_space<semaphore_mem>>
      %dma_start3A = arith.constant 0 : i32
      %dma_start3A_53 = arith.constant 0 : i32
      %dma_start3A_54 = tpu.memref_slice %arg2[%run_scoped3A_20, %add3A, %dma_start3A, %dma_start3A_53] : memref<3x32x81x128xi32, #tpu.memory_space<hbm>> -> memref<1x1x81x128xi32, #tpu.memory_space<hbm>>
      %dma_start3A_55 = tpu.memref_squeeze %dma_start3A_54 : memref<1x1x81x128xi32, #tpu.memory_space<hbm>> -> memref<81x128xi32, #tpu.memory_space<hbm>>
      %dma_start3A_56 = arith.constant 0 : i32
      %dma_start3A_57 = arith.constant 0 : i32
      %dma_start3A_58 = tpu.memref_slice %arg2[%run_scoped3A_20, %add3A, %dma_start3A_56, %dma_start3A_57] : memref<3x32x81x128xi32, #tpu.memory_space<hbm>> -> memref<1x1x81x128xi32, #tpu.memory_space<hbm>>
      %dma_start3A_59 = tpu.memref_squeeze %dma_start3A_58 : memref<1x1x81x128xi32, #tpu.memory_space<hbm>> -> memref<81x128xi32, #tpu.memory_space<hbm>>
      tpu.enqueue_dma source(%dma_start3A_59 : memref<81x128xi32, #tpu.memory_space<hbm>>) target(%arg6 : memref<81x128xi32, #tpu.memory_space<vmem>>) target_semaphore(%run_scoped3A_52 : memref<!tpu.dma_semaphore, #tpu.memory_space<semaphore_mem>>)
      %dma_wait3A = arith.constant 0 : i32
      %dma_wait3A_60 = arith.constant 0 : i32
      %dma_wait3A_61 = tpu.memref_slice %arg2[%run_scoped3A_20, %add3A, %dma_wait3A, %dma_wait3A_60] : memref<3x32x81x128xi32, #tpu.memory_space<hbm>> -> memref<1x1x81x128xi32, #tpu.memory_space<hbm>>
      %dma_wait3A_62 = tpu.memref_squeeze %dma_wait3A_61 : memref<1x1x81x128xi32, #tpu.memory_space<hbm>> -> memref<81x128xi32, #tpu.memory_space<hbm>>
      %dma_wait3A_63 = arith.constant 0 : i32
      %dma_wait3A_64 = arith.constant 0 : i32
      %dma_wait3A_65 = tpu.memref_slice %arg2[%run_scoped3A_20, %add3A, %dma_wait3A_63, %dma_wait3A_64] : memref<3x32x81x128xi32, #tpu.memory_space<hbm>> -> memref<1x1x81x128xi32, #tpu.memory_space<hbm>>
      %dma_wait3A_66 = tpu.memref_squeeze %dma_wait3A_65 : memref<1x1x81x128xi32, #tpu.memory_space<hbm>> -> memref<81x128xi32, #tpu.memory_space<hbm>>
      tpu.wait_dma2 semaphore(%run_scoped3A_52 : memref<!tpu.dma_semaphore, #tpu.memory_space<semaphore_mem>>) src(%dma_wait3A_66 : memref<81x128xi32, #tpu.memory_space<hbm>>) dst(%arg6 : memref<81x128xi32, #tpu.memory_space<vmem>>)
      tpu.yield
    }) : () -> ()
    %barrier3A_21 = arith.constant 0 : index
    tpu.barrier barrier_id(%barrier3A_21)
    %scan3A_22 = arith.constant 0 : i32
    %scan3A_23 = arith.constant 0 : i32
    %scan3A_24 = arith.constant 81 : i32
    %scan3A_25 = arith.addi %scan3A_23, %scan3A_24 : i32
    %scan3A_26 = arith.constant 1 : i32
    scf.for %scan3A_52 = %scan3A_23 to %scan3A_25 step %scan3A_26  : i32 {
      "tpu.region"() ({
        %run_scoped3A_53 = tpu.sem_alloc : memref<!tpu.dma_semaphore, #tpu.memory_space<semaphore_mem>>
        %dma_start3A = arith.constant 0 : i32
        %dma_start3A_54 = tpu.memref_slice %arg6[%scan3A_52, %dma_start3A] : memref<81x128xi32, #tpu.memory_space<vmem>> -> memref<1x128xi32, #tpu.memory_space<vmem>>
        %dma_start3A_55 = tpu.memref_squeeze %dma_start3A_54 : memref<1x128xi32, #tpu.memory_space<vmem>> -> memref<128xi32, #tpu.memory_space<vmem>>
        %dma_start3A_56 = arith.constant 0 : i32
        %dma_start3A_57 = arith.constant 0 : i32
        %dma_start3A_58 = tpu.memref_slice %arg8[%dma_start3A_56, %dma_start3A_57] : memref<10112x16xf32, #tpu.memory_space<vmem_shared>> -> memref<10112x16xf32, #tpu.memory_space<vmem_shared>>
        tpu.enqueue_indirect_dma source(%arg7 : memref<128x16xf32, #tpu.memory_space<vmem>>) target(%dma_start3A_58 : memref<10112x16xf32, #tpu.memory_space<vmem_shared>>) offsets(%dma_start3A_55 : memref<128xi32, #tpu.memory_space<vmem>>) semaphore(%run_scoped3A_53 : memref<!tpu.dma_semaphore, #tpu.memory_space<semaphore_mem>>) {add = true}
        %dma_wait3A = arith.constant 0 : i32
        %dma_wait3A_59 = tpu.memref_slice %arg6[%scan3A_52, %dma_wait3A] : memref<81x128xi32, #tpu.memory_space<vmem>> -> memref<1x128xi32, #tpu.memory_space<vmem>>
        %dma_wait3A_60 = tpu.memref_squeeze %dma_wait3A_59 : memref<1x128xi32, #tpu.memory_space<vmem>> -> memref<128xi32, #tpu.memory_space<vmem>>
        %dma_wait3A_61 = arith.constant 0 : i32
        %dma_wait3A_62 = arith.constant 0 : i32
        %dma_wait3A_63 = tpu.memref_slice %arg8[%dma_wait3A_61, %dma_wait3A_62] : memref<10112x16xf32, #tpu.memory_space<vmem_shared>> -> memref<10112x16xf32, #tpu.memory_space<vmem_shared>>
        tpu.wait_indirect_dma semaphore(%run_scoped3A_53 : memref<!tpu.dma_semaphore, #tpu.memory_space<semaphore_mem>>) src(%arg7 : memref<128x16xf32, #tpu.memory_space<vmem>>) dst(%dma_wait3A_63 : memref<10112x16xf32, #tpu.memory_space<vmem_shared>>)
        tpu.yield
      }) : () -> ()
    }
    %scan3A_27 = arith.constant 81 : i32
    %barrier3A_28 = arith.constant 0 : index
    tpu.barrier barrier_id(%barrier3A_28)
    %mul3A_29 = arith.constant 632 : i32
    %mul3A_30 = arith.muli %arg1, %mul3A_29 : i32
    %mul3A_31 = arith.constant 632 : i32
    %mul3A_32 = arith.muli %arg1, %mul3A_31 : i32
    %run_scoped3A_33 = arith.constant 1 : i32
    "tpu.region"() ({
      %run_scoped3A_52 = tpu.sem_alloc : memref<!tpu.dma_semaphore, #tpu.memory_space<semaphore_mem>>
      %dma_start3A = arith.constant 0 : i32
      %dma_start3A_53 = tpu.memref_slice %arg5[%arg0, %run_scoped3A_33, %mul3A_32, %dma_start3A] : memref<2x3x10112x16xf32, #tpu.memory_space<hbm>> -> memref<1x1x632x16xf32, #tpu.memory_space<hbm>>
      %dma_start3A_54 = tpu.memref_squeeze %dma_start3A_53 : memref<1x1x632x16xf32, #tpu.memory_space<hbm>> -> memref<632x16xf32, #tpu.memory_space<hbm>>
      %dma_start3A_55 = arith.constant 0 : i32
      %dma_start3A_56 = tpu.memref_slice %arg8[%mul3A_30, %dma_start3A_55] : memref<10112x16xf32, #tpu.memory_space<vmem_shared>> -> memref<632x16xf32, #tpu.memory_space<vmem_shared>>
      tpu.enqueue_dma source(%dma_start3A_56 : memref<632x16xf32, #tpu.memory_space<vmem_shared>>) target(%dma_start3A_54 : memref<632x16xf32, #tpu.memory_space<hbm>>) target_semaphore(%run_scoped3A_52 : memref<!tpu.dma_semaphore, #tpu.memory_space<semaphore_mem>>)
      %dma_wait3A = arith.constant 0 : i32
      %dma_wait3A_57 = tpu.memref_slice %arg5[%arg0, %run_scoped3A_33, %mul3A_32, %dma_wait3A] : memref<2x3x10112x16xf32, #tpu.memory_space<hbm>> -> memref<1x1x632x16xf32, #tpu.memory_space<hbm>>
      %dma_wait3A_58 = tpu.memref_squeeze %dma_wait3A_57 : memref<1x1x632x16xf32, #tpu.memory_space<hbm>> -> memref<632x16xf32, #tpu.memory_space<hbm>>
      %dma_wait3A_59 = arith.constant 0 : i32
      %dma_wait3A_60 = tpu.memref_slice %arg8[%mul3A_30, %dma_wait3A_59] : memref<10112x16xf32, #tpu.memory_space<vmem_shared>> -> memref<632x16xf32, #tpu.memory_space<vmem_shared>>
      tpu.wait_dma2 semaphore(%run_scoped3A_52 : memref<!tpu.dma_semaphore, #tpu.memory_space<semaphore_mem>>) src(%dma_wait3A_60 : memref<632x16xf32, #tpu.memory_space<vmem_shared>>) dst(%dma_wait3A_58 : memref<632x16xf32, #tpu.memory_space<hbm>>)
      tpu.yield
    }) : () -> ()
    %mul3A_34 = arith.constant 632 : i32
    %mul3A_35 = arith.muli %arg1, %mul3A_34 : i32
    %mul3A_36 = arith.constant 632 : i32
    %mul3A_37 = arith.muli %arg1, %mul3A_36 : i32
    "tpu.region"() ({
      %run_scoped3A_52 = tpu.sem_alloc : memref<!tpu.dma_semaphore, #tpu.memory_space<semaphore_mem>>
      %dma_start3A = arith.constant 0 : i32
      %dma_start3A_53 = tpu.memref_slice %arg8[%mul3A_37, %dma_start3A] : memref<10112x16xf32, #tpu.memory_space<vmem_shared>> -> memref<632x16xf32, #tpu.memory_space<vmem_shared>>
      %dma_start3A_54 = arith.constant 0 : i32
      %dma_start3A_55 = tpu.memref_slice %arg4[%mul3A_35, %dma_start3A_54] : memref<10112x16xf32, #tpu.memory_space<hbm>> -> memref<632x16xf32, #tpu.memory_space<hbm>>
      tpu.enqueue_dma source(%dma_start3A_55 : memref<632x16xf32, #tpu.memory_space<hbm>>) target(%dma_start3A_53 : memref<632x16xf32, #tpu.memory_space<vmem_shared>>) target_semaphore(%run_scoped3A_52 : memref<!tpu.dma_semaphore, #tpu.memory_space<semaphore_mem>>)
      %dma_wait3A = arith.constant 0 : i32
      %dma_wait3A_56 = tpu.memref_slice %arg8[%mul3A_37, %dma_wait3A] : memref<10112x16xf32, #tpu.memory_space<vmem_shared>> -> memref<632x16xf32, #tpu.memory_space<vmem_shared>>
      %dma_wait3A_57 = arith.constant 0 : i32
      %dma_wait3A_58 = tpu.memref_slice %arg4[%mul3A_35, %dma_wait3A_57] : memref<10112x16xf32, #tpu.memory_space<hbm>> -> memref<632x16xf32, #tpu.memory_space<hbm>>
      tpu.wait_dma2 semaphore(%run_scoped3A_52 : memref<!tpu.dma_semaphore, #tpu.memory_space<semaphore_mem>>) src(%dma_wait3A_58 : memref<632x16xf32, #tpu.memory_space<hbm>>) dst(%dma_wait3A_56 : memref<632x16xf32, #tpu.memory_space<vmem_shared>>)
      tpu.yield
    }) : () -> ()
    %run_scoped3A_38 = arith.constant 2 : i32
    "tpu.region"() ({
      %run_scoped3A_52 = tpu.sem_alloc : memref<!tpu.dma_semaphore, #tpu.memory_space<semaphore_mem>>
      %dma_start3A = arith.constant 0 : i32
      %dma_start3A_53 = arith.constant 0 : i32
      %dma_start3A_54 = tpu.memref_slice %arg2[%run_scoped3A_38, %add3A, %dma_start3A, %dma_start3A_53] : memref<3x32x81x128xi32, #tpu.memory_space<hbm>> -> memref<1x1x81x128xi32, #tpu.memory_space<hbm>>
      %dma_start3A_55 = tpu.memref_squeeze %dma_start3A_54 : memref<1x1x81x128xi32, #tpu.memory_space<hbm>> -> memref<81x128xi32, #tpu.memory_space<hbm>>
      %dma_start3A_56 = arith.constant 0 : i32
      %dma_start3A_57 = arith.constant 0 : i32
      %dma_start3A_58 = tpu.memref_slice %arg2[%run_scoped3A_38, %add3A, %dma_start3A_56, %dma_start3A_57] : memref<3x32x81x128xi32, #tpu.memory_space<hbm>> -> memref<1x1x81x128xi32, #tpu.memory_space<hbm>>
      %dma_start3A_59 = tpu.memref_squeeze %dma_start3A_58 : memref<1x1x81x128xi32, #tpu.memory_space<hbm>> -> memref<81x128xi32, #tpu.memory_space<hbm>>
      tpu.enqueue_dma source(%dma_start3A_59 : memref<81x128xi32, #tpu.memory_space<hbm>>) target(%arg6 : memref<81x128xi32, #tpu.memory_space<vmem>>) target_semaphore(%run_scoped3A_52 : memref<!tpu.dma_semaphore, #tpu.memory_space<semaphore_mem>>)
      %dma_wait3A = arith.constant 0 : i32
      %dma_wait3A_60 = arith.constant 0 : i32
      %dma_wait3A_61 = tpu.memref_slice %arg2[%run_scoped3A_38, %add3A, %dma_wait3A, %dma_wait3A_60] : memref<3x32x81x128xi32, #tpu.memory_space<hbm>> -> memref<1x1x81x128xi32, #tpu.memory_space<hbm>>
      %dma_wait3A_62 = tpu.memref_squeeze %dma_wait3A_61 : memref<1x1x81x128xi32, #tpu.memory_space<hbm>> -> memref<81x128xi32, #tpu.memory_space<hbm>>
      %dma_wait3A_63 = arith.constant 0 : i32
      %dma_wait3A_64 = arith.constant 0 : i32
      %dma_wait3A_65 = tpu.memref_slice %arg2[%run_scoped3A_38, %add3A, %dma_wait3A_63, %dma_wait3A_64] : memref<3x32x81x128xi32, #tpu.memory_space<hbm>> -> memref<1x1x81x128xi32, #tpu.memory_space<hbm>>
      %dma_wait3A_66 = tpu.memref_squeeze %dma_wait3A_65 : memref<1x1x81x128xi32, #tpu.memory_space<hbm>> -> memref<81x128xi32, #tpu.memory_space<hbm>>
      tpu.wait_dma2 semaphore(%run_scoped3A_52 : memref<!tpu.dma_semaphore, #tpu.memory_space<semaphore_mem>>) src(%dma_wait3A_66 : memref<81x128xi32, #tpu.memory_space<hbm>>) dst(%arg6 : memref<81x128xi32, #tpu.memory_space<vmem>>)
      tpu.yield
    }) : () -> ()
    %barrier3A_39 = arith.constant 0 : index
    tpu.barrier barrier_id(%barrier3A_39)
    %scan3A_40 = arith.constant 0 : i32
    %scan3A_41 = arith.constant 0 : i32
    %scan3A_42 = arith.constant 81 : i32
    %scan3A_43 = arith.addi %scan3A_41, %scan3A_42 : i32
    %scan3A_44 = arith.constant 1 : i32
    scf.for %scan3A_52 = %scan3A_41 to %scan3A_43 step %scan3A_44  : i32 {
      "tpu.region"() ({
        %run_scoped3A_53 = tpu.sem_alloc : memref<!tpu.dma_semaphore, #tpu.memory_space<semaphore_mem>>
        %dma_start3A = arith.constant 0 : i32
        %dma_start3A_54 = tpu.memref_slice %arg6[%scan3A_52, %dma_start3A] : memref<81x128xi32, #tpu.memory_space<vmem>> -> memref<1x128xi32, #tpu.memory_space<vmem>>
        %dma_start3A_55 = tpu.memref_squeeze %dma_start3A_54 : memref<1x128xi32, #tpu.memory_space<vmem>> -> memref<128xi32, #tpu.memory_space<vmem>>
        %dma_start3A_56 = arith.constant 0 : i32
        %dma_start3A_57 = arith.constant 0 : i32
        %dma_start3A_58 = tpu.memref_slice %arg8[%dma_start3A_56, %dma_start3A_57] : memref<10112x16xf32, #tpu.memory_space<vmem_shared>> -> memref<10112x16xf32, #tpu.memory_space<vmem_shared>>
        tpu.enqueue_indirect_dma source(%arg7 : memref<128x16xf32, #tpu.memory_space<vmem>>) target(%dma_start3A_58 : memref<10112x16xf32, #tpu.memory_space<vmem_shared>>) offsets(%dma_start3A_55 : memref<128xi32, #tpu.memory_space<vmem>>) semaphore(%run_scoped3A_53 : memref<!tpu.dma_semaphore, #tpu.memory_space<semaphore_mem>>) {add = true}
        %dma_wait3A = arith.constant 0 : i32
        %dma_wait3A_59 = tpu.memref_slice %arg6[%scan3A_52, %dma_wait3A] : memref<81x128xi32, #tpu.memory_space<vmem>> -> memref<1x128xi32, #tpu.memory_space<vmem>>
        %dma_wait3A_60 = tpu.memref_squeeze %dma_wait3A_59 : memref<1x128xi32, #tpu.memory_space<vmem>> -> memref<128xi32, #tpu.memory_space<vmem>>
        %dma_wait3A_61 = arith.constant 0 : i32
        %dma_wait3A_62 = arith.constant 0 : i32
        %dma_wait3A_63 = tpu.memref_slice %arg8[%dma_wait3A_61, %dma_wait3A_62] : memref<10112x16xf32, #tpu.memory_space<vmem_shared>> -> memref<10112x16xf32, #tpu.memory_space<vmem_shared>>
        tpu.wait_indirect_dma semaphore(%run_scoped3A_53 : memref<!tpu.dma_semaphore, #tpu.memory_space<semaphore_mem>>) src(%arg7 : memref<128x16xf32, #tpu.memory_space<vmem>>) dst(%dma_wait3A_63 : memref<10112x16xf32, #tpu.memory_space<vmem_shared>>)
        tpu.yield
      }) : () -> ()
    }
    %scan3A_45 = arith.constant 81 : i32
    %barrier3A_46 = arith.constant 0 : index
    tpu.barrier barrier_id(%barrier3A_46)
    %mul3A_47 = arith.constant 632 : i32
    %mul3A_48 = arith.muli %arg1, %mul3A_47 : i32
    %mul3A_49 = arith.constant 632 : i32
    %mul3A_50 = arith.muli %arg1, %mul3A_49 : i32
    %run_scoped3A_51 = arith.constant 2 : i32
    "tpu.region"() ({
      %run_scoped3A_52 = tpu.sem_alloc : memref<!tpu.dma_semaphore, #tpu.memory_space<semaphore_mem>>
      %dma_start3A = arith.constant 0 : i32
      %dma_start3A_53 = tpu.memref_slice %arg5[%arg0, %run_scoped3A_51, %mul3A_50, %dma_start3A] : memref<2x3x10112x16xf32, #tpu.memory_space<hbm>> -> memref<1x1x632x16xf32, #tpu.memory_space<hbm>>
      %dma_start3A_54 = tpu.memref_squeeze %dma_start3A_53 : memref<1x1x632x16xf32, #tpu.memory_space<hbm>> -> memref<632x16xf32, #tpu.memory_space<hbm>>
      %dma_start3A_55 = arith.constant 0 : i32
      %dma_start3A_56 = tpu.memref_slice %arg8[%mul3A_48, %dma_start3A_55] : memref<10112x16xf32, #tpu.memory_space<vmem_shared>> -> memref<632x16xf32, #tpu.memory_space<vmem_shared>>
      tpu.enqueue_dma source(%dma_start3A_56 : memref<632x16xf32, #tpu.memory_space<vmem_shared>>) target(%dma_start3A_54 : memref<632x16xf32, #tpu.memory_space<hbm>>) target_semaphore(%run_scoped3A_52 : memref<!tpu.dma_semaphore, #tpu.memory_space<semaphore_mem>>)
      %dma_wait3A = arith.constant 0 : i32
      %dma_wait3A_57 = tpu.memref_slice %arg5[%arg0, %run_scoped3A_51, %mul3A_50, %dma_wait3A] : memref<2x3x10112x16xf32, #tpu.memory_space<hbm>> -> memref<1x1x632x16xf32, #tpu.memory_space<hbm>>
      %dma_wait3A_58 = tpu.memref_squeeze %dma_wait3A_57 : memref<1x1x632x16xf32, #tpu.memory_space<hbm>> -> memref<632x16xf32, #tpu.memory_space<hbm>>
      %dma_wait3A_59 = arith.constant 0 : i32
      %dma_wait3A_60 = tpu.memref_slice %arg8[%mul3A_48, %dma_wait3A_59] : memref<10112x16xf32, #tpu.memory_space<vmem_shared>> -> memref<632x16xf32, #tpu.memory_space<vmem_shared>>
      tpu.wait_dma2 semaphore(%run_scoped3A_52 : memref<!tpu.dma_semaphore, #tpu.memory_space<semaphore_mem>>) src(%dma_wait3A_60 : memref<632x16xf32, #tpu.memory_space<vmem_shared>>) dst(%dma_wait3A_58 : memref<632x16xf32, #tpu.memory_space<hbm>>)
      tpu.yield
    }) : () -> ()
    return
  }
}

#map = affine_map<(d0, d1) -> (0, 0)>
#map1 = affine_map<(d0, d1) -> (0, 0, 0)>
module attributes {stable_mosaic.version = 14 : i64} {
  func.func @_hop(%arg0: i32, %arg1: i32, %arg2: memref<10112x64xf32, #tpu.memory_space<hbm>>, %arg3: memref<32x81x128xi32, #tpu.memory_space<hbm>>, %arg4: memref<32x81x128xi32, #tpu.memory_space<hbm>>, %arg5: memref<10112x64xf32, #tpu.memory_space<hbm>>, %arg6: memref<2x10112x64xf32, #tpu.memory_space<hbm>>, %arg7: memref<81x128xi32, #tpu.memory_space<vmem>>, %arg8: memref<81x128xi32, #tpu.memory_space<vmem>>, %arg9: memref<3x128x64xf32, #tpu.memory_space<vmem>>, %arg10: memref<10112x64xf32, #tpu.memory_space<vmem_shared>>, %arg11: memref<10112x64xf32, #tpu.memory_space<vmem_shared>>, %arg12: memref<!tpu.dma_semaphore, #tpu.memory_space<semaphore_mem>>, %arg13: memref<!tpu.dma_semaphore, #tpu.memory_space<semaphore_mem>>, %arg14: memref<!tpu.dma_semaphore, #tpu.memory_space<semaphore_mem>>, %arg15: memref<!tpu.dma_semaphore, #tpu.memory_space<semaphore_mem>>, %arg16: memref<!tpu.dma_semaphore, #tpu.memory_space<semaphore_mem>>, %arg17: memref<!tpu.dma_semaphore, #tpu.memory_space<semaphore_mem>>) attributes {dimension_semantics = [#tpu.dimension_semantics<core_parallel>, #tpu.dimension_semantics<subcore_parallel>], iteration_bounds = array<i64: 2, 16>, scalar_prefetch = 0 : i64, scratch_operands = 11 : i64, tpu.core_type = #tpu.core_type<sc_vector_subcore>, window_params = [{transform_indices = #map}, {transform_indices = #map1}, {transform_indices = #map1}, {transform_indices = #map}, {transform_indices = #map1}]} {
    %mul3A = arith.constant 2 : i32
    %mul3A_0 = arith.muli %arg1, %mul3A : i32
    %add3A = arith.addi %mul3A_0, %arg0 : i32
    %mul3A_1 = arith.constant 632 : i32
    %mul3A_2 = arith.muli %arg1, %mul3A_1 : i32
    %mul3A_3 = arith.constant 632 : i32
    %mul3A_4 = arith.muli %arg1, %mul3A_3 : i32
    "tpu.region"() ({
      %run_scoped3A = tpu.sem_alloc : memref<!tpu.dma_semaphore, #tpu.memory_space<semaphore_mem>>
      %dma_start3A_65 = arith.constant 0 : i32
      %dma_start3A_66 = tpu.memref_slice %arg11[%mul3A_4, %dma_start3A_65] : memref<10112x64xf32, #tpu.memory_space<vmem_shared>> -> memref<632x64xf32, #tpu.memory_space<vmem_shared>>
      %dma_start3A_67 = arith.constant 0 : i32
      %dma_start3A_68 = tpu.memref_slice %arg5[%mul3A_2, %dma_start3A_67] : memref<10112x64xf32, #tpu.memory_space<hbm>> -> memref<632x64xf32, #tpu.memory_space<hbm>>
      tpu.enqueue_dma source(%dma_start3A_68 : memref<632x64xf32, #tpu.memory_space<hbm>>) target(%dma_start3A_66 : memref<632x64xf32, #tpu.memory_space<vmem_shared>>) target_semaphore(%run_scoped3A : memref<!tpu.dma_semaphore, #tpu.memory_space<semaphore_mem>>)
      %dma_wait3A_69 = arith.constant 0 : i32
      %dma_wait3A_70 = tpu.memref_slice %arg11[%mul3A_4, %dma_wait3A_69] : memref<10112x64xf32, #tpu.memory_space<vmem_shared>> -> memref<632x64xf32, #tpu.memory_space<vmem_shared>>
      %dma_wait3A_71 = arith.constant 0 : i32
      %dma_wait3A_72 = tpu.memref_slice %arg5[%mul3A_2, %dma_wait3A_71] : memref<10112x64xf32, #tpu.memory_space<hbm>> -> memref<632x64xf32, #tpu.memory_space<hbm>>
      tpu.wait_dma2 semaphore(%run_scoped3A : memref<!tpu.dma_semaphore, #tpu.memory_space<semaphore_mem>>) src(%dma_wait3A_72 : memref<632x64xf32, #tpu.memory_space<hbm>>) dst(%dma_wait3A_70 : memref<632x64xf32, #tpu.memory_space<vmem_shared>>)
      tpu.yield
    }) : () -> ()
    %mul3A_5 = arith.constant 632 : i32
    %mul3A_6 = arith.muli %arg1, %mul3A_5 : i32
    %mul3A_7 = arith.constant 632 : i32
    %mul3A_8 = arith.muli %arg1, %mul3A_7 : i32
    "tpu.region"() ({
      %run_scoped3A = tpu.sem_alloc : memref<!tpu.dma_semaphore, #tpu.memory_space<semaphore_mem>>
      %dma_start3A_65 = arith.constant 0 : i32
      %dma_start3A_66 = tpu.memref_slice %arg10[%mul3A_8, %dma_start3A_65] : memref<10112x64xf32, #tpu.memory_space<vmem_shared>> -> memref<632x64xf32, #tpu.memory_space<vmem_shared>>
      %dma_start3A_67 = arith.constant 0 : i32
      %dma_start3A_68 = tpu.memref_slice %arg2[%mul3A_6, %dma_start3A_67] : memref<10112x64xf32, #tpu.memory_space<hbm>> -> memref<632x64xf32, #tpu.memory_space<hbm>>
      tpu.enqueue_dma source(%dma_start3A_68 : memref<632x64xf32, #tpu.memory_space<hbm>>) target(%dma_start3A_66 : memref<632x64xf32, #tpu.memory_space<vmem_shared>>) target_semaphore(%run_scoped3A : memref<!tpu.dma_semaphore, #tpu.memory_space<semaphore_mem>>)
      %dma_wait3A_69 = arith.constant 0 : i32
      %dma_wait3A_70 = tpu.memref_slice %arg10[%mul3A_8, %dma_wait3A_69] : memref<10112x64xf32, #tpu.memory_space<vmem_shared>> -> memref<632x64xf32, #tpu.memory_space<vmem_shared>>
      %dma_wait3A_71 = arith.constant 0 : i32
      %dma_wait3A_72 = tpu.memref_slice %arg2[%mul3A_6, %dma_wait3A_71] : memref<10112x64xf32, #tpu.memory_space<hbm>> -> memref<632x64xf32, #tpu.memory_space<hbm>>
      tpu.wait_dma2 semaphore(%run_scoped3A : memref<!tpu.dma_semaphore, #tpu.memory_space<semaphore_mem>>) src(%dma_wait3A_72 : memref<632x64xf32, #tpu.memory_space<hbm>>) dst(%dma_wait3A_70 : memref<632x64xf32, #tpu.memory_space<vmem_shared>>)
      tpu.yield
    }) : () -> ()
    "tpu.region"() ({
      %run_scoped3A = tpu.sem_alloc : memref<!tpu.dma_semaphore, #tpu.memory_space<semaphore_mem>>
      %dma_start3A_65 = arith.constant 0 : i32
      %dma_start3A_66 = arith.constant 0 : i32
      %dma_start3A_67 = tpu.memref_slice %arg3[%add3A, %dma_start3A_65, %dma_start3A_66] : memref<32x81x128xi32, #tpu.memory_space<hbm>> -> memref<1x81x128xi32, #tpu.memory_space<hbm>>
      %dma_start3A_68 = tpu.memref_squeeze %dma_start3A_67 : memref<1x81x128xi32, #tpu.memory_space<hbm>> -> memref<81x128xi32, #tpu.memory_space<hbm>>
      %dma_start3A_69 = arith.constant 0 : i32
      %dma_start3A_70 = arith.constant 0 : i32
      %dma_start3A_71 = tpu.memref_slice %arg3[%add3A, %dma_start3A_69, %dma_start3A_70] : memref<32x81x128xi32, #tpu.memory_space<hbm>> -> memref<1x81x128xi32, #tpu.memory_space<hbm>>
      %dma_start3A_72 = tpu.memref_squeeze %dma_start3A_71 : memref<1x81x128xi32, #tpu.memory_space<hbm>> -> memref<81x128xi32, #tpu.memory_space<hbm>>
      tpu.enqueue_dma source(%dma_start3A_72 : memref<81x128xi32, #tpu.memory_space<hbm>>) target(%arg7 : memref<81x128xi32, #tpu.memory_space<vmem>>) target_semaphore(%run_scoped3A : memref<!tpu.dma_semaphore, #tpu.memory_space<semaphore_mem>>)
      %dma_wait3A_73 = arith.constant 0 : i32
      %dma_wait3A_74 = arith.constant 0 : i32
      %dma_wait3A_75 = tpu.memref_slice %arg3[%add3A, %dma_wait3A_73, %dma_wait3A_74] : memref<32x81x128xi32, #tpu.memory_space<hbm>> -> memref<1x81x128xi32, #tpu.memory_space<hbm>>
      %dma_wait3A_76 = tpu.memref_squeeze %dma_wait3A_75 : memref<1x81x128xi32, #tpu.memory_space<hbm>> -> memref<81x128xi32, #tpu.memory_space<hbm>>
      %dma_wait3A_77 = arith.constant 0 : i32
      %dma_wait3A_78 = arith.constant 0 : i32
      %dma_wait3A_79 = tpu.memref_slice %arg3[%add3A, %dma_wait3A_77, %dma_wait3A_78] : memref<32x81x128xi32, #tpu.memory_space<hbm>> -> memref<1x81x128xi32, #tpu.memory_space<hbm>>
      %dma_wait3A_80 = tpu.memref_squeeze %dma_wait3A_79 : memref<1x81x128xi32, #tpu.memory_space<hbm>> -> memref<81x128xi32, #tpu.memory_space<hbm>>
      tpu.wait_dma2 semaphore(%run_scoped3A : memref<!tpu.dma_semaphore, #tpu.memory_space<semaphore_mem>>) src(%dma_wait3A_80 : memref<81x128xi32, #tpu.memory_space<hbm>>) dst(%arg7 : memref<81x128xi32, #tpu.memory_space<vmem>>)
      tpu.yield
    }) : () -> ()
    "tpu.region"() ({
      %run_scoped3A = tpu.sem_alloc : memref<!tpu.dma_semaphore, #tpu.memory_space<semaphore_mem>>
      %dma_start3A_65 = arith.constant 0 : i32
      %dma_start3A_66 = arith.constant 0 : i32
      %dma_start3A_67 = tpu.memref_slice %arg4[%add3A, %dma_start3A_65, %dma_start3A_66] : memref<32x81x128xi32, #tpu.memory_space<hbm>> -> memref<1x81x128xi32, #tpu.memory_space<hbm>>
      %dma_start3A_68 = tpu.memref_squeeze %dma_start3A_67 : memref<1x81x128xi32, #tpu.memory_space<hbm>> -> memref<81x128xi32, #tpu.memory_space<hbm>>
      %dma_start3A_69 = arith.constant 0 : i32
      %dma_start3A_70 = arith.constant 0 : i32
      %dma_start3A_71 = tpu.memref_slice %arg4[%add3A, %dma_start3A_69, %dma_start3A_70] : memref<32x81x128xi32, #tpu.memory_space<hbm>> -> memref<1x81x128xi32, #tpu.memory_space<hbm>>
      %dma_start3A_72 = tpu.memref_squeeze %dma_start3A_71 : memref<1x81x128xi32, #tpu.memory_space<hbm>> -> memref<81x128xi32, #tpu.memory_space<hbm>>
      tpu.enqueue_dma source(%dma_start3A_72 : memref<81x128xi32, #tpu.memory_space<hbm>>) target(%arg8 : memref<81x128xi32, #tpu.memory_space<vmem>>) target_semaphore(%run_scoped3A : memref<!tpu.dma_semaphore, #tpu.memory_space<semaphore_mem>>)
      %dma_wait3A_73 = arith.constant 0 : i32
      %dma_wait3A_74 = arith.constant 0 : i32
      %dma_wait3A_75 = tpu.memref_slice %arg4[%add3A, %dma_wait3A_73, %dma_wait3A_74] : memref<32x81x128xi32, #tpu.memory_space<hbm>> -> memref<1x81x128xi32, #tpu.memory_space<hbm>>
      %dma_wait3A_76 = tpu.memref_squeeze %dma_wait3A_75 : memref<1x81x128xi32, #tpu.memory_space<hbm>> -> memref<81x128xi32, #tpu.memory_space<hbm>>
      %dma_wait3A_77 = arith.constant 0 : i32
      %dma_wait3A_78 = arith.constant 0 : i32
      %dma_wait3A_79 = tpu.memref_slice %arg4[%add3A, %dma_wait3A_77, %dma_wait3A_78] : memref<32x81x128xi32, #tpu.memory_space<hbm>> -> memref<1x81x128xi32, #tpu.memory_space<hbm>>
      %dma_wait3A_80 = tpu.memref_squeeze %dma_wait3A_79 : memref<1x81x128xi32, #tpu.memory_space<hbm>> -> memref<81x128xi32, #tpu.memory_space<hbm>>
      tpu.wait_dma2 semaphore(%run_scoped3A : memref<!tpu.dma_semaphore, #tpu.memory_space<semaphore_mem>>) src(%dma_wait3A_80 : memref<81x128xi32, #tpu.memory_space<hbm>>) dst(%arg8 : memref<81x128xi32, #tpu.memory_space<vmem>>)
      tpu.yield
    }) : () -> ()
    %barrier3A = arith.constant 0 : index
    tpu.barrier barrier_id(%barrier3A)
    %dma_start3A = arith.constant 0 : i32
    %dma_start3A_9 = arith.constant 0 : i32
    %dma_start3A_10 = arith.constant 0 : i32
    %dma_start3A_11 = arith.constant 0 : i32
    %dma_start3A_12 = tpu.memref_slice %arg9[%dma_start3A_9, %dma_start3A_10, %dma_start3A_11] : memref<3x128x64xf32, #tpu.memory_space<vmem>> -> memref<1x128x64xf32, #tpu.memory_space<vmem>>
    %dma_start3A_13 = tpu.memref_squeeze %dma_start3A_12 : memref<1x128x64xf32, #tpu.memory_space<vmem>> -> memref<128x64xf32, #tpu.memory_space<vmem>>
    %dma_start3A_14 = arith.constant 0 : i32
    %dma_start3A_15 = tpu.memref_slice %arg7[%dma_start3A, %dma_start3A_14] : memref<81x128xi32, #tpu.memory_space<vmem>> -> memref<1x128xi32, #tpu.memory_space<vmem>>
    %dma_start3A_16 = tpu.memref_squeeze %dma_start3A_15 : memref<1x128xi32, #tpu.memory_space<vmem>> -> memref<128xi32, #tpu.memory_space<vmem>>
    %dma_start3A_17 = arith.constant 0 : i32
    %dma_start3A_18 = arith.constant 0 : i32
    %dma_start3A_19 = tpu.memref_slice %arg10[%dma_start3A_17, %dma_start3A_18] : memref<10112x64xf32, #tpu.memory_space<vmem_shared>> -> memref<10112x64xf32, #tpu.memory_space<vmem_shared>>
    tpu.enqueue_indirect_dma source(%dma_start3A_19 : memref<10112x64xf32, #tpu.memory_space<vmem_shared>>) target(%dma_start3A_13 : memref<128x64xf32, #tpu.memory_space<vmem>>) offsets(%dma_start3A_16 : memref<128xi32, #tpu.memory_space<vmem>>) semaphore(%arg12 : memref<!tpu.dma_semaphore, #tpu.memory_space<semaphore_mem>>)
    %dma_start3A_20 = arith.constant 1 : i32
    %dma_start3A_21 = arith.constant 1 : i32
    %dma_start3A_22 = arith.constant 0 : i32
    %dma_start3A_23 = arith.constant 0 : i32
    %dma_start3A_24 = tpu.memref_slice %arg9[%dma_start3A_21, %dma_start3A_22, %dma_start3A_23] : memref<3x128x64xf32, #tpu.memory_space<vmem>> -> memref<1x128x64xf32, #tpu.memory_space<vmem>>
    %dma_start3A_25 = tpu.memref_squeeze %dma_start3A_24 : memref<1x128x64xf32, #tpu.memory_space<vmem>> -> memref<128x64xf32, #tpu.memory_space<vmem>>
    %dma_start3A_26 = arith.constant 0 : i32
    %dma_start3A_27 = tpu.memref_slice %arg7[%dma_start3A_20, %dma_start3A_26] : memref<81x128xi32, #tpu.memory_space<vmem>> -> memref<1x128xi32, #tpu.memory_space<vmem>>
    %dma_start3A_28 = tpu.memref_squeeze %dma_start3A_27 : memref<1x128xi32, #tpu.memory_space<vmem>> -> memref<128xi32, #tpu.memory_space<vmem>>
    %dma_start3A_29 = arith.constant 0 : i32
    %dma_start3A_30 = arith.constant 0 : i32
    %dma_start3A_31 = tpu.memref_slice %arg10[%dma_start3A_29, %dma_start3A_30] : memref<10112x64xf32, #tpu.memory_space<vmem_shared>> -> memref<10112x64xf32, #tpu.memory_space<vmem_shared>>
    tpu.enqueue_indirect_dma source(%dma_start3A_31 : memref<10112x64xf32, #tpu.memory_space<vmem_shared>>) target(%dma_start3A_25 : memref<128x64xf32, #tpu.memory_space<vmem>>) offsets(%dma_start3A_28 : memref<128xi32, #tpu.memory_space<vmem>>) semaphore(%arg13 : memref<!tpu.dma_semaphore, #tpu.memory_space<semaphore_mem>>)
    %dma_start3A_32 = arith.constant 2 : i32
    %dma_start3A_33 = arith.constant 2 : i32
    %dma_start3A_34 = arith.constant 0 : i32
    %dma_start3A_35 = arith.constant 0 : i32
    %dma_start3A_36 = tpu.memref_slice %arg9[%dma_start3A_33, %dma_start3A_34, %dma_start3A_35] : memref<3x128x64xf32, #tpu.memory_space<vmem>> -> memref<1x128x64xf32, #tpu.memory_space<vmem>>
    %dma_start3A_37 = tpu.memref_squeeze %dma_start3A_36 : memref<1x128x64xf32, #tpu.memory_space<vmem>> -> memref<128x64xf32, #tpu.memory_space<vmem>>
    %dma_start3A_38 = arith.constant 0 : i32
    %dma_start3A_39 = tpu.memref_slice %arg7[%dma_start3A_32, %dma_start3A_38] : memref<81x128xi32, #tpu.memory_space<vmem>> -> memref<1x128xi32, #tpu.memory_space<vmem>>
    %dma_start3A_40 = tpu.memref_squeeze %dma_start3A_39 : memref<1x128xi32, #tpu.memory_space<vmem>> -> memref<128xi32, #tpu.memory_space<vmem>>
    %dma_start3A_41 = arith.constant 0 : i32
    %dma_start3A_42 = arith.constant 0 : i32
    %dma_start3A_43 = tpu.memref_slice %arg10[%dma_start3A_41, %dma_start3A_42] : memref<10112x64xf32, #tpu.memory_space<vmem_shared>> -> memref<10112x64xf32, #tpu.memory_space<vmem_shared>>
    tpu.enqueue_indirect_dma source(%dma_start3A_43 : memref<10112x64xf32, #tpu.memory_space<vmem_shared>>) target(%dma_start3A_37 : memref<128x64xf32, #tpu.memory_space<vmem>>) offsets(%dma_start3A_40 : memref<128xi32, #tpu.memory_space<vmem>>) semaphore(%arg14 : memref<!tpu.dma_semaphore, #tpu.memory_space<semaphore_mem>>)
    %scan3A = arith.constant 0 : i32
    %scan3A_44 = arith.constant 0 : i32
    %scan3A_45 = arith.constant 27 : i32
    %scan3A_46 = arith.addi %scan3A_44, %scan3A_45 : i32
    %scan3A_47 = arith.constant 1 : i32
    scf.for %scan3A_65 = %scan3A_44 to %scan3A_46 step %scan3A_47  : i32 {
      %mul3A_66 = arith.constant 3 : i32
      %mul3A_67 = arith.muli %scan3A_65, %mul3A_66 : i32
      %add3A_68 = arith.constant 0 : i32
      %add3A_69 = arith.addi %mul3A_67, %add3A_68 : i32
      %dma_wait3A_70 = arith.constant 0 : i32
      %dma_wait3A_71 = arith.constant 0 : i32
      %dma_wait3A_72 = arith.constant 0 : i32
      %dma_wait3A_73 = arith.constant 0 : i32
      %dma_wait3A_74 = tpu.memref_slice %arg9[%dma_wait3A_71, %dma_wait3A_72, %dma_wait3A_73] : memref<3x128x64xf32, #tpu.memory_space<vmem>> -> memref<1x128x64xf32, #tpu.memory_space<vmem>>
      %dma_wait3A_75 = tpu.memref_squeeze %dma_wait3A_74 : memref<1x128x64xf32, #tpu.memory_space<vmem>> -> memref<128x64xf32, #tpu.memory_space<vmem>>
      %dma_wait3A_76 = arith.constant 0 : i32
      %dma_wait3A_77 = tpu.memref_slice %arg7[%dma_wait3A_70, %dma_wait3A_76] : memref<81x128xi32, #tpu.memory_space<vmem>> -> memref<1x128xi32, #tpu.memory_space<vmem>>
      %dma_wait3A_78 = tpu.memref_squeeze %dma_wait3A_77 : memref<1x128xi32, #tpu.memory_space<vmem>> -> memref<128xi32, #tpu.memory_space<vmem>>
      %dma_wait3A_79 = arith.constant 0 : i32
      %dma_wait3A_80 = arith.constant 0 : i32
      %dma_wait3A_81 = tpu.memref_slice %arg10[%dma_wait3A_79, %dma_wait3A_80] : memref<10112x64xf32, #tpu.memory_space<vmem_shared>> -> memref<10112x64xf32, #tpu.memory_space<vmem_shared>>
      tpu.wait_indirect_dma semaphore(%arg12 : memref<!tpu.dma_semaphore, #tpu.memory_space<semaphore_mem>>) src(%dma_wait3A_81 : memref<10112x64xf32, #tpu.memory_space<vmem_shared>>) dst(%dma_wait3A_75 : memref<128x64xf32, #tpu.memory_space<vmem>>)
      %dma_start3A_82 = arith.constant 0 : i32
      %dma_start3A_83 = arith.constant 0 : i32
      %dma_start3A_84 = arith.constant 0 : i32
      %dma_start3A_85 = tpu.memref_slice %arg9[%dma_start3A_82, %dma_start3A_83, %dma_start3A_84] : memref<3x128x64xf32, #tpu.memory_space<vmem>> -> memref<1x128x64xf32, #tpu.memory_space<vmem>>
      %dma_start3A_86 = tpu.memref_squeeze %dma_start3A_85 : memref<1x128x64xf32, #tpu.memory_space<vmem>> -> memref<128x64xf32, #tpu.memory_space<vmem>>
      %dma_start3A_87 = arith.constant 0 : i32
      %dma_start3A_88 = tpu.memref_slice %arg8[%add3A_69, %dma_start3A_87] : memref<81x128xi32, #tpu.memory_space<vmem>> -> memref<1x128xi32, #tpu.memory_space<vmem>>
      %dma_start3A_89 = tpu.memref_squeeze %dma_start3A_88 : memref<1x128xi32, #tpu.memory_space<vmem>> -> memref<128xi32, #tpu.memory_space<vmem>>
      %dma_start3A_90 = arith.constant 0 : i32
      %dma_start3A_91 = arith.constant 0 : i32
      %dma_start3A_92 = tpu.memref_slice %arg11[%dma_start3A_90, %dma_start3A_91] : memref<10112x64xf32, #tpu.memory_space<vmem_shared>> -> memref<10112x64xf32, #tpu.memory_space<vmem_shared>>
      tpu.enqueue_indirect_dma source(%dma_start3A_86 : memref<128x64xf32, #tpu.memory_space<vmem>>) target(%dma_start3A_92 : memref<10112x64xf32, #tpu.memory_space<vmem_shared>>) offsets(%dma_start3A_89 : memref<128xi32, #tpu.memory_space<vmem>>) semaphore(%arg15 : memref<!tpu.dma_semaphore, #tpu.memory_space<semaphore_mem>>) {add = true}
      %gt3A = arith.constant 0 : i32
      %gt3A_93 = arith.cmpi sgt, %scan3A_65, %gt3A : i32
      %convert_element_type3A = arith.extui %gt3A_93 : i1 to i32
      %cond3A = arith.constant 0 : i32
      %cond3A_94 = arith.cmpi ne, %convert_element_type3A, %cond3A : i32
      scf.if %cond3A_94 {
        %dma_wait3A_200 = arith.constant 2 : i32
        %dma_wait3A_201 = arith.constant 0 : i32
        %dma_wait3A_202 = arith.constant 0 : i32
        %dma_wait3A_203 = arith.constant 0 : i32
        %dma_wait3A_204 = tpu.memref_slice %arg9[%dma_wait3A_200, %dma_wait3A_202, %dma_wait3A_203] : memref<3x128x64xf32, #tpu.memory_space<vmem>> -> memref<1x128x64xf32, #tpu.memory_space<vmem>>
        %dma_wait3A_205 = tpu.memref_squeeze %dma_wait3A_204 : memref<1x128x64xf32, #tpu.memory_space<vmem>> -> memref<128x64xf32, #tpu.memory_space<vmem>>
        %dma_wait3A_206 = arith.constant 0 : i32
        %dma_wait3A_207 = tpu.memref_slice %arg8[%dma_wait3A_201, %dma_wait3A_206] : memref<81x128xi32, #tpu.memory_space<vmem>> -> memref<1x128xi32, #tpu.memory_space<vmem>>
        %dma_wait3A_208 = tpu.memref_squeeze %dma_wait3A_207 : memref<1x128xi32, #tpu.memory_space<vmem>> -> memref<128xi32, #tpu.memory_space<vmem>>
        %dma_wait3A_209 = arith.constant 0 : i32
        %dma_wait3A_210 = arith.constant 0 : i32
        %dma_wait3A_211 = tpu.memref_slice %arg11[%dma_wait3A_209, %dma_wait3A_210] : memref<10112x64xf32, #tpu.memory_space<vmem_shared>> -> memref<10112x64xf32, #tpu.memory_space<vmem_shared>>
        tpu.wait_indirect_dma semaphore(%arg17 : memref<!tpu.dma_semaphore, #tpu.memory_space<semaphore_mem>>) src(%dma_wait3A_205 : memref<128x64xf32, #tpu.memory_space<vmem>>) dst(%dma_wait3A_211 : memref<10112x64xf32, #tpu.memory_space<vmem_shared>>)
      } else {
      }
      %gt3A_95 = arith.constant 0 : i32
      %gt3A_96 = arith.cmpi sgt, %scan3A_65, %gt3A_95 : i32
      %add3A_97 = arith.constant 3 : i32
      %add3A_98 = arith.addi %add3A_69, %add3A_97 : i32
      %sub3A = arith.constant 1 : i32
      %sub3A_99 = arith.subi %add3A_98, %sub3A : i32
      %lt3A = arith.constant 81 : i32
      %lt3A_100 = arith.cmpi slt, %sub3A_99, %lt3A : i32
      %and3A = arith.andi %gt3A_96, %lt3A_100 : i1
      %convert_element_type3A_101 = arith.extui %and3A : i1 to i32
      %cond3A_102 = arith.constant 0 : i32
      %cond3A_103 = arith.cmpi ne, %convert_element_type3A_101, %cond3A_102 : i32
      scf.if %cond3A_103 {
        %add3A_200 = arith.constant 3 : i32
        %add3A_201 = arith.addi %add3A_69, %add3A_200 : i32
        %sub3A_202 = arith.constant 1 : i32
        %sub3A_203 = arith.subi %add3A_201, %sub3A_202 : i32
        %dma_start3A_204 = arith.constant 2 : i32
        %dma_start3A_205 = arith.constant 0 : i32
        %dma_start3A_206 = arith.constant 0 : i32
        %dma_start3A_207 = tpu.memref_slice %arg9[%dma_start3A_204, %dma_start3A_205, %dma_start3A_206] : memref<3x128x64xf32, #tpu.memory_space<vmem>> -> memref<1x128x64xf32, #tpu.memory_space<vmem>>
        %dma_start3A_208 = tpu.memref_squeeze %dma_start3A_207 : memref<1x128x64xf32, #tpu.memory_space<vmem>> -> memref<128x64xf32, #tpu.memory_space<vmem>>
        %dma_start3A_209 = arith.constant 0 : i32
        %dma_start3A_210 = tpu.memref_slice %arg7[%sub3A_203, %dma_start3A_209] : memref<81x128xi32, #tpu.memory_space<vmem>> -> memref<1x128xi32, #tpu.memory_space<vmem>>
        %dma_start3A_211 = tpu.memref_squeeze %dma_start3A_210 : memref<1x128xi32, #tpu.memory_space<vmem>> -> memref<128xi32, #tpu.memory_space<vmem>>
        %dma_start3A_212 = arith.constant 0 : i32
        %dma_start3A_213 = arith.constant 0 : i32
        %dma_start3A_214 = tpu.memref_slice %arg10[%dma_start3A_212, %dma_start3A_213] : memref<10112x64xf32, #tpu.memory_space<vmem_shared>> -> memref<10112x64xf32, #tpu.memory_space<vmem_shared>>
        tpu.enqueue_indirect_dma source(%dma_start3A_214 : memref<10112x64xf32, #tpu.memory_space<vmem_shared>>) target(%dma_start3A_208 : memref<128x64xf32, #tpu.memory_space<vmem>>) offsets(%dma_start3A_211 : memref<128xi32, #tpu.memory_space<vmem>>) semaphore(%arg14 : memref<!tpu.dma_semaphore, #tpu.memory_space<semaphore_mem>>)
      } else {
      }
      %mul3A_104 = arith.constant 3 : i32
      %mul3A_105 = arith.muli %scan3A_65, %mul3A_104 : i32
      %add3A_106 = arith.constant 1 : i32
      %add3A_107 = arith.addi %mul3A_105, %add3A_106 : i32
      %dma_wait3A_108 = arith.constant 0 : i32
      %dma_wait3A_109 = arith.constant 1 : i32
      %dma_wait3A_110 = arith.constant 0 : i32
      %dma_wait3A_111 = arith.constant 0 : i32
      %dma_wait3A_112 = tpu.memref_slice %arg9[%dma_wait3A_109, %dma_wait3A_110, %dma_wait3A_111] : memref<3x128x64xf32, #tpu.memory_space<vmem>> -> memref<1x128x64xf32, #tpu.memory_space<vmem>>
      %dma_wait3A_113 = tpu.memref_squeeze %dma_wait3A_112 : memref<1x128x64xf32, #tpu.memory_space<vmem>> -> memref<128x64xf32, #tpu.memory_space<vmem>>
      %dma_wait3A_114 = arith.constant 0 : i32
      %dma_wait3A_115 = tpu.memref_slice %arg7[%dma_wait3A_108, %dma_wait3A_114] : memref<81x128xi32, #tpu.memory_space<vmem>> -> memref<1x128xi32, #tpu.memory_space<vmem>>
      %dma_wait3A_116 = tpu.memref_squeeze %dma_wait3A_115 : memref<1x128xi32, #tpu.memory_space<vmem>> -> memref<128xi32, #tpu.memory_space<vmem>>
      %dma_wait3A_117 = arith.constant 0 : i32
      %dma_wait3A_118 = arith.constant 0 : i32
      %dma_wait3A_119 = tpu.memref_slice %arg10[%dma_wait3A_117, %dma_wait3A_118] : memref<10112x64xf32, #tpu.memory_space<vmem_shared>> -> memref<10112x64xf32, #tpu.memory_space<vmem_shared>>
      tpu.wait_indirect_dma semaphore(%arg13 : memref<!tpu.dma_semaphore, #tpu.memory_space<semaphore_mem>>) src(%dma_wait3A_119 : memref<10112x64xf32, #tpu.memory_space<vmem_shared>>) dst(%dma_wait3A_113 : memref<128x64xf32, #tpu.memory_space<vmem>>)
      %dma_start3A_120 = arith.constant 1 : i32
      %dma_start3A_121 = arith.constant 0 : i32
      %dma_start3A_122 = arith.constant 0 : i32
      %dma_start3A_123 = tpu.memref_slice %arg9[%dma_start3A_120, %dma_start3A_121, %dma_start3A_122] : memref<3x128x64xf32, #tpu.memory_space<vmem>> -> memref<1x128x64xf32, #tpu.memory_space<vmem>>
      %dma_start3A_124 = tpu.memref_squeeze %dma_start3A_123 : memref<1x128x64xf32, #tpu.memory_space<vmem>> -> memref<128x64xf32, #tpu.memory_space<vmem>>
      %dma_start3A_125 = arith.constant 0 : i32
      %dma_start3A_126 = tpu.memref_slice %arg8[%add3A_107, %dma_start3A_125] : memref<81x128xi32, #tpu.memory_space<vmem>> -> memref<1x128xi32, #tpu.memory_space<vmem>>
      %dma_start3A_127 = tpu.memref_squeeze %dma_start3A_126 : memref<1x128xi32, #tpu.memory_space<vmem>> -> memref<128xi32, #tpu.memory_space<vmem>>
      %dma_start3A_128 = arith.constant 0 : i32
      %dma_start3A_129 = arith.constant 0 : i32
      %dma_start3A_130 = tpu.memref_slice %arg11[%dma_start3A_128, %dma_start3A_129] : memref<10112x64xf32, #tpu.memory_space<vmem_shared>> -> memref<10112x64xf32, #tpu.memory_space<vmem_shared>>
      tpu.enqueue_indirect_dma source(%dma_start3A_124 : memref<128x64xf32, #tpu.memory_space<vmem>>) target(%dma_start3A_130 : memref<10112x64xf32, #tpu.memory_space<vmem_shared>>) offsets(%dma_start3A_127 : memref<128xi32, #tpu.memory_space<vmem>>) semaphore(%arg16 : memref<!tpu.dma_semaphore, #tpu.memory_space<semaphore_mem>>) {add = true}
      %dma_wait3A_131 = arith.constant 0 : i32
      %dma_wait3A_132 = arith.constant 0 : i32
      %dma_wait3A_133 = arith.constant 0 : i32
      %dma_wait3A_134 = arith.constant 0 : i32
      %dma_wait3A_135 = tpu.memref_slice %arg9[%dma_wait3A_131, %dma_wait3A_133, %dma_wait3A_134] : memref<3x128x64xf32, #tpu.memory_space<vmem>> -> memref<1x128x64xf32, #tpu.memory_space<vmem>>
      %dma_wait3A_136 = tpu.memref_squeeze %dma_wait3A_135 : memref<1x128x64xf32, #tpu.memory_space<vmem>> -> memref<128x64xf32, #tpu.memory_space<vmem>>
      %dma_wait3A_137 = arith.constant 0 : i32
      %dma_wait3A_138 = tpu.memref_slice %arg8[%dma_wait3A_132, %dma_wait3A_137] : memref<81x128xi32, #tpu.memory_space<vmem>> -> memref<1x128xi32, #tpu.memory_space<vmem>>
      %dma_wait3A_139 = tpu.memref_squeeze %dma_wait3A_138 : memref<1x128xi32, #tpu.memory_space<vmem>> -> memref<128xi32, #tpu.memory_space<vmem>>
      %dma_wait3A_140 = arith.constant 0 : i32
      %dma_wait3A_141 = arith.constant 0 : i32
      %dma_wait3A_142 = tpu.memref_slice %arg11[%dma_wait3A_140, %dma_wait3A_141] : memref<10112x64xf32, #tpu.memory_space<vmem_shared>> -> memref<10112x64xf32, #tpu.memory_space<vmem_shared>>
      tpu.wait_indirect_dma semaphore(%arg15 : memref<!tpu.dma_semaphore, #tpu.memory_space<semaphore_mem>>) src(%dma_wait3A_136 : memref<128x64xf32, #tpu.memory_space<vmem>>) dst(%dma_wait3A_142 : memref<10112x64xf32, #tpu.memory_space<vmem_shared>>)
      %add3A_143 = arith.constant 3 : i32
      %add3A_144 = arith.addi %add3A_107, %add3A_143 : i32
      %sub3A_145 = arith.constant 1 : i32
      %sub3A_146 = arith.subi %add3A_144, %sub3A_145 : i32
      %lt3A_147 = arith.constant 81 : i32
      %lt3A_148 = arith.cmpi slt, %sub3A_146, %lt3A_147 : i32
      %convert_element_type3A_149 = arith.extui %lt3A_148 : i1 to i32
      %cond3A_150 = arith.constant 0 : i32
      %cond3A_151 = arith.cmpi ne, %convert_element_type3A_149, %cond3A_150 : i32
      scf.if %cond3A_151 {
        %add3A_200 = arith.constant 3 : i32
        %add3A_201 = arith.addi %add3A_107, %add3A_200 : i32
        %sub3A_202 = arith.constant 1 : i32
        %sub3A_203 = arith.subi %add3A_201, %sub3A_202 : i32
        %dma_start3A_204 = arith.constant 0 : i32
        %dma_start3A_205 = arith.constant 0 : i32
        %dma_start3A_206 = arith.constant 0 : i32
        %dma_start3A_207 = tpu.memref_slice %arg9[%dma_start3A_204, %dma_start3A_205, %dma_start3A_206] : memref<3x128x64xf32, #tpu.memory_space<vmem>> -> memref<1x128x64xf32, #tpu.memory_space<vmem>>
        %dma_start3A_208 = tpu.memref_squeeze %dma_start3A_207 : memref<1x128x64xf32, #tpu.memory_space<vmem>> -> memref<128x64xf32, #tpu.memory_space<vmem>>
        %dma_start3A_209 = arith.constant 0 : i32
        %dma_start3A_210 = tpu.memref_slice %arg7[%sub3A_203, %dma_start3A_209] : memref<81x128xi32, #tpu.memory_space<vmem>> -> memref<1x128xi32, #tpu.memory_space<vmem>>
        %dma_start3A_211 = tpu.memref_squeeze %dma_start3A_210 : memref<1x128xi32, #tpu.memory_space<vmem>> -> memref<128xi32, #tpu.memory_space<vmem>>
        %dma_start3A_212 = arith.constant 0 : i32
        %dma_start3A_213 = arith.constant 0 : i32
        %dma_start3A_214 = tpu.memref_slice %arg10[%dma_start3A_212, %dma_start3A_213] : memref<10112x64xf32, #tpu.memory_space<vmem_shared>> -> memref<10112x64xf32, #tpu.memory_space<vmem_shared>>
        tpu.enqueue_indirect_dma source(%dma_start3A_214 : memref<10112x64xf32, #tpu.memory_space<vmem_shared>>) target(%dma_start3A_208 : memref<128x64xf32, #tpu.memory_space<vmem>>) offsets(%dma_start3A_211 : memref<128xi32, #tpu.memory_space<vmem>>) semaphore(%arg12 : memref<!tpu.dma_semaphore, #tpu.memory_space<semaphore_mem>>)
      } else {
      }
      %mul3A_152 = arith.constant 3 : i32
      %mul3A_153 = arith.muli %scan3A_65, %mul3A_152 : i32
      %add3A_154 = arith.constant 2 : i32
      %add3A_155 = arith.addi %mul3A_153, %add3A_154 : i32
      %dma_wait3A_156 = arith.constant 0 : i32
      %dma_wait3A_157 = arith.constant 2 : i32
      %dma_wait3A_158 = arith.constant 0 : i32
      %dma_wait3A_159 = arith.constant 0 : i32
      %dma_wait3A_160 = tpu.memref_slice %arg9[%dma_wait3A_157, %dma_wait3A_158, %dma_wait3A_159] : memref<3x128x64xf32, #tpu.memory_space<vmem>> -> memref<1x128x64xf32, #tpu.memory_space<vmem>>
      %dma_wait3A_161 = tpu.memref_squeeze %dma_wait3A_160 : memref<1x128x64xf32, #tpu.memory_space<vmem>> -> memref<128x64xf32, #tpu.memory_space<vmem>>
      %dma_wait3A_162 = arith.constant 0 : i32
      %dma_wait3A_163 = tpu.memref_slice %arg7[%dma_wait3A_156, %dma_wait3A_162] : memref<81x128xi32, #tpu.memory_space<vmem>> -> memref<1x128xi32, #tpu.memory_space<vmem>>
      %dma_wait3A_164 = tpu.memref_squeeze %dma_wait3A_163 : memref<1x128xi32, #tpu.memory_space<vmem>> -> memref<128xi32, #tpu.memory_space<vmem>>
      %dma_wait3A_165 = arith.constant 0 : i32
      %dma_wait3A_166 = arith.constant 0 : i32
      %dma_wait3A_167 = tpu.memref_slice %arg10[%dma_wait3A_165, %dma_wait3A_166] : memref<10112x64xf32, #tpu.memory_space<vmem_shared>> -> memref<10112x64xf32, #tpu.memory_space<vmem_shared>>
      tpu.wait_indirect_dma semaphore(%arg14 : memref<!tpu.dma_semaphore, #tpu.memory_space<semaphore_mem>>) src(%dma_wait3A_167 : memref<10112x64xf32, #tpu.memory_space<vmem_shared>>) dst(%dma_wait3A_161 : memref<128x64xf32, #tpu.memory_space<vmem>>)
      %dma_start3A_168 = arith.constant 2 : i32
      %dma_start3A_169 = arith.constant 0 : i32
      %dma_start3A_170 = arith.constant 0 : i32
      %dma_start3A_171 = tpu.memref_slice %arg9[%dma_start3A_168, %dma_start3A_169, %dma_start3A_170] : memref<3x128x64xf32, #tpu.memory_space<vmem>> -> memref<1x128x64xf32, #tpu.memory_space<vmem>>
      %dma_start3A_172 = tpu.memref_squeeze %dma_start3A_171 : memref<1x128x64xf32, #tpu.memory_space<vmem>> -> memref<128x64xf32, #tpu.memory_space<vmem>>
      %dma_start3A_173 = arith.constant 0 : i32
      %dma_start3A_174 = tpu.memref_slice %arg8[%add3A_155, %dma_start3A_173] : memref<81x128xi32, #tpu.memory_space<vmem>> -> memref<1x128xi32, #tpu.memory_space<vmem>>
      %dma_start3A_175 = tpu.memref_squeeze %dma_start3A_174 : memref<1x128xi32, #tpu.memory_space<vmem>> -> memref<128xi32, #tpu.memory_space<vmem>>
      %dma_start3A_176 = arith.constant 0 : i32
      %dma_start3A_177 = arith.constant 0 : i32
      %dma_start3A_178 = tpu.memref_slice %arg11[%dma_start3A_176, %dma_start3A_177] : memref<10112x64xf32, #tpu.memory_space<vmem_shared>> -> memref<10112x64xf32, #tpu.memory_space<vmem_shared>>
      tpu.enqueue_indirect_dma source(%dma_start3A_172 : memref<128x64xf32, #tpu.memory_space<vmem>>) target(%dma_start3A_178 : memref<10112x64xf32, #tpu.memory_space<vmem_shared>>) offsets(%dma_start3A_175 : memref<128xi32, #tpu.memory_space<vmem>>) semaphore(%arg17 : memref<!tpu.dma_semaphore, #tpu.memory_space<semaphore_mem>>) {add = true}
      %dma_wait3A_179 = arith.constant 1 : i32
      %dma_wait3A_180 = arith.constant 0 : i32
      %dma_wait3A_181 = arith.constant 0 : i32
      %dma_wait3A_182 = arith.constant 0 : i32
      %dma_wait3A_183 = tpu.memref_slice %arg9[%dma_wait3A_179, %dma_wait3A_181, %dma_wait3A_182] : memref<3x128x64xf32, #tpu.memory_space<vmem>> -> memref<1x128x64xf32, #tpu.memory_space<vmem>>
      %dma_wait3A_184 = tpu.memref_squeeze %dma_wait3A_183 : memref<1x128x64xf32, #tpu.memory_space<vmem>> -> memref<128x64xf32, #tpu.memory_space<vmem>>
      %dma_wait3A_185 = arith.constant 0 : i32
      %dma_wait3A_186 = tpu.memref_slice %arg8[%dma_wait3A_180, %dma_wait3A_185] : memref<81x128xi32, #tpu.memory_space<vmem>> -> memref<1x128xi32, #tpu.memory_space<vmem>>
      %dma_wait3A_187 = tpu.memref_squeeze %dma_wait3A_186 : memref<1x128xi32, #tpu.memory_space<vmem>> -> memref<128xi32, #tpu.memory_space<vmem>>
      %dma_wait3A_188 = arith.constant 0 : i32
      %dma_wait3A_189 = arith.constant 0 : i32
      %dma_wait3A_190 = tpu.memref_slice %arg11[%dma_wait3A_188, %dma_wait3A_189] : memref<10112x64xf32, #tpu.memory_space<vmem_shared>> -> memref<10112x64xf32, #tpu.memory_space<vmem_shared>>
      tpu.wait_indirect_dma semaphore(%arg16 : memref<!tpu.dma_semaphore, #tpu.memory_space<semaphore_mem>>) src(%dma_wait3A_184 : memref<128x64xf32, #tpu.memory_space<vmem>>) dst(%dma_wait3A_190 : memref<10112x64xf32, #tpu.memory_space<vmem_shared>>)
      %add3A_191 = arith.constant 3 : i32
      %add3A_192 = arith.addi %add3A_155, %add3A_191 : i32
      %sub3A_193 = arith.constant 1 : i32
      %sub3A_194 = arith.subi %add3A_192, %sub3A_193 : i32
      %lt3A_195 = arith.constant 81 : i32
      %lt3A_196 = arith.cmpi slt, %sub3A_194, %lt3A_195 : i32
      %convert_element_type3A_197 = arith.extui %lt3A_196 : i1 to i32
      %cond3A_198 = arith.constant 0 : i32
      %cond3A_199 = arith.cmpi ne, %convert_element_type3A_197, %cond3A_198 : i32
      scf.if %cond3A_199 {
        %add3A_200 = arith.constant 3 : i32
        %add3A_201 = arith.addi %add3A_155, %add3A_200 : i32
        %sub3A_202 = arith.constant 1 : i32
        %sub3A_203 = arith.subi %add3A_201, %sub3A_202 : i32
        %dma_start3A_204 = arith.constant 1 : i32
        %dma_start3A_205 = arith.constant 0 : i32
        %dma_start3A_206 = arith.constant 0 : i32
        %dma_start3A_207 = tpu.memref_slice %arg9[%dma_start3A_204, %dma_start3A_205, %dma_start3A_206] : memref<3x128x64xf32, #tpu.memory_space<vmem>> -> memref<1x128x64xf32, #tpu.memory_space<vmem>>
        %dma_start3A_208 = tpu.memref_squeeze %dma_start3A_207 : memref<1x128x64xf32, #tpu.memory_space<vmem>> -> memref<128x64xf32, #tpu.memory_space<vmem>>
        %dma_start3A_209 = arith.constant 0 : i32
        %dma_start3A_210 = tpu.memref_slice %arg7[%sub3A_203, %dma_start3A_209] : memref<81x128xi32, #tpu.memory_space<vmem>> -> memref<1x128xi32, #tpu.memory_space<vmem>>
        %dma_start3A_211 = tpu.memref_squeeze %dma_start3A_210 : memref<1x128xi32, #tpu.memory_space<vmem>> -> memref<128xi32, #tpu.memory_space<vmem>>
        %dma_start3A_212 = arith.constant 0 : i32
        %dma_start3A_213 = arith.constant 0 : i32
        %dma_start3A_214 = tpu.memref_slice %arg10[%dma_start3A_212, %dma_start3A_213] : memref<10112x64xf32, #tpu.memory_space<vmem_shared>> -> memref<10112x64xf32, #tpu.memory_space<vmem_shared>>
        tpu.enqueue_indirect_dma source(%dma_start3A_214 : memref<10112x64xf32, #tpu.memory_space<vmem_shared>>) target(%dma_start3A_208 : memref<128x64xf32, #tpu.memory_space<vmem>>) offsets(%dma_start3A_211 : memref<128xi32, #tpu.memory_space<vmem>>) semaphore(%arg13 : memref<!tpu.dma_semaphore, #tpu.memory_space<semaphore_mem>>)
      } else {
      }
    }
    %scan3A_48 = arith.constant 27 : i32
    %dma_wait3A = arith.constant 2 : i32
    %dma_wait3A_49 = arith.constant 0 : i32
    %dma_wait3A_50 = arith.constant 0 : i32
    %dma_wait3A_51 = arith.constant 0 : i32
    %dma_wait3A_52 = tpu.memref_slice %arg9[%dma_wait3A, %dma_wait3A_50, %dma_wait3A_51] : memref<3x128x64xf32, #tpu.memory_space<vmem>> -> memref<1x128x64xf32, #tpu.memory_space<vmem>>
    %dma_wait3A_53 = tpu.memref_squeeze %dma_wait3A_52 : memref<1x128x64xf32, #tpu.memory_space<vmem>> -> memref<128x64xf32, #tpu.memory_space<vmem>>
    %dma_wait3A_54 = arith.constant 0 : i32
    %dma_wait3A_55 = tpu.memref_slice %arg8[%dma_wait3A_49, %dma_wait3A_54] : memref<81x128xi32, #tpu.memory_space<vmem>> -> memref<1x128xi32, #tpu.memory_space<vmem>>
    %dma_wait3A_56 = tpu.memref_squeeze %dma_wait3A_55 : memref<1x128xi32, #tpu.memory_space<vmem>> -> memref<128xi32, #tpu.memory_space<vmem>>
    %dma_wait3A_57 = arith.constant 0 : i32
    %dma_wait3A_58 = arith.constant 0 : i32
    %dma_wait3A_59 = tpu.memref_slice %arg11[%dma_wait3A_57, %dma_wait3A_58] : memref<10112x64xf32, #tpu.memory_space<vmem_shared>> -> memref<10112x64xf32, #tpu.memory_space<vmem_shared>>
    tpu.wait_indirect_dma semaphore(%arg17 : memref<!tpu.dma_semaphore, #tpu.memory_space<semaphore_mem>>) src(%dma_wait3A_53 : memref<128x64xf32, #tpu.memory_space<vmem>>) dst(%dma_wait3A_59 : memref<10112x64xf32, #tpu.memory_space<vmem_shared>>)
    %barrier3A_60 = arith.constant 0 : index
    tpu.barrier barrier_id(%barrier3A_60)
    %mul3A_61 = arith.constant 632 : i32
    %mul3A_62 = arith.muli %arg1, %mul3A_61 : i32
    %mul3A_63 = arith.constant 632 : i32
    %mul3A_64 = arith.muli %arg1, %mul3A_63 : i32
    "tpu.region"() ({
      %run_scoped3A = tpu.sem_alloc : memref<!tpu.dma_semaphore, #tpu.memory_space<semaphore_mem>>
      %dma_start3A_65 = arith.constant 0 : i32
      %dma_start3A_66 = tpu.memref_slice %arg6[%arg0, %mul3A_64, %dma_start3A_65] : memref<2x10112x64xf32, #tpu.memory_space<hbm>> -> memref<1x632x64xf32, #tpu.memory_space<hbm>>
      %dma_start3A_67 = tpu.memref_squeeze %dma_start3A_66 : memref<1x632x64xf32, #tpu.memory_space<hbm>> -> memref<632x64xf32, #tpu.memory_space<hbm>>
      %dma_start3A_68 = arith.constant 0 : i32
      %dma_start3A_69 = tpu.memref_slice %arg11[%mul3A_62, %dma_start3A_68] : memref<10112x64xf32, #tpu.memory_space<vmem_shared>> -> memref<632x64xf32, #tpu.memory_space<vmem_shared>>
      tpu.enqueue_dma source(%dma_start3A_69 : memref<632x64xf32, #tpu.memory_space<vmem_shared>>) target(%dma_start3A_67 : memref<632x64xf32, #tpu.memory_space<hbm>>) target_semaphore(%run_scoped3A : memref<!tpu.dma_semaphore, #tpu.memory_space<semaphore_mem>>)
      %dma_wait3A_70 = arith.constant 0 : i32
      %dma_wait3A_71 = tpu.memref_slice %arg6[%arg0, %mul3A_64, %dma_wait3A_70] : memref<2x10112x64xf32, #tpu.memory_space<hbm>> -> memref<1x632x64xf32, #tpu.memory_space<hbm>>
      %dma_wait3A_72 = tpu.memref_squeeze %dma_wait3A_71 : memref<1x632x64xf32, #tpu.memory_space<hbm>> -> memref<632x64xf32, #tpu.memory_space<hbm>>
      %dma_wait3A_73 = arith.constant 0 : i32
      %dma_wait3A_74 = tpu.memref_slice %arg11[%mul3A_62, %dma_wait3A_73] : memref<10112x64xf32, #tpu.memory_space<vmem_shared>> -> memref<632x64xf32, #tpu.memory_space<vmem_shared>>
      tpu.wait_dma2 semaphore(%run_scoped3A : memref<!tpu.dma_semaphore, #tpu.memory_space<semaphore_mem>>) src(%dma_wait3A_74 : memref<632x64xf32, #tpu.memory_space<vmem_shared>>) dst(%dma_wait3A_72 : memref<632x64xf32, #tpu.memory_space<hbm>>)
      tpu.yield
    }) : () -> ()
    return
  }
}

#map = affine_map<(d0, d1) -> (0, 0)>
#map1 = affine_map<(d0, d1) -> (0, 0, 0)>
module attributes {stable_mosaic.version = 14 : i64} {
  func.func @_hop(%arg0: i32, %arg1: i32, %arg2: memref<10112x64xf32, #tpu.memory_space<hbm>>, %arg3: memref<32x81x128xi32, #tpu.memory_space<hbm>>, %arg4: memref<32x81x128xi32, #tpu.memory_space<hbm>>, %arg5: memref<10112x64xf32, #tpu.memory_space<hbm>>, %arg6: memref<2x10112x64xf32, #tpu.memory_space<hbm>>, %arg7: memref<81x128xi32, #tpu.memory_space<vmem>>, %arg8: memref<81x128xi32, #tpu.memory_space<vmem>>, %arg9: memref<3x128x64xf32, #tpu.memory_space<vmem>>, %arg10: memref<10112x64xf32, #tpu.memory_space<vmem_shared>>, %arg11: memref<10112x64xf32, #tpu.memory_space<vmem_shared>>, %arg12: memref<!tpu.dma_semaphore, #tpu.memory_space<semaphore_mem>>, %arg13: memref<!tpu.dma_semaphore, #tpu.memory_space<semaphore_mem>>, %arg14: memref<!tpu.dma_semaphore, #tpu.memory_space<semaphore_mem>>, %arg15: memref<!tpu.dma_semaphore, #tpu.memory_space<semaphore_mem>>, %arg16: memref<!tpu.dma_semaphore, #tpu.memory_space<semaphore_mem>>, %arg17: memref<!tpu.dma_semaphore, #tpu.memory_space<semaphore_mem>>) attributes {dimension_semantics = [#tpu.dimension_semantics<core_parallel>, #tpu.dimension_semantics<subcore_parallel>], iteration_bounds = array<i64: 2, 16>, scalar_prefetch = 0 : i64, scratch_operands = 11 : i64, tpu.core_type = #tpu.core_type<sc_vector_subcore>, window_params = [{transform_indices = #map}, {transform_indices = #map1}, {transform_indices = #map1}, {transform_indices = #map}, {transform_indices = #map1}]} {
    %mul3A = arith.constant 2 : i32
    %mul3A_0 = arith.muli %arg1, %mul3A : i32
    %add3A = arith.addi %mul3A_0, %arg0 : i32
    %mul3A_1 = arith.constant 632 : i32
    %mul3A_2 = arith.muli %arg1, %mul3A_1 : i32
    %mul3A_3 = arith.constant 632 : i32
    %mul3A_4 = arith.muli %arg1, %mul3A_3 : i32
    "tpu.region"() ({
      %run_scoped3A = tpu.sem_alloc : memref<!tpu.dma_semaphore, #tpu.memory_space<semaphore_mem>>
      %dma_start3A_65 = arith.constant 0 : i32
      %dma_start3A_66 = tpu.memref_slice %arg11[%mul3A_4, %dma_start3A_65] : memref<10112x64xf32, #tpu.memory_space<vmem_shared>> -> memref<632x64xf32, #tpu.memory_space<vmem_shared>>
      %dma_start3A_67 = arith.constant 0 : i32
      %dma_start3A_68 = tpu.memref_slice %arg5[%mul3A_2, %dma_start3A_67] : memref<10112x64xf32, #tpu.memory_space<hbm>> -> memref<632x64xf32, #tpu.memory_space<hbm>>
      tpu.enqueue_dma source(%dma_start3A_68 : memref<632x64xf32, #tpu.memory_space<hbm>>) target(%dma_start3A_66 : memref<632x64xf32, #tpu.memory_space<vmem_shared>>) target_semaphore(%run_scoped3A : memref<!tpu.dma_semaphore, #tpu.memory_space<semaphore_mem>>)
      %dma_wait3A_69 = arith.constant 0 : i32
      %dma_wait3A_70 = tpu.memref_slice %arg11[%mul3A_4, %dma_wait3A_69] : memref<10112x64xf32, #tpu.memory_space<vmem_shared>> -> memref<632x64xf32, #tpu.memory_space<vmem_shared>>
      %dma_wait3A_71 = arith.constant 0 : i32
      %dma_wait3A_72 = tpu.memref_slice %arg5[%mul3A_2, %dma_wait3A_71] : memref<10112x64xf32, #tpu.memory_space<hbm>> -> memref<632x64xf32, #tpu.memory_space<hbm>>
      tpu.wait_dma2 semaphore(%run_scoped3A : memref<!tpu.dma_semaphore, #tpu.memory_space<semaphore_mem>>) src(%dma_wait3A_72 : memref<632x64xf32, #tpu.memory_space<hbm>>) dst(%dma_wait3A_70 : memref<632x64xf32, #tpu.memory_space<vmem_shared>>)
      tpu.yield
    }) : () -> ()
    %mul3A_5 = arith.constant 632 : i32
    %mul3A_6 = arith.muli %arg1, %mul3A_5 : i32
    %mul3A_7 = arith.constant 632 : i32
    %mul3A_8 = arith.muli %arg1, %mul3A_7 : i32
    "tpu.region"() ({
      %run_scoped3A = tpu.sem_alloc : memref<!tpu.dma_semaphore, #tpu.memory_space<semaphore_mem>>
      %dma_start3A_65 = arith.constant 0 : i32
      %dma_start3A_66 = tpu.memref_slice %arg10[%mul3A_8, %dma_start3A_65] : memref<10112x64xf32, #tpu.memory_space<vmem_shared>> -> memref<632x64xf32, #tpu.memory_space<vmem_shared>>
      %dma_start3A_67 = arith.constant 0 : i32
      %dma_start3A_68 = tpu.memref_slice %arg2[%mul3A_6, %dma_start3A_67] : memref<10112x64xf32, #tpu.memory_space<hbm>> -> memref<632x64xf32, #tpu.memory_space<hbm>>
      tpu.enqueue_dma source(%dma_start3A_68 : memref<632x64xf32, #tpu.memory_space<hbm>>) target(%dma_start3A_66 : memref<632x64xf32, #tpu.memory_space<vmem_shared>>) target_semaphore(%run_scoped3A : memref<!tpu.dma_semaphore, #tpu.memory_space<semaphore_mem>>)
      %dma_wait3A_69 = arith.constant 0 : i32
      %dma_wait3A_70 = tpu.memref_slice %arg10[%mul3A_8, %dma_wait3A_69] : memref<10112x64xf32, #tpu.memory_space<vmem_shared>> -> memref<632x64xf32, #tpu.memory_space<vmem_shared>>
      %dma_wait3A_71 = arith.constant 0 : i32
      %dma_wait3A_72 = tpu.memref_slice %arg2[%mul3A_6, %dma_wait3A_71] : memref<10112x64xf32, #tpu.memory_space<hbm>> -> memref<632x64xf32, #tpu.memory_space<hbm>>
      tpu.wait_dma2 semaphore(%run_scoped3A : memref<!tpu.dma_semaphore, #tpu.memory_space<semaphore_mem>>) src(%dma_wait3A_72 : memref<632x64xf32, #tpu.memory_space<hbm>>) dst(%dma_wait3A_70 : memref<632x64xf32, #tpu.memory_space<vmem_shared>>)
      tpu.yield
    }) : () -> ()
    "tpu.region"() ({
      %run_scoped3A = tpu.sem_alloc : memref<!tpu.dma_semaphore, #tpu.memory_space<semaphore_mem>>
      %dma_start3A_65 = arith.constant 0 : i32
      %dma_start3A_66 = arith.constant 0 : i32
      %dma_start3A_67 = tpu.memref_slice %arg3[%add3A, %dma_start3A_65, %dma_start3A_66] : memref<32x81x128xi32, #tpu.memory_space<hbm>> -> memref<1x81x128xi32, #tpu.memory_space<hbm>>
      %dma_start3A_68 = tpu.memref_squeeze %dma_start3A_67 : memref<1x81x128xi32, #tpu.memory_space<hbm>> -> memref<81x128xi32, #tpu.memory_space<hbm>>
      %dma_start3A_69 = arith.constant 0 : i32
      %dma_start3A_70 = arith.constant 0 : i32
      %dma_start3A_71 = tpu.memref_slice %arg3[%add3A, %dma_start3A_69, %dma_start3A_70] : memref<32x81x128xi32, #tpu.memory_space<hbm>> -> memref<1x81x128xi32, #tpu.memory_space<hbm>>
      %dma_start3A_72 = tpu.memref_squeeze %dma_start3A_71 : memref<1x81x128xi32, #tpu.memory_space<hbm>> -> memref<81x128xi32, #tpu.memory_space<hbm>>
      tpu.enqueue_dma source(%dma_start3A_72 : memref<81x128xi32, #tpu.memory_space<hbm>>) target(%arg7 : memref<81x128xi32, #tpu.memory_space<vmem>>) target_semaphore(%run_scoped3A : memref<!tpu.dma_semaphore, #tpu.memory_space<semaphore_mem>>)
      %dma_wait3A_73 = arith.constant 0 : i32
      %dma_wait3A_74 = arith.constant 0 : i32
      %dma_wait3A_75 = tpu.memref_slice %arg3[%add3A, %dma_wait3A_73, %dma_wait3A_74] : memref<32x81x128xi32, #tpu.memory_space<hbm>> -> memref<1x81x128xi32, #tpu.memory_space<hbm>>
      %dma_wait3A_76 = tpu.memref_squeeze %dma_wait3A_75 : memref<1x81x128xi32, #tpu.memory_space<hbm>> -> memref<81x128xi32, #tpu.memory_space<hbm>>
      %dma_wait3A_77 = arith.constant 0 : i32
      %dma_wait3A_78 = arith.constant 0 : i32
      %dma_wait3A_79 = tpu.memref_slice %arg3[%add3A, %dma_wait3A_77, %dma_wait3A_78] : memref<32x81x128xi32, #tpu.memory_space<hbm>> -> memref<1x81x128xi32, #tpu.memory_space<hbm>>
      %dma_wait3A_80 = tpu.memref_squeeze %dma_wait3A_79 : memref<1x81x128xi32, #tpu.memory_space<hbm>> -> memref<81x128xi32, #tpu.memory_space<hbm>>
      tpu.wait_dma2 semaphore(%run_scoped3A : memref<!tpu.dma_semaphore, #tpu.memory_space<semaphore_mem>>) src(%dma_wait3A_80 : memref<81x128xi32, #tpu.memory_space<hbm>>) dst(%arg7 : memref<81x128xi32, #tpu.memory_space<vmem>>)
      tpu.yield
    }) : () -> ()
    "tpu.region"() ({
      %run_scoped3A = tpu.sem_alloc : memref<!tpu.dma_semaphore, #tpu.memory_space<semaphore_mem>>
      %dma_start3A_65 = arith.constant 0 : i32
      %dma_start3A_66 = arith.constant 0 : i32
      %dma_start3A_67 = tpu.memref_slice %arg4[%add3A, %dma_start3A_65, %dma_start3A_66] : memref<32x81x128xi32, #tpu.memory_space<hbm>> -> memref<1x81x128xi32, #tpu.memory_space<hbm>>
      %dma_start3A_68 = tpu.memref_squeeze %dma_start3A_67 : memref<1x81x128xi32, #tpu.memory_space<hbm>> -> memref<81x128xi32, #tpu.memory_space<hbm>>
      %dma_start3A_69 = arith.constant 0 : i32
      %dma_start3A_70 = arith.constant 0 : i32
      %dma_start3A_71 = tpu.memref_slice %arg4[%add3A, %dma_start3A_69, %dma_start3A_70] : memref<32x81x128xi32, #tpu.memory_space<hbm>> -> memref<1x81x128xi32, #tpu.memory_space<hbm>>
      %dma_start3A_72 = tpu.memref_squeeze %dma_start3A_71 : memref<1x81x128xi32, #tpu.memory_space<hbm>> -> memref<81x128xi32, #tpu.memory_space<hbm>>
      tpu.enqueue_dma source(%dma_start3A_72 : memref<81x128xi32, #tpu.memory_space<hbm>>) target(%arg8 : memref<81x128xi32, #tpu.memory_space<vmem>>) target_semaphore(%run_scoped3A : memref<!tpu.dma_semaphore, #tpu.memory_space<semaphore_mem>>)
      %dma_wait3A_73 = arith.constant 0 : i32
      %dma_wait3A_74 = arith.constant 0 : i32
      %dma_wait3A_75 = tpu.memref_slice %arg4[%add3A, %dma_wait3A_73, %dma_wait3A_74] : memref<32x81x128xi32, #tpu.memory_space<hbm>> -> memref<1x81x128xi32, #tpu.memory_space<hbm>>
      %dma_wait3A_76 = tpu.memref_squeeze %dma_wait3A_75 : memref<1x81x128xi32, #tpu.memory_space<hbm>> -> memref<81x128xi32, #tpu.memory_space<hbm>>
      %dma_wait3A_77 = arith.constant 0 : i32
      %dma_wait3A_78 = arith.constant 0 : i32
      %dma_wait3A_79 = tpu.memref_slice %arg4[%add3A, %dma_wait3A_77, %dma_wait3A_78] : memref<32x81x128xi32, #tpu.memory_space<hbm>> -> memref<1x81x128xi32, #tpu.memory_space<hbm>>
      %dma_wait3A_80 = tpu.memref_squeeze %dma_wait3A_79 : memref<1x81x128xi32, #tpu.memory_space<hbm>> -> memref<81x128xi32, #tpu.memory_space<hbm>>
      tpu.wait_dma2 semaphore(%run_scoped3A : memref<!tpu.dma_semaphore, #tpu.memory_space<semaphore_mem>>) src(%dma_wait3A_80 : memref<81x128xi32, #tpu.memory_space<hbm>>) dst(%arg8 : memref<81x128xi32, #tpu.memory_space<vmem>>)
      tpu.yield
    }) : () -> ()
    %barrier3A = arith.constant 0 : index
    tpu.barrier barrier_id(%barrier3A)
    %dma_start3A = arith.constant 0 : i32
    %dma_start3A_9 = arith.constant 0 : i32
    %dma_start3A_10 = arith.constant 0 : i32
    %dma_start3A_11 = arith.constant 0 : i32
    %dma_start3A_12 = tpu.memref_slice %arg9[%dma_start3A_9, %dma_start3A_10, %dma_start3A_11] : memref<3x128x64xf32, #tpu.memory_space<vmem>> -> memref<1x128x64xf32, #tpu.memory_space<vmem>>
    %dma_start3A_13 = tpu.memref_squeeze %dma_start3A_12 : memref<1x128x64xf32, #tpu.memory_space<vmem>> -> memref<128x64xf32, #tpu.memory_space<vmem>>
    %dma_start3A_14 = arith.constant 0 : i32
    %dma_start3A_15 = tpu.memref_slice %arg7[%dma_start3A, %dma_start3A_14] : memref<81x128xi32, #tpu.memory_space<vmem>> -> memref<1x128xi32, #tpu.memory_space<vmem>>
    %dma_start3A_16 = tpu.memref_squeeze %dma_start3A_15 : memref<1x128xi32, #tpu.memory_space<vmem>> -> memref<128xi32, #tpu.memory_space<vmem>>
    %dma_start3A_17 = arith.constant 0 : i32
    %dma_start3A_18 = arith.constant 0 : i32
    %dma_start3A_19 = tpu.memref_slice %arg10[%dma_start3A_17, %dma_start3A_18] : memref<10112x64xf32, #tpu.memory_space<vmem_shared>> -> memref<10112x64xf32, #tpu.memory_space<vmem_shared>>
    tpu.enqueue_indirect_dma source(%dma_start3A_19 : memref<10112x64xf32, #tpu.memory_space<vmem_shared>>) target(%dma_start3A_13 : memref<128x64xf32, #tpu.memory_space<vmem>>) offsets(%dma_start3A_16 : memref<128xi32, #tpu.memory_space<vmem>>) semaphore(%arg12 : memref<!tpu.dma_semaphore, #tpu.memory_space<semaphore_mem>>)
    %dma_start3A_20 = arith.constant 1 : i32
    %dma_start3A_21 = arith.constant 1 : i32
    %dma_start3A_22 = arith.constant 0 : i32
    %dma_start3A_23 = arith.constant 0 : i32
    %dma_start3A_24 = tpu.memref_slice %arg9[%dma_start3A_21, %dma_start3A_22, %dma_start3A_23] : memref<3x128x64xf32, #tpu.memory_space<vmem>> -> memref<1x128x64xf32, #tpu.memory_space<vmem>>
    %dma_start3A_25 = tpu.memref_squeeze %dma_start3A_24 : memref<1x128x64xf32, #tpu.memory_space<vmem>> -> memref<128x64xf32, #tpu.memory_space<vmem>>
    %dma_start3A_26 = arith.constant 0 : i32
    %dma_start3A_27 = tpu.memref_slice %arg7[%dma_start3A_20, %dma_start3A_26] : memref<81x128xi32, #tpu.memory_space<vmem>> -> memref<1x128xi32, #tpu.memory_space<vmem>>
    %dma_start3A_28 = tpu.memref_squeeze %dma_start3A_27 : memref<1x128xi32, #tpu.memory_space<vmem>> -> memref<128xi32, #tpu.memory_space<vmem>>
    %dma_start3A_29 = arith.constant 0 : i32
    %dma_start3A_30 = arith.constant 0 : i32
    %dma_start3A_31 = tpu.memref_slice %arg10[%dma_start3A_29, %dma_start3A_30] : memref<10112x64xf32, #tpu.memory_space<vmem_shared>> -> memref<10112x64xf32, #tpu.memory_space<vmem_shared>>
    tpu.enqueue_indirect_dma source(%dma_start3A_31 : memref<10112x64xf32, #tpu.memory_space<vmem_shared>>) target(%dma_start3A_25 : memref<128x64xf32, #tpu.memory_space<vmem>>) offsets(%dma_start3A_28 : memref<128xi32, #tpu.memory_space<vmem>>) semaphore(%arg13 : memref<!tpu.dma_semaphore, #tpu.memory_space<semaphore_mem>>)
    %dma_start3A_32 = arith.constant 2 : i32
    %dma_start3A_33 = arith.constant 2 : i32
    %dma_start3A_34 = arith.constant 0 : i32
    %dma_start3A_35 = arith.constant 0 : i32
    %dma_start3A_36 = tpu.memref_slice %arg9[%dma_start3A_33, %dma_start3A_34, %dma_start3A_35] : memref<3x128x64xf32, #tpu.memory_space<vmem>> -> memref<1x128x64xf32, #tpu.memory_space<vmem>>
    %dma_start3A_37 = tpu.memref_squeeze %dma_start3A_36 : memref<1x128x64xf32, #tpu.memory_space<vmem>> -> memref<128x64xf32, #tpu.memory_space<vmem>>
    %dma_start3A_38 = arith.constant 0 : i32
    %dma_start3A_39 = tpu.memref_slice %arg7[%dma_start3A_32, %dma_start3A_38] : memref<81x128xi32, #tpu.memory_space<vmem>> -> memref<1x128xi32, #tpu.memory_space<vmem>>
    %dma_start3A_40 = tpu.memref_squeeze %dma_start3A_39 : memref<1x128xi32, #tpu.memory_space<vmem>> -> memref<128xi32, #tpu.memory_space<vmem>>
    %dma_start3A_41 = arith.constant 0 : i32
    %dma_start3A_42 = arith.constant 0 : i32
    %dma_start3A_43 = tpu.memref_slice %arg10[%dma_start3A_41, %dma_start3A_42] : memref<10112x64xf32, #tpu.memory_space<vmem_shared>> -> memref<10112x64xf32, #tpu.memory_space<vmem_shared>>
    tpu.enqueue_indirect_dma source(%dma_start3A_43 : memref<10112x64xf32, #tpu.memory_space<vmem_shared>>) target(%dma_start3A_37 : memref<128x64xf32, #tpu.memory_space<vmem>>) offsets(%dma_start3A_40 : memref<128xi32, #tpu.memory_space<vmem>>) semaphore(%arg14 : memref<!tpu.dma_semaphore, #tpu.memory_space<semaphore_mem>>)
    %scan3A = arith.constant 0 : i32
    %scan3A_44 = arith.constant 0 : i32
    %scan3A_45 = arith.constant 27 : i32
    %scan3A_46 = arith.addi %scan3A_44, %scan3A_45 : i32
    %scan3A_47 = arith.constant 1 : i32
    scf.for %scan3A_65 = %scan3A_44 to %scan3A_46 step %scan3A_47  : i32 {
      %mul3A_66 = arith.constant 3 : i32
      %mul3A_67 = arith.muli %scan3A_65, %mul3A_66 : i32
      %add3A_68 = arith.constant 0 : i32
      %add3A_69 = arith.addi %mul3A_67, %add3A_68 : i32
      %dma_wait3A_70 = arith.constant 0 : i32
      %dma_wait3A_71 = arith.constant 0 : i32
      %dma_wait3A_72 = arith.constant 0 : i32
      %dma_wait3A_73 = arith.constant 0 : i32
      %dma_wait3A_74 = tpu.memref_slice %arg9[%dma_wait3A_71, %dma_wait3A_72, %dma_wait3A_73] : memref<3x128x64xf32, #tpu.memory_space<vmem>> -> memref<1x128x64xf32, #tpu.memory_space<vmem>>
      %dma_wait3A_75 = tpu.memref_squeeze %dma_wait3A_74 : memref<1x128x64xf32, #tpu.memory_space<vmem>> -> memref<128x64xf32, #tpu.memory_space<vmem>>
      %dma_wait3A_76 = arith.constant 0 : i32
      %dma_wait3A_77 = tpu.memref_slice %arg7[%dma_wait3A_70, %dma_wait3A_76] : memref<81x128xi32, #tpu.memory_space<vmem>> -> memref<1x128xi32, #tpu.memory_space<vmem>>
      %dma_wait3A_78 = tpu.memref_squeeze %dma_wait3A_77 : memref<1x128xi32, #tpu.memory_space<vmem>> -> memref<128xi32, #tpu.memory_space<vmem>>
      %dma_wait3A_79 = arith.constant 0 : i32
      %dma_wait3A_80 = arith.constant 0 : i32
      %dma_wait3A_81 = tpu.memref_slice %arg10[%dma_wait3A_79, %dma_wait3A_80] : memref<10112x64xf32, #tpu.memory_space<vmem_shared>> -> memref<10112x64xf32, #tpu.memory_space<vmem_shared>>
      tpu.wait_indirect_dma semaphore(%arg12 : memref<!tpu.dma_semaphore, #tpu.memory_space<semaphore_mem>>) src(%dma_wait3A_81 : memref<10112x64xf32, #tpu.memory_space<vmem_shared>>) dst(%dma_wait3A_75 : memref<128x64xf32, #tpu.memory_space<vmem>>)
      %dma_start3A_82 = arith.constant 0 : i32
      %dma_start3A_83 = arith.constant 0 : i32
      %dma_start3A_84 = arith.constant 0 : i32
      %dma_start3A_85 = tpu.memref_slice %arg9[%dma_start3A_82, %dma_start3A_83, %dma_start3A_84] : memref<3x128x64xf32, #tpu.memory_space<vmem>> -> memref<1x128x64xf32, #tpu.memory_space<vmem>>
      %dma_start3A_86 = tpu.memref_squeeze %dma_start3A_85 : memref<1x128x64xf32, #tpu.memory_space<vmem>> -> memref<128x64xf32, #tpu.memory_space<vmem>>
      %dma_start3A_87 = arith.constant 0 : i32
      %dma_start3A_88 = tpu.memref_slice %arg8[%add3A_69, %dma_start3A_87] : memref<81x128xi32, #tpu.memory_space<vmem>> -> memref<1x128xi32, #tpu.memory_space<vmem>>
      %dma_start3A_89 = tpu.memref_squeeze %dma_start3A_88 : memref<1x128xi32, #tpu.memory_space<vmem>> -> memref<128xi32, #tpu.memory_space<vmem>>
      %dma_start3A_90 = arith.constant 0 : i32
      %dma_start3A_91 = arith.constant 0 : i32
      %dma_start3A_92 = tpu.memref_slice %arg11[%dma_start3A_90, %dma_start3A_91] : memref<10112x64xf32, #tpu.memory_space<vmem_shared>> -> memref<10112x64xf32, #tpu.memory_space<vmem_shared>>
      tpu.enqueue_indirect_dma source(%dma_start3A_86 : memref<128x64xf32, #tpu.memory_space<vmem>>) target(%dma_start3A_92 : memref<10112x64xf32, #tpu.memory_space<vmem_shared>>) offsets(%dma_start3A_89 : memref<128xi32, #tpu.memory_space<vmem>>) semaphore(%arg15 : memref<!tpu.dma_semaphore, #tpu.memory_space<semaphore_mem>>) {add = true}
      %gt3A = arith.constant 0 : i32
      %gt3A_93 = arith.cmpi sgt, %scan3A_65, %gt3A : i32
      %convert_element_type3A = arith.extui %gt3A_93 : i1 to i32
      %cond3A = arith.constant 0 : i32
      %cond3A_94 = arith.cmpi ne, %convert_element_type3A, %cond3A : i32
      scf.if %cond3A_94 {
        %dma_wait3A_200 = arith.constant 2 : i32
        %dma_wait3A_201 = arith.constant 0 : i32
        %dma_wait3A_202 = arith.constant 0 : i32
        %dma_wait3A_203 = arith.constant 0 : i32
        %dma_wait3A_204 = tpu.memref_slice %arg9[%dma_wait3A_200, %dma_wait3A_202, %dma_wait3A_203] : memref<3x128x64xf32, #tpu.memory_space<vmem>> -> memref<1x128x64xf32, #tpu.memory_space<vmem>>
        %dma_wait3A_205 = tpu.memref_squeeze %dma_wait3A_204 : memref<1x128x64xf32, #tpu.memory_space<vmem>> -> memref<128x64xf32, #tpu.memory_space<vmem>>
        %dma_wait3A_206 = arith.constant 0 : i32
        %dma_wait3A_207 = tpu.memref_slice %arg8[%dma_wait3A_201, %dma_wait3A_206] : memref<81x128xi32, #tpu.memory_space<vmem>> -> memref<1x128xi32, #tpu.memory_space<vmem>>
        %dma_wait3A_208 = tpu.memref_squeeze %dma_wait3A_207 : memref<1x128xi32, #tpu.memory_space<vmem>> -> memref<128xi32, #tpu.memory_space<vmem>>
        %dma_wait3A_209 = arith.constant 0 : i32
        %dma_wait3A_210 = arith.constant 0 : i32
        %dma_wait3A_211 = tpu.memref_slice %arg11[%dma_wait3A_209, %dma_wait3A_210] : memref<10112x64xf32, #tpu.memory_space<vmem_shared>> -> memref<10112x64xf32, #tpu.memory_space<vmem_shared>>
        tpu.wait_indirect_dma semaphore(%arg17 : memref<!tpu.dma_semaphore, #tpu.memory_space<semaphore_mem>>) src(%dma_wait3A_205 : memref<128x64xf32, #tpu.memory_space<vmem>>) dst(%dma_wait3A_211 : memref<10112x64xf32, #tpu.memory_space<vmem_shared>>)
      } else {
      }
      %gt3A_95 = arith.constant 0 : i32
      %gt3A_96 = arith.cmpi sgt, %scan3A_65, %gt3A_95 : i32
      %add3A_97 = arith.constant 3 : i32
      %add3A_98 = arith.addi %add3A_69, %add3A_97 : i32
      %sub3A = arith.constant 1 : i32
      %sub3A_99 = arith.subi %add3A_98, %sub3A : i32
      %lt3A = arith.constant 81 : i32
      %lt3A_100 = arith.cmpi slt, %sub3A_99, %lt3A : i32
      %and3A = arith.andi %gt3A_96, %lt3A_100 : i1
      %convert_element_type3A_101 = arith.extui %and3A : i1 to i32
      %cond3A_102 = arith.constant 0 : i32
      %cond3A_103 = arith.cmpi ne, %convert_element_type3A_101, %cond3A_102 : i32
      scf.if %cond3A_103 {
        %add3A_200 = arith.constant 3 : i32
        %add3A_201 = arith.addi %add3A_69, %add3A_200 : i32
        %sub3A_202 = arith.constant 1 : i32
        %sub3A_203 = arith.subi %add3A_201, %sub3A_202 : i32
        %dma_start3A_204 = arith.constant 2 : i32
        %dma_start3A_205 = arith.constant 0 : i32
        %dma_start3A_206 = arith.constant 0 : i32
        %dma_start3A_207 = tpu.memref_slice %arg9[%dma_start3A_204, %dma_start3A_205, %dma_start3A_206] : memref<3x128x64xf32, #tpu.memory_space<vmem>> -> memref<1x128x64xf32, #tpu.memory_space<vmem>>
        %dma_start3A_208 = tpu.memref_squeeze %dma_start3A_207 : memref<1x128x64xf32, #tpu.memory_space<vmem>> -> memref<128x64xf32, #tpu.memory_space<vmem>>
        %dma_start3A_209 = arith.constant 0 : i32
        %dma_start3A_210 = tpu.memref_slice %arg7[%sub3A_203, %dma_start3A_209] : memref<81x128xi32, #tpu.memory_space<vmem>> -> memref<1x128xi32, #tpu.memory_space<vmem>>
        %dma_start3A_211 = tpu.memref_squeeze %dma_start3A_210 : memref<1x128xi32, #tpu.memory_space<vmem>> -> memref<128xi32, #tpu.memory_space<vmem>>
        %dma_start3A_212 = arith.constant 0 : i32
        %dma_start3A_213 = arith.constant 0 : i32
        %dma_start3A_214 = tpu.memref_slice %arg10[%dma_start3A_212, %dma_start3A_213] : memref<10112x64xf32, #tpu.memory_space<vmem_shared>> -> memref<10112x64xf32, #tpu.memory_space<vmem_shared>>
        tpu.enqueue_indirect_dma source(%dma_start3A_214 : memref<10112x64xf32, #tpu.memory_space<vmem_shared>>) target(%dma_start3A_208 : memref<128x64xf32, #tpu.memory_space<vmem>>) offsets(%dma_start3A_211 : memref<128xi32, #tpu.memory_space<vmem>>) semaphore(%arg14 : memref<!tpu.dma_semaphore, #tpu.memory_space<semaphore_mem>>)
      } else {
      }
      %mul3A_104 = arith.constant 3 : i32
      %mul3A_105 = arith.muli %scan3A_65, %mul3A_104 : i32
      %add3A_106 = arith.constant 1 : i32
      %add3A_107 = arith.addi %mul3A_105, %add3A_106 : i32
      %dma_wait3A_108 = arith.constant 0 : i32
      %dma_wait3A_109 = arith.constant 1 : i32
      %dma_wait3A_110 = arith.constant 0 : i32
      %dma_wait3A_111 = arith.constant 0 : i32
      %dma_wait3A_112 = tpu.memref_slice %arg9[%dma_wait3A_109, %dma_wait3A_110, %dma_wait3A_111] : memref<3x128x64xf32, #tpu.memory_space<vmem>> -> memref<1x128x64xf32, #tpu.memory_space<vmem>>
      %dma_wait3A_113 = tpu.memref_squeeze %dma_wait3A_112 : memref<1x128x64xf32, #tpu.memory_space<vmem>> -> memref<128x64xf32, #tpu.memory_space<vmem>>
      %dma_wait3A_114 = arith.constant 0 : i32
      %dma_wait3A_115 = tpu.memref_slice %arg7[%dma_wait3A_108, %dma_wait3A_114] : memref<81x128xi32, #tpu.memory_space<vmem>> -> memref<1x128xi32, #tpu.memory_space<vmem>>
      %dma_wait3A_116 = tpu.memref_squeeze %dma_wait3A_115 : memref<1x128xi32, #tpu.memory_space<vmem>> -> memref<128xi32, #tpu.memory_space<vmem>>
      %dma_wait3A_117 = arith.constant 0 : i32
      %dma_wait3A_118 = arith.constant 0 : i32
      %dma_wait3A_119 = tpu.memref_slice %arg10[%dma_wait3A_117, %dma_wait3A_118] : memref<10112x64xf32, #tpu.memory_space<vmem_shared>> -> memref<10112x64xf32, #tpu.memory_space<vmem_shared>>
      tpu.wait_indirect_dma semaphore(%arg13 : memref<!tpu.dma_semaphore, #tpu.memory_space<semaphore_mem>>) src(%dma_wait3A_119 : memref<10112x64xf32, #tpu.memory_space<vmem_shared>>) dst(%dma_wait3A_113 : memref<128x64xf32, #tpu.memory_space<vmem>>)
      %dma_start3A_120 = arith.constant 1 : i32
      %dma_start3A_121 = arith.constant 0 : i32
      %dma_start3A_122 = arith.constant 0 : i32
      %dma_start3A_123 = tpu.memref_slice %arg9[%dma_start3A_120, %dma_start3A_121, %dma_start3A_122] : memref<3x128x64xf32, #tpu.memory_space<vmem>> -> memref<1x128x64xf32, #tpu.memory_space<vmem>>
      %dma_start3A_124 = tpu.memref_squeeze %dma_start3A_123 : memref<1x128x64xf32, #tpu.memory_space<vmem>> -> memref<128x64xf32, #tpu.memory_space<vmem>>
      %dma_start3A_125 = arith.constant 0 : i32
      %dma_start3A_126 = tpu.memref_slice %arg8[%add3A_107, %dma_start3A_125] : memref<81x128xi32, #tpu.memory_space<vmem>> -> memref<1x128xi32, #tpu.memory_space<vmem>>
      %dma_start3A_127 = tpu.memref_squeeze %dma_start3A_126 : memref<1x128xi32, #tpu.memory_space<vmem>> -> memref<128xi32, #tpu.memory_space<vmem>>
      %dma_start3A_128 = arith.constant 0 : i32
      %dma_start3A_129 = arith.constant 0 : i32
      %dma_start3A_130 = tpu.memref_slice %arg11[%dma_start3A_128, %dma_start3A_129] : memref<10112x64xf32, #tpu.memory_space<vmem_shared>> -> memref<10112x64xf32, #tpu.memory_space<vmem_shared>>
      tpu.enqueue_indirect_dma source(%dma_start3A_124 : memref<128x64xf32, #tpu.memory_space<vmem>>) target(%dma_start3A_130 : memref<10112x64xf32, #tpu.memory_space<vmem_shared>>) offsets(%dma_start3A_127 : memref<128xi32, #tpu.memory_space<vmem>>) semaphore(%arg16 : memref<!tpu.dma_semaphore, #tpu.memory_space<semaphore_mem>>) {add = true}
      %dma_wait3A_131 = arith.constant 0 : i32
      %dma_wait3A_132 = arith.constant 0 : i32
      %dma_wait3A_133 = arith.constant 0 : i32
      %dma_wait3A_134 = arith.constant 0 : i32
      %dma_wait3A_135 = tpu.memref_slice %arg9[%dma_wait3A_131, %dma_wait3A_133, %dma_wait3A_134] : memref<3x128x64xf32, #tpu.memory_space<vmem>> -> memref<1x128x64xf32, #tpu.memory_space<vmem>>
      %dma_wait3A_136 = tpu.memref_squeeze %dma_wait3A_135 : memref<1x128x64xf32, #tpu.memory_space<vmem>> -> memref<128x64xf32, #tpu.memory_space<vmem>>
      %dma_wait3A_137 = arith.constant 0 : i32
      %dma_wait3A_138 = tpu.memref_slice %arg8[%dma_wait3A_132, %dma_wait3A_137] : memref<81x128xi32, #tpu.memory_space<vmem>> -> memref<1x128xi32, #tpu.memory_space<vmem>>
      %dma_wait3A_139 = tpu.memref_squeeze %dma_wait3A_138 : memref<1x128xi32, #tpu.memory_space<vmem>> -> memref<128xi32, #tpu.memory_space<vmem>>
      %dma_wait3A_140 = arith.constant 0 : i32
      %dma_wait3A_141 = arith.constant 0 : i32
      %dma_wait3A_142 = tpu.memref_slice %arg11[%dma_wait3A_140, %dma_wait3A_141] : memref<10112x64xf32, #tpu.memory_space<vmem_shared>> -> memref<10112x64xf32, #tpu.memory_space<vmem_shared>>
      tpu.wait_indirect_dma semaphore(%arg15 : memref<!tpu.dma_semaphore, #tpu.memory_space<semaphore_mem>>) src(%dma_wait3A_136 : memref<128x64xf32, #tpu.memory_space<vmem>>) dst(%dma_wait3A_142 : memref<10112x64xf32, #tpu.memory_space<vmem_shared>>)
      %add3A_143 = arith.constant 3 : i32
      %add3A_144 = arith.addi %add3A_107, %add3A_143 : i32
      %sub3A_145 = arith.constant 1 : i32
      %sub3A_146 = arith.subi %add3A_144, %sub3A_145 : i32
      %lt3A_147 = arith.constant 81 : i32
      %lt3A_148 = arith.cmpi slt, %sub3A_146, %lt3A_147 : i32
      %convert_element_type3A_149 = arith.extui %lt3A_148 : i1 to i32
      %cond3A_150 = arith.constant 0 : i32
      %cond3A_151 = arith.cmpi ne, %convert_element_type3A_149, %cond3A_150 : i32
      scf.if %cond3A_151 {
        %add3A_200 = arith.constant 3 : i32
        %add3A_201 = arith.addi %add3A_107, %add3A_200 : i32
        %sub3A_202 = arith.constant 1 : i32
        %sub3A_203 = arith.subi %add3A_201, %sub3A_202 : i32
        %dma_start3A_204 = arith.constant 0 : i32
        %dma_start3A_205 = arith.constant 0 : i32
        %dma_start3A_206 = arith.constant 0 : i32
        %dma_start3A_207 = tpu.memref_slice %arg9[%dma_start3A_204, %dma_start3A_205, %dma_start3A_206] : memref<3x128x64xf32, #tpu.memory_space<vmem>> -> memref<1x128x64xf32, #tpu.memory_space<vmem>>
        %dma_start3A_208 = tpu.memref_squeeze %dma_start3A_207 : memref<1x128x64xf32, #tpu.memory_space<vmem>> -> memref<128x64xf32, #tpu.memory_space<vmem>>
        %dma_start3A_209 = arith.constant 0 : i32
        %dma_start3A_210 = tpu.memref_slice %arg7[%sub3A_203, %dma_start3A_209] : memref<81x128xi32, #tpu.memory_space<vmem>> -> memref<1x128xi32, #tpu.memory_space<vmem>>
        %dma_start3A_211 = tpu.memref_squeeze %dma_start3A_210 : memref<1x128xi32, #tpu.memory_space<vmem>> -> memref<128xi32, #tpu.memory_space<vmem>>
        %dma_start3A_212 = arith.constant 0 : i32
        %dma_start3A_213 = arith.constant 0 : i32
        %dma_start3A_214 = tpu.memref_slice %arg10[%dma_start3A_212, %dma_start3A_213] : memref<10112x64xf32, #tpu.memory_space<vmem_shared>> -> memref<10112x64xf32, #tpu.memory_space<vmem_shared>>
        tpu.enqueue_indirect_dma source(%dma_start3A_214 : memref<10112x64xf32, #tpu.memory_space<vmem_shared>>) target(%dma_start3A_208 : memref<128x64xf32, #tpu.memory_space<vmem>>) offsets(%dma_start3A_211 : memref<128xi32, #tpu.memory_space<vmem>>) semaphore(%arg12 : memref<!tpu.dma_semaphore, #tpu.memory_space<semaphore_mem>>)
      } else {
      }
      %mul3A_152 = arith.constant 3 : i32
      %mul3A_153 = arith.muli %scan3A_65, %mul3A_152 : i32
      %add3A_154 = arith.constant 2 : i32
      %add3A_155 = arith.addi %mul3A_153, %add3A_154 : i32
      %dma_wait3A_156 = arith.constant 0 : i32
      %dma_wait3A_157 = arith.constant 2 : i32
      %dma_wait3A_158 = arith.constant 0 : i32
      %dma_wait3A_159 = arith.constant 0 : i32
      %dma_wait3A_160 = tpu.memref_slice %arg9[%dma_wait3A_157, %dma_wait3A_158, %dma_wait3A_159] : memref<3x128x64xf32, #tpu.memory_space<vmem>> -> memref<1x128x64xf32, #tpu.memory_space<vmem>>
      %dma_wait3A_161 = tpu.memref_squeeze %dma_wait3A_160 : memref<1x128x64xf32, #tpu.memory_space<vmem>> -> memref<128x64xf32, #tpu.memory_space<vmem>>
      %dma_wait3A_162 = arith.constant 0 : i32
      %dma_wait3A_163 = tpu.memref_slice %arg7[%dma_wait3A_156, %dma_wait3A_162] : memref<81x128xi32, #tpu.memory_space<vmem>> -> memref<1x128xi32, #tpu.memory_space<vmem>>
      %dma_wait3A_164 = tpu.memref_squeeze %dma_wait3A_163 : memref<1x128xi32, #tpu.memory_space<vmem>> -> memref<128xi32, #tpu.memory_space<vmem>>
      %dma_wait3A_165 = arith.constant 0 : i32
      %dma_wait3A_166 = arith.constant 0 : i32
      %dma_wait3A_167 = tpu.memref_slice %arg10[%dma_wait3A_165, %dma_wait3A_166] : memref<10112x64xf32, #tpu.memory_space<vmem_shared>> -> memref<10112x64xf32, #tpu.memory_space<vmem_shared>>
      tpu.wait_indirect_dma semaphore(%arg14 : memref<!tpu.dma_semaphore, #tpu.memory_space<semaphore_mem>>) src(%dma_wait3A_167 : memref<10112x64xf32, #tpu.memory_space<vmem_shared>>) dst(%dma_wait3A_161 : memref<128x64xf32, #tpu.memory_space<vmem>>)
      %dma_start3A_168 = arith.constant 2 : i32
      %dma_start3A_169 = arith.constant 0 : i32
      %dma_start3A_170 = arith.constant 0 : i32
      %dma_start3A_171 = tpu.memref_slice %arg9[%dma_start3A_168, %dma_start3A_169, %dma_start3A_170] : memref<3x128x64xf32, #tpu.memory_space<vmem>> -> memref<1x128x64xf32, #tpu.memory_space<vmem>>
      %dma_start3A_172 = tpu.memref_squeeze %dma_start3A_171 : memref<1x128x64xf32, #tpu.memory_space<vmem>> -> memref<128x64xf32, #tpu.memory_space<vmem>>
      %dma_start3A_173 = arith.constant 0 : i32
      %dma_start3A_174 = tpu.memref_slice %arg8[%add3A_155, %dma_start3A_173] : memref<81x128xi32, #tpu.memory_space<vmem>> -> memref<1x128xi32, #tpu.memory_space<vmem>>
      %dma_start3A_175 = tpu.memref_squeeze %dma_start3A_174 : memref<1x128xi32, #tpu.memory_space<vmem>> -> memref<128xi32, #tpu.memory_space<vmem>>
      %dma_start3A_176 = arith.constant 0 : i32
      %dma_start3A_177 = arith.constant 0 : i32
      %dma_start3A_178 = tpu.memref_slice %arg11[%dma_start3A_176, %dma_start3A_177] : memref<10112x64xf32, #tpu.memory_space<vmem_shared>> -> memref<10112x64xf32, #tpu.memory_space<vmem_shared>>
      tpu.enqueue_indirect_dma source(%dma_start3A_172 : memref<128x64xf32, #tpu.memory_space<vmem>>) target(%dma_start3A_178 : memref<10112x64xf32, #tpu.memory_space<vmem_shared>>) offsets(%dma_start3A_175 : memref<128xi32, #tpu.memory_space<vmem>>) semaphore(%arg17 : memref<!tpu.dma_semaphore, #tpu.memory_space<semaphore_mem>>) {add = true}
      %dma_wait3A_179 = arith.constant 1 : i32
      %dma_wait3A_180 = arith.constant 0 : i32
      %dma_wait3A_181 = arith.constant 0 : i32
      %dma_wait3A_182 = arith.constant 0 : i32
      %dma_wait3A_183 = tpu.memref_slice %arg9[%dma_wait3A_179, %dma_wait3A_181, %dma_wait3A_182] : memref<3x128x64xf32, #tpu.memory_space<vmem>> -> memref<1x128x64xf32, #tpu.memory_space<vmem>>
      %dma_wait3A_184 = tpu.memref_squeeze %dma_wait3A_183 : memref<1x128x64xf32, #tpu.memory_space<vmem>> -> memref<128x64xf32, #tpu.memory_space<vmem>>
      %dma_wait3A_185 = arith.constant 0 : i32
      %dma_wait3A_186 = tpu.memref_slice %arg8[%dma_wait3A_180, %dma_wait3A_185] : memref<81x128xi32, #tpu.memory_space<vmem>> -> memref<1x128xi32, #tpu.memory_space<vmem>>
      %dma_wait3A_187 = tpu.memref_squeeze %dma_wait3A_186 : memref<1x128xi32, #tpu.memory_space<vmem>> -> memref<128xi32, #tpu.memory_space<vmem>>
      %dma_wait3A_188 = arith.constant 0 : i32
      %dma_wait3A_189 = arith.constant 0 : i32
      %dma_wait3A_190 = tpu.memref_slice %arg11[%dma_wait3A_188, %dma_wait3A_189] : memref<10112x64xf32, #tpu.memory_space<vmem_shared>> -> memref<10112x64xf32, #tpu.memory_space<vmem_shared>>
      tpu.wait_indirect_dma semaphore(%arg16 : memref<!tpu.dma_semaphore, #tpu.memory_space<semaphore_mem>>) src(%dma_wait3A_184 : memref<128x64xf32, #tpu.memory_space<vmem>>) dst(%dma_wait3A_190 : memref<10112x64xf32, #tpu.memory_space<vmem_shared>>)
      %add3A_191 = arith.constant 3 : i32
      %add3A_192 = arith.addi %add3A_155, %add3A_191 : i32
      %sub3A_193 = arith.constant 1 : i32
      %sub3A_194 = arith.subi %add3A_192, %sub3A_193 : i32
      %lt3A_195 = arith.constant 81 : i32
      %lt3A_196 = arith.cmpi slt, %sub3A_194, %lt3A_195 : i32
      %convert_element_type3A_197 = arith.extui %lt3A_196 : i1 to i32
      %cond3A_198 = arith.constant 0 : i32
      %cond3A_199 = arith.cmpi ne, %convert_element_type3A_197, %cond3A_198 : i32
      scf.if %cond3A_199 {
        %add3A_200 = arith.constant 3 : i32
        %add3A_201 = arith.addi %add3A_155, %add3A_200 : i32
        %sub3A_202 = arith.constant 1 : i32
        %sub3A_203 = arith.subi %add3A_201, %sub3A_202 : i32
        %dma_start3A_204 = arith.constant 1 : i32
        %dma_start3A_205 = arith.constant 0 : i32
        %dma_start3A_206 = arith.constant 0 : i32
        %dma_start3A_207 = tpu.memref_slice %arg9[%dma_start3A_204, %dma_start3A_205, %dma_start3A_206] : memref<3x128x64xf32, #tpu.memory_space<vmem>> -> memref<1x128x64xf32, #tpu.memory_space<vmem>>
        %dma_start3A_208 = tpu.memref_squeeze %dma_start3A_207 : memref<1x128x64xf32, #tpu.memory_space<vmem>> -> memref<128x64xf32, #tpu.memory_space<vmem>>
        %dma_start3A_209 = arith.constant 0 : i32
        %dma_start3A_210 = tpu.memref_slice %arg7[%sub3A_203, %dma_start3A_209] : memref<81x128xi32, #tpu.memory_space<vmem>> -> memref<1x128xi32, #tpu.memory_space<vmem>>
        %dma_start3A_211 = tpu.memref_squeeze %dma_start3A_210 : memref<1x128xi32, #tpu.memory_space<vmem>> -> memref<128xi32, #tpu.memory_space<vmem>>
        %dma_start3A_212 = arith.constant 0 : i32
        %dma_start3A_213 = arith.constant 0 : i32
        %dma_start3A_214 = tpu.memref_slice %arg10[%dma_start3A_212, %dma_start3A_213] : memref<10112x64xf32, #tpu.memory_space<vmem_shared>> -> memref<10112x64xf32, #tpu.memory_space<vmem_shared>>
        tpu.enqueue_indirect_dma source(%dma_start3A_214 : memref<10112x64xf32, #tpu.memory_space<vmem_shared>>) target(%dma_start3A_208 : memref<128x64xf32, #tpu.memory_space<vmem>>) offsets(%dma_start3A_211 : memref<128xi32, #tpu.memory_space<vmem>>) semaphore(%arg13 : memref<!tpu.dma_semaphore, #tpu.memory_space<semaphore_mem>>)
      } else {
      }
    }
    %scan3A_48 = arith.constant 27 : i32
    %dma_wait3A = arith.constant 2 : i32
    %dma_wait3A_49 = arith.constant 0 : i32
    %dma_wait3A_50 = arith.constant 0 : i32
    %dma_wait3A_51 = arith.constant 0 : i32
    %dma_wait3A_52 = tpu.memref_slice %arg9[%dma_wait3A, %dma_wait3A_50, %dma_wait3A_51] : memref<3x128x64xf32, #tpu.memory_space<vmem>> -> memref<1x128x64xf32, #tpu.memory_space<vmem>>
    %dma_wait3A_53 = tpu.memref_squeeze %dma_wait3A_52 : memref<1x128x64xf32, #tpu.memory_space<vmem>> -> memref<128x64xf32, #tpu.memory_space<vmem>>
    %dma_wait3A_54 = arith.constant 0 : i32
    %dma_wait3A_55 = tpu.memref_slice %arg8[%dma_wait3A_49, %dma_wait3A_54] : memref<81x128xi32, #tpu.memory_space<vmem>> -> memref<1x128xi32, #tpu.memory_space<vmem>>
    %dma_wait3A_56 = tpu.memref_squeeze %dma_wait3A_55 : memref<1x128xi32, #tpu.memory_space<vmem>> -> memref<128xi32, #tpu.memory_space<vmem>>
    %dma_wait3A_57 = arith.constant 0 : i32
    %dma_wait3A_58 = arith.constant 0 : i32
    %dma_wait3A_59 = tpu.memref_slice %arg11[%dma_wait3A_57, %dma_wait3A_58] : memref<10112x64xf32, #tpu.memory_space<vmem_shared>> -> memref<10112x64xf32, #tpu.memory_space<vmem_shared>>
    tpu.wait_indirect_dma semaphore(%arg17 : memref<!tpu.dma_semaphore, #tpu.memory_space<semaphore_mem>>) src(%dma_wait3A_53 : memref<128x64xf32, #tpu.memory_space<vmem>>) dst(%dma_wait3A_59 : memref<10112x64xf32, #tpu.memory_space<vmem_shared>>)
    %barrier3A_60 = arith.constant 0 : index
    tpu.barrier barrier_id(%barrier3A_60)
    %mul3A_61 = arith.constant 632 : i32
    %mul3A_62 = arith.muli %arg1, %mul3A_61 : i32
    %mul3A_63 = arith.constant 632 : i32
    %mul3A_64 = arith.muli %arg1, %mul3A_63 : i32
    "tpu.region"() ({
      %run_scoped3A = tpu.sem_alloc : memref<!tpu.dma_semaphore, #tpu.memory_space<semaphore_mem>>
      %dma_start3A_65 = arith.constant 0 : i32
      %dma_start3A_66 = tpu.memref_slice %arg6[%arg0, %mul3A_64, %dma_start3A_65] : memref<2x10112x64xf32, #tpu.memory_space<hbm>> -> memref<1x632x64xf32, #tpu.memory_space<hbm>>
      %dma_start3A_67 = tpu.memref_squeeze %dma_start3A_66 : memref<1x632x64xf32, #tpu.memory_space<hbm>> -> memref<632x64xf32, #tpu.memory_space<hbm>>
      %dma_start3A_68 = arith.constant 0 : i32
      %dma_start3A_69 = tpu.memref_slice %arg11[%mul3A_62, %dma_start3A_68] : memref<10112x64xf32, #tpu.memory_space<vmem_shared>> -> memref<632x64xf32, #tpu.memory_space<vmem_shared>>
      tpu.enqueue_dma source(%dma_start3A_69 : memref<632x64xf32, #tpu.memory_space<vmem_shared>>) target(%dma_start3A_67 : memref<632x64xf32, #tpu.memory_space<hbm>>) target_semaphore(%run_scoped3A : memref<!tpu.dma_semaphore, #tpu.memory_space<semaphore_mem>>)
      %dma_wait3A_70 = arith.constant 0 : i32
      %dma_wait3A_71 = tpu.memref_slice %arg6[%arg0, %mul3A_64, %dma_wait3A_70] : memref<2x10112x64xf32, #tpu.memory_space<hbm>> -> memref<1x632x64xf32, #tpu.memory_space<hbm>>
      %dma_wait3A_72 = tpu.memref_squeeze %dma_wait3A_71 : memref<1x632x64xf32, #tpu.memory_space<hbm>> -> memref<632x64xf32, #tpu.memory_space<hbm>>
      %dma_wait3A_73 = arith.constant 0 : i32
      %dma_wait3A_74 = tpu.memref_slice %arg11[%mul3A_62, %dma_wait3A_73] : memref<10112x64xf32, #tpu.memory_space<vmem_shared>> -> memref<632x64xf32, #tpu.memory_space<vmem_shared>>
      tpu.wait_dma2 semaphore(%run_scoped3A : memref<!tpu.dma_semaphore, #tpu.memory_space<semaphore_mem>>) src(%dma_wait3A_74 : memref<632x64xf32, #tpu.memory_space<vmem_shared>>) dst(%dma_wait3A_72 : memref<632x64xf32, #tpu.memory_space<hbm>>)
      tpu.yield
    }) : () -> ()
    return
  }
}

#map = affine_map<(d0, d1) -> (0, 0)>
#map1 = affine_map<(d0, d1) -> (0, 0, 0)>
module attributes {stable_mosaic.version = 14 : i64} {
  func.func @_hop(%arg0: i32, %arg1: i32, %arg2: memref<10112x64xf32, #tpu.memory_space<hbm>>, %arg3: memref<32x81x128xi32, #tpu.memory_space<hbm>>, %arg4: memref<32x81x128xi32, #tpu.memory_space<hbm>>, %arg5: memref<10112x64xf32, #tpu.memory_space<hbm>>, %arg6: memref<2x10112x64xf32, #tpu.memory_space<hbm>>, %arg7: memref<81x128xi32, #tpu.memory_space<vmem>>, %arg8: memref<81x128xi32, #tpu.memory_space<vmem>>, %arg9: memref<3x128x64xf32, #tpu.memory_space<vmem>>, %arg10: memref<10112x64xf32, #tpu.memory_space<vmem_shared>>, %arg11: memref<10112x64xf32, #tpu.memory_space<vmem_shared>>, %arg12: memref<!tpu.dma_semaphore, #tpu.memory_space<semaphore_mem>>, %arg13: memref<!tpu.dma_semaphore, #tpu.memory_space<semaphore_mem>>, %arg14: memref<!tpu.dma_semaphore, #tpu.memory_space<semaphore_mem>>, %arg15: memref<!tpu.dma_semaphore, #tpu.memory_space<semaphore_mem>>, %arg16: memref<!tpu.dma_semaphore, #tpu.memory_space<semaphore_mem>>, %arg17: memref<!tpu.dma_semaphore, #tpu.memory_space<semaphore_mem>>) attributes {dimension_semantics = [#tpu.dimension_semantics<core_parallel>, #tpu.dimension_semantics<subcore_parallel>], iteration_bounds = array<i64: 2, 16>, scalar_prefetch = 0 : i64, scratch_operands = 11 : i64, tpu.core_type = #tpu.core_type<sc_vector_subcore>, window_params = [{transform_indices = #map}, {transform_indices = #map1}, {transform_indices = #map1}, {transform_indices = #map}, {transform_indices = #map1}]} {
    %mul3A = arith.constant 2 : i32
    %mul3A_0 = arith.muli %arg1, %mul3A : i32
    %add3A = arith.addi %mul3A_0, %arg0 : i32
    %mul3A_1 = arith.constant 632 : i32
    %mul3A_2 = arith.muli %arg1, %mul3A_1 : i32
    %mul3A_3 = arith.constant 632 : i32
    %mul3A_4 = arith.muli %arg1, %mul3A_3 : i32
    "tpu.region"() ({
      %run_scoped3A = tpu.sem_alloc : memref<!tpu.dma_semaphore, #tpu.memory_space<semaphore_mem>>
      %dma_start3A_65 = arith.constant 0 : i32
      %dma_start3A_66 = tpu.memref_slice %arg11[%mul3A_4, %dma_start3A_65] : memref<10112x64xf32, #tpu.memory_space<vmem_shared>> -> memref<632x64xf32, #tpu.memory_space<vmem_shared>>
      %dma_start3A_67 = arith.constant 0 : i32
      %dma_start3A_68 = tpu.memref_slice %arg5[%mul3A_2, %dma_start3A_67] : memref<10112x64xf32, #tpu.memory_space<hbm>> -> memref<632x64xf32, #tpu.memory_space<hbm>>
      tpu.enqueue_dma source(%dma_start3A_68 : memref<632x64xf32, #tpu.memory_space<hbm>>) target(%dma_start3A_66 : memref<632x64xf32, #tpu.memory_space<vmem_shared>>) target_semaphore(%run_scoped3A : memref<!tpu.dma_semaphore, #tpu.memory_space<semaphore_mem>>)
      %dma_wait3A_69 = arith.constant 0 : i32
      %dma_wait3A_70 = tpu.memref_slice %arg11[%mul3A_4, %dma_wait3A_69] : memref<10112x64xf32, #tpu.memory_space<vmem_shared>> -> memref<632x64xf32, #tpu.memory_space<vmem_shared>>
      %dma_wait3A_71 = arith.constant 0 : i32
      %dma_wait3A_72 = tpu.memref_slice %arg5[%mul3A_2, %dma_wait3A_71] : memref<10112x64xf32, #tpu.memory_space<hbm>> -> memref<632x64xf32, #tpu.memory_space<hbm>>
      tpu.wait_dma2 semaphore(%run_scoped3A : memref<!tpu.dma_semaphore, #tpu.memory_space<semaphore_mem>>) src(%dma_wait3A_72 : memref<632x64xf32, #tpu.memory_space<hbm>>) dst(%dma_wait3A_70 : memref<632x64xf32, #tpu.memory_space<vmem_shared>>)
      tpu.yield
    }) : () -> ()
    %mul3A_5 = arith.constant 632 : i32
    %mul3A_6 = arith.muli %arg1, %mul3A_5 : i32
    %mul3A_7 = arith.constant 632 : i32
    %mul3A_8 = arith.muli %arg1, %mul3A_7 : i32
    "tpu.region"() ({
      %run_scoped3A = tpu.sem_alloc : memref<!tpu.dma_semaphore, #tpu.memory_space<semaphore_mem>>
      %dma_start3A_65 = arith.constant 0 : i32
      %dma_start3A_66 = tpu.memref_slice %arg10[%mul3A_8, %dma_start3A_65] : memref<10112x64xf32, #tpu.memory_space<vmem_shared>> -> memref<632x64xf32, #tpu.memory_space<vmem_shared>>
      %dma_start3A_67 = arith.constant 0 : i32
      %dma_start3A_68 = tpu.memref_slice %arg2[%mul3A_6, %dma_start3A_67] : memref<10112x64xf32, #tpu.memory_space<hbm>> -> memref<632x64xf32, #tpu.memory_space<hbm>>
      tpu.enqueue_dma source(%dma_start3A_68 : memref<632x64xf32, #tpu.memory_space<hbm>>) target(%dma_start3A_66 : memref<632x64xf32, #tpu.memory_space<vmem_shared>>) target_semaphore(%run_scoped3A : memref<!tpu.dma_semaphore, #tpu.memory_space<semaphore_mem>>)
      %dma_wait3A_69 = arith.constant 0 : i32
      %dma_wait3A_70 = tpu.memref_slice %arg10[%mul3A_8, %dma_wait3A_69] : memref<10112x64xf32, #tpu.memory_space<vmem_shared>> -> memref<632x64xf32, #tpu.memory_space<vmem_shared>>
      %dma_wait3A_71 = arith.constant 0 : i32
      %dma_wait3A_72 = tpu.memref_slice %arg2[%mul3A_6, %dma_wait3A_71] : memref<10112x64xf32, #tpu.memory_space<hbm>> -> memref<632x64xf32, #tpu.memory_space<hbm>>
      tpu.wait_dma2 semaphore(%run_scoped3A : memref<!tpu.dma_semaphore, #tpu.memory_space<semaphore_mem>>) src(%dma_wait3A_72 : memref<632x64xf32, #tpu.memory_space<hbm>>) dst(%dma_wait3A_70 : memref<632x64xf32, #tpu.memory_space<vmem_shared>>)
      tpu.yield
    }) : () -> ()
    "tpu.region"() ({
      %run_scoped3A = tpu.sem_alloc : memref<!tpu.dma_semaphore, #tpu.memory_space<semaphore_mem>>
      %dma_start3A_65 = arith.constant 0 : i32
      %dma_start3A_66 = arith.constant 0 : i32
      %dma_start3A_67 = tpu.memref_slice %arg3[%add3A, %dma_start3A_65, %dma_start3A_66] : memref<32x81x128xi32, #tpu.memory_space<hbm>> -> memref<1x81x128xi32, #tpu.memory_space<hbm>>
      %dma_start3A_68 = tpu.memref_squeeze %dma_start3A_67 : memref<1x81x128xi32, #tpu.memory_space<hbm>> -> memref<81x128xi32, #tpu.memory_space<hbm>>
      %dma_start3A_69 = arith.constant 0 : i32
      %dma_start3A_70 = arith.constant 0 : i32
      %dma_start3A_71 = tpu.memref_slice %arg3[%add3A, %dma_start3A_69, %dma_start3A_70] : memref<32x81x128xi32, #tpu.memory_space<hbm>> -> memref<1x81x128xi32, #tpu.memory_space<hbm>>
      %dma_start3A_72 = tpu.memref_squeeze %dma_start3A_71 : memref<1x81x128xi32, #tpu.memory_space<hbm>> -> memref<81x128xi32, #tpu.memory_space<hbm>>
      tpu.enqueue_dma source(%dma_start3A_72 : memref<81x128xi32, #tpu.memory_space<hbm>>) target(%arg7 : memref<81x128xi32, #tpu.memory_space<vmem>>) target_semaphore(%run_scoped3A : memref<!tpu.dma_semaphore, #tpu.memory_space<semaphore_mem>>)
      %dma_wait3A_73 = arith.constant 0 : i32
      %dma_wait3A_74 = arith.constant 0 : i32
      %dma_wait3A_75 = tpu.memref_slice %arg3[%add3A, %dma_wait3A_73, %dma_wait3A_74] : memref<32x81x128xi32, #tpu.memory_space<hbm>> -> memref<1x81x128xi32, #tpu.memory_space<hbm>>
      %dma_wait3A_76 = tpu.memref_squeeze %dma_wait3A_75 : memref<1x81x128xi32, #tpu.memory_space<hbm>> -> memref<81x128xi32, #tpu.memory_space<hbm>>
      %dma_wait3A_77 = arith.constant 0 : i32
      %dma_wait3A_78 = arith.constant 0 : i32
      %dma_wait3A_79 = tpu.memref_slice %arg3[%add3A, %dma_wait3A_77, %dma_wait3A_78] : memref<32x81x128xi32, #tpu.memory_space<hbm>> -> memref<1x81x128xi32, #tpu.memory_space<hbm>>
      %dma_wait3A_80 = tpu.memref_squeeze %dma_wait3A_79 : memref<1x81x128xi32, #tpu.memory_space<hbm>> -> memref<81x128xi32, #tpu.memory_space<hbm>>
      tpu.wait_dma2 semaphore(%run_scoped3A : memref<!tpu.dma_semaphore, #tpu.memory_space<semaphore_mem>>) src(%dma_wait3A_80 : memref<81x128xi32, #tpu.memory_space<hbm>>) dst(%arg7 : memref<81x128xi32, #tpu.memory_space<vmem>>)
      tpu.yield
    }) : () -> ()
    "tpu.region"() ({
      %run_scoped3A = tpu.sem_alloc : memref<!tpu.dma_semaphore, #tpu.memory_space<semaphore_mem>>
      %dma_start3A_65 = arith.constant 0 : i32
      %dma_start3A_66 = arith.constant 0 : i32
      %dma_start3A_67 = tpu.memref_slice %arg4[%add3A, %dma_start3A_65, %dma_start3A_66] : memref<32x81x128xi32, #tpu.memory_space<hbm>> -> memref<1x81x128xi32, #tpu.memory_space<hbm>>
      %dma_start3A_68 = tpu.memref_squeeze %dma_start3A_67 : memref<1x81x128xi32, #tpu.memory_space<hbm>> -> memref<81x128xi32, #tpu.memory_space<hbm>>
      %dma_start3A_69 = arith.constant 0 : i32
      %dma_start3A_70 = arith.constant 0 : i32
      %dma_start3A_71 = tpu.memref_slice %arg4[%add3A, %dma_start3A_69, %dma_start3A_70] : memref<32x81x128xi32, #tpu.memory_space<hbm>> -> memref<1x81x128xi32, #tpu.memory_space<hbm>>
      %dma_start3A_72 = tpu.memref_squeeze %dma_start3A_71 : memref<1x81x128xi32, #tpu.memory_space<hbm>> -> memref<81x128xi32, #tpu.memory_space<hbm>>
      tpu.enqueue_dma source(%dma_start3A_72 : memref<81x128xi32, #tpu.memory_space<hbm>>) target(%arg8 : memref<81x128xi32, #tpu.memory_space<vmem>>) target_semaphore(%run_scoped3A : memref<!tpu.dma_semaphore, #tpu.memory_space<semaphore_mem>>)
      %dma_wait3A_73 = arith.constant 0 : i32
      %dma_wait3A_74 = arith.constant 0 : i32
      %dma_wait3A_75 = tpu.memref_slice %arg4[%add3A, %dma_wait3A_73, %dma_wait3A_74] : memref<32x81x128xi32, #tpu.memory_space<hbm>> -> memref<1x81x128xi32, #tpu.memory_space<hbm>>
      %dma_wait3A_76 = tpu.memref_squeeze %dma_wait3A_75 : memref<1x81x128xi32, #tpu.memory_space<hbm>> -> memref<81x128xi32, #tpu.memory_space<hbm>>
      %dma_wait3A_77 = arith.constant 0 : i32
      %dma_wait3A_78 = arith.constant 0 : i32
      %dma_wait3A_79 = tpu.memref_slice %arg4[%add3A, %dma_wait3A_77, %dma_wait3A_78] : memref<32x81x128xi32, #tpu.memory_space<hbm>> -> memref<1x81x128xi32, #tpu.memory_space<hbm>>
      %dma_wait3A_80 = tpu.memref_squeeze %dma_wait3A_79 : memref<1x81x128xi32, #tpu.memory_space<hbm>> -> memref<81x128xi32, #tpu.memory_space<hbm>>
      tpu.wait_dma2 semaphore(%run_scoped3A : memref<!tpu.dma_semaphore, #tpu.memory_space<semaphore_mem>>) src(%dma_wait3A_80 : memref<81x128xi32, #tpu.memory_space<hbm>>) dst(%arg8 : memref<81x128xi32, #tpu.memory_space<vmem>>)
      tpu.yield
    }) : () -> ()
    %barrier3A = arith.constant 0 : index
    tpu.barrier barrier_id(%barrier3A)
    %dma_start3A = arith.constant 0 : i32
    %dma_start3A_9 = arith.constant 0 : i32
    %dma_start3A_10 = arith.constant 0 : i32
    %dma_start3A_11 = arith.constant 0 : i32
    %dma_start3A_12 = tpu.memref_slice %arg9[%dma_start3A_9, %dma_start3A_10, %dma_start3A_11] : memref<3x128x64xf32, #tpu.memory_space<vmem>> -> memref<1x128x64xf32, #tpu.memory_space<vmem>>
    %dma_start3A_13 = tpu.memref_squeeze %dma_start3A_12 : memref<1x128x64xf32, #tpu.memory_space<vmem>> -> memref<128x64xf32, #tpu.memory_space<vmem>>
    %dma_start3A_14 = arith.constant 0 : i32
    %dma_start3A_15 = tpu.memref_slice %arg7[%dma_start3A, %dma_start3A_14] : memref<81x128xi32, #tpu.memory_space<vmem>> -> memref<1x128xi32, #tpu.memory_space<vmem>>
    %dma_start3A_16 = tpu.memref_squeeze %dma_start3A_15 : memref<1x128xi32, #tpu.memory_space<vmem>> -> memref<128xi32, #tpu.memory_space<vmem>>
    %dma_start3A_17 = arith.constant 0 : i32
    %dma_start3A_18 = arith.constant 0 : i32
    %dma_start3A_19 = tpu.memref_slice %arg10[%dma_start3A_17, %dma_start3A_18] : memref<10112x64xf32, #tpu.memory_space<vmem_shared>> -> memref<10112x64xf32, #tpu.memory_space<vmem_shared>>
    tpu.enqueue_indirect_dma source(%dma_start3A_19 : memref<10112x64xf32, #tpu.memory_space<vmem_shared>>) target(%dma_start3A_13 : memref<128x64xf32, #tpu.memory_space<vmem>>) offsets(%dma_start3A_16 : memref<128xi32, #tpu.memory_space<vmem>>) semaphore(%arg12 : memref<!tpu.dma_semaphore, #tpu.memory_space<semaphore_mem>>)
    %dma_start3A_20 = arith.constant 1 : i32
    %dma_start3A_21 = arith.constant 1 : i32
    %dma_start3A_22 = arith.constant 0 : i32
    %dma_start3A_23 = arith.constant 0 : i32
    %dma_start3A_24 = tpu.memref_slice %arg9[%dma_start3A_21, %dma_start3A_22, %dma_start3A_23] : memref<3x128x64xf32, #tpu.memory_space<vmem>> -> memref<1x128x64xf32, #tpu.memory_space<vmem>>
    %dma_start3A_25 = tpu.memref_squeeze %dma_start3A_24 : memref<1x128x64xf32, #tpu.memory_space<vmem>> -> memref<128x64xf32, #tpu.memory_space<vmem>>
    %dma_start3A_26 = arith.constant 0 : i32
    %dma_start3A_27 = tpu.memref_slice %arg7[%dma_start3A_20, %dma_start3A_26] : memref<81x128xi32, #tpu.memory_space<vmem>> -> memref<1x128xi32, #tpu.memory_space<vmem>>
    %dma_start3A_28 = tpu.memref_squeeze %dma_start3A_27 : memref<1x128xi32, #tpu.memory_space<vmem>> -> memref<128xi32, #tpu.memory_space<vmem>>
    %dma_start3A_29 = arith.constant 0 : i32
    %dma_start3A_30 = arith.constant 0 : i32
    %dma_start3A_31 = tpu.memref_slice %arg10[%dma_start3A_29, %dma_start3A_30] : memref<10112x64xf32, #tpu.memory_space<vmem_shared>> -> memref<10112x64xf32, #tpu.memory_space<vmem_shared>>
    tpu.enqueue_indirect_dma source(%dma_start3A_31 : memref<10112x64xf32, #tpu.memory_space<vmem_shared>>) target(%dma_start3A_25 : memref<128x64xf32, #tpu.memory_space<vmem>>) offsets(%dma_start3A_28 : memref<128xi32, #tpu.memory_space<vmem>>) semaphore(%arg13 : memref<!tpu.dma_semaphore, #tpu.memory_space<semaphore_mem>>)
    %dma_start3A_32 = arith.constant 2 : i32
    %dma_start3A_33 = arith.constant 2 : i32
    %dma_start3A_34 = arith.constant 0 : i32
    %dma_start3A_35 = arith.constant 0 : i32
    %dma_start3A_36 = tpu.memref_slice %arg9[%dma_start3A_33, %dma_start3A_34, %dma_start3A_35] : memref<3x128x64xf32, #tpu.memory_space<vmem>> -> memref<1x128x64xf32, #tpu.memory_space<vmem>>
    %dma_start3A_37 = tpu.memref_squeeze %dma_start3A_36 : memref<1x128x64xf32, #tpu.memory_space<vmem>> -> memref<128x64xf32, #tpu.memory_space<vmem>>
    %dma_start3A_38 = arith.constant 0 : i32
    %dma_start3A_39 = tpu.memref_slice %arg7[%dma_start3A_32, %dma_start3A_38] : memref<81x128xi32, #tpu.memory_space<vmem>> -> memref<1x128xi32, #tpu.memory_space<vmem>>
    %dma_start3A_40 = tpu.memref_squeeze %dma_start3A_39 : memref<1x128xi32, #tpu.memory_space<vmem>> -> memref<128xi32, #tpu.memory_space<vmem>>
    %dma_start3A_41 = arith.constant 0 : i32
    %dma_start3A_42 = arith.constant 0 : i32
    %dma_start3A_43 = tpu.memref_slice %arg10[%dma_start3A_41, %dma_start3A_42] : memref<10112x64xf32, #tpu.memory_space<vmem_shared>> -> memref<10112x64xf32, #tpu.memory_space<vmem_shared>>
    tpu.enqueue_indirect_dma source(%dma_start3A_43 : memref<10112x64xf32, #tpu.memory_space<vmem_shared>>) target(%dma_start3A_37 : memref<128x64xf32, #tpu.memory_space<vmem>>) offsets(%dma_start3A_40 : memref<128xi32, #tpu.memory_space<vmem>>) semaphore(%arg14 : memref<!tpu.dma_semaphore, #tpu.memory_space<semaphore_mem>>)
    %scan3A = arith.constant 0 : i32
    %scan3A_44 = arith.constant 0 : i32
    %scan3A_45 = arith.constant 27 : i32
    %scan3A_46 = arith.addi %scan3A_44, %scan3A_45 : i32
    %scan3A_47 = arith.constant 1 : i32
    scf.for %scan3A_65 = %scan3A_44 to %scan3A_46 step %scan3A_47  : i32 {
      %mul3A_66 = arith.constant 3 : i32
      %mul3A_67 = arith.muli %scan3A_65, %mul3A_66 : i32
      %add3A_68 = arith.constant 0 : i32
      %add3A_69 = arith.addi %mul3A_67, %add3A_68 : i32
      %dma_wait3A_70 = arith.constant 0 : i32
      %dma_wait3A_71 = arith.constant 0 : i32
      %dma_wait3A_72 = arith.constant 0 : i32
      %dma_wait3A_73 = arith.constant 0 : i32
      %dma_wait3A_74 = tpu.memref_slice %arg9[%dma_wait3A_71, %dma_wait3A_72, %dma_wait3A_73] : memref<3x128x64xf32, #tpu.memory_space<vmem>> -> memref<1x128x64xf32, #tpu.memory_space<vmem>>
      %dma_wait3A_75 = tpu.memref_squeeze %dma_wait3A_74 : memref<1x128x64xf32, #tpu.memory_space<vmem>> -> memref<128x64xf32, #tpu.memory_space<vmem>>
      %dma_wait3A_76 = arith.constant 0 : i32
      %dma_wait3A_77 = tpu.memref_slice %arg7[%dma_wait3A_70, %dma_wait3A_76] : memref<81x128xi32, #tpu.memory_space<vmem>> -> memref<1x128xi32, #tpu.memory_space<vmem>>
      %dma_wait3A_78 = tpu.memref_squeeze %dma_wait3A_77 : memref<1x128xi32, #tpu.memory_space<vmem>> -> memref<128xi32, #tpu.memory_space<vmem>>
      %dma_wait3A_79 = arith.constant 0 : i32
      %dma_wait3A_80 = arith.constant 0 : i32
      %dma_wait3A_81 = tpu.memref_slice %arg10[%dma_wait3A_79, %dma_wait3A_80] : memref<10112x64xf32, #tpu.memory_space<vmem_shared>> -> memref<10112x64xf32, #tpu.memory_space<vmem_shared>>
      tpu.wait_indirect_dma semaphore(%arg12 : memref<!tpu.dma_semaphore, #tpu.memory_space<semaphore_mem>>) src(%dma_wait3A_81 : memref<10112x64xf32, #tpu.memory_space<vmem_shared>>) dst(%dma_wait3A_75 : memref<128x64xf32, #tpu.memory_space<vmem>>)
      %dma_start3A_82 = arith.constant 0 : i32
      %dma_start3A_83 = arith.constant 0 : i32
      %dma_start3A_84 = arith.constant 0 : i32
      %dma_start3A_85 = tpu.memref_slice %arg9[%dma_start3A_82, %dma_start3A_83, %dma_start3A_84] : memref<3x128x64xf32, #tpu.memory_space<vmem>> -> memref<1x128x64xf32, #tpu.memory_space<vmem>>
      %dma_start3A_86 = tpu.memref_squeeze %dma_start3A_85 : memref<1x128x64xf32, #tpu.memory_space<vmem>> -> memref<128x64xf32, #tpu.memory_space<vmem>>
      %dma_start3A_87 = arith.constant 0 : i32
      %dma_start3A_88 = tpu.memref_slice %arg8[%add3A_69, %dma_start3A_87] : memref<81x128xi32, #tpu.memory_space<vmem>> -> memref<1x128xi32, #tpu.memory_space<vmem>>
      %dma_start3A_89 = tpu.memref_squeeze %dma_start3A_88 : memref<1x128xi32, #tpu.memory_space<vmem>> -> memref<128xi32, #tpu.memory_space<vmem>>
      %dma_start3A_90 = arith.constant 0 : i32
      %dma_start3A_91 = arith.constant 0 : i32
      %dma_start3A_92 = tpu.memref_slice %arg11[%dma_start3A_90, %dma_start3A_91] : memref<10112x64xf32, #tpu.memory_space<vmem_shared>> -> memref<10112x64xf32, #tpu.memory_space<vmem_shared>>
      tpu.enqueue_indirect_dma source(%dma_start3A_86 : memref<128x64xf32, #tpu.memory_space<vmem>>) target(%dma_start3A_92 : memref<10112x64xf32, #tpu.memory_space<vmem_shared>>) offsets(%dma_start3A_89 : memref<128xi32, #tpu.memory_space<vmem>>) semaphore(%arg15 : memref<!tpu.dma_semaphore, #tpu.memory_space<semaphore_mem>>) {add = true}
      %gt3A = arith.constant 0 : i32
      %gt3A_93 = arith.cmpi sgt, %scan3A_65, %gt3A : i32
      %convert_element_type3A = arith.extui %gt3A_93 : i1 to i32
      %cond3A = arith.constant 0 : i32
      %cond3A_94 = arith.cmpi ne, %convert_element_type3A, %cond3A : i32
      scf.if %cond3A_94 {
        %dma_wait3A_200 = arith.constant 2 : i32
        %dma_wait3A_201 = arith.constant 0 : i32
        %dma_wait3A_202 = arith.constant 0 : i32
        %dma_wait3A_203 = arith.constant 0 : i32
        %dma_wait3A_204 = tpu.memref_slice %arg9[%dma_wait3A_200, %dma_wait3A_202, %dma_wait3A_203] : memref<3x128x64xf32, #tpu.memory_space<vmem>> -> memref<1x128x64xf32, #tpu.memory_space<vmem>>
        %dma_wait3A_205 = tpu.memref_squeeze %dma_wait3A_204 : memref<1x128x64xf32, #tpu.memory_space<vmem>> -> memref<128x64xf32, #tpu.memory_space<vmem>>
        %dma_wait3A_206 = arith.constant 0 : i32
        %dma_wait3A_207 = tpu.memref_slice %arg8[%dma_wait3A_201, %dma_wait3A_206] : memref<81x128xi32, #tpu.memory_space<vmem>> -> memref<1x128xi32, #tpu.memory_space<vmem>>
        %dma_wait3A_208 = tpu.memref_squeeze %dma_wait3A_207 : memref<1x128xi32, #tpu.memory_space<vmem>> -> memref<128xi32, #tpu.memory_space<vmem>>
        %dma_wait3A_209 = arith.constant 0 : i32
        %dma_wait3A_210 = arith.constant 0 : i32
        %dma_wait3A_211 = tpu.memref_slice %arg11[%dma_wait3A_209, %dma_wait3A_210] : memref<10112x64xf32, #tpu.memory_space<vmem_shared>> -> memref<10112x64xf32, #tpu.memory_space<vmem_shared>>
        tpu.wait_indirect_dma semaphore(%arg17 : memref<!tpu.dma_semaphore, #tpu.memory_space<semaphore_mem>>) src(%dma_wait3A_205 : memref<128x64xf32, #tpu.memory_space<vmem>>) dst(%dma_wait3A_211 : memref<10112x64xf32, #tpu.memory_space<vmem_shared>>)
      } else {
      }
      %gt3A_95 = arith.constant 0 : i32
      %gt3A_96 = arith.cmpi sgt, %scan3A_65, %gt3A_95 : i32
      %add3A_97 = arith.constant 3 : i32
      %add3A_98 = arith.addi %add3A_69, %add3A_97 : i32
      %sub3A = arith.constant 1 : i32
      %sub3A_99 = arith.subi %add3A_98, %sub3A : i32
      %lt3A = arith.constant 81 : i32
      %lt3A_100 = arith.cmpi slt, %sub3A_99, %lt3A : i32
      %and3A = arith.andi %gt3A_96, %lt3A_100 : i1
      %convert_element_type3A_101 = arith.extui %and3A : i1 to i32
      %cond3A_102 = arith.constant 0 : i32
      %cond3A_103 = arith.cmpi ne, %convert_element_type3A_101, %cond3A_102 : i32
      scf.if %cond3A_103 {
        %add3A_200 = arith.constant 3 : i32
        %add3A_201 = arith.addi %add3A_69, %add3A_200 : i32
        %sub3A_202 = arith.constant 1 : i32
        %sub3A_203 = arith.subi %add3A_201, %sub3A_202 : i32
        %dma_start3A_204 = arith.constant 2 : i32
        %dma_start3A_205 = arith.constant 0 : i32
        %dma_start3A_206 = arith.constant 0 : i32
        %dma_start3A_207 = tpu.memref_slice %arg9[%dma_start3A_204, %dma_start3A_205, %dma_start3A_206] : memref<3x128x64xf32, #tpu.memory_space<vmem>> -> memref<1x128x64xf32, #tpu.memory_space<vmem>>
        %dma_start3A_208 = tpu.memref_squeeze %dma_start3A_207 : memref<1x128x64xf32, #tpu.memory_space<vmem>> -> memref<128x64xf32, #tpu.memory_space<vmem>>
        %dma_start3A_209 = arith.constant 0 : i32
        %dma_start3A_210 = tpu.memref_slice %arg7[%sub3A_203, %dma_start3A_209] : memref<81x128xi32, #tpu.memory_space<vmem>> -> memref<1x128xi32, #tpu.memory_space<vmem>>
        %dma_start3A_211 = tpu.memref_squeeze %dma_start3A_210 : memref<1x128xi32, #tpu.memory_space<vmem>> -> memref<128xi32, #tpu.memory_space<vmem>>
        %dma_start3A_212 = arith.constant 0 : i32
        %dma_start3A_213 = arith.constant 0 : i32
        %dma_start3A_214 = tpu.memref_slice %arg10[%dma_start3A_212, %dma_start3A_213] : memref<10112x64xf32, #tpu.memory_space<vmem_shared>> -> memref<10112x64xf32, #tpu.memory_space<vmem_shared>>
        tpu.enqueue_indirect_dma source(%dma_start3A_214 : memref<10112x64xf32, #tpu.memory_space<vmem_shared>>) target(%dma_start3A_208 : memref<128x64xf32, #tpu.memory_space<vmem>>) offsets(%dma_start3A_211 : memref<128xi32, #tpu.memory_space<vmem>>) semaphore(%arg14 : memref<!tpu.dma_semaphore, #tpu.memory_space<semaphore_mem>>)
      } else {
      }
      %mul3A_104 = arith.constant 3 : i32
      %mul3A_105 = arith.muli %scan3A_65, %mul3A_104 : i32
      %add3A_106 = arith.constant 1 : i32
      %add3A_107 = arith.addi %mul3A_105, %add3A_106 : i32
      %dma_wait3A_108 = arith.constant 0 : i32
      %dma_wait3A_109 = arith.constant 1 : i32
      %dma_wait3A_110 = arith.constant 0 : i32
      %dma_wait3A_111 = arith.constant 0 : i32
      %dma_wait3A_112 = tpu.memref_slice %arg9[%dma_wait3A_109, %dma_wait3A_110, %dma_wait3A_111] : memref<3x128x64xf32, #tpu.memory_space<vmem>> -> memref<1x128x64xf32, #tpu.memory_space<vmem>>
      %dma_wait3A_113 = tpu.memref_squeeze %dma_wait3A_112 : memref<1x128x64xf32, #tpu.memory_space<vmem>> -> memref<128x64xf32, #tpu.memory_space<vmem>>
      %dma_wait3A_114 = arith.constant 0 : i32
      %dma_wait3A_115 = tpu.memref_slice %arg7[%dma_wait3A_108, %dma_wait3A_114] : memref<81x128xi32, #tpu.memory_space<vmem>> -> memref<1x128xi32, #tpu.memory_space<vmem>>
      %dma_wait3A_116 = tpu.memref_squeeze %dma_wait3A_115 : memref<1x128xi32, #tpu.memory_space<vmem>> -> memref<128xi32, #tpu.memory_space<vmem>>
      %dma_wait3A_117 = arith.constant 0 : i32
      %dma_wait3A_118 = arith.constant 0 : i32
      %dma_wait3A_119 = tpu.memref_slice %arg10[%dma_wait3A_117, %dma_wait3A_118] : memref<10112x64xf32, #tpu.memory_space<vmem_shared>> -> memref<10112x64xf32, #tpu.memory_space<vmem_shared>>
      tpu.wait_indirect_dma semaphore(%arg13 : memref<!tpu.dma_semaphore, #tpu.memory_space<semaphore_mem>>) src(%dma_wait3A_119 : memref<10112x64xf32, #tpu.memory_space<vmem_shared>>) dst(%dma_wait3A_113 : memref<128x64xf32, #tpu.memory_space<vmem>>)
      %dma_start3A_120 = arith.constant 1 : i32
      %dma_start3A_121 = arith.constant 0 : i32
      %dma_start3A_122 = arith.constant 0 : i32
      %dma_start3A_123 = tpu.memref_slice %arg9[%dma_start3A_120, %dma_start3A_121, %dma_start3A_122] : memref<3x128x64xf32, #tpu.memory_space<vmem>> -> memref<1x128x64xf32, #tpu.memory_space<vmem>>
      %dma_start3A_124 = tpu.memref_squeeze %dma_start3A_123 : memref<1x128x64xf32, #tpu.memory_space<vmem>> -> memref<128x64xf32, #tpu.memory_space<vmem>>
      %dma_start3A_125 = arith.constant 0 : i32
      %dma_start3A_126 = tpu.memref_slice %arg8[%add3A_107, %dma_start3A_125] : memref<81x128xi32, #tpu.memory_space<vmem>> -> memref<1x128xi32, #tpu.memory_space<vmem>>
      %dma_start3A_127 = tpu.memref_squeeze %dma_start3A_126 : memref<1x128xi32, #tpu.memory_space<vmem>> -> memref<128xi32, #tpu.memory_space<vmem>>
      %dma_start3A_128 = arith.constant 0 : i32
      %dma_start3A_129 = arith.constant 0 : i32
      %dma_start3A_130 = tpu.memref_slice %arg11[%dma_start3A_128, %dma_start3A_129] : memref<10112x64xf32, #tpu.memory_space<vmem_shared>> -> memref<10112x64xf32, #tpu.memory_space<vmem_shared>>
      tpu.enqueue_indirect_dma source(%dma_start3A_124 : memref<128x64xf32, #tpu.memory_space<vmem>>) target(%dma_start3A_130 : memref<10112x64xf32, #tpu.memory_space<vmem_shared>>) offsets(%dma_start3A_127 : memref<128xi32, #tpu.memory_space<vmem>>) semaphore(%arg16 : memref<!tpu.dma_semaphore, #tpu.memory_space<semaphore_mem>>) {add = true}
      %dma_wait3A_131 = arith.constant 0 : i32
      %dma_wait3A_132 = arith.constant 0 : i32
      %dma_wait3A_133 = arith.constant 0 : i32
      %dma_wait3A_134 = arith.constant 0 : i32
      %dma_wait3A_135 = tpu.memref_slice %arg9[%dma_wait3A_131, %dma_wait3A_133, %dma_wait3A_134] : memref<3x128x64xf32, #tpu.memory_space<vmem>> -> memref<1x128x64xf32, #tpu.memory_space<vmem>>
      %dma_wait3A_136 = tpu.memref_squeeze %dma_wait3A_135 : memref<1x128x64xf32, #tpu.memory_space<vmem>> -> memref<128x64xf32, #tpu.memory_space<vmem>>
      %dma_wait3A_137 = arith.constant 0 : i32
      %dma_wait3A_138 = tpu.memref_slice %arg8[%dma_wait3A_132, %dma_wait3A_137] : memref<81x128xi32, #tpu.memory_space<vmem>> -> memref<1x128xi32, #tpu.memory_space<vmem>>
      %dma_wait3A_139 = tpu.memref_squeeze %dma_wait3A_138 : memref<1x128xi32, #tpu.memory_space<vmem>> -> memref<128xi32, #tpu.memory_space<vmem>>
      %dma_wait3A_140 = arith.constant 0 : i32
      %dma_wait3A_141 = arith.constant 0 : i32
      %dma_wait3A_142 = tpu.memref_slice %arg11[%dma_wait3A_140, %dma_wait3A_141] : memref<10112x64xf32, #tpu.memory_space<vmem_shared>> -> memref<10112x64xf32, #tpu.memory_space<vmem_shared>>
      tpu.wait_indirect_dma semaphore(%arg15 : memref<!tpu.dma_semaphore, #tpu.memory_space<semaphore_mem>>) src(%dma_wait3A_136 : memref<128x64xf32, #tpu.memory_space<vmem>>) dst(%dma_wait3A_142 : memref<10112x64xf32, #tpu.memory_space<vmem_shared>>)
      %add3A_143 = arith.constant 3 : i32
      %add3A_144 = arith.addi %add3A_107, %add3A_143 : i32
      %sub3A_145 = arith.constant 1 : i32
      %sub3A_146 = arith.subi %add3A_144, %sub3A_145 : i32
      %lt3A_147 = arith.constant 81 : i32
      %lt3A_148 = arith.cmpi slt, %sub3A_146, %lt3A_147 : i32
      %convert_element_type3A_149 = arith.extui %lt3A_148 : i1 to i32
      %cond3A_150 = arith.constant 0 : i32
      %cond3A_151 = arith.cmpi ne, %convert_element_type3A_149, %cond3A_150 : i32
      scf.if %cond3A_151 {
        %add3A_200 = arith.constant 3 : i32
        %add3A_201 = arith.addi %add3A_107, %add3A_200 : i32
        %sub3A_202 = arith.constant 1 : i32
        %sub3A_203 = arith.subi %add3A_201, %sub3A_202 : i32
        %dma_start3A_204 = arith.constant 0 : i32
        %dma_start3A_205 = arith.constant 0 : i32
        %dma_start3A_206 = arith.constant 0 : i32
        %dma_start3A_207 = tpu.memref_slice %arg9[%dma_start3A_204, %dma_start3A_205, %dma_start3A_206] : memref<3x128x64xf32, #tpu.memory_space<vmem>> -> memref<1x128x64xf32, #tpu.memory_space<vmem>>
        %dma_start3A_208 = tpu.memref_squeeze %dma_start3A_207 : memref<1x128x64xf32, #tpu.memory_space<vmem>> -> memref<128x64xf32, #tpu.memory_space<vmem>>
        %dma_start3A_209 = arith.constant 0 : i32
        %dma_start3A_210 = tpu.memref_slice %arg7[%sub3A_203, %dma_start3A_209] : memref<81x128xi32, #tpu.memory_space<vmem>> -> memref<1x128xi32, #tpu.memory_space<vmem>>
        %dma_start3A_211 = tpu.memref_squeeze %dma_start3A_210 : memref<1x128xi32, #tpu.memory_space<vmem>> -> memref<128xi32, #tpu.memory_space<vmem>>
        %dma_start3A_212 = arith.constant 0 : i32
        %dma_start3A_213 = arith.constant 0 : i32
        %dma_start3A_214 = tpu.memref_slice %arg10[%dma_start3A_212, %dma_start3A_213] : memref<10112x64xf32, #tpu.memory_space<vmem_shared>> -> memref<10112x64xf32, #tpu.memory_space<vmem_shared>>
        tpu.enqueue_indirect_dma source(%dma_start3A_214 : memref<10112x64xf32, #tpu.memory_space<vmem_shared>>) target(%dma_start3A_208 : memref<128x64xf32, #tpu.memory_space<vmem>>) offsets(%dma_start3A_211 : memref<128xi32, #tpu.memory_space<vmem>>) semaphore(%arg12 : memref<!tpu.dma_semaphore, #tpu.memory_space<semaphore_mem>>)
      } else {
      }
      %mul3A_152 = arith.constant 3 : i32
      %mul3A_153 = arith.muli %scan3A_65, %mul3A_152 : i32
      %add3A_154 = arith.constant 2 : i32
      %add3A_155 = arith.addi %mul3A_153, %add3A_154 : i32
      %dma_wait3A_156 = arith.constant 0 : i32
      %dma_wait3A_157 = arith.constant 2 : i32
      %dma_wait3A_158 = arith.constant 0 : i32
      %dma_wait3A_159 = arith.constant 0 : i32
      %dma_wait3A_160 = tpu.memref_slice %arg9[%dma_wait3A_157, %dma_wait3A_158, %dma_wait3A_159] : memref<3x128x64xf32, #tpu.memory_space<vmem>> -> memref<1x128x64xf32, #tpu.memory_space<vmem>>
      %dma_wait3A_161 = tpu.memref_squeeze %dma_wait3A_160 : memref<1x128x64xf32, #tpu.memory_space<vmem>> -> memref<128x64xf32, #tpu.memory_space<vmem>>
      %dma_wait3A_162 = arith.constant 0 : i32
      %dma_wait3A_163 = tpu.memref_slice %arg7[%dma_wait3A_156, %dma_wait3A_162] : memref<81x128xi32, #tpu.memory_space<vmem>> -> memref<1x128xi32, #tpu.memory_space<vmem>>
      %dma_wait3A_164 = tpu.memref_squeeze %dma_wait3A_163 : memref<1x128xi32, #tpu.memory_space<vmem>> -> memref<128xi32, #tpu.memory_space<vmem>>
      %dma_wait3A_165 = arith.constant 0 : i32
      %dma_wait3A_166 = arith.constant 0 : i32
      %dma_wait3A_167 = tpu.memref_slice %arg10[%dma_wait3A_165, %dma_wait3A_166] : memref<10112x64xf32, #tpu.memory_space<vmem_shared>> -> memref<10112x64xf32, #tpu.memory_space<vmem_shared>>
      tpu.wait_indirect_dma semaphore(%arg14 : memref<!tpu.dma_semaphore, #tpu.memory_space<semaphore_mem>>) src(%dma_wait3A_167 : memref<10112x64xf32, #tpu.memory_space<vmem_shared>>) dst(%dma_wait3A_161 : memref<128x64xf32, #tpu.memory_space<vmem>>)
      %dma_start3A_168 = arith.constant 2 : i32
      %dma_start3A_169 = arith.constant 0 : i32
      %dma_start3A_170 = arith.constant 0 : i32
      %dma_start3A_171 = tpu.memref_slice %arg9[%dma_start3A_168, %dma_start3A_169, %dma_start3A_170] : memref<3x128x64xf32, #tpu.memory_space<vmem>> -> memref<1x128x64xf32, #tpu.memory_space<vmem>>
      %dma_start3A_172 = tpu.memref_squeeze %dma_start3A_171 : memref<1x128x64xf32, #tpu.memory_space<vmem>> -> memref<128x64xf32, #tpu.memory_space<vmem>>
      %dma_start3A_173 = arith.constant 0 : i32
      %dma_start3A_174 = tpu.memref_slice %arg8[%add3A_155, %dma_start3A_173] : memref<81x128xi32, #tpu.memory_space<vmem>> -> memref<1x128xi32, #tpu.memory_space<vmem>>
      %dma_start3A_175 = tpu.memref_squeeze %dma_start3A_174 : memref<1x128xi32, #tpu.memory_space<vmem>> -> memref<128xi32, #tpu.memory_space<vmem>>
      %dma_start3A_176 = arith.constant 0 : i32
      %dma_start3A_177 = arith.constant 0 : i32
      %dma_start3A_178 = tpu.memref_slice %arg11[%dma_start3A_176, %dma_start3A_177] : memref<10112x64xf32, #tpu.memory_space<vmem_shared>> -> memref<10112x64xf32, #tpu.memory_space<vmem_shared>>
      tpu.enqueue_indirect_dma source(%dma_start3A_172 : memref<128x64xf32, #tpu.memory_space<vmem>>) target(%dma_start3A_178 : memref<10112x64xf32, #tpu.memory_space<vmem_shared>>) offsets(%dma_start3A_175 : memref<128xi32, #tpu.memory_space<vmem>>) semaphore(%arg17 : memref<!tpu.dma_semaphore, #tpu.memory_space<semaphore_mem>>) {add = true}
      %dma_wait3A_179 = arith.constant 1 : i32
      %dma_wait3A_180 = arith.constant 0 : i32
      %dma_wait3A_181 = arith.constant 0 : i32
      %dma_wait3A_182 = arith.constant 0 : i32
      %dma_wait3A_183 = tpu.memref_slice %arg9[%dma_wait3A_179, %dma_wait3A_181, %dma_wait3A_182] : memref<3x128x64xf32, #tpu.memory_space<vmem>> -> memref<1x128x64xf32, #tpu.memory_space<vmem>>
      %dma_wait3A_184 = tpu.memref_squeeze %dma_wait3A_183 : memref<1x128x64xf32, #tpu.memory_space<vmem>> -> memref<128x64xf32, #tpu.memory_space<vmem>>
      %dma_wait3A_185 = arith.constant 0 : i32
      %dma_wait3A_186 = tpu.memref_slice %arg8[%dma_wait3A_180, %dma_wait3A_185] : memref<81x128xi32, #tpu.memory_space<vmem>> -> memref<1x128xi32, #tpu.memory_space<vmem>>
      %dma_wait3A_187 = tpu.memref_squeeze %dma_wait3A_186 : memref<1x128xi32, #tpu.memory_space<vmem>> -> memref<128xi32, #tpu.memory_space<vmem>>
      %dma_wait3A_188 = arith.constant 0 : i32
      %dma_wait3A_189 = arith.constant 0 : i32
      %dma_wait3A_190 = tpu.memref_slice %arg11[%dma_wait3A_188, %dma_wait3A_189] : memref<10112x64xf32, #tpu.memory_space<vmem_shared>> -> memref<10112x64xf32, #tpu.memory_space<vmem_shared>>
      tpu.wait_indirect_dma semaphore(%arg16 : memref<!tpu.dma_semaphore, #tpu.memory_space<semaphore_mem>>) src(%dma_wait3A_184 : memref<128x64xf32, #tpu.memory_space<vmem>>) dst(%dma_wait3A_190 : memref<10112x64xf32, #tpu.memory_space<vmem_shared>>)
      %add3A_191 = arith.constant 3 : i32
      %add3A_192 = arith.addi %add3A_155, %add3A_191 : i32
      %sub3A_193 = arith.constant 1 : i32
      %sub3A_194 = arith.subi %add3A_192, %sub3A_193 : i32
      %lt3A_195 = arith.constant 81 : i32
      %lt3A_196 = arith.cmpi slt, %sub3A_194, %lt3A_195 : i32
      %convert_element_type3A_197 = arith.extui %lt3A_196 : i1 to i32
      %cond3A_198 = arith.constant 0 : i32
      %cond3A_199 = arith.cmpi ne, %convert_element_type3A_197, %cond3A_198 : i32
      scf.if %cond3A_199 {
        %add3A_200 = arith.constant 3 : i32
        %add3A_201 = arith.addi %add3A_155, %add3A_200 : i32
        %sub3A_202 = arith.constant 1 : i32
        %sub3A_203 = arith.subi %add3A_201, %sub3A_202 : i32
        %dma_start3A_204 = arith.constant 1 : i32
        %dma_start3A_205 = arith.constant 0 : i32
        %dma_start3A_206 = arith.constant 0 : i32
        %dma_start3A_207 = tpu.memref_slice %arg9[%dma_start3A_204, %dma_start3A_205, %dma_start3A_206] : memref<3x128x64xf32, #tpu.memory_space<vmem>> -> memref<1x128x64xf32, #tpu.memory_space<vmem>>
        %dma_start3A_208 = tpu.memref_squeeze %dma_start3A_207 : memref<1x128x64xf32, #tpu.memory_space<vmem>> -> memref<128x64xf32, #tpu.memory_space<vmem>>
        %dma_start3A_209 = arith.constant 0 : i32
        %dma_start3A_210 = tpu.memref_slice %arg7[%sub3A_203, %dma_start3A_209] : memref<81x128xi32, #tpu.memory_space<vmem>> -> memref<1x128xi32, #tpu.memory_space<vmem>>
        %dma_start3A_211 = tpu.memref_squeeze %dma_start3A_210 : memref<1x128xi32, #tpu.memory_space<vmem>> -> memref<128xi32, #tpu.memory_space<vmem>>
        %dma_start3A_212 = arith.constant 0 : i32
        %dma_start3A_213 = arith.constant 0 : i32
        %dma_start3A_214 = tpu.memref_slice %arg10[%dma_start3A_212, %dma_start3A_213] : memref<10112x64xf32, #tpu.memory_space<vmem_shared>> -> memref<10112x64xf32, #tpu.memory_space<vmem_shared>>
        tpu.enqueue_indirect_dma source(%dma_start3A_214 : memref<10112x64xf32, #tpu.memory_space<vmem_shared>>) target(%dma_start3A_208 : memref<128x64xf32, #tpu.memory_space<vmem>>) offsets(%dma_start3A_211 : memref<128xi32, #tpu.memory_space<vmem>>) semaphore(%arg13 : memref<!tpu.dma_semaphore, #tpu.memory_space<semaphore_mem>>)
      } else {
      }
    }
    %scan3A_48 = arith.constant 27 : i32
    %dma_wait3A = arith.constant 2 : i32
    %dma_wait3A_49 = arith.constant 0 : i32
    %dma_wait3A_50 = arith.constant 0 : i32
    %dma_wait3A_51 = arith.constant 0 : i32
    %dma_wait3A_52 = tpu.memref_slice %arg9[%dma_wait3A, %dma_wait3A_50, %dma_wait3A_51] : memref<3x128x64xf32, #tpu.memory_space<vmem>> -> memref<1x128x64xf32, #tpu.memory_space<vmem>>
    %dma_wait3A_53 = tpu.memref_squeeze %dma_wait3A_52 : memref<1x128x64xf32, #tpu.memory_space<vmem>> -> memref<128x64xf32, #tpu.memory_space<vmem>>
    %dma_wait3A_54 = arith.constant 0 : i32
    %dma_wait3A_55 = tpu.memref_slice %arg8[%dma_wait3A_49, %dma_wait3A_54] : memref<81x128xi32, #tpu.memory_space<vmem>> -> memref<1x128xi32, #tpu.memory_space<vmem>>
    %dma_wait3A_56 = tpu.memref_squeeze %dma_wait3A_55 : memref<1x128xi32, #tpu.memory_space<vmem>> -> memref<128xi32, #tpu.memory_space<vmem>>
    %dma_wait3A_57 = arith.constant 0 : i32
    %dma_wait3A_58 = arith.constant 0 : i32
    %dma_wait3A_59 = tpu.memref_slice %arg11[%dma_wait3A_57, %dma_wait3A_58] : memref<10112x64xf32, #tpu.memory_space<vmem_shared>> -> memref<10112x64xf32, #tpu.memory_space<vmem_shared>>
    tpu.wait_indirect_dma semaphore(%arg17 : memref<!tpu.dma_semaphore, #tpu.memory_space<semaphore_mem>>) src(%dma_wait3A_53 : memref<128x64xf32, #tpu.memory_space<vmem>>) dst(%dma_wait3A_59 : memref<10112x64xf32, #tpu.memory_space<vmem_shared>>)
    %barrier3A_60 = arith.constant 0 : index
    tpu.barrier barrier_id(%barrier3A_60)
    %mul3A_61 = arith.constant 632 : i32
    %mul3A_62 = arith.muli %arg1, %mul3A_61 : i32
    %mul3A_63 = arith.constant 632 : i32
    %mul3A_64 = arith.muli %arg1, %mul3A_63 : i32
    "tpu.region"() ({
      %run_scoped3A = tpu.sem_alloc : memref<!tpu.dma_semaphore, #tpu.memory_space<semaphore_mem>>
      %dma_start3A_65 = arith.constant 0 : i32
      %dma_start3A_66 = tpu.memref_slice %arg6[%arg0, %mul3A_64, %dma_start3A_65] : memref<2x10112x64xf32, #tpu.memory_space<hbm>> -> memref<1x632x64xf32, #tpu.memory_space<hbm>>
      %dma_start3A_67 = tpu.memref_squeeze %dma_start3A_66 : memref<1x632x64xf32, #tpu.memory_space<hbm>> -> memref<632x64xf32, #tpu.memory_space<hbm>>
      %dma_start3A_68 = arith.constant 0 : i32
      %dma_start3A_69 = tpu.memref_slice %arg11[%mul3A_62, %dma_start3A_68] : memref<10112x64xf32, #tpu.memory_space<vmem_shared>> -> memref<632x64xf32, #tpu.memory_space<vmem_shared>>
      tpu.enqueue_dma source(%dma_start3A_69 : memref<632x64xf32, #tpu.memory_space<vmem_shared>>) target(%dma_start3A_67 : memref<632x64xf32, #tpu.memory_space<hbm>>) target_semaphore(%run_scoped3A : memref<!tpu.dma_semaphore, #tpu.memory_space<semaphore_mem>>)
      %dma_wait3A_70 = arith.constant 0 : i32
      %dma_wait3A_71 = tpu.memref_slice %arg6[%arg0, %mul3A_64, %dma_wait3A_70] : memref<2x10112x64xf32, #tpu.memory_space<hbm>> -> memref<1x632x64xf32, #tpu.memory_space<hbm>>
      %dma_wait3A_72 = tpu.memref_squeeze %dma_wait3A_71 : memref<1x632x64xf32, #tpu.memory_space<hbm>> -> memref<632x64xf32, #tpu.memory_space<hbm>>
      %dma_wait3A_73 = arith.constant 0 : i32
      %dma_wait3A_74 = tpu.memref_slice %arg11[%mul3A_62, %dma_wait3A_73] : memref<10112x64xf32, #tpu.memory_space<vmem_shared>> -> memref<632x64xf32, #tpu.memory_space<vmem_shared>>
      tpu.wait_dma2 semaphore(%run_scoped3A : memref<!tpu.dma_semaphore, #tpu.memory_space<semaphore_mem>>) src(%dma_wait3A_74 : memref<632x64xf32, #tpu.memory_space<vmem_shared>>) dst(%dma_wait3A_72 : memref<632x64xf32, #tpu.memory_space<hbm>>)
      tpu.yield
    }) : () -> ()
    return
  }
}

#map = affine_map<(d0, d1) -> (0, 0)>
#map1 = affine_map<(d0, d1) -> (0, 0, 0)>
module attributes {stable_mosaic.version = 14 : i64} {
  func.func @_hop(%arg0: i32, %arg1: i32, %arg2: memref<10112x64xf32, #tpu.memory_space<hbm>>, %arg3: memref<32x81x128xi32, #tpu.memory_space<hbm>>, %arg4: memref<32x81x128xi32, #tpu.memory_space<hbm>>, %arg5: memref<10112x64xf32, #tpu.memory_space<hbm>>, %arg6: memref<2x10112x64xf32, #tpu.memory_space<hbm>>, %arg7: memref<81x128xi32, #tpu.memory_space<vmem>>, %arg8: memref<81x128xi32, #tpu.memory_space<vmem>>, %arg9: memref<3x128x64xf32, #tpu.memory_space<vmem>>, %arg10: memref<10112x64xf32, #tpu.memory_space<vmem_shared>>, %arg11: memref<10112x64xf32, #tpu.memory_space<vmem_shared>>, %arg12: memref<!tpu.dma_semaphore, #tpu.memory_space<semaphore_mem>>, %arg13: memref<!tpu.dma_semaphore, #tpu.memory_space<semaphore_mem>>, %arg14: memref<!tpu.dma_semaphore, #tpu.memory_space<semaphore_mem>>, %arg15: memref<!tpu.dma_semaphore, #tpu.memory_space<semaphore_mem>>, %arg16: memref<!tpu.dma_semaphore, #tpu.memory_space<semaphore_mem>>, %arg17: memref<!tpu.dma_semaphore, #tpu.memory_space<semaphore_mem>>) attributes {dimension_semantics = [#tpu.dimension_semantics<core_parallel>, #tpu.dimension_semantics<subcore_parallel>], iteration_bounds = array<i64: 2, 16>, scalar_prefetch = 0 : i64, scratch_operands = 11 : i64, tpu.core_type = #tpu.core_type<sc_vector_subcore>, window_params = [{transform_indices = #map}, {transform_indices = #map1}, {transform_indices = #map1}, {transform_indices = #map}, {transform_indices = #map1}]} {
    %mul3A = arith.constant 2 : i32
    %mul3A_0 = arith.muli %arg1, %mul3A : i32
    %add3A = arith.addi %mul3A_0, %arg0 : i32
    %mul3A_1 = arith.constant 632 : i32
    %mul3A_2 = arith.muli %arg1, %mul3A_1 : i32
    %mul3A_3 = arith.constant 632 : i32
    %mul3A_4 = arith.muli %arg1, %mul3A_3 : i32
    "tpu.region"() ({
      %run_scoped3A = tpu.sem_alloc : memref<!tpu.dma_semaphore, #tpu.memory_space<semaphore_mem>>
      %dma_start3A_65 = arith.constant 0 : i32
      %dma_start3A_66 = tpu.memref_slice %arg11[%mul3A_4, %dma_start3A_65] : memref<10112x64xf32, #tpu.memory_space<vmem_shared>> -> memref<632x64xf32, #tpu.memory_space<vmem_shared>>
      %dma_start3A_67 = arith.constant 0 : i32
      %dma_start3A_68 = tpu.memref_slice %arg5[%mul3A_2, %dma_start3A_67] : memref<10112x64xf32, #tpu.memory_space<hbm>> -> memref<632x64xf32, #tpu.memory_space<hbm>>
      tpu.enqueue_dma source(%dma_start3A_68 : memref<632x64xf32, #tpu.memory_space<hbm>>) target(%dma_start3A_66 : memref<632x64xf32, #tpu.memory_space<vmem_shared>>) target_semaphore(%run_scoped3A : memref<!tpu.dma_semaphore, #tpu.memory_space<semaphore_mem>>)
      %dma_wait3A_69 = arith.constant 0 : i32
      %dma_wait3A_70 = tpu.memref_slice %arg11[%mul3A_4, %dma_wait3A_69] : memref<10112x64xf32, #tpu.memory_space<vmem_shared>> -> memref<632x64xf32, #tpu.memory_space<vmem_shared>>
      %dma_wait3A_71 = arith.constant 0 : i32
      %dma_wait3A_72 = tpu.memref_slice %arg5[%mul3A_2, %dma_wait3A_71] : memref<10112x64xf32, #tpu.memory_space<hbm>> -> memref<632x64xf32, #tpu.memory_space<hbm>>
      tpu.wait_dma2 semaphore(%run_scoped3A : memref<!tpu.dma_semaphore, #tpu.memory_space<semaphore_mem>>) src(%dma_wait3A_72 : memref<632x64xf32, #tpu.memory_space<hbm>>) dst(%dma_wait3A_70 : memref<632x64xf32, #tpu.memory_space<vmem_shared>>)
      tpu.yield
    }) : () -> ()
    %mul3A_5 = arith.constant 632 : i32
    %mul3A_6 = arith.muli %arg1, %mul3A_5 : i32
    %mul3A_7 = arith.constant 632 : i32
    %mul3A_8 = arith.muli %arg1, %mul3A_7 : i32
    "tpu.region"() ({
      %run_scoped3A = tpu.sem_alloc : memref<!tpu.dma_semaphore, #tpu.memory_space<semaphore_mem>>
      %dma_start3A_65 = arith.constant 0 : i32
      %dma_start3A_66 = tpu.memref_slice %arg10[%mul3A_8, %dma_start3A_65] : memref<10112x64xf32, #tpu.memory_space<vmem_shared>> -> memref<632x64xf32, #tpu.memory_space<vmem_shared>>
      %dma_start3A_67 = arith.constant 0 : i32
      %dma_start3A_68 = tpu.memref_slice %arg2[%mul3A_6, %dma_start3A_67] : memref<10112x64xf32, #tpu.memory_space<hbm>> -> memref<632x64xf32, #tpu.memory_space<hbm>>
      tpu.enqueue_dma source(%dma_start3A_68 : memref<632x64xf32, #tpu.memory_space<hbm>>) target(%dma_start3A_66 : memref<632x64xf32, #tpu.memory_space<vmem_shared>>) target_semaphore(%run_scoped3A : memref<!tpu.dma_semaphore, #tpu.memory_space<semaphore_mem>>)
      %dma_wait3A_69 = arith.constant 0 : i32
      %dma_wait3A_70 = tpu.memref_slice %arg10[%mul3A_8, %dma_wait3A_69] : memref<10112x64xf32, #tpu.memory_space<vmem_shared>> -> memref<632x64xf32, #tpu.memory_space<vmem_shared>>
      %dma_wait3A_71 = arith.constant 0 : i32
      %dma_wait3A_72 = tpu.memref_slice %arg2[%mul3A_6, %dma_wait3A_71] : memref<10112x64xf32, #tpu.memory_space<hbm>> -> memref<632x64xf32, #tpu.memory_space<hbm>>
      tpu.wait_dma2 semaphore(%run_scoped3A : memref<!tpu.dma_semaphore, #tpu.memory_space<semaphore_mem>>) src(%dma_wait3A_72 : memref<632x64xf32, #tpu.memory_space<hbm>>) dst(%dma_wait3A_70 : memref<632x64xf32, #tpu.memory_space<vmem_shared>>)
      tpu.yield
    }) : () -> ()
    "tpu.region"() ({
      %run_scoped3A = tpu.sem_alloc : memref<!tpu.dma_semaphore, #tpu.memory_space<semaphore_mem>>
      %dma_start3A_65 = arith.constant 0 : i32
      %dma_start3A_66 = arith.constant 0 : i32
      %dma_start3A_67 = tpu.memref_slice %arg3[%add3A, %dma_start3A_65, %dma_start3A_66] : memref<32x81x128xi32, #tpu.memory_space<hbm>> -> memref<1x81x128xi32, #tpu.memory_space<hbm>>
      %dma_start3A_68 = tpu.memref_squeeze %dma_start3A_67 : memref<1x81x128xi32, #tpu.memory_space<hbm>> -> memref<81x128xi32, #tpu.memory_space<hbm>>
      %dma_start3A_69 = arith.constant 0 : i32
      %dma_start3A_70 = arith.constant 0 : i32
      %dma_start3A_71 = tpu.memref_slice %arg3[%add3A, %dma_start3A_69, %dma_start3A_70] : memref<32x81x128xi32, #tpu.memory_space<hbm>> -> memref<1x81x128xi32, #tpu.memory_space<hbm>>
      %dma_start3A_72 = tpu.memref_squeeze %dma_start3A_71 : memref<1x81x128xi32, #tpu.memory_space<hbm>> -> memref<81x128xi32, #tpu.memory_space<hbm>>
      tpu.enqueue_dma source(%dma_start3A_72 : memref<81x128xi32, #tpu.memory_space<hbm>>) target(%arg7 : memref<81x128xi32, #tpu.memory_space<vmem>>) target_semaphore(%run_scoped3A : memref<!tpu.dma_semaphore, #tpu.memory_space<semaphore_mem>>)
      %dma_wait3A_73 = arith.constant 0 : i32
      %dma_wait3A_74 = arith.constant 0 : i32
      %dma_wait3A_75 = tpu.memref_slice %arg3[%add3A, %dma_wait3A_73, %dma_wait3A_74] : memref<32x81x128xi32, #tpu.memory_space<hbm>> -> memref<1x81x128xi32, #tpu.memory_space<hbm>>
      %dma_wait3A_76 = tpu.memref_squeeze %dma_wait3A_75 : memref<1x81x128xi32, #tpu.memory_space<hbm>> -> memref<81x128xi32, #tpu.memory_space<hbm>>
      %dma_wait3A_77 = arith.constant 0 : i32
      %dma_wait3A_78 = arith.constant 0 : i32
      %dma_wait3A_79 = tpu.memref_slice %arg3[%add3A, %dma_wait3A_77, %dma_wait3A_78] : memref<32x81x128xi32, #tpu.memory_space<hbm>> -> memref<1x81x128xi32, #tpu.memory_space<hbm>>
      %dma_wait3A_80 = tpu.memref_squeeze %dma_wait3A_79 : memref<1x81x128xi32, #tpu.memory_space<hbm>> -> memref<81x128xi32, #tpu.memory_space<hbm>>
      tpu.wait_dma2 semaphore(%run_scoped3A : memref<!tpu.dma_semaphore, #tpu.memory_space<semaphore_mem>>) src(%dma_wait3A_80 : memref<81x128xi32, #tpu.memory_space<hbm>>) dst(%arg7 : memref<81x128xi32, #tpu.memory_space<vmem>>)
      tpu.yield
    }) : () -> ()
    "tpu.region"() ({
      %run_scoped3A = tpu.sem_alloc : memref<!tpu.dma_semaphore, #tpu.memory_space<semaphore_mem>>
      %dma_start3A_65 = arith.constant 0 : i32
      %dma_start3A_66 = arith.constant 0 : i32
      %dma_start3A_67 = tpu.memref_slice %arg4[%add3A, %dma_start3A_65, %dma_start3A_66] : memref<32x81x128xi32, #tpu.memory_space<hbm>> -> memref<1x81x128xi32, #tpu.memory_space<hbm>>
      %dma_start3A_68 = tpu.memref_squeeze %dma_start3A_67 : memref<1x81x128xi32, #tpu.memory_space<hbm>> -> memref<81x128xi32, #tpu.memory_space<hbm>>
      %dma_start3A_69 = arith.constant 0 : i32
      %dma_start3A_70 = arith.constant 0 : i32
      %dma_start3A_71 = tpu.memref_slice %arg4[%add3A, %dma_start3A_69, %dma_start3A_70] : memref<32x81x128xi32, #tpu.memory_space<hbm>> -> memref<1x81x128xi32, #tpu.memory_space<hbm>>
      %dma_start3A_72 = tpu.memref_squeeze %dma_start3A_71 : memref<1x81x128xi32, #tpu.memory_space<hbm>> -> memref<81x128xi32, #tpu.memory_space<hbm>>
      tpu.enqueue_dma source(%dma_start3A_72 : memref<81x128xi32, #tpu.memory_space<hbm>>) target(%arg8 : memref<81x128xi32, #tpu.memory_space<vmem>>) target_semaphore(%run_scoped3A : memref<!tpu.dma_semaphore, #tpu.memory_space<semaphore_mem>>)
      %dma_wait3A_73 = arith.constant 0 : i32
      %dma_wait3A_74 = arith.constant 0 : i32
      %dma_wait3A_75 = tpu.memref_slice %arg4[%add3A, %dma_wait3A_73, %dma_wait3A_74] : memref<32x81x128xi32, #tpu.memory_space<hbm>> -> memref<1x81x128xi32, #tpu.memory_space<hbm>>
      %dma_wait3A_76 = tpu.memref_squeeze %dma_wait3A_75 : memref<1x81x128xi32, #tpu.memory_space<hbm>> -> memref<81x128xi32, #tpu.memory_space<hbm>>
      %dma_wait3A_77 = arith.constant 0 : i32
      %dma_wait3A_78 = arith.constant 0 : i32
      %dma_wait3A_79 = tpu.memref_slice %arg4[%add3A, %dma_wait3A_77, %dma_wait3A_78] : memref<32x81x128xi32, #tpu.memory_space<hbm>> -> memref<1x81x128xi32, #tpu.memory_space<hbm>>
      %dma_wait3A_80 = tpu.memref_squeeze %dma_wait3A_79 : memref<1x81x128xi32, #tpu.memory_space<hbm>> -> memref<81x128xi32, #tpu.memory_space<hbm>>
      tpu.wait_dma2 semaphore(%run_scoped3A : memref<!tpu.dma_semaphore, #tpu.memory_space<semaphore_mem>>) src(%dma_wait3A_80 : memref<81x128xi32, #tpu.memory_space<hbm>>) dst(%arg8 : memref<81x128xi32, #tpu.memory_space<vmem>>)
      tpu.yield
    }) : () -> ()
    %barrier3A = arith.constant 0 : index
    tpu.barrier barrier_id(%barrier3A)
    %dma_start3A = arith.constant 0 : i32
    %dma_start3A_9 = arith.constant 0 : i32
    %dma_start3A_10 = arith.constant 0 : i32
    %dma_start3A_11 = arith.constant 0 : i32
    %dma_start3A_12 = tpu.memref_slice %arg9[%dma_start3A_9, %dma_start3A_10, %dma_start3A_11] : memref<3x128x64xf32, #tpu.memory_space<vmem>> -> memref<1x128x64xf32, #tpu.memory_space<vmem>>
    %dma_start3A_13 = tpu.memref_squeeze %dma_start3A_12 : memref<1x128x64xf32, #tpu.memory_space<vmem>> -> memref<128x64xf32, #tpu.memory_space<vmem>>
    %dma_start3A_14 = arith.constant 0 : i32
    %dma_start3A_15 = tpu.memref_slice %arg7[%dma_start3A, %dma_start3A_14] : memref<81x128xi32, #tpu.memory_space<vmem>> -> memref<1x128xi32, #tpu.memory_space<vmem>>
    %dma_start3A_16 = tpu.memref_squeeze %dma_start3A_15 : memref<1x128xi32, #tpu.memory_space<vmem>> -> memref<128xi32, #tpu.memory_space<vmem>>
    %dma_start3A_17 = arith.constant 0 : i32
    %dma_start3A_18 = arith.constant 0 : i32
    %dma_start3A_19 = tpu.memref_slice %arg10[%dma_start3A_17, %dma_start3A_18] : memref<10112x64xf32, #tpu.memory_space<vmem_shared>> -> memref<10112x64xf32, #tpu.memory_space<vmem_shared>>
    tpu.enqueue_indirect_dma source(%dma_start3A_19 : memref<10112x64xf32, #tpu.memory_space<vmem_shared>>) target(%dma_start3A_13 : memref<128x64xf32, #tpu.memory_space<vmem>>) offsets(%dma_start3A_16 : memref<128xi32, #tpu.memory_space<vmem>>) semaphore(%arg12 : memref<!tpu.dma_semaphore, #tpu.memory_space<semaphore_mem>>)
    %dma_start3A_20 = arith.constant 1 : i32
    %dma_start3A_21 = arith.constant 1 : i32
    %dma_start3A_22 = arith.constant 0 : i32
    %dma_start3A_23 = arith.constant 0 : i32
    %dma_start3A_24 = tpu.memref_slice %arg9[%dma_start3A_21, %dma_start3A_22, %dma_start3A_23] : memref<3x128x64xf32, #tpu.memory_space<vmem>> -> memref<1x128x64xf32, #tpu.memory_space<vmem>>
    %dma_start3A_25 = tpu.memref_squeeze %dma_start3A_24 : memref<1x128x64xf32, #tpu.memory_space<vmem>> -> memref<128x64xf32, #tpu.memory_space<vmem>>
    %dma_start3A_26 = arith.constant 0 : i32
    %dma_start3A_27 = tpu.memref_slice %arg7[%dma_start3A_20, %dma_start3A_26] : memref<81x128xi32, #tpu.memory_space<vmem>> -> memref<1x128xi32, #tpu.memory_space<vmem>>
    %dma_start3A_28 = tpu.memref_squeeze %dma_start3A_27 : memref<1x128xi32, #tpu.memory_space<vmem>> -> memref<128xi32, #tpu.memory_space<vmem>>
    %dma_start3A_29 = arith.constant 0 : i32
    %dma_start3A_30 = arith.constant 0 : i32
    %dma_start3A_31 = tpu.memref_slice %arg10[%dma_start3A_29, %dma_start3A_30] : memref<10112x64xf32, #tpu.memory_space<vmem_shared>> -> memref<10112x64xf32, #tpu.memory_space<vmem_shared>>
    tpu.enqueue_indirect_dma source(%dma_start3A_31 : memref<10112x64xf32, #tpu.memory_space<vmem_shared>>) target(%dma_start3A_25 : memref<128x64xf32, #tpu.memory_space<vmem>>) offsets(%dma_start3A_28 : memref<128xi32, #tpu.memory_space<vmem>>) semaphore(%arg13 : memref<!tpu.dma_semaphore, #tpu.memory_space<semaphore_mem>>)
    %dma_start3A_32 = arith.constant 2 : i32
    %dma_start3A_33 = arith.constant 2 : i32
    %dma_start3A_34 = arith.constant 0 : i32
    %dma_start3A_35 = arith.constant 0 : i32
    %dma_start3A_36 = tpu.memref_slice %arg9[%dma_start3A_33, %dma_start3A_34, %dma_start3A_35] : memref<3x128x64xf32, #tpu.memory_space<vmem>> -> memref<1x128x64xf32, #tpu.memory_space<vmem>>
    %dma_start3A_37 = tpu.memref_squeeze %dma_start3A_36 : memref<1x128x64xf32, #tpu.memory_space<vmem>> -> memref<128x64xf32, #tpu.memory_space<vmem>>
    %dma_start3A_38 = arith.constant 0 : i32
    %dma_start3A_39 = tpu.memref_slice %arg7[%dma_start3A_32, %dma_start3A_38] : memref<81x128xi32, #tpu.memory_space<vmem>> -> memref<1x128xi32, #tpu.memory_space<vmem>>
    %dma_start3A_40 = tpu.memref_squeeze %dma_start3A_39 : memref<1x128xi32, #tpu.memory_space<vmem>> -> memref<128xi32, #tpu.memory_space<vmem>>
    %dma_start3A_41 = arith.constant 0 : i32
    %dma_start3A_42 = arith.constant 0 : i32
    %dma_start3A_43 = tpu.memref_slice %arg10[%dma_start3A_41, %dma_start3A_42] : memref<10112x64xf32, #tpu.memory_space<vmem_shared>> -> memref<10112x64xf32, #tpu.memory_space<vmem_shared>>
    tpu.enqueue_indirect_dma source(%dma_start3A_43 : memref<10112x64xf32, #tpu.memory_space<vmem_shared>>) target(%dma_start3A_37 : memref<128x64xf32, #tpu.memory_space<vmem>>) offsets(%dma_start3A_40 : memref<128xi32, #tpu.memory_space<vmem>>) semaphore(%arg14 : memref<!tpu.dma_semaphore, #tpu.memory_space<semaphore_mem>>)
    %scan3A = arith.constant 0 : i32
    %scan3A_44 = arith.constant 0 : i32
    %scan3A_45 = arith.constant 27 : i32
    %scan3A_46 = arith.addi %scan3A_44, %scan3A_45 : i32
    %scan3A_47 = arith.constant 1 : i32
    scf.for %scan3A_65 = %scan3A_44 to %scan3A_46 step %scan3A_47  : i32 {
      %mul3A_66 = arith.constant 3 : i32
      %mul3A_67 = arith.muli %scan3A_65, %mul3A_66 : i32
      %add3A_68 = arith.constant 0 : i32
      %add3A_69 = arith.addi %mul3A_67, %add3A_68 : i32
      %dma_wait3A_70 = arith.constant 0 : i32
      %dma_wait3A_71 = arith.constant 0 : i32
      %dma_wait3A_72 = arith.constant 0 : i32
      %dma_wait3A_73 = arith.constant 0 : i32
      %dma_wait3A_74 = tpu.memref_slice %arg9[%dma_wait3A_71, %dma_wait3A_72, %dma_wait3A_73] : memref<3x128x64xf32, #tpu.memory_space<vmem>> -> memref<1x128x64xf32, #tpu.memory_space<vmem>>
      %dma_wait3A_75 = tpu.memref_squeeze %dma_wait3A_74 : memref<1x128x64xf32, #tpu.memory_space<vmem>> -> memref<128x64xf32, #tpu.memory_space<vmem>>
      %dma_wait3A_76 = arith.constant 0 : i32
      %dma_wait3A_77 = tpu.memref_slice %arg7[%dma_wait3A_70, %dma_wait3A_76] : memref<81x128xi32, #tpu.memory_space<vmem>> -> memref<1x128xi32, #tpu.memory_space<vmem>>
      %dma_wait3A_78 = tpu.memref_squeeze %dma_wait3A_77 : memref<1x128xi32, #tpu.memory_space<vmem>> -> memref<128xi32, #tpu.memory_space<vmem>>
      %dma_wait3A_79 = arith.constant 0 : i32
      %dma_wait3A_80 = arith.constant 0 : i32
      %dma_wait3A_81 = tpu.memref_slice %arg10[%dma_wait3A_79, %dma_wait3A_80] : memref<10112x64xf32, #tpu.memory_space<vmem_shared>> -> memref<10112x64xf32, #tpu.memory_space<vmem_shared>>
      tpu.wait_indirect_dma semaphore(%arg12 : memref<!tpu.dma_semaphore, #tpu.memory_space<semaphore_mem>>) src(%dma_wait3A_81 : memref<10112x64xf32, #tpu.memory_space<vmem_shared>>) dst(%dma_wait3A_75 : memref<128x64xf32, #tpu.memory_space<vmem>>)
      %dma_start3A_82 = arith.constant 0 : i32
      %dma_start3A_83 = arith.constant 0 : i32
      %dma_start3A_84 = arith.constant 0 : i32
      %dma_start3A_85 = tpu.memref_slice %arg9[%dma_start3A_82, %dma_start3A_83, %dma_start3A_84] : memref<3x128x64xf32, #tpu.memory_space<vmem>> -> memref<1x128x64xf32, #tpu.memory_space<vmem>>
      %dma_start3A_86 = tpu.memref_squeeze %dma_start3A_85 : memref<1x128x64xf32, #tpu.memory_space<vmem>> -> memref<128x64xf32, #tpu.memory_space<vmem>>
      %dma_start3A_87 = arith.constant 0 : i32
      %dma_start3A_88 = tpu.memref_slice %arg8[%add3A_69, %dma_start3A_87] : memref<81x128xi32, #tpu.memory_space<vmem>> -> memref<1x128xi32, #tpu.memory_space<vmem>>
      %dma_start3A_89 = tpu.memref_squeeze %dma_start3A_88 : memref<1x128xi32, #tpu.memory_space<vmem>> -> memref<128xi32, #tpu.memory_space<vmem>>
      %dma_start3A_90 = arith.constant 0 : i32
      %dma_start3A_91 = arith.constant 0 : i32
      %dma_start3A_92 = tpu.memref_slice %arg11[%dma_start3A_90, %dma_start3A_91] : memref<10112x64xf32, #tpu.memory_space<vmem_shared>> -> memref<10112x64xf32, #tpu.memory_space<vmem_shared>>
      tpu.enqueue_indirect_dma source(%dma_start3A_86 : memref<128x64xf32, #tpu.memory_space<vmem>>) target(%dma_start3A_92 : memref<10112x64xf32, #tpu.memory_space<vmem_shared>>) offsets(%dma_start3A_89 : memref<128xi32, #tpu.memory_space<vmem>>) semaphore(%arg15 : memref<!tpu.dma_semaphore, #tpu.memory_space<semaphore_mem>>) {add = true}
      %gt3A = arith.constant 0 : i32
      %gt3A_93 = arith.cmpi sgt, %scan3A_65, %gt3A : i32
      %convert_element_type3A = arith.extui %gt3A_93 : i1 to i32
      %cond3A = arith.constant 0 : i32
      %cond3A_94 = arith.cmpi ne, %convert_element_type3A, %cond3A : i32
      scf.if %cond3A_94 {
        %dma_wait3A_200 = arith.constant 2 : i32
        %dma_wait3A_201 = arith.constant 0 : i32
        %dma_wait3A_202 = arith.constant 0 : i32
        %dma_wait3A_203 = arith.constant 0 : i32
        %dma_wait3A_204 = tpu.memref_slice %arg9[%dma_wait3A_200, %dma_wait3A_202, %dma_wait3A_203] : memref<3x128x64xf32, #tpu.memory_space<vmem>> -> memref<1x128x64xf32, #tpu.memory_space<vmem>>
        %dma_wait3A_205 = tpu.memref_squeeze %dma_wait3A_204 : memref<1x128x64xf32, #tpu.memory_space<vmem>> -> memref<128x64xf32, #tpu.memory_space<vmem>>
        %dma_wait3A_206 = arith.constant 0 : i32
        %dma_wait3A_207 = tpu.memref_slice %arg8[%dma_wait3A_201, %dma_wait3A_206] : memref<81x128xi32, #tpu.memory_space<vmem>> -> memref<1x128xi32, #tpu.memory_space<vmem>>
        %dma_wait3A_208 = tpu.memref_squeeze %dma_wait3A_207 : memref<1x128xi32, #tpu.memory_space<vmem>> -> memref<128xi32, #tpu.memory_space<vmem>>
        %dma_wait3A_209 = arith.constant 0 : i32
        %dma_wait3A_210 = arith.constant 0 : i32
        %dma_wait3A_211 = tpu.memref_slice %arg11[%dma_wait3A_209, %dma_wait3A_210] : memref<10112x64xf32, #tpu.memory_space<vmem_shared>> -> memref<10112x64xf32, #tpu.memory_space<vmem_shared>>
        tpu.wait_indirect_dma semaphore(%arg17 : memref<!tpu.dma_semaphore, #tpu.memory_space<semaphore_mem>>) src(%dma_wait3A_205 : memref<128x64xf32, #tpu.memory_space<vmem>>) dst(%dma_wait3A_211 : memref<10112x64xf32, #tpu.memory_space<vmem_shared>>)
      } else {
      }
      %gt3A_95 = arith.constant 0 : i32
      %gt3A_96 = arith.cmpi sgt, %scan3A_65, %gt3A_95 : i32
      %add3A_97 = arith.constant 3 : i32
      %add3A_98 = arith.addi %add3A_69, %add3A_97 : i32
      %sub3A = arith.constant 1 : i32
      %sub3A_99 = arith.subi %add3A_98, %sub3A : i32
      %lt3A = arith.constant 81 : i32
      %lt3A_100 = arith.cmpi slt, %sub3A_99, %lt3A : i32
      %and3A = arith.andi %gt3A_96, %lt3A_100 : i1
      %convert_element_type3A_101 = arith.extui %and3A : i1 to i32
      %cond3A_102 = arith.constant 0 : i32
      %cond3A_103 = arith.cmpi ne, %convert_element_type3A_101, %cond3A_102 : i32
      scf.if %cond3A_103 {
        %add3A_200 = arith.constant 3 : i32
        %add3A_201 = arith.addi %add3A_69, %add3A_200 : i32
        %sub3A_202 = arith.constant 1 : i32
        %sub3A_203 = arith.subi %add3A_201, %sub3A_202 : i32
        %dma_start3A_204 = arith.constant 2 : i32
        %dma_start3A_205 = arith.constant 0 : i32
        %dma_start3A_206 = arith.constant 0 : i32
        %dma_start3A_207 = tpu.memref_slice %arg9[%dma_start3A_204, %dma_start3A_205, %dma_start3A_206] : memref<3x128x64xf32, #tpu.memory_space<vmem>> -> memref<1x128x64xf32, #tpu.memory_space<vmem>>
        %dma_start3A_208 = tpu.memref_squeeze %dma_start3A_207 : memref<1x128x64xf32, #tpu.memory_space<vmem>> -> memref<128x64xf32, #tpu.memory_space<vmem>>
        %dma_start3A_209 = arith.constant 0 : i32
        %dma_start3A_210 = tpu.memref_slice %arg7[%sub3A_203, %dma_start3A_209] : memref<81x128xi32, #tpu.memory_space<vmem>> -> memref<1x128xi32, #tpu.memory_space<vmem>>
        %dma_start3A_211 = tpu.memref_squeeze %dma_start3A_210 : memref<1x128xi32, #tpu.memory_space<vmem>> -> memref<128xi32, #tpu.memory_space<vmem>>
        %dma_start3A_212 = arith.constant 0 : i32
        %dma_start3A_213 = arith.constant 0 : i32
        %dma_start3A_214 = tpu.memref_slice %arg10[%dma_start3A_212, %dma_start3A_213] : memref<10112x64xf32, #tpu.memory_space<vmem_shared>> -> memref<10112x64xf32, #tpu.memory_space<vmem_shared>>
        tpu.enqueue_indirect_dma source(%dma_start3A_214 : memref<10112x64xf32, #tpu.memory_space<vmem_shared>>) target(%dma_start3A_208 : memref<128x64xf32, #tpu.memory_space<vmem>>) offsets(%dma_start3A_211 : memref<128xi32, #tpu.memory_space<vmem>>) semaphore(%arg14 : memref<!tpu.dma_semaphore, #tpu.memory_space<semaphore_mem>>)
      } else {
      }
      %mul3A_104 = arith.constant 3 : i32
      %mul3A_105 = arith.muli %scan3A_65, %mul3A_104 : i32
      %add3A_106 = arith.constant 1 : i32
      %add3A_107 = arith.addi %mul3A_105, %add3A_106 : i32
      %dma_wait3A_108 = arith.constant 0 : i32
      %dma_wait3A_109 = arith.constant 1 : i32
      %dma_wait3A_110 = arith.constant 0 : i32
      %dma_wait3A_111 = arith.constant 0 : i32
      %dma_wait3A_112 = tpu.memref_slice %arg9[%dma_wait3A_109, %dma_wait3A_110, %dma_wait3A_111] : memref<3x128x64xf32, #tpu.memory_space<vmem>> -> memref<1x128x64xf32, #tpu.memory_space<vmem>>
      %dma_wait3A_113 = tpu.memref_squeeze %dma_wait3A_112 : memref<1x128x64xf32, #tpu.memory_space<vmem>> -> memref<128x64xf32, #tpu.memory_space<vmem>>
      %dma_wait3A_114 = arith.constant 0 : i32
      %dma_wait3A_115 = tpu.memref_slice %arg7[%dma_wait3A_108, %dma_wait3A_114] : memref<81x128xi32, #tpu.memory_space<vmem>> -> memref<1x128xi32, #tpu.memory_space<vmem>>
      %dma_wait3A_116 = tpu.memref_squeeze %dma_wait3A_115 : memref<1x128xi32, #tpu.memory_space<vmem>> -> memref<128xi32, #tpu.memory_space<vmem>>
      %dma_wait3A_117 = arith.constant 0 : i32
      %dma_wait3A_118 = arith.constant 0 : i32
      %dma_wait3A_119 = tpu.memref_slice %arg10[%dma_wait3A_117, %dma_wait3A_118] : memref<10112x64xf32, #tpu.memory_space<vmem_shared>> -> memref<10112x64xf32, #tpu.memory_space<vmem_shared>>
      tpu.wait_indirect_dma semaphore(%arg13 : memref<!tpu.dma_semaphore, #tpu.memory_space<semaphore_mem>>) src(%dma_wait3A_119 : memref<10112x64xf32, #tpu.memory_space<vmem_shared>>) dst(%dma_wait3A_113 : memref<128x64xf32, #tpu.memory_space<vmem>>)
      %dma_start3A_120 = arith.constant 1 : i32
      %dma_start3A_121 = arith.constant 0 : i32
      %dma_start3A_122 = arith.constant 0 : i32
      %dma_start3A_123 = tpu.memref_slice %arg9[%dma_start3A_120, %dma_start3A_121, %dma_start3A_122] : memref<3x128x64xf32, #tpu.memory_space<vmem>> -> memref<1x128x64xf32, #tpu.memory_space<vmem>>
      %dma_start3A_124 = tpu.memref_squeeze %dma_start3A_123 : memref<1x128x64xf32, #tpu.memory_space<vmem>> -> memref<128x64xf32, #tpu.memory_space<vmem>>
      %dma_start3A_125 = arith.constant 0 : i32
      %dma_start3A_126 = tpu.memref_slice %arg8[%add3A_107, %dma_start3A_125] : memref<81x128xi32, #tpu.memory_space<vmem>> -> memref<1x128xi32, #tpu.memory_space<vmem>>
      %dma_start3A_127 = tpu.memref_squeeze %dma_start3A_126 : memref<1x128xi32, #tpu.memory_space<vmem>> -> memref<128xi32, #tpu.memory_space<vmem>>
      %dma_start3A_128 = arith.constant 0 : i32
      %dma_start3A_129 = arith.constant 0 : i32
      %dma_start3A_130 = tpu.memref_slice %arg11[%dma_start3A_128, %dma_start3A_129] : memref<10112x64xf32, #tpu.memory_space<vmem_shared>> -> memref<10112x64xf32, #tpu.memory_space<vmem_shared>>
      tpu.enqueue_indirect_dma source(%dma_start3A_124 : memref<128x64xf32, #tpu.memory_space<vmem>>) target(%dma_start3A_130 : memref<10112x64xf32, #tpu.memory_space<vmem_shared>>) offsets(%dma_start3A_127 : memref<128xi32, #tpu.memory_space<vmem>>) semaphore(%arg16 : memref<!tpu.dma_semaphore, #tpu.memory_space<semaphore_mem>>) {add = true}
      %dma_wait3A_131 = arith.constant 0 : i32
      %dma_wait3A_132 = arith.constant 0 : i32
      %dma_wait3A_133 = arith.constant 0 : i32
      %dma_wait3A_134 = arith.constant 0 : i32
      %dma_wait3A_135 = tpu.memref_slice %arg9[%dma_wait3A_131, %dma_wait3A_133, %dma_wait3A_134] : memref<3x128x64xf32, #tpu.memory_space<vmem>> -> memref<1x128x64xf32, #tpu.memory_space<vmem>>
      %dma_wait3A_136 = tpu.memref_squeeze %dma_wait3A_135 : memref<1x128x64xf32, #tpu.memory_space<vmem>> -> memref<128x64xf32, #tpu.memory_space<vmem>>
      %dma_wait3A_137 = arith.constant 0 : i32
      %dma_wait3A_138 = tpu.memref_slice %arg8[%dma_wait3A_132, %dma_wait3A_137] : memref<81x128xi32, #tpu.memory_space<vmem>> -> memref<1x128xi32, #tpu.memory_space<vmem>>
      %dma_wait3A_139 = tpu.memref_squeeze %dma_wait3A_138 : memref<1x128xi32, #tpu.memory_space<vmem>> -> memref<128xi32, #tpu.memory_space<vmem>>
      %dma_wait3A_140 = arith.constant 0 : i32
      %dma_wait3A_141 = arith.constant 0 : i32
      %dma_wait3A_142 = tpu.memref_slice %arg11[%dma_wait3A_140, %dma_wait3A_141] : memref<10112x64xf32, #tpu.memory_space<vmem_shared>> -> memref<10112x64xf32, #tpu.memory_space<vmem_shared>>
      tpu.wait_indirect_dma semaphore(%arg15 : memref<!tpu.dma_semaphore, #tpu.memory_space<semaphore_mem>>) src(%dma_wait3A_136 : memref<128x64xf32, #tpu.memory_space<vmem>>) dst(%dma_wait3A_142 : memref<10112x64xf32, #tpu.memory_space<vmem_shared>>)
      %add3A_143 = arith.constant 3 : i32
      %add3A_144 = arith.addi %add3A_107, %add3A_143 : i32
      %sub3A_145 = arith.constant 1 : i32
      %sub3A_146 = arith.subi %add3A_144, %sub3A_145 : i32
      %lt3A_147 = arith.constant 81 : i32
      %lt3A_148 = arith.cmpi slt, %sub3A_146, %lt3A_147 : i32
      %convert_element_type3A_149 = arith.extui %lt3A_148 : i1 to i32
      %cond3A_150 = arith.constant 0 : i32
      %cond3A_151 = arith.cmpi ne, %convert_element_type3A_149, %cond3A_150 : i32
      scf.if %cond3A_151 {
        %add3A_200 = arith.constant 3 : i32
        %add3A_201 = arith.addi %add3A_107, %add3A_200 : i32
        %sub3A_202 = arith.constant 1 : i32
        %sub3A_203 = arith.subi %add3A_201, %sub3A_202 : i32
        %dma_start3A_204 = arith.constant 0 : i32
        %dma_start3A_205 = arith.constant 0 : i32
        %dma_start3A_206 = arith.constant 0 : i32
        %dma_start3A_207 = tpu.memref_slice %arg9[%dma_start3A_204, %dma_start3A_205, %dma_start3A_206] : memref<3x128x64xf32, #tpu.memory_space<vmem>> -> memref<1x128x64xf32, #tpu.memory_space<vmem>>
        %dma_start3A_208 = tpu.memref_squeeze %dma_start3A_207 : memref<1x128x64xf32, #tpu.memory_space<vmem>> -> memref<128x64xf32, #tpu.memory_space<vmem>>
        %dma_start3A_209 = arith.constant 0 : i32
        %dma_start3A_210 = tpu.memref_slice %arg7[%sub3A_203, %dma_start3A_209] : memref<81x128xi32, #tpu.memory_space<vmem>> -> memref<1x128xi32, #tpu.memory_space<vmem>>
        %dma_start3A_211 = tpu.memref_squeeze %dma_start3A_210 : memref<1x128xi32, #tpu.memory_space<vmem>> -> memref<128xi32, #tpu.memory_space<vmem>>
        %dma_start3A_212 = arith.constant 0 : i32
        %dma_start3A_213 = arith.constant 0 : i32
        %dma_start3A_214 = tpu.memref_slice %arg10[%dma_start3A_212, %dma_start3A_213] : memref<10112x64xf32, #tpu.memory_space<vmem_shared>> -> memref<10112x64xf32, #tpu.memory_space<vmem_shared>>
        tpu.enqueue_indirect_dma source(%dma_start3A_214 : memref<10112x64xf32, #tpu.memory_space<vmem_shared>>) target(%dma_start3A_208 : memref<128x64xf32, #tpu.memory_space<vmem>>) offsets(%dma_start3A_211 : memref<128xi32, #tpu.memory_space<vmem>>) semaphore(%arg12 : memref<!tpu.dma_semaphore, #tpu.memory_space<semaphore_mem>>)
      } else {
      }
      %mul3A_152 = arith.constant 3 : i32
      %mul3A_153 = arith.muli %scan3A_65, %mul3A_152 : i32
      %add3A_154 = arith.constant 2 : i32
      %add3A_155 = arith.addi %mul3A_153, %add3A_154 : i32
      %dma_wait3A_156 = arith.constant 0 : i32
      %dma_wait3A_157 = arith.constant 2 : i32
      %dma_wait3A_158 = arith.constant 0 : i32
      %dma_wait3A_159 = arith.constant 0 : i32
      %dma_wait3A_160 = tpu.memref_slice %arg9[%dma_wait3A_157, %dma_wait3A_158, %dma_wait3A_159] : memref<3x128x64xf32, #tpu.memory_space<vmem>> -> memref<1x128x64xf32, #tpu.memory_space<vmem>>
      %dma_wait3A_161 = tpu.memref_squeeze %dma_wait3A_160 : memref<1x128x64xf32, #tpu.memory_space<vmem>> -> memref<128x64xf32, #tpu.memory_space<vmem>>
      %dma_wait3A_162 = arith.constant 0 : i32
      %dma_wait3A_163 = tpu.memref_slice %arg7[%dma_wait3A_156, %dma_wait3A_162] : memref<81x128xi32, #tpu.memory_space<vmem>> -> memref<1x128xi32, #tpu.memory_space<vmem>>
      %dma_wait3A_164 = tpu.memref_squeeze %dma_wait3A_163 : memref<1x128xi32, #tpu.memory_space<vmem>> -> memref<128xi32, #tpu.memory_space<vmem>>
      %dma_wait3A_165 = arith.constant 0 : i32
      %dma_wait3A_166 = arith.constant 0 : i32
      %dma_wait3A_167 = tpu.memref_slice %arg10[%dma_wait3A_165, %dma_wait3A_166] : memref<10112x64xf32, #tpu.memory_space<vmem_shared>> -> memref<10112x64xf32, #tpu.memory_space<vmem_shared>>
      tpu.wait_indirect_dma semaphore(%arg14 : memref<!tpu.dma_semaphore, #tpu.memory_space<semaphore_mem>>) src(%dma_wait3A_167 : memref<10112x64xf32, #tpu.memory_space<vmem_shared>>) dst(%dma_wait3A_161 : memref<128x64xf32, #tpu.memory_space<vmem>>)
      %dma_start3A_168 = arith.constant 2 : i32
      %dma_start3A_169 = arith.constant 0 : i32
      %dma_start3A_170 = arith.constant 0 : i32
      %dma_start3A_171 = tpu.memref_slice %arg9[%dma_start3A_168, %dma_start3A_169, %dma_start3A_170] : memref<3x128x64xf32, #tpu.memory_space<vmem>> -> memref<1x128x64xf32, #tpu.memory_space<vmem>>
      %dma_start3A_172 = tpu.memref_squeeze %dma_start3A_171 : memref<1x128x64xf32, #tpu.memory_space<vmem>> -> memref<128x64xf32, #tpu.memory_space<vmem>>
      %dma_start3A_173 = arith.constant 0 : i32
      %dma_start3A_174 = tpu.memref_slice %arg8[%add3A_155, %dma_start3A_173] : memref<81x128xi32, #tpu.memory_space<vmem>> -> memref<1x128xi32, #tpu.memory_space<vmem>>
      %dma_start3A_175 = tpu.memref_squeeze %dma_start3A_174 : memref<1x128xi32, #tpu.memory_space<vmem>> -> memref<128xi32, #tpu.memory_space<vmem>>
      %dma_start3A_176 = arith.constant 0 : i32
      %dma_start3A_177 = arith.constant 0 : i32
      %dma_start3A_178 = tpu.memref_slice %arg11[%dma_start3A_176, %dma_start3A_177] : memref<10112x64xf32, #tpu.memory_space<vmem_shared>> -> memref<10112x64xf32, #tpu.memory_space<vmem_shared>>
      tpu.enqueue_indirect_dma source(%dma_start3A_172 : memref<128x64xf32, #tpu.memory_space<vmem>>) target(%dma_start3A_178 : memref<10112x64xf32, #tpu.memory_space<vmem_shared>>) offsets(%dma_start3A_175 : memref<128xi32, #tpu.memory_space<vmem>>) semaphore(%arg17 : memref<!tpu.dma_semaphore, #tpu.memory_space<semaphore_mem>>) {add = true}
      %dma_wait3A_179 = arith.constant 1 : i32
      %dma_wait3A_180 = arith.constant 0 : i32
      %dma_wait3A_181 = arith.constant 0 : i32
      %dma_wait3A_182 = arith.constant 0 : i32
      %dma_wait3A_183 = tpu.memref_slice %arg9[%dma_wait3A_179, %dma_wait3A_181, %dma_wait3A_182] : memref<3x128x64xf32, #tpu.memory_space<vmem>> -> memref<1x128x64xf32, #tpu.memory_space<vmem>>
      %dma_wait3A_184 = tpu.memref_squeeze %dma_wait3A_183 : memref<1x128x64xf32, #tpu.memory_space<vmem>> -> memref<128x64xf32, #tpu.memory_space<vmem>>
      %dma_wait3A_185 = arith.constant 0 : i32
      %dma_wait3A_186 = tpu.memref_slice %arg8[%dma_wait3A_180, %dma_wait3A_185] : memref<81x128xi32, #tpu.memory_space<vmem>> -> memref<1x128xi32, #tpu.memory_space<vmem>>
      %dma_wait3A_187 = tpu.memref_squeeze %dma_wait3A_186 : memref<1x128xi32, #tpu.memory_space<vmem>> -> memref<128xi32, #tpu.memory_space<vmem>>
      %dma_wait3A_188 = arith.constant 0 : i32
      %dma_wait3A_189 = arith.constant 0 : i32
      %dma_wait3A_190 = tpu.memref_slice %arg11[%dma_wait3A_188, %dma_wait3A_189] : memref<10112x64xf32, #tpu.memory_space<vmem_shared>> -> memref<10112x64xf32, #tpu.memory_space<vmem_shared>>
      tpu.wait_indirect_dma semaphore(%arg16 : memref<!tpu.dma_semaphore, #tpu.memory_space<semaphore_mem>>) src(%dma_wait3A_184 : memref<128x64xf32, #tpu.memory_space<vmem>>) dst(%dma_wait3A_190 : memref<10112x64xf32, #tpu.memory_space<vmem_shared>>)
      %add3A_191 = arith.constant 3 : i32
      %add3A_192 = arith.addi %add3A_155, %add3A_191 : i32
      %sub3A_193 = arith.constant 1 : i32
      %sub3A_194 = arith.subi %add3A_192, %sub3A_193 : i32
      %lt3A_195 = arith.constant 81 : i32
      %lt3A_196 = arith.cmpi slt, %sub3A_194, %lt3A_195 : i32
      %convert_element_type3A_197 = arith.extui %lt3A_196 : i1 to i32
      %cond3A_198 = arith.constant 0 : i32
      %cond3A_199 = arith.cmpi ne, %convert_element_type3A_197, %cond3A_198 : i32
      scf.if %cond3A_199 {
        %add3A_200 = arith.constant 3 : i32
        %add3A_201 = arith.addi %add3A_155, %add3A_200 : i32
        %sub3A_202 = arith.constant 1 : i32
        %sub3A_203 = arith.subi %add3A_201, %sub3A_202 : i32
        %dma_start3A_204 = arith.constant 1 : i32
        %dma_start3A_205 = arith.constant 0 : i32
        %dma_start3A_206 = arith.constant 0 : i32
        %dma_start3A_207 = tpu.memref_slice %arg9[%dma_start3A_204, %dma_start3A_205, %dma_start3A_206] : memref<3x128x64xf32, #tpu.memory_space<vmem>> -> memref<1x128x64xf32, #tpu.memory_space<vmem>>
        %dma_start3A_208 = tpu.memref_squeeze %dma_start3A_207 : memref<1x128x64xf32, #tpu.memory_space<vmem>> -> memref<128x64xf32, #tpu.memory_space<vmem>>
        %dma_start3A_209 = arith.constant 0 : i32
        %dma_start3A_210 = tpu.memref_slice %arg7[%sub3A_203, %dma_start3A_209] : memref<81x128xi32, #tpu.memory_space<vmem>> -> memref<1x128xi32, #tpu.memory_space<vmem>>
        %dma_start3A_211 = tpu.memref_squeeze %dma_start3A_210 : memref<1x128xi32, #tpu.memory_space<vmem>> -> memref<128xi32, #tpu.memory_space<vmem>>
        %dma_start3A_212 = arith.constant 0 : i32
        %dma_start3A_213 = arith.constant 0 : i32
        %dma_start3A_214 = tpu.memref_slice %arg10[%dma_start3A_212, %dma_start3A_213] : memref<10112x64xf32, #tpu.memory_space<vmem_shared>> -> memref<10112x64xf32, #tpu.memory_space<vmem_shared>>
        tpu.enqueue_indirect_dma source(%dma_start3A_214 : memref<10112x64xf32, #tpu.memory_space<vmem_shared>>) target(%dma_start3A_208 : memref<128x64xf32, #tpu.memory_space<vmem>>) offsets(%dma_start3A_211 : memref<128xi32, #tpu.memory_space<vmem>>) semaphore(%arg13 : memref<!tpu.dma_semaphore, #tpu.memory_space<semaphore_mem>>)
      } else {
      }
    }
    %scan3A_48 = arith.constant 27 : i32
    %dma_wait3A = arith.constant 2 : i32
    %dma_wait3A_49 = arith.constant 0 : i32
    %dma_wait3A_50 = arith.constant 0 : i32
    %dma_wait3A_51 = arith.constant 0 : i32
    %dma_wait3A_52 = tpu.memref_slice %arg9[%dma_wait3A, %dma_wait3A_50, %dma_wait3A_51] : memref<3x128x64xf32, #tpu.memory_space<vmem>> -> memref<1x128x64xf32, #tpu.memory_space<vmem>>
    %dma_wait3A_53 = tpu.memref_squeeze %dma_wait3A_52 : memref<1x128x64xf32, #tpu.memory_space<vmem>> -> memref<128x64xf32, #tpu.memory_space<vmem>>
    %dma_wait3A_54 = arith.constant 0 : i32
    %dma_wait3A_55 = tpu.memref_slice %arg8[%dma_wait3A_49, %dma_wait3A_54] : memref<81x128xi32, #tpu.memory_space<vmem>> -> memref<1x128xi32, #tpu.memory_space<vmem>>
    %dma_wait3A_56 = tpu.memref_squeeze %dma_wait3A_55 : memref<1x128xi32, #tpu.memory_space<vmem>> -> memref<128xi32, #tpu.memory_space<vmem>>
    %dma_wait3A_57 = arith.constant 0 : i32
    %dma_wait3A_58 = arith.constant 0 : i32
    %dma_wait3A_59 = tpu.memref_slice %arg11[%dma_wait3A_57, %dma_wait3A_58] : memref<10112x64xf32, #tpu.memory_space<vmem_shared>> -> memref<10112x64xf32, #tpu.memory_space<vmem_shared>>
    tpu.wait_indirect_dma semaphore(%arg17 : memref<!tpu.dma_semaphore, #tpu.memory_space<semaphore_mem>>) src(%dma_wait3A_53 : memref<128x64xf32, #tpu.memory_space<vmem>>) dst(%dma_wait3A_59 : memref<10112x64xf32, #tpu.memory_space<vmem_shared>>)
    %barrier3A_60 = arith.constant 0 : index
    tpu.barrier barrier_id(%barrier3A_60)
    %mul3A_61 = arith.constant 632 : i32
    %mul3A_62 = arith.muli %arg1, %mul3A_61 : i32
    %mul3A_63 = arith.constant 632 : i32
    %mul3A_64 = arith.muli %arg1, %mul3A_63 : i32
    "tpu.region"() ({
      %run_scoped3A = tpu.sem_alloc : memref<!tpu.dma_semaphore, #tpu.memory_space<semaphore_mem>>
      %dma_start3A_65 = arith.constant 0 : i32
      %dma_start3A_66 = tpu.memref_slice %arg6[%arg0, %mul3A_64, %dma_start3A_65] : memref<2x10112x64xf32, #tpu.memory_space<hbm>> -> memref<1x632x64xf32, #tpu.memory_space<hbm>>
      %dma_start3A_67 = tpu.memref_squeeze %dma_start3A_66 : memref<1x632x64xf32, #tpu.memory_space<hbm>> -> memref<632x64xf32, #tpu.memory_space<hbm>>
      %dma_start3A_68 = arith.constant 0 : i32
      %dma_start3A_69 = tpu.memref_slice %arg11[%mul3A_62, %dma_start3A_68] : memref<10112x64xf32, #tpu.memory_space<vmem_shared>> -> memref<632x64xf32, #tpu.memory_space<vmem_shared>>
      tpu.enqueue_dma source(%dma_start3A_69 : memref<632x64xf32, #tpu.memory_space<vmem_shared>>) target(%dma_start3A_67 : memref<632x64xf32, #tpu.memory_space<hbm>>) target_semaphore(%run_scoped3A : memref<!tpu.dma_semaphore, #tpu.memory_space<semaphore_mem>>)
      %dma_wait3A_70 = arith.constant 0 : i32
      %dma_wait3A_71 = tpu.memref_slice %arg6[%arg0, %mul3A_64, %dma_wait3A_70] : memref<2x10112x64xf32, #tpu.memory_space<hbm>> -> memref<1x632x64xf32, #tpu.memory_space<hbm>>
      %dma_wait3A_72 = tpu.memref_squeeze %dma_wait3A_71 : memref<1x632x64xf32, #tpu.memory_space<hbm>> -> memref<632x64xf32, #tpu.memory_space<hbm>>
      %dma_wait3A_73 = arith.constant 0 : i32
      %dma_wait3A_74 = tpu.memref_slice %arg11[%mul3A_62, %dma_wait3A_73] : memref<10112x64xf32, #tpu.memory_space<vmem_shared>> -> memref<632x64xf32, #tpu.memory_space<vmem_shared>>
      tpu.wait_dma2 semaphore(%run_scoped3A : memref<!tpu.dma_semaphore, #tpu.memory_space<semaphore_mem>>) src(%dma_wait3A_74 : memref<632x64xf32, #tpu.memory_space<vmem_shared>>) dst(%dma_wait3A_72 : memref<632x64xf32, #tpu.memory_space<hbm>>)
      tpu.yield
    }) : () -> ()
    return
  }
}

#map = affine_map<(d0, d1) -> (0, 0)>
#map1 = affine_map<(d0, d1) -> (0, 0, 0)>
module attributes {stable_mosaic.version = 14 : i64} {
  func.func @_hop(%arg0: i32, %arg1: i32, %arg2: memref<10112x64xf32, #tpu.memory_space<hbm>>, %arg3: memref<32x81x128xi32, #tpu.memory_space<hbm>>, %arg4: memref<32x81x128xi32, #tpu.memory_space<hbm>>, %arg5: memref<10112x64xf32, #tpu.memory_space<hbm>>, %arg6: memref<2x10112x64xf32, #tpu.memory_space<hbm>>, %arg7: memref<81x128xi32, #tpu.memory_space<vmem>>, %arg8: memref<81x128xi32, #tpu.memory_space<vmem>>, %arg9: memref<3x128x64xf32, #tpu.memory_space<vmem>>, %arg10: memref<10112x64xf32, #tpu.memory_space<vmem_shared>>, %arg11: memref<10112x64xf32, #tpu.memory_space<vmem_shared>>, %arg12: memref<!tpu.dma_semaphore, #tpu.memory_space<semaphore_mem>>, %arg13: memref<!tpu.dma_semaphore, #tpu.memory_space<semaphore_mem>>, %arg14: memref<!tpu.dma_semaphore, #tpu.memory_space<semaphore_mem>>, %arg15: memref<!tpu.dma_semaphore, #tpu.memory_space<semaphore_mem>>, %arg16: memref<!tpu.dma_semaphore, #tpu.memory_space<semaphore_mem>>, %arg17: memref<!tpu.dma_semaphore, #tpu.memory_space<semaphore_mem>>) attributes {dimension_semantics = [#tpu.dimension_semantics<core_parallel>, #tpu.dimension_semantics<subcore_parallel>], iteration_bounds = array<i64: 2, 16>, scalar_prefetch = 0 : i64, scratch_operands = 11 : i64, tpu.core_type = #tpu.core_type<sc_vector_subcore>, window_params = [{transform_indices = #map}, {transform_indices = #map1}, {transform_indices = #map1}, {transform_indices = #map}, {transform_indices = #map1}]} {
    %mul3A = arith.constant 2 : i32
    %mul3A_0 = arith.muli %arg1, %mul3A : i32
    %add3A = arith.addi %mul3A_0, %arg0 : i32
    %mul3A_1 = arith.constant 632 : i32
    %mul3A_2 = arith.muli %arg1, %mul3A_1 : i32
    %mul3A_3 = arith.constant 632 : i32
    %mul3A_4 = arith.muli %arg1, %mul3A_3 : i32
    "tpu.region"() ({
      %run_scoped3A = tpu.sem_alloc : memref<!tpu.dma_semaphore, #tpu.memory_space<semaphore_mem>>
      %dma_start3A_65 = arith.constant 0 : i32
      %dma_start3A_66 = tpu.memref_slice %arg11[%mul3A_4, %dma_start3A_65] : memref<10112x64xf32, #tpu.memory_space<vmem_shared>> -> memref<632x64xf32, #tpu.memory_space<vmem_shared>>
      %dma_start3A_67 = arith.constant 0 : i32
      %dma_start3A_68 = tpu.memref_slice %arg5[%mul3A_2, %dma_start3A_67] : memref<10112x64xf32, #tpu.memory_space<hbm>> -> memref<632x64xf32, #tpu.memory_space<hbm>>
      tpu.enqueue_dma source(%dma_start3A_68 : memref<632x64xf32, #tpu.memory_space<hbm>>) target(%dma_start3A_66 : memref<632x64xf32, #tpu.memory_space<vmem_shared>>) target_semaphore(%run_scoped3A : memref<!tpu.dma_semaphore, #tpu.memory_space<semaphore_mem>>)
      %dma_wait3A_69 = arith.constant 0 : i32
      %dma_wait3A_70 = tpu.memref_slice %arg11[%mul3A_4, %dma_wait3A_69] : memref<10112x64xf32, #tpu.memory_space<vmem_shared>> -> memref<632x64xf32, #tpu.memory_space<vmem_shared>>
      %dma_wait3A_71 = arith.constant 0 : i32
      %dma_wait3A_72 = tpu.memref_slice %arg5[%mul3A_2, %dma_wait3A_71] : memref<10112x64xf32, #tpu.memory_space<hbm>> -> memref<632x64xf32, #tpu.memory_space<hbm>>
      tpu.wait_dma2 semaphore(%run_scoped3A : memref<!tpu.dma_semaphore, #tpu.memory_space<semaphore_mem>>) src(%dma_wait3A_72 : memref<632x64xf32, #tpu.memory_space<hbm>>) dst(%dma_wait3A_70 : memref<632x64xf32, #tpu.memory_space<vmem_shared>>)
      tpu.yield
    }) : () -> ()
    %mul3A_5 = arith.constant 632 : i32
    %mul3A_6 = arith.muli %arg1, %mul3A_5 : i32
    %mul3A_7 = arith.constant 632 : i32
    %mul3A_8 = arith.muli %arg1, %mul3A_7 : i32
    "tpu.region"() ({
      %run_scoped3A = tpu.sem_alloc : memref<!tpu.dma_semaphore, #tpu.memory_space<semaphore_mem>>
      %dma_start3A_65 = arith.constant 0 : i32
      %dma_start3A_66 = tpu.memref_slice %arg10[%mul3A_8, %dma_start3A_65] : memref<10112x64xf32, #tpu.memory_space<vmem_shared>> -> memref<632x64xf32, #tpu.memory_space<vmem_shared>>
      %dma_start3A_67 = arith.constant 0 : i32
      %dma_start3A_68 = tpu.memref_slice %arg2[%mul3A_6, %dma_start3A_67] : memref<10112x64xf32, #tpu.memory_space<hbm>> -> memref<632x64xf32, #tpu.memory_space<hbm>>
      tpu.enqueue_dma source(%dma_start3A_68 : memref<632x64xf32, #tpu.memory_space<hbm>>) target(%dma_start3A_66 : memref<632x64xf32, #tpu.memory_space<vmem_shared>>) target_semaphore(%run_scoped3A : memref<!tpu.dma_semaphore, #tpu.memory_space<semaphore_mem>>)
      %dma_wait3A_69 = arith.constant 0 : i32
      %dma_wait3A_70 = tpu.memref_slice %arg10[%mul3A_8, %dma_wait3A_69] : memref<10112x64xf32, #tpu.memory_space<vmem_shared>> -> memref<632x64xf32, #tpu.memory_space<vmem_shared>>
      %dma_wait3A_71 = arith.constant 0 : i32
      %dma_wait3A_72 = tpu.memref_slice %arg2[%mul3A_6, %dma_wait3A_71] : memref<10112x64xf32, #tpu.memory_space<hbm>> -> memref<632x64xf32, #tpu.memory_space<hbm>>
      tpu.wait_dma2 semaphore(%run_scoped3A : memref<!tpu.dma_semaphore, #tpu.memory_space<semaphore_mem>>) src(%dma_wait3A_72 : memref<632x64xf32, #tpu.memory_space<hbm>>) dst(%dma_wait3A_70 : memref<632x64xf32, #tpu.memory_space<vmem_shared>>)
      tpu.yield
    }) : () -> ()
    "tpu.region"() ({
      %run_scoped3A = tpu.sem_alloc : memref<!tpu.dma_semaphore, #tpu.memory_space<semaphore_mem>>
      %dma_start3A_65 = arith.constant 0 : i32
      %dma_start3A_66 = arith.constant 0 : i32
      %dma_start3A_67 = tpu.memref_slice %arg3[%add3A, %dma_start3A_65, %dma_start3A_66] : memref<32x81x128xi32, #tpu.memory_space<hbm>> -> memref<1x81x128xi32, #tpu.memory_space<hbm>>
      %dma_start3A_68 = tpu.memref_squeeze %dma_start3A_67 : memref<1x81x128xi32, #tpu.memory_space<hbm>> -> memref<81x128xi32, #tpu.memory_space<hbm>>
      %dma_start3A_69 = arith.constant 0 : i32
      %dma_start3A_70 = arith.constant 0 : i32
      %dma_start3A_71 = tpu.memref_slice %arg3[%add3A, %dma_start3A_69, %dma_start3A_70] : memref<32x81x128xi32, #tpu.memory_space<hbm>> -> memref<1x81x128xi32, #tpu.memory_space<hbm>>
      %dma_start3A_72 = tpu.memref_squeeze %dma_start3A_71 : memref<1x81x128xi32, #tpu.memory_space<hbm>> -> memref<81x128xi32, #tpu.memory_space<hbm>>
      tpu.enqueue_dma source(%dma_start3A_72 : memref<81x128xi32, #tpu.memory_space<hbm>>) target(%arg7 : memref<81x128xi32, #tpu.memory_space<vmem>>) target_semaphore(%run_scoped3A : memref<!tpu.dma_semaphore, #tpu.memory_space<semaphore_mem>>)
      %dma_wait3A_73 = arith.constant 0 : i32
      %dma_wait3A_74 = arith.constant 0 : i32
      %dma_wait3A_75 = tpu.memref_slice %arg3[%add3A, %dma_wait3A_73, %dma_wait3A_74] : memref<32x81x128xi32, #tpu.memory_space<hbm>> -> memref<1x81x128xi32, #tpu.memory_space<hbm>>
      %dma_wait3A_76 = tpu.memref_squeeze %dma_wait3A_75 : memref<1x81x128xi32, #tpu.memory_space<hbm>> -> memref<81x128xi32, #tpu.memory_space<hbm>>
      %dma_wait3A_77 = arith.constant 0 : i32
      %dma_wait3A_78 = arith.constant 0 : i32
      %dma_wait3A_79 = tpu.memref_slice %arg3[%add3A, %dma_wait3A_77, %dma_wait3A_78] : memref<32x81x128xi32, #tpu.memory_space<hbm>> -> memref<1x81x128xi32, #tpu.memory_space<hbm>>
      %dma_wait3A_80 = tpu.memref_squeeze %dma_wait3A_79 : memref<1x81x128xi32, #tpu.memory_space<hbm>> -> memref<81x128xi32, #tpu.memory_space<hbm>>
      tpu.wait_dma2 semaphore(%run_scoped3A : memref<!tpu.dma_semaphore, #tpu.memory_space<semaphore_mem>>) src(%dma_wait3A_80 : memref<81x128xi32, #tpu.memory_space<hbm>>) dst(%arg7 : memref<81x128xi32, #tpu.memory_space<vmem>>)
      tpu.yield
    }) : () -> ()
    "tpu.region"() ({
      %run_scoped3A = tpu.sem_alloc : memref<!tpu.dma_semaphore, #tpu.memory_space<semaphore_mem>>
      %dma_start3A_65 = arith.constant 0 : i32
      %dma_start3A_66 = arith.constant 0 : i32
      %dma_start3A_67 = tpu.memref_slice %arg4[%add3A, %dma_start3A_65, %dma_start3A_66] : memref<32x81x128xi32, #tpu.memory_space<hbm>> -> memref<1x81x128xi32, #tpu.memory_space<hbm>>
      %dma_start3A_68 = tpu.memref_squeeze %dma_start3A_67 : memref<1x81x128xi32, #tpu.memory_space<hbm>> -> memref<81x128xi32, #tpu.memory_space<hbm>>
      %dma_start3A_69 = arith.constant 0 : i32
      %dma_start3A_70 = arith.constant 0 : i32
      %dma_start3A_71 = tpu.memref_slice %arg4[%add3A, %dma_start3A_69, %dma_start3A_70] : memref<32x81x128xi32, #tpu.memory_space<hbm>> -> memref<1x81x128xi32, #tpu.memory_space<hbm>>
      %dma_start3A_72 = tpu.memref_squeeze %dma_start3A_71 : memref<1x81x128xi32, #tpu.memory_space<hbm>> -> memref<81x128xi32, #tpu.memory_space<hbm>>
      tpu.enqueue_dma source(%dma_start3A_72 : memref<81x128xi32, #tpu.memory_space<hbm>>) target(%arg8 : memref<81x128xi32, #tpu.memory_space<vmem>>) target_semaphore(%run_scoped3A : memref<!tpu.dma_semaphore, #tpu.memory_space<semaphore_mem>>)
      %dma_wait3A_73 = arith.constant 0 : i32
      %dma_wait3A_74 = arith.constant 0 : i32
      %dma_wait3A_75 = tpu.memref_slice %arg4[%add3A, %dma_wait3A_73, %dma_wait3A_74] : memref<32x81x128xi32, #tpu.memory_space<hbm>> -> memref<1x81x128xi32, #tpu.memory_space<hbm>>
      %dma_wait3A_76 = tpu.memref_squeeze %dma_wait3A_75 : memref<1x81x128xi32, #tpu.memory_space<hbm>> -> memref<81x128xi32, #tpu.memory_space<hbm>>
      %dma_wait3A_77 = arith.constant 0 : i32
      %dma_wait3A_78 = arith.constant 0 : i32
      %dma_wait3A_79 = tpu.memref_slice %arg4[%add3A, %dma_wait3A_77, %dma_wait3A_78] : memref<32x81x128xi32, #tpu.memory_space<hbm>> -> memref<1x81x128xi32, #tpu.memory_space<hbm>>
      %dma_wait3A_80 = tpu.memref_squeeze %dma_wait3A_79 : memref<1x81x128xi32, #tpu.memory_space<hbm>> -> memref<81x128xi32, #tpu.memory_space<hbm>>
      tpu.wait_dma2 semaphore(%run_scoped3A : memref<!tpu.dma_semaphore, #tpu.memory_space<semaphore_mem>>) src(%dma_wait3A_80 : memref<81x128xi32, #tpu.memory_space<hbm>>) dst(%arg8 : memref<81x128xi32, #tpu.memory_space<vmem>>)
      tpu.yield
    }) : () -> ()
    %barrier3A = arith.constant 0 : index
    tpu.barrier barrier_id(%barrier3A)
    %dma_start3A = arith.constant 0 : i32
    %dma_start3A_9 = arith.constant 0 : i32
    %dma_start3A_10 = arith.constant 0 : i32
    %dma_start3A_11 = arith.constant 0 : i32
    %dma_start3A_12 = tpu.memref_slice %arg9[%dma_start3A_9, %dma_start3A_10, %dma_start3A_11] : memref<3x128x64xf32, #tpu.memory_space<vmem>> -> memref<1x128x64xf32, #tpu.memory_space<vmem>>
    %dma_start3A_13 = tpu.memref_squeeze %dma_start3A_12 : memref<1x128x64xf32, #tpu.memory_space<vmem>> -> memref<128x64xf32, #tpu.memory_space<vmem>>
    %dma_start3A_14 = arith.constant 0 : i32
    %dma_start3A_15 = tpu.memref_slice %arg7[%dma_start3A, %dma_start3A_14] : memref<81x128xi32, #tpu.memory_space<vmem>> -> memref<1x128xi32, #tpu.memory_space<vmem>>
    %dma_start3A_16 = tpu.memref_squeeze %dma_start3A_15 : memref<1x128xi32, #tpu.memory_space<vmem>> -> memref<128xi32, #tpu.memory_space<vmem>>
    %dma_start3A_17 = arith.constant 0 : i32
    %dma_start3A_18 = arith.constant 0 : i32
    %dma_start3A_19 = tpu.memref_slice %arg10[%dma_start3A_17, %dma_start3A_18] : memref<10112x64xf32, #tpu.memory_space<vmem_shared>> -> memref<10112x64xf32, #tpu.memory_space<vmem_shared>>
    tpu.enqueue_indirect_dma source(%dma_start3A_19 : memref<10112x64xf32, #tpu.memory_space<vmem_shared>>) target(%dma_start3A_13 : memref<128x64xf32, #tpu.memory_space<vmem>>) offsets(%dma_start3A_16 : memref<128xi32, #tpu.memory_space<vmem>>) semaphore(%arg12 : memref<!tpu.dma_semaphore, #tpu.memory_space<semaphore_mem>>)
    %dma_start3A_20 = arith.constant 1 : i32
    %dma_start3A_21 = arith.constant 1 : i32
    %dma_start3A_22 = arith.constant 0 : i32
    %dma_start3A_23 = arith.constant 0 : i32
    %dma_start3A_24 = tpu.memref_slice %arg9[%dma_start3A_21, %dma_start3A_22, %dma_start3A_23] : memref<3x128x64xf32, #tpu.memory_space<vmem>> -> memref<1x128x64xf32, #tpu.memory_space<vmem>>
    %dma_start3A_25 = tpu.memref_squeeze %dma_start3A_24 : memref<1x128x64xf32, #tpu.memory_space<vmem>> -> memref<128x64xf32, #tpu.memory_space<vmem>>
    %dma_start3A_26 = arith.constant 0 : i32
    %dma_start3A_27 = tpu.memref_slice %arg7[%dma_start3A_20, %dma_start3A_26] : memref<81x128xi32, #tpu.memory_space<vmem>> -> memref<1x128xi32, #tpu.memory_space<vmem>>
    %dma_start3A_28 = tpu.memref_squeeze %dma_start3A_27 : memref<1x128xi32, #tpu.memory_space<vmem>> -> memref<128xi32, #tpu.memory_space<vmem>>
    %dma_start3A_29 = arith.constant 0 : i32
    %dma_start3A_30 = arith.constant 0 : i32
    %dma_start3A_31 = tpu.memref_slice %arg10[%dma_start3A_29, %dma_start3A_30] : memref<10112x64xf32, #tpu.memory_space<vmem_shared>> -> memref<10112x64xf32, #tpu.memory_space<vmem_shared>>
    tpu.enqueue_indirect_dma source(%dma_start3A_31 : memref<10112x64xf32, #tpu.memory_space<vmem_shared>>) target(%dma_start3A_25 : memref<128x64xf32, #tpu.memory_space<vmem>>) offsets(%dma_start3A_28 : memref<128xi32, #tpu.memory_space<vmem>>) semaphore(%arg13 : memref<!tpu.dma_semaphore, #tpu.memory_space<semaphore_mem>>)
    %dma_start3A_32 = arith.constant 2 : i32
    %dma_start3A_33 = arith.constant 2 : i32
    %dma_start3A_34 = arith.constant 0 : i32
    %dma_start3A_35 = arith.constant 0 : i32
    %dma_start3A_36 = tpu.memref_slice %arg9[%dma_start3A_33, %dma_start3A_34, %dma_start3A_35] : memref<3x128x64xf32, #tpu.memory_space<vmem>> -> memref<1x128x64xf32, #tpu.memory_space<vmem>>
    %dma_start3A_37 = tpu.memref_squeeze %dma_start3A_36 : memref<1x128x64xf32, #tpu.memory_space<vmem>> -> memref<128x64xf32, #tpu.memory_space<vmem>>
    %dma_start3A_38 = arith.constant 0 : i32
    %dma_start3A_39 = tpu.memref_slice %arg7[%dma_start3A_32, %dma_start3A_38] : memref<81x128xi32, #tpu.memory_space<vmem>> -> memref<1x128xi32, #tpu.memory_space<vmem>>
    %dma_start3A_40 = tpu.memref_squeeze %dma_start3A_39 : memref<1x128xi32, #tpu.memory_space<vmem>> -> memref<128xi32, #tpu.memory_space<vmem>>
    %dma_start3A_41 = arith.constant 0 : i32
    %dma_start3A_42 = arith.constant 0 : i32
    %dma_start3A_43 = tpu.memref_slice %arg10[%dma_start3A_41, %dma_start3A_42] : memref<10112x64xf32, #tpu.memory_space<vmem_shared>> -> memref<10112x64xf32, #tpu.memory_space<vmem_shared>>
    tpu.enqueue_indirect_dma source(%dma_start3A_43 : memref<10112x64xf32, #tpu.memory_space<vmem_shared>>) target(%dma_start3A_37 : memref<128x64xf32, #tpu.memory_space<vmem>>) offsets(%dma_start3A_40 : memref<128xi32, #tpu.memory_space<vmem>>) semaphore(%arg14 : memref<!tpu.dma_semaphore, #tpu.memory_space<semaphore_mem>>)
    %scan3A = arith.constant 0 : i32
    %scan3A_44 = arith.constant 0 : i32
    %scan3A_45 = arith.constant 27 : i32
    %scan3A_46 = arith.addi %scan3A_44, %scan3A_45 : i32
    %scan3A_47 = arith.constant 1 : i32
    scf.for %scan3A_65 = %scan3A_44 to %scan3A_46 step %scan3A_47  : i32 {
      %mul3A_66 = arith.constant 3 : i32
      %mul3A_67 = arith.muli %scan3A_65, %mul3A_66 : i32
      %add3A_68 = arith.constant 0 : i32
      %add3A_69 = arith.addi %mul3A_67, %add3A_68 : i32
      %dma_wait3A_70 = arith.constant 0 : i32
      %dma_wait3A_71 = arith.constant 0 : i32
      %dma_wait3A_72 = arith.constant 0 : i32
      %dma_wait3A_73 = arith.constant 0 : i32
      %dma_wait3A_74 = tpu.memref_slice %arg9[%dma_wait3A_71, %dma_wait3A_72, %dma_wait3A_73] : memref<3x128x64xf32, #tpu.memory_space<vmem>> -> memref<1x128x64xf32, #tpu.memory_space<vmem>>
      %dma_wait3A_75 = tpu.memref_squeeze %dma_wait3A_74 : memref<1x128x64xf32, #tpu.memory_space<vmem>> -> memref<128x64xf32, #tpu.memory_space<vmem>>
      %dma_wait3A_76 = arith.constant 0 : i32
      %dma_wait3A_77 = tpu.memref_slice %arg7[%dma_wait3A_70, %dma_wait3A_76] : memref<81x128xi32, #tpu.memory_space<vmem>> -> memref<1x128xi32, #tpu.memory_space<vmem>>
      %dma_wait3A_78 = tpu.memref_squeeze %dma_wait3A_77 : memref<1x128xi32, #tpu.memory_space<vmem>> -> memref<128xi32, #tpu.memory_space<vmem>>
      %dma_wait3A_79 = arith.constant 0 : i32
      %dma_wait3A_80 = arith.constant 0 : i32
      %dma_wait3A_81 = tpu.memref_slice %arg10[%dma_wait3A_79, %dma_wait3A_80] : memref<10112x64xf32, #tpu.memory_space<vmem_shared>> -> memref<10112x64xf32, #tpu.memory_space<vmem_shared>>
      tpu.wait_indirect_dma semaphore(%arg12 : memref<!tpu.dma_semaphore, #tpu.memory_space<semaphore_mem>>) src(%dma_wait3A_81 : memref<10112x64xf32, #tpu.memory_space<vmem_shared>>) dst(%dma_wait3A_75 : memref<128x64xf32, #tpu.memory_space<vmem>>)
      %dma_start3A_82 = arith.constant 0 : i32
      %dma_start3A_83 = arith.constant 0 : i32
      %dma_start3A_84 = arith.constant 0 : i32
      %dma_start3A_85 = tpu.memref_slice %arg9[%dma_start3A_82, %dma_start3A_83, %dma_start3A_84] : memref<3x128x64xf32, #tpu.memory_space<vmem>> -> memref<1x128x64xf32, #tpu.memory_space<vmem>>
      %dma_start3A_86 = tpu.memref_squeeze %dma_start3A_85 : memref<1x128x64xf32, #tpu.memory_space<vmem>> -> memref<128x64xf32, #tpu.memory_space<vmem>>
      %dma_start3A_87 = arith.constant 0 : i32
      %dma_start3A_88 = tpu.memref_slice %arg8[%add3A_69, %dma_start3A_87] : memref<81x128xi32, #tpu.memory_space<vmem>> -> memref<1x128xi32, #tpu.memory_space<vmem>>
      %dma_start3A_89 = tpu.memref_squeeze %dma_start3A_88 : memref<1x128xi32, #tpu.memory_space<vmem>> -> memref<128xi32, #tpu.memory_space<vmem>>
      %dma_start3A_90 = arith.constant 0 : i32
      %dma_start3A_91 = arith.constant 0 : i32
      %dma_start3A_92 = tpu.memref_slice %arg11[%dma_start3A_90, %dma_start3A_91] : memref<10112x64xf32, #tpu.memory_space<vmem_shared>> -> memref<10112x64xf32, #tpu.memory_space<vmem_shared>>
      tpu.enqueue_indirect_dma source(%dma_start3A_86 : memref<128x64xf32, #tpu.memory_space<vmem>>) target(%dma_start3A_92 : memref<10112x64xf32, #tpu.memory_space<vmem_shared>>) offsets(%dma_start3A_89 : memref<128xi32, #tpu.memory_space<vmem>>) semaphore(%arg15 : memref<!tpu.dma_semaphore, #tpu.memory_space<semaphore_mem>>) {add = true}
      %gt3A = arith.constant 0 : i32
      %gt3A_93 = arith.cmpi sgt, %scan3A_65, %gt3A : i32
      %convert_element_type3A = arith.extui %gt3A_93 : i1 to i32
      %cond3A = arith.constant 0 : i32
      %cond3A_94 = arith.cmpi ne, %convert_element_type3A, %cond3A : i32
      scf.if %cond3A_94 {
        %dma_wait3A_200 = arith.constant 2 : i32
        %dma_wait3A_201 = arith.constant 0 : i32
        %dma_wait3A_202 = arith.constant 0 : i32
        %dma_wait3A_203 = arith.constant 0 : i32
        %dma_wait3A_204 = tpu.memref_slice %arg9[%dma_wait3A_200, %dma_wait3A_202, %dma_wait3A_203] : memref<3x128x64xf32, #tpu.memory_space<vmem>> -> memref<1x128x64xf32, #tpu.memory_space<vmem>>
        %dma_wait3A_205 = tpu.memref_squeeze %dma_wait3A_204 : memref<1x128x64xf32, #tpu.memory_space<vmem>> -> memref<128x64xf32, #tpu.memory_space<vmem>>
        %dma_wait3A_206 = arith.constant 0 : i32
        %dma_wait3A_207 = tpu.memref_slice %arg8[%dma_wait3A_201, %dma_wait3A_206] : memref<81x128xi32, #tpu.memory_space<vmem>> -> memref<1x128xi32, #tpu.memory_space<vmem>>
        %dma_wait3A_208 = tpu.memref_squeeze %dma_wait3A_207 : memref<1x128xi32, #tpu.memory_space<vmem>> -> memref<128xi32, #tpu.memory_space<vmem>>
        %dma_wait3A_209 = arith.constant 0 : i32
        %dma_wait3A_210 = arith.constant 0 : i32
        %dma_wait3A_211 = tpu.memref_slice %arg11[%dma_wait3A_209, %dma_wait3A_210] : memref<10112x64xf32, #tpu.memory_space<vmem_shared>> -> memref<10112x64xf32, #tpu.memory_space<vmem_shared>>
        tpu.wait_indirect_dma semaphore(%arg17 : memref<!tpu.dma_semaphore, #tpu.memory_space<semaphore_mem>>) src(%dma_wait3A_205 : memref<128x64xf32, #tpu.memory_space<vmem>>) dst(%dma_wait3A_211 : memref<10112x64xf32, #tpu.memory_space<vmem_shared>>)
      } else {
      }
      %gt3A_95 = arith.constant 0 : i32
      %gt3A_96 = arith.cmpi sgt, %scan3A_65, %gt3A_95 : i32
      %add3A_97 = arith.constant 3 : i32
      %add3A_98 = arith.addi %add3A_69, %add3A_97 : i32
      %sub3A = arith.constant 1 : i32
      %sub3A_99 = arith.subi %add3A_98, %sub3A : i32
      %lt3A = arith.constant 81 : i32
      %lt3A_100 = arith.cmpi slt, %sub3A_99, %lt3A : i32
      %and3A = arith.andi %gt3A_96, %lt3A_100 : i1
      %convert_element_type3A_101 = arith.extui %and3A : i1 to i32
      %cond3A_102 = arith.constant 0 : i32
      %cond3A_103 = arith.cmpi ne, %convert_element_type3A_101, %cond3A_102 : i32
      scf.if %cond3A_103 {
        %add3A_200 = arith.constant 3 : i32
        %add3A_201 = arith.addi %add3A_69, %add3A_200 : i32
        %sub3A_202 = arith.constant 1 : i32
        %sub3A_203 = arith.subi %add3A_201, %sub3A_202 : i32
        %dma_start3A_204 = arith.constant 2 : i32
        %dma_start3A_205 = arith.constant 0 : i32
        %dma_start3A_206 = arith.constant 0 : i32
        %dma_start3A_207 = tpu.memref_slice %arg9[%dma_start3A_204, %dma_start3A_205, %dma_start3A_206] : memref<3x128x64xf32, #tpu.memory_space<vmem>> -> memref<1x128x64xf32, #tpu.memory_space<vmem>>
        %dma_start3A_208 = tpu.memref_squeeze %dma_start3A_207 : memref<1x128x64xf32, #tpu.memory_space<vmem>> -> memref<128x64xf32, #tpu.memory_space<vmem>>
        %dma_start3A_209 = arith.constant 0 : i32
        %dma_start3A_210 = tpu.memref_slice %arg7[%sub3A_203, %dma_start3A_209] : memref<81x128xi32, #tpu.memory_space<vmem>> -> memref<1x128xi32, #tpu.memory_space<vmem>>
        %dma_start3A_211 = tpu.memref_squeeze %dma_start3A_210 : memref<1x128xi32, #tpu.memory_space<vmem>> -> memref<128xi32, #tpu.memory_space<vmem>>
        %dma_start3A_212 = arith.constant 0 : i32
        %dma_start3A_213 = arith.constant 0 : i32
        %dma_start3A_214 = tpu.memref_slice %arg10[%dma_start3A_212, %dma_start3A_213] : memref<10112x64xf32, #tpu.memory_space<vmem_shared>> -> memref<10112x64xf32, #tpu.memory_space<vmem_shared>>
        tpu.enqueue_indirect_dma source(%dma_start3A_214 : memref<10112x64xf32, #tpu.memory_space<vmem_shared>>) target(%dma_start3A_208 : memref<128x64xf32, #tpu.memory_space<vmem>>) offsets(%dma_start3A_211 : memref<128xi32, #tpu.memory_space<vmem>>) semaphore(%arg14 : memref<!tpu.dma_semaphore, #tpu.memory_space<semaphore_mem>>)
      } else {
      }
      %mul3A_104 = arith.constant 3 : i32
      %mul3A_105 = arith.muli %scan3A_65, %mul3A_104 : i32
      %add3A_106 = arith.constant 1 : i32
      %add3A_107 = arith.addi %mul3A_105, %add3A_106 : i32
      %dma_wait3A_108 = arith.constant 0 : i32
      %dma_wait3A_109 = arith.constant 1 : i32
      %dma_wait3A_110 = arith.constant 0 : i32
      %dma_wait3A_111 = arith.constant 0 : i32
      %dma_wait3A_112 = tpu.memref_slice %arg9[%dma_wait3A_109, %dma_wait3A_110, %dma_wait3A_111] : memref<3x128x64xf32, #tpu.memory_space<vmem>> -> memref<1x128x64xf32, #tpu.memory_space<vmem>>
      %dma_wait3A_113 = tpu.memref_squeeze %dma_wait3A_112 : memref<1x128x64xf32, #tpu.memory_space<vmem>> -> memref<128x64xf32, #tpu.memory_space<vmem>>
      %dma_wait3A_114 = arith.constant 0 : i32
      %dma_wait3A_115 = tpu.memref_slice %arg7[%dma_wait3A_108, %dma_wait3A_114] : memref<81x128xi32, #tpu.memory_space<vmem>> -> memref<1x128xi32, #tpu.memory_space<vmem>>
      %dma_wait3A_116 = tpu.memref_squeeze %dma_wait3A_115 : memref<1x128xi32, #tpu.memory_space<vmem>> -> memref<128xi32, #tpu.memory_space<vmem>>
      %dma_wait3A_117 = arith.constant 0 : i32
      %dma_wait3A_118 = arith.constant 0 : i32
      %dma_wait3A_119 = tpu.memref_slice %arg10[%dma_wait3A_117, %dma_wait3A_118] : memref<10112x64xf32, #tpu.memory_space<vmem_shared>> -> memref<10112x64xf32, #tpu.memory_space<vmem_shared>>
      tpu.wait_indirect_dma semaphore(%arg13 : memref<!tpu.dma_semaphore, #tpu.memory_space<semaphore_mem>>) src(%dma_wait3A_119 : memref<10112x64xf32, #tpu.memory_space<vmem_shared>>) dst(%dma_wait3A_113 : memref<128x64xf32, #tpu.memory_space<vmem>>)
      %dma_start3A_120 = arith.constant 1 : i32
      %dma_start3A_121 = arith.constant 0 : i32
      %dma_start3A_122 = arith.constant 0 : i32
      %dma_start3A_123 = tpu.memref_slice %arg9[%dma_start3A_120, %dma_start3A_121, %dma_start3A_122] : memref<3x128x64xf32, #tpu.memory_space<vmem>> -> memref<1x128x64xf32, #tpu.memory_space<vmem>>
      %dma_start3A_124 = tpu.memref_squeeze %dma_start3A_123 : memref<1x128x64xf32, #tpu.memory_space<vmem>> -> memref<128x64xf32, #tpu.memory_space<vmem>>
      %dma_start3A_125 = arith.constant 0 : i32
      %dma_start3A_126 = tpu.memref_slice %arg8[%add3A_107, %dma_start3A_125] : memref<81x128xi32, #tpu.memory_space<vmem>> -> memref<1x128xi32, #tpu.memory_space<vmem>>
      %dma_start3A_127 = tpu.memref_squeeze %dma_start3A_126 : memref<1x128xi32, #tpu.memory_space<vmem>> -> memref<128xi32, #tpu.memory_space<vmem>>
      %dma_start3A_128 = arith.constant 0 : i32
      %dma_start3A_129 = arith.constant 0 : i32
      %dma_start3A_130 = tpu.memref_slice %arg11[%dma_start3A_128, %dma_start3A_129] : memref<10112x64xf32, #tpu.memory_space<vmem_shared>> -> memref<10112x64xf32, #tpu.memory_space<vmem_shared>>
      tpu.enqueue_indirect_dma source(%dma_start3A_124 : memref<128x64xf32, #tpu.memory_space<vmem>>) target(%dma_start3A_130 : memref<10112x64xf32, #tpu.memory_space<vmem_shared>>) offsets(%dma_start3A_127 : memref<128xi32, #tpu.memory_space<vmem>>) semaphore(%arg16 : memref<!tpu.dma_semaphore, #tpu.memory_space<semaphore_mem>>) {add = true}
      %dma_wait3A_131 = arith.constant 0 : i32
      %dma_wait3A_132 = arith.constant 0 : i32
      %dma_wait3A_133 = arith.constant 0 : i32
      %dma_wait3A_134 = arith.constant 0 : i32
      %dma_wait3A_135 = tpu.memref_slice %arg9[%dma_wait3A_131, %dma_wait3A_133, %dma_wait3A_134] : memref<3x128x64xf32, #tpu.memory_space<vmem>> -> memref<1x128x64xf32, #tpu.memory_space<vmem>>
      %dma_wait3A_136 = tpu.memref_squeeze %dma_wait3A_135 : memref<1x128x64xf32, #tpu.memory_space<vmem>> -> memref<128x64xf32, #tpu.memory_space<vmem>>
      %dma_wait3A_137 = arith.constant 0 : i32
      %dma_wait3A_138 = tpu.memref_slice %arg8[%dma_wait3A_132, %dma_wait3A_137] : memref<81x128xi32, #tpu.memory_space<vmem>> -> memref<1x128xi32, #tpu.memory_space<vmem>>
      %dma_wait3A_139 = tpu.memref_squeeze %dma_wait3A_138 : memref<1x128xi32, #tpu.memory_space<vmem>> -> memref<128xi32, #tpu.memory_space<vmem>>
      %dma_wait3A_140 = arith.constant 0 : i32
      %dma_wait3A_141 = arith.constant 0 : i32
      %dma_wait3A_142 = tpu.memref_slice %arg11[%dma_wait3A_140, %dma_wait3A_141] : memref<10112x64xf32, #tpu.memory_space<vmem_shared>> -> memref<10112x64xf32, #tpu.memory_space<vmem_shared>>
      tpu.wait_indirect_dma semaphore(%arg15 : memref<!tpu.dma_semaphore, #tpu.memory_space<semaphore_mem>>) src(%dma_wait3A_136 : memref<128x64xf32, #tpu.memory_space<vmem>>) dst(%dma_wait3A_142 : memref<10112x64xf32, #tpu.memory_space<vmem_shared>>)
      %add3A_143 = arith.constant 3 : i32
      %add3A_144 = arith.addi %add3A_107, %add3A_143 : i32
      %sub3A_145 = arith.constant 1 : i32
      %sub3A_146 = arith.subi %add3A_144, %sub3A_145 : i32
      %lt3A_147 = arith.constant 81 : i32
      %lt3A_148 = arith.cmpi slt, %sub3A_146, %lt3A_147 : i32
      %convert_element_type3A_149 = arith.extui %lt3A_148 : i1 to i32
      %cond3A_150 = arith.constant 0 : i32
      %cond3A_151 = arith.cmpi ne, %convert_element_type3A_149, %cond3A_150 : i32
      scf.if %cond3A_151 {
        %add3A_200 = arith.constant 3 : i32
        %add3A_201 = arith.addi %add3A_107, %add3A_200 : i32
        %sub3A_202 = arith.constant 1 : i32
        %sub3A_203 = arith.subi %add3A_201, %sub3A_202 : i32
        %dma_start3A_204 = arith.constant 0 : i32
        %dma_start3A_205 = arith.constant 0 : i32
        %dma_start3A_206 = arith.constant 0 : i32
        %dma_start3A_207 = tpu.memref_slice %arg9[%dma_start3A_204, %dma_start3A_205, %dma_start3A_206] : memref<3x128x64xf32, #tpu.memory_space<vmem>> -> memref<1x128x64xf32, #tpu.memory_space<vmem>>
        %dma_start3A_208 = tpu.memref_squeeze %dma_start3A_207 : memref<1x128x64xf32, #tpu.memory_space<vmem>> -> memref<128x64xf32, #tpu.memory_space<vmem>>
        %dma_start3A_209 = arith.constant 0 : i32
        %dma_start3A_210 = tpu.memref_slice %arg7[%sub3A_203, %dma_start3A_209] : memref<81x128xi32, #tpu.memory_space<vmem>> -> memref<1x128xi32, #tpu.memory_space<vmem>>
        %dma_start3A_211 = tpu.memref_squeeze %dma_start3A_210 : memref<1x128xi32, #tpu.memory_space<vmem>> -> memref<128xi32, #tpu.memory_space<vmem>>
        %dma_start3A_212 = arith.constant 0 : i32
        %dma_start3A_213 = arith.constant 0 : i32
        %dma_start3A_214 = tpu.memref_slice %arg10[%dma_start3A_212, %dma_start3A_213] : memref<10112x64xf32, #tpu.memory_space<vmem_shared>> -> memref<10112x64xf32, #tpu.memory_space<vmem_shared>>
        tpu.enqueue_indirect_dma source(%dma_start3A_214 : memref<10112x64xf32, #tpu.memory_space<vmem_shared>>) target(%dma_start3A_208 : memref<128x64xf32, #tpu.memory_space<vmem>>) offsets(%dma_start3A_211 : memref<128xi32, #tpu.memory_space<vmem>>) semaphore(%arg12 : memref<!tpu.dma_semaphore, #tpu.memory_space<semaphore_mem>>)
      } else {
      }
      %mul3A_152 = arith.constant 3 : i32
      %mul3A_153 = arith.muli %scan3A_65, %mul3A_152 : i32
      %add3A_154 = arith.constant 2 : i32
      %add3A_155 = arith.addi %mul3A_153, %add3A_154 : i32
      %dma_wait3A_156 = arith.constant 0 : i32
      %dma_wait3A_157 = arith.constant 2 : i32
      %dma_wait3A_158 = arith.constant 0 : i32
      %dma_wait3A_159 = arith.constant 0 : i32
      %dma_wait3A_160 = tpu.memref_slice %arg9[%dma_wait3A_157, %dma_wait3A_158, %dma_wait3A_159] : memref<3x128x64xf32, #tpu.memory_space<vmem>> -> memref<1x128x64xf32, #tpu.memory_space<vmem>>
      %dma_wait3A_161 = tpu.memref_squeeze %dma_wait3A_160 : memref<1x128x64xf32, #tpu.memory_space<vmem>> -> memref<128x64xf32, #tpu.memory_space<vmem>>
      %dma_wait3A_162 = arith.constant 0 : i32
      %dma_wait3A_163 = tpu.memref_slice %arg7[%dma_wait3A_156, %dma_wait3A_162] : memref<81x128xi32, #tpu.memory_space<vmem>> -> memref<1x128xi32, #tpu.memory_space<vmem>>
      %dma_wait3A_164 = tpu.memref_squeeze %dma_wait3A_163 : memref<1x128xi32, #tpu.memory_space<vmem>> -> memref<128xi32, #tpu.memory_space<vmem>>
      %dma_wait3A_165 = arith.constant 0 : i32
      %dma_wait3A_166 = arith.constant 0 : i32
      %dma_wait3A_167 = tpu.memref_slice %arg10[%dma_wait3A_165, %dma_wait3A_166] : memref<10112x64xf32, #tpu.memory_space<vmem_shared>> -> memref<10112x64xf32, #tpu.memory_space<vmem_shared>>
      tpu.wait_indirect_dma semaphore(%arg14 : memref<!tpu.dma_semaphore, #tpu.memory_space<semaphore_mem>>) src(%dma_wait3A_167 : memref<10112x64xf32, #tpu.memory_space<vmem_shared>>) dst(%dma_wait3A_161 : memref<128x64xf32, #tpu.memory_space<vmem>>)
      %dma_start3A_168 = arith.constant 2 : i32
      %dma_start3A_169 = arith.constant 0 : i32
      %dma_start3A_170 = arith.constant 0 : i32
      %dma_start3A_171 = tpu.memref_slice %arg9[%dma_start3A_168, %dma_start3A_169, %dma_start3A_170] : memref<3x128x64xf32, #tpu.memory_space<vmem>> -> memref<1x128x64xf32, #tpu.memory_space<vmem>>
      %dma_start3A_172 = tpu.memref_squeeze %dma_start3A_171 : memref<1x128x64xf32, #tpu.memory_space<vmem>> -> memref<128x64xf32, #tpu.memory_space<vmem>>
      %dma_start3A_173 = arith.constant 0 : i32
      %dma_start3A_174 = tpu.memref_slice %arg8[%add3A_155, %dma_start3A_173] : memref<81x128xi32, #tpu.memory_space<vmem>> -> memref<1x128xi32, #tpu.memory_space<vmem>>
      %dma_start3A_175 = tpu.memref_squeeze %dma_start3A_174 : memref<1x128xi32, #tpu.memory_space<vmem>> -> memref<128xi32, #tpu.memory_space<vmem>>
      %dma_start3A_176 = arith.constant 0 : i32
      %dma_start3A_177 = arith.constant 0 : i32
      %dma_start3A_178 = tpu.memref_slice %arg11[%dma_start3A_176, %dma_start3A_177] : memref<10112x64xf32, #tpu.memory_space<vmem_shared>> -> memref<10112x64xf32, #tpu.memory_space<vmem_shared>>
      tpu.enqueue_indirect_dma source(%dma_start3A_172 : memref<128x64xf32, #tpu.memory_space<vmem>>) target(%dma_start3A_178 : memref<10112x64xf32, #tpu.memory_space<vmem_shared>>) offsets(%dma_start3A_175 : memref<128xi32, #tpu.memory_space<vmem>>) semaphore(%arg17 : memref<!tpu.dma_semaphore, #tpu.memory_space<semaphore_mem>>) {add = true}
      %dma_wait3A_179 = arith.constant 1 : i32
      %dma_wait3A_180 = arith.constant 0 : i32
      %dma_wait3A_181 = arith.constant 0 : i32
      %dma_wait3A_182 = arith.constant 0 : i32
      %dma_wait3A_183 = tpu.memref_slice %arg9[%dma_wait3A_179, %dma_wait3A_181, %dma_wait3A_182] : memref<3x128x64xf32, #tpu.memory_space<vmem>> -> memref<1x128x64xf32, #tpu.memory_space<vmem>>
      %dma_wait3A_184 = tpu.memref_squeeze %dma_wait3A_183 : memref<1x128x64xf32, #tpu.memory_space<vmem>> -> memref<128x64xf32, #tpu.memory_space<vmem>>
      %dma_wait3A_185 = arith.constant 0 : i32
      %dma_wait3A_186 = tpu.memref_slice %arg8[%dma_wait3A_180, %dma_wait3A_185] : memref<81x128xi32, #tpu.memory_space<vmem>> -> memref<1x128xi32, #tpu.memory_space<vmem>>
      %dma_wait3A_187 = tpu.memref_squeeze %dma_wait3A_186 : memref<1x128xi32, #tpu.memory_space<vmem>> -> memref<128xi32, #tpu.memory_space<vmem>>
      %dma_wait3A_188 = arith.constant 0 : i32
      %dma_wait3A_189 = arith.constant 0 : i32
      %dma_wait3A_190 = tpu.memref_slice %arg11[%dma_wait3A_188, %dma_wait3A_189] : memref<10112x64xf32, #tpu.memory_space<vmem_shared>> -> memref<10112x64xf32, #tpu.memory_space<vmem_shared>>
      tpu.wait_indirect_dma semaphore(%arg16 : memref<!tpu.dma_semaphore, #tpu.memory_space<semaphore_mem>>) src(%dma_wait3A_184 : memref<128x64xf32, #tpu.memory_space<vmem>>) dst(%dma_wait3A_190 : memref<10112x64xf32, #tpu.memory_space<vmem_shared>>)
      %add3A_191 = arith.constant 3 : i32
      %add3A_192 = arith.addi %add3A_155, %add3A_191 : i32
      %sub3A_193 = arith.constant 1 : i32
      %sub3A_194 = arith.subi %add3A_192, %sub3A_193 : i32
      %lt3A_195 = arith.constant 81 : i32
      %lt3A_196 = arith.cmpi slt, %sub3A_194, %lt3A_195 : i32
      %convert_element_type3A_197 = arith.extui %lt3A_196 : i1 to i32
      %cond3A_198 = arith.constant 0 : i32
      %cond3A_199 = arith.cmpi ne, %convert_element_type3A_197, %cond3A_198 : i32
      scf.if %cond3A_199 {
        %add3A_200 = arith.constant 3 : i32
        %add3A_201 = arith.addi %add3A_155, %add3A_200 : i32
        %sub3A_202 = arith.constant 1 : i32
        %sub3A_203 = arith.subi %add3A_201, %sub3A_202 : i32
        %dma_start3A_204 = arith.constant 1 : i32
        %dma_start3A_205 = arith.constant 0 : i32
        %dma_start3A_206 = arith.constant 0 : i32
        %dma_start3A_207 = tpu.memref_slice %arg9[%dma_start3A_204, %dma_start3A_205, %dma_start3A_206] : memref<3x128x64xf32, #tpu.memory_space<vmem>> -> memref<1x128x64xf32, #tpu.memory_space<vmem>>
        %dma_start3A_208 = tpu.memref_squeeze %dma_start3A_207 : memref<1x128x64xf32, #tpu.memory_space<vmem>> -> memref<128x64xf32, #tpu.memory_space<vmem>>
        %dma_start3A_209 = arith.constant 0 : i32
        %dma_start3A_210 = tpu.memref_slice %arg7[%sub3A_203, %dma_start3A_209] : memref<81x128xi32, #tpu.memory_space<vmem>> -> memref<1x128xi32, #tpu.memory_space<vmem>>
        %dma_start3A_211 = tpu.memref_squeeze %dma_start3A_210 : memref<1x128xi32, #tpu.memory_space<vmem>> -> memref<128xi32, #tpu.memory_space<vmem>>
        %dma_start3A_212 = arith.constant 0 : i32
        %dma_start3A_213 = arith.constant 0 : i32
        %dma_start3A_214 = tpu.memref_slice %arg10[%dma_start3A_212, %dma_start3A_213] : memref<10112x64xf32, #tpu.memory_space<vmem_shared>> -> memref<10112x64xf32, #tpu.memory_space<vmem_shared>>
        tpu.enqueue_indirect_dma source(%dma_start3A_214 : memref<10112x64xf32, #tpu.memory_space<vmem_shared>>) target(%dma_start3A_208 : memref<128x64xf32, #tpu.memory_space<vmem>>) offsets(%dma_start3A_211 : memref<128xi32, #tpu.memory_space<vmem>>) semaphore(%arg13 : memref<!tpu.dma_semaphore, #tpu.memory_space<semaphore_mem>>)
      } else {
      }
    }
    %scan3A_48 = arith.constant 27 : i32
    %dma_wait3A = arith.constant 2 : i32
    %dma_wait3A_49 = arith.constant 0 : i32
    %dma_wait3A_50 = arith.constant 0 : i32
    %dma_wait3A_51 = arith.constant 0 : i32
    %dma_wait3A_52 = tpu.memref_slice %arg9[%dma_wait3A, %dma_wait3A_50, %dma_wait3A_51] : memref<3x128x64xf32, #tpu.memory_space<vmem>> -> memref<1x128x64xf32, #tpu.memory_space<vmem>>
    %dma_wait3A_53 = tpu.memref_squeeze %dma_wait3A_52 : memref<1x128x64xf32, #tpu.memory_space<vmem>> -> memref<128x64xf32, #tpu.memory_space<vmem>>
    %dma_wait3A_54 = arith.constant 0 : i32
    %dma_wait3A_55 = tpu.memref_slice %arg8[%dma_wait3A_49, %dma_wait3A_54] : memref<81x128xi32, #tpu.memory_space<vmem>> -> memref<1x128xi32, #tpu.memory_space<vmem>>
    %dma_wait3A_56 = tpu.memref_squeeze %dma_wait3A_55 : memref<1x128xi32, #tpu.memory_space<vmem>> -> memref<128xi32, #tpu.memory_space<vmem>>
    %dma_wait3A_57 = arith.constant 0 : i32
    %dma_wait3A_58 = arith.constant 0 : i32
    %dma_wait3A_59 = tpu.memref_slice %arg11[%dma_wait3A_57, %dma_wait3A_58] : memref<10112x64xf32, #tpu.memory_space<vmem_shared>> -> memref<10112x64xf32, #tpu.memory_space<vmem_shared>>
    tpu.wait_indirect_dma semaphore(%arg17 : memref<!tpu.dma_semaphore, #tpu.memory_space<semaphore_mem>>) src(%dma_wait3A_53 : memref<128x64xf32, #tpu.memory_space<vmem>>) dst(%dma_wait3A_59 : memref<10112x64xf32, #tpu.memory_space<vmem_shared>>)
    %barrier3A_60 = arith.constant 0 : index
    tpu.barrier barrier_id(%barrier3A_60)
    %mul3A_61 = arith.constant 632 : i32
    %mul3A_62 = arith.muli %arg1, %mul3A_61 : i32
    %mul3A_63 = arith.constant 632 : i32
    %mul3A_64 = arith.muli %arg1, %mul3A_63 : i32
    "tpu.region"() ({
      %run_scoped3A = tpu.sem_alloc : memref<!tpu.dma_semaphore, #tpu.memory_space<semaphore_mem>>
      %dma_start3A_65 = arith.constant 0 : i32
      %dma_start3A_66 = tpu.memref_slice %arg6[%arg0, %mul3A_64, %dma_start3A_65] : memref<2x10112x64xf32, #tpu.memory_space<hbm>> -> memref<1x632x64xf32, #tpu.memory_space<hbm>>
      %dma_start3A_67 = tpu.memref_squeeze %dma_start3A_66 : memref<1x632x64xf32, #tpu.memory_space<hbm>> -> memref<632x64xf32, #tpu.memory_space<hbm>>
      %dma_start3A_68 = arith.constant 0 : i32
      %dma_start3A_69 = tpu.memref_slice %arg11[%mul3A_62, %dma_start3A_68] : memref<10112x64xf32, #tpu.memory_space<vmem_shared>> -> memref<632x64xf32, #tpu.memory_space<vmem_shared>>
      tpu.enqueue_dma source(%dma_start3A_69 : memref<632x64xf32, #tpu.memory_space<vmem_shared>>) target(%dma_start3A_67 : memref<632x64xf32, #tpu.memory_space<hbm>>) target_semaphore(%run_scoped3A : memref<!tpu.dma_semaphore, #tpu.memory_space<semaphore_mem>>)
      %dma_wait3A_70 = arith.constant 0 : i32
      %dma_wait3A_71 = tpu.memref_slice %arg6[%arg0, %mul3A_64, %dma_wait3A_70] : memref<2x10112x64xf32, #tpu.memory_space<hbm>> -> memref<1x632x64xf32, #tpu.memory_space<hbm>>
      %dma_wait3A_72 = tpu.memref_squeeze %dma_wait3A_71 : memref<1x632x64xf32, #tpu.memory_space<hbm>> -> memref<632x64xf32, #tpu.memory_space<hbm>>
      %dma_wait3A_73 = arith.constant 0 : i32
      %dma_wait3A_74 = tpu.memref_slice %arg11[%mul3A_62, %dma_wait3A_73] : memref<10112x64xf32, #tpu.memory_space<vmem_shared>> -> memref<632x64xf32, #tpu.memory_space<vmem_shared>>
      tpu.wait_dma2 semaphore(%run_scoped3A : memref<!tpu.dma_semaphore, #tpu.memory_space<semaphore_mem>>) src(%dma_wait3A_74 : memref<632x64xf32, #tpu.memory_space<vmem_shared>>) dst(%dma_wait3A_72 : memref<632x64xf32, #tpu.memory_space<hbm>>)
      tpu.yield
    }) : () -> ()
    return
  }
}

#map = affine_map<(d0, d1) -> (0, 0)>
#map1 = affine_map<(d0, d1) -> (0, 0, 0)>
module attributes {stable_mosaic.version = 14 : i64} {
  func.func @_hop(%arg0: i32, %arg1: i32, %arg2: memref<10112x64xf32, #tpu.memory_space<hbm>>, %arg3: memref<32x81x128xi32, #tpu.memory_space<hbm>>, %arg4: memref<32x81x128xi32, #tpu.memory_space<hbm>>, %arg5: memref<10112x64xf32, #tpu.memory_space<hbm>>, %arg6: memref<2x10112x64xf32, #tpu.memory_space<hbm>>, %arg7: memref<81x128xi32, #tpu.memory_space<vmem>>, %arg8: memref<81x128xi32, #tpu.memory_space<vmem>>, %arg9: memref<3x128x64xf32, #tpu.memory_space<vmem>>, %arg10: memref<10112x64xf32, #tpu.memory_space<vmem_shared>>, %arg11: memref<10112x64xf32, #tpu.memory_space<vmem_shared>>, %arg12: memref<!tpu.dma_semaphore, #tpu.memory_space<semaphore_mem>>, %arg13: memref<!tpu.dma_semaphore, #tpu.memory_space<semaphore_mem>>, %arg14: memref<!tpu.dma_semaphore, #tpu.memory_space<semaphore_mem>>, %arg15: memref<!tpu.dma_semaphore, #tpu.memory_space<semaphore_mem>>, %arg16: memref<!tpu.dma_semaphore, #tpu.memory_space<semaphore_mem>>, %arg17: memref<!tpu.dma_semaphore, #tpu.memory_space<semaphore_mem>>) attributes {dimension_semantics = [#tpu.dimension_semantics<core_parallel>, #tpu.dimension_semantics<subcore_parallel>], iteration_bounds = array<i64: 2, 16>, scalar_prefetch = 0 : i64, scratch_operands = 11 : i64, tpu.core_type = #tpu.core_type<sc_vector_subcore>, window_params = [{transform_indices = #map}, {transform_indices = #map1}, {transform_indices = #map1}, {transform_indices = #map}, {transform_indices = #map1}]} {
    %mul3A = arith.constant 2 : i32
    %mul3A_0 = arith.muli %arg1, %mul3A : i32
    %add3A = arith.addi %mul3A_0, %arg0 : i32
    %mul3A_1 = arith.constant 632 : i32
    %mul3A_2 = arith.muli %arg1, %mul3A_1 : i32
    %mul3A_3 = arith.constant 632 : i32
    %mul3A_4 = arith.muli %arg1, %mul3A_3 : i32
    "tpu.region"() ({
      %run_scoped3A = tpu.sem_alloc : memref<!tpu.dma_semaphore, #tpu.memory_space<semaphore_mem>>
      %dma_start3A_65 = arith.constant 0 : i32
      %dma_start3A_66 = tpu.memref_slice %arg11[%mul3A_4, %dma_start3A_65] : memref<10112x64xf32, #tpu.memory_space<vmem_shared>> -> memref<632x64xf32, #tpu.memory_space<vmem_shared>>
      %dma_start3A_67 = arith.constant 0 : i32
      %dma_start3A_68 = tpu.memref_slice %arg5[%mul3A_2, %dma_start3A_67] : memref<10112x64xf32, #tpu.memory_space<hbm>> -> memref<632x64xf32, #tpu.memory_space<hbm>>
      tpu.enqueue_dma source(%dma_start3A_68 : memref<632x64xf32, #tpu.memory_space<hbm>>) target(%dma_start3A_66 : memref<632x64xf32, #tpu.memory_space<vmem_shared>>) target_semaphore(%run_scoped3A : memref<!tpu.dma_semaphore, #tpu.memory_space<semaphore_mem>>)
      %dma_wait3A_69 = arith.constant 0 : i32
      %dma_wait3A_70 = tpu.memref_slice %arg11[%mul3A_4, %dma_wait3A_69] : memref<10112x64xf32, #tpu.memory_space<vmem_shared>> -> memref<632x64xf32, #tpu.memory_space<vmem_shared>>
      %dma_wait3A_71 = arith.constant 0 : i32
      %dma_wait3A_72 = tpu.memref_slice %arg5[%mul3A_2, %dma_wait3A_71] : memref<10112x64xf32, #tpu.memory_space<hbm>> -> memref<632x64xf32, #tpu.memory_space<hbm>>
      tpu.wait_dma2 semaphore(%run_scoped3A : memref<!tpu.dma_semaphore, #tpu.memory_space<semaphore_mem>>) src(%dma_wait3A_72 : memref<632x64xf32, #tpu.memory_space<hbm>>) dst(%dma_wait3A_70 : memref<632x64xf32, #tpu.memory_space<vmem_shared>>)
      tpu.yield
    }) : () -> ()
    %mul3A_5 = arith.constant 632 : i32
    %mul3A_6 = arith.muli %arg1, %mul3A_5 : i32
    %mul3A_7 = arith.constant 632 : i32
    %mul3A_8 = arith.muli %arg1, %mul3A_7 : i32
    "tpu.region"() ({
      %run_scoped3A = tpu.sem_alloc : memref<!tpu.dma_semaphore, #tpu.memory_space<semaphore_mem>>
      %dma_start3A_65 = arith.constant 0 : i32
      %dma_start3A_66 = tpu.memref_slice %arg10[%mul3A_8, %dma_start3A_65] : memref<10112x64xf32, #tpu.memory_space<vmem_shared>> -> memref<632x64xf32, #tpu.memory_space<vmem_shared>>
      %dma_start3A_67 = arith.constant 0 : i32
      %dma_start3A_68 = tpu.memref_slice %arg2[%mul3A_6, %dma_start3A_67] : memref<10112x64xf32, #tpu.memory_space<hbm>> -> memref<632x64xf32, #tpu.memory_space<hbm>>
      tpu.enqueue_dma source(%dma_start3A_68 : memref<632x64xf32, #tpu.memory_space<hbm>>) target(%dma_start3A_66 : memref<632x64xf32, #tpu.memory_space<vmem_shared>>) target_semaphore(%run_scoped3A : memref<!tpu.dma_semaphore, #tpu.memory_space<semaphore_mem>>)
      %dma_wait3A_69 = arith.constant 0 : i32
      %dma_wait3A_70 = tpu.memref_slice %arg10[%mul3A_8, %dma_wait3A_69] : memref<10112x64xf32, #tpu.memory_space<vmem_shared>> -> memref<632x64xf32, #tpu.memory_space<vmem_shared>>
      %dma_wait3A_71 = arith.constant 0 : i32
      %dma_wait3A_72 = tpu.memref_slice %arg2[%mul3A_6, %dma_wait3A_71] : memref<10112x64xf32, #tpu.memory_space<hbm>> -> memref<632x64xf32, #tpu.memory_space<hbm>>
      tpu.wait_dma2 semaphore(%run_scoped3A : memref<!tpu.dma_semaphore, #tpu.memory_space<semaphore_mem>>) src(%dma_wait3A_72 : memref<632x64xf32, #tpu.memory_space<hbm>>) dst(%dma_wait3A_70 : memref<632x64xf32, #tpu.memory_space<vmem_shared>>)
      tpu.yield
    }) : () -> ()
    "tpu.region"() ({
      %run_scoped3A = tpu.sem_alloc : memref<!tpu.dma_semaphore, #tpu.memory_space<semaphore_mem>>
      %dma_start3A_65 = arith.constant 0 : i32
      %dma_start3A_66 = arith.constant 0 : i32
      %dma_start3A_67 = tpu.memref_slice %arg3[%add3A, %dma_start3A_65, %dma_start3A_66] : memref<32x81x128xi32, #tpu.memory_space<hbm>> -> memref<1x81x128xi32, #tpu.memory_space<hbm>>
      %dma_start3A_68 = tpu.memref_squeeze %dma_start3A_67 : memref<1x81x128xi32, #tpu.memory_space<hbm>> -> memref<81x128xi32, #tpu.memory_space<hbm>>
      %dma_start3A_69 = arith.constant 0 : i32
      %dma_start3A_70 = arith.constant 0 : i32
      %dma_start3A_71 = tpu.memref_slice %arg3[%add3A, %dma_start3A_69, %dma_start3A_70] : memref<32x81x128xi32, #tpu.memory_space<hbm>> -> memref<1x81x128xi32, #tpu.memory_space<hbm>>
      %dma_start3A_72 = tpu.memref_squeeze %dma_start3A_71 : memref<1x81x128xi32, #tpu.memory_space<hbm>> -> memref<81x128xi32, #tpu.memory_space<hbm>>
      tpu.enqueue_dma source(%dma_start3A_72 : memref<81x128xi32, #tpu.memory_space<hbm>>) target(%arg7 : memref<81x128xi32, #tpu.memory_space<vmem>>) target_semaphore(%run_scoped3A : memref<!tpu.dma_semaphore, #tpu.memory_space<semaphore_mem>>)
      %dma_wait3A_73 = arith.constant 0 : i32
      %dma_wait3A_74 = arith.constant 0 : i32
      %dma_wait3A_75 = tpu.memref_slice %arg3[%add3A, %dma_wait3A_73, %dma_wait3A_74] : memref<32x81x128xi32, #tpu.memory_space<hbm>> -> memref<1x81x128xi32, #tpu.memory_space<hbm>>
      %dma_wait3A_76 = tpu.memref_squeeze %dma_wait3A_75 : memref<1x81x128xi32, #tpu.memory_space<hbm>> -> memref<81x128xi32, #tpu.memory_space<hbm>>
      %dma_wait3A_77 = arith.constant 0 : i32
      %dma_wait3A_78 = arith.constant 0 : i32
      %dma_wait3A_79 = tpu.memref_slice %arg3[%add3A, %dma_wait3A_77, %dma_wait3A_78] : memref<32x81x128xi32, #tpu.memory_space<hbm>> -> memref<1x81x128xi32, #tpu.memory_space<hbm>>
      %dma_wait3A_80 = tpu.memref_squeeze %dma_wait3A_79 : memref<1x81x128xi32, #tpu.memory_space<hbm>> -> memref<81x128xi32, #tpu.memory_space<hbm>>
      tpu.wait_dma2 semaphore(%run_scoped3A : memref<!tpu.dma_semaphore, #tpu.memory_space<semaphore_mem>>) src(%dma_wait3A_80 : memref<81x128xi32, #tpu.memory_space<hbm>>) dst(%arg7 : memref<81x128xi32, #tpu.memory_space<vmem>>)
      tpu.yield
    }) : () -> ()
    "tpu.region"() ({
      %run_scoped3A = tpu.sem_alloc : memref<!tpu.dma_semaphore, #tpu.memory_space<semaphore_mem>>
      %dma_start3A_65 = arith.constant 0 : i32
      %dma_start3A_66 = arith.constant 0 : i32
      %dma_start3A_67 = tpu.memref_slice %arg4[%add3A, %dma_start3A_65, %dma_start3A_66] : memref<32x81x128xi32, #tpu.memory_space<hbm>> -> memref<1x81x128xi32, #tpu.memory_space<hbm>>
      %dma_start3A_68 = tpu.memref_squeeze %dma_start3A_67 : memref<1x81x128xi32, #tpu.memory_space<hbm>> -> memref<81x128xi32, #tpu.memory_space<hbm>>
      %dma_start3A_69 = arith.constant 0 : i32
      %dma_start3A_70 = arith.constant 0 : i32
      %dma_start3A_71 = tpu.memref_slice %arg4[%add3A, %dma_start3A_69, %dma_start3A_70] : memref<32x81x128xi32, #tpu.memory_space<hbm>> -> memref<1x81x128xi32, #tpu.memory_space<hbm>>
      %dma_start3A_72 = tpu.memref_squeeze %dma_start3A_71 : memref<1x81x128xi32, #tpu.memory_space<hbm>> -> memref<81x128xi32, #tpu.memory_space<hbm>>
      tpu.enqueue_dma source(%dma_start3A_72 : memref<81x128xi32, #tpu.memory_space<hbm>>) target(%arg8 : memref<81x128xi32, #tpu.memory_space<vmem>>) target_semaphore(%run_scoped3A : memref<!tpu.dma_semaphore, #tpu.memory_space<semaphore_mem>>)
      %dma_wait3A_73 = arith.constant 0 : i32
      %dma_wait3A_74 = arith.constant 0 : i32
      %dma_wait3A_75 = tpu.memref_slice %arg4[%add3A, %dma_wait3A_73, %dma_wait3A_74] : memref<32x81x128xi32, #tpu.memory_space<hbm>> -> memref<1x81x128xi32, #tpu.memory_space<hbm>>
      %dma_wait3A_76 = tpu.memref_squeeze %dma_wait3A_75 : memref<1x81x128xi32, #tpu.memory_space<hbm>> -> memref<81x128xi32, #tpu.memory_space<hbm>>
      %dma_wait3A_77 = arith.constant 0 : i32
      %dma_wait3A_78 = arith.constant 0 : i32
      %dma_wait3A_79 = tpu.memref_slice %arg4[%add3A, %dma_wait3A_77, %dma_wait3A_78] : memref<32x81x128xi32, #tpu.memory_space<hbm>> -> memref<1x81x128xi32, #tpu.memory_space<hbm>>
      %dma_wait3A_80 = tpu.memref_squeeze %dma_wait3A_79 : memref<1x81x128xi32, #tpu.memory_space<hbm>> -> memref<81x128xi32, #tpu.memory_space<hbm>>
      tpu.wait_dma2 semaphore(%run_scoped3A : memref<!tpu.dma_semaphore, #tpu.memory_space<semaphore_mem>>) src(%dma_wait3A_80 : memref<81x128xi32, #tpu.memory_space<hbm>>) dst(%arg8 : memref<81x128xi32, #tpu.memory_space<vmem>>)
      tpu.yield
    }) : () -> ()
    %barrier3A = arith.constant 0 : index
    tpu.barrier barrier_id(%barrier3A)
    %dma_start3A = arith.constant 0 : i32
    %dma_start3A_9 = arith.constant 0 : i32
    %dma_start3A_10 = arith.constant 0 : i32
    %dma_start3A_11 = arith.constant 0 : i32
    %dma_start3A_12 = tpu.memref_slice %arg9[%dma_start3A_9, %dma_start3A_10, %dma_start3A_11] : memref<3x128x64xf32, #tpu.memory_space<vmem>> -> memref<1x128x64xf32, #tpu.memory_space<vmem>>
    %dma_start3A_13 = tpu.memref_squeeze %dma_start3A_12 : memref<1x128x64xf32, #tpu.memory_space<vmem>> -> memref<128x64xf32, #tpu.memory_space<vmem>>
    %dma_start3A_14 = arith.constant 0 : i32
    %dma_start3A_15 = tpu.memref_slice %arg7[%dma_start3A, %dma_start3A_14] : memref<81x128xi32, #tpu.memory_space<vmem>> -> memref<1x128xi32, #tpu.memory_space<vmem>>
    %dma_start3A_16 = tpu.memref_squeeze %dma_start3A_15 : memref<1x128xi32, #tpu.memory_space<vmem>> -> memref<128xi32, #tpu.memory_space<vmem>>
    %dma_start3A_17 = arith.constant 0 : i32
    %dma_start3A_18 = arith.constant 0 : i32
    %dma_start3A_19 = tpu.memref_slice %arg10[%dma_start3A_17, %dma_start3A_18] : memref<10112x64xf32, #tpu.memory_space<vmem_shared>> -> memref<10112x64xf32, #tpu.memory_space<vmem_shared>>
    tpu.enqueue_indirect_dma source(%dma_start3A_19 : memref<10112x64xf32, #tpu.memory_space<vmem_shared>>) target(%dma_start3A_13 : memref<128x64xf32, #tpu.memory_space<vmem>>) offsets(%dma_start3A_16 : memref<128xi32, #tpu.memory_space<vmem>>) semaphore(%arg12 : memref<!tpu.dma_semaphore, #tpu.memory_space<semaphore_mem>>)
    %dma_start3A_20 = arith.constant 1 : i32
    %dma_start3A_21 = arith.constant 1 : i32
    %dma_start3A_22 = arith.constant 0 : i32
    %dma_start3A_23 = arith.constant 0 : i32
    %dma_start3A_24 = tpu.memref_slice %arg9[%dma_start3A_21, %dma_start3A_22, %dma_start3A_23] : memref<3x128x64xf32, #tpu.memory_space<vmem>> -> memref<1x128x64xf32, #tpu.memory_space<vmem>>
    %dma_start3A_25 = tpu.memref_squeeze %dma_start3A_24 : memref<1x128x64xf32, #tpu.memory_space<vmem>> -> memref<128x64xf32, #tpu.memory_space<vmem>>
    %dma_start3A_26 = arith.constant 0 : i32
    %dma_start3A_27 = tpu.memref_slice %arg7[%dma_start3A_20, %dma_start3A_26] : memref<81x128xi32, #tpu.memory_space<vmem>> -> memref<1x128xi32, #tpu.memory_space<vmem>>
    %dma_start3A_28 = tpu.memref_squeeze %dma_start3A_27 : memref<1x128xi32, #tpu.memory_space<vmem>> -> memref<128xi32, #tpu.memory_space<vmem>>
    %dma_start3A_29 = arith.constant 0 : i32
    %dma_start3A_30 = arith.constant 0 : i32
    %dma_start3A_31 = tpu.memref_slice %arg10[%dma_start3A_29, %dma_start3A_30] : memref<10112x64xf32, #tpu.memory_space<vmem_shared>> -> memref<10112x64xf32, #tpu.memory_space<vmem_shared>>
    tpu.enqueue_indirect_dma source(%dma_start3A_31 : memref<10112x64xf32, #tpu.memory_space<vmem_shared>>) target(%dma_start3A_25 : memref<128x64xf32, #tpu.memory_space<vmem>>) offsets(%dma_start3A_28 : memref<128xi32, #tpu.memory_space<vmem>>) semaphore(%arg13 : memref<!tpu.dma_semaphore, #tpu.memory_space<semaphore_mem>>)
    %dma_start3A_32 = arith.constant 2 : i32
    %dma_start3A_33 = arith.constant 2 : i32
    %dma_start3A_34 = arith.constant 0 : i32
    %dma_start3A_35 = arith.constant 0 : i32
    %dma_start3A_36 = tpu.memref_slice %arg9[%dma_start3A_33, %dma_start3A_34, %dma_start3A_35] : memref<3x128x64xf32, #tpu.memory_space<vmem>> -> memref<1x128x64xf32, #tpu.memory_space<vmem>>
    %dma_start3A_37 = tpu.memref_squeeze %dma_start3A_36 : memref<1x128x64xf32, #tpu.memory_space<vmem>> -> memref<128x64xf32, #tpu.memory_space<vmem>>
    %dma_start3A_38 = arith.constant 0 : i32
    %dma_start3A_39 = tpu.memref_slice %arg7[%dma_start3A_32, %dma_start3A_38] : memref<81x128xi32, #tpu.memory_space<vmem>> -> memref<1x128xi32, #tpu.memory_space<vmem>>
    %dma_start3A_40 = tpu.memref_squeeze %dma_start3A_39 : memref<1x128xi32, #tpu.memory_space<vmem>> -> memref<128xi32, #tpu.memory_space<vmem>>
    %dma_start3A_41 = arith.constant 0 : i32
    %dma_start3A_42 = arith.constant 0 : i32
    %dma_start3A_43 = tpu.memref_slice %arg10[%dma_start3A_41, %dma_start3A_42] : memref<10112x64xf32, #tpu.memory_space<vmem_shared>> -> memref<10112x64xf32, #tpu.memory_space<vmem_shared>>
    tpu.enqueue_indirect_dma source(%dma_start3A_43 : memref<10112x64xf32, #tpu.memory_space<vmem_shared>>) target(%dma_start3A_37 : memref<128x64xf32, #tpu.memory_space<vmem>>) offsets(%dma_start3A_40 : memref<128xi32, #tpu.memory_space<vmem>>) semaphore(%arg14 : memref<!tpu.dma_semaphore, #tpu.memory_space<semaphore_mem>>)
    %scan3A = arith.constant 0 : i32
    %scan3A_44 = arith.constant 0 : i32
    %scan3A_45 = arith.constant 27 : i32
    %scan3A_46 = arith.addi %scan3A_44, %scan3A_45 : i32
    %scan3A_47 = arith.constant 1 : i32
    scf.for %scan3A_65 = %scan3A_44 to %scan3A_46 step %scan3A_47  : i32 {
      %mul3A_66 = arith.constant 3 : i32
      %mul3A_67 = arith.muli %scan3A_65, %mul3A_66 : i32
      %add3A_68 = arith.constant 0 : i32
      %add3A_69 = arith.addi %mul3A_67, %add3A_68 : i32
      %dma_wait3A_70 = arith.constant 0 : i32
      %dma_wait3A_71 = arith.constant 0 : i32
      %dma_wait3A_72 = arith.constant 0 : i32
      %dma_wait3A_73 = arith.constant 0 : i32
      %dma_wait3A_74 = tpu.memref_slice %arg9[%dma_wait3A_71, %dma_wait3A_72, %dma_wait3A_73] : memref<3x128x64xf32, #tpu.memory_space<vmem>> -> memref<1x128x64xf32, #tpu.memory_space<vmem>>
      %dma_wait3A_75 = tpu.memref_squeeze %dma_wait3A_74 : memref<1x128x64xf32, #tpu.memory_space<vmem>> -> memref<128x64xf32, #tpu.memory_space<vmem>>
      %dma_wait3A_76 = arith.constant 0 : i32
      %dma_wait3A_77 = tpu.memref_slice %arg7[%dma_wait3A_70, %dma_wait3A_76] : memref<81x128xi32, #tpu.memory_space<vmem>> -> memref<1x128xi32, #tpu.memory_space<vmem>>
      %dma_wait3A_78 = tpu.memref_squeeze %dma_wait3A_77 : memref<1x128xi32, #tpu.memory_space<vmem>> -> memref<128xi32, #tpu.memory_space<vmem>>
      %dma_wait3A_79 = arith.constant 0 : i32
      %dma_wait3A_80 = arith.constant 0 : i32
      %dma_wait3A_81 = tpu.memref_slice %arg10[%dma_wait3A_79, %dma_wait3A_80] : memref<10112x64xf32, #tpu.memory_space<vmem_shared>> -> memref<10112x64xf32, #tpu.memory_space<vmem_shared>>
      tpu.wait_indirect_dma semaphore(%arg12 : memref<!tpu.dma_semaphore, #tpu.memory_space<semaphore_mem>>) src(%dma_wait3A_81 : memref<10112x64xf32, #tpu.memory_space<vmem_shared>>) dst(%dma_wait3A_75 : memref<128x64xf32, #tpu.memory_space<vmem>>)
      %dma_start3A_82 = arith.constant 0 : i32
      %dma_start3A_83 = arith.constant 0 : i32
      %dma_start3A_84 = arith.constant 0 : i32
      %dma_start3A_85 = tpu.memref_slice %arg9[%dma_start3A_82, %dma_start3A_83, %dma_start3A_84] : memref<3x128x64xf32, #tpu.memory_space<vmem>> -> memref<1x128x64xf32, #tpu.memory_space<vmem>>
      %dma_start3A_86 = tpu.memref_squeeze %dma_start3A_85 : memref<1x128x64xf32, #tpu.memory_space<vmem>> -> memref<128x64xf32, #tpu.memory_space<vmem>>
      %dma_start3A_87 = arith.constant 0 : i32
      %dma_start3A_88 = tpu.memref_slice %arg8[%add3A_69, %dma_start3A_87] : memref<81x128xi32, #tpu.memory_space<vmem>> -> memref<1x128xi32, #tpu.memory_space<vmem>>
      %dma_start3A_89 = tpu.memref_squeeze %dma_start3A_88 : memref<1x128xi32, #tpu.memory_space<vmem>> -> memref<128xi32, #tpu.memory_space<vmem>>
      %dma_start3A_90 = arith.constant 0 : i32
      %dma_start3A_91 = arith.constant 0 : i32
      %dma_start3A_92 = tpu.memref_slice %arg11[%dma_start3A_90, %dma_start3A_91] : memref<10112x64xf32, #tpu.memory_space<vmem_shared>> -> memref<10112x64xf32, #tpu.memory_space<vmem_shared>>
      tpu.enqueue_indirect_dma source(%dma_start3A_86 : memref<128x64xf32, #tpu.memory_space<vmem>>) target(%dma_start3A_92 : memref<10112x64xf32, #tpu.memory_space<vmem_shared>>) offsets(%dma_start3A_89 : memref<128xi32, #tpu.memory_space<vmem>>) semaphore(%arg15 : memref<!tpu.dma_semaphore, #tpu.memory_space<semaphore_mem>>) {add = true}
      %gt3A = arith.constant 0 : i32
      %gt3A_93 = arith.cmpi sgt, %scan3A_65, %gt3A : i32
      %convert_element_type3A = arith.extui %gt3A_93 : i1 to i32
      %cond3A = arith.constant 0 : i32
      %cond3A_94 = arith.cmpi ne, %convert_element_type3A, %cond3A : i32
      scf.if %cond3A_94 {
        %dma_wait3A_200 = arith.constant 2 : i32
        %dma_wait3A_201 = arith.constant 0 : i32
        %dma_wait3A_202 = arith.constant 0 : i32
        %dma_wait3A_203 = arith.constant 0 : i32
        %dma_wait3A_204 = tpu.memref_slice %arg9[%dma_wait3A_200, %dma_wait3A_202, %dma_wait3A_203] : memref<3x128x64xf32, #tpu.memory_space<vmem>> -> memref<1x128x64xf32, #tpu.memory_space<vmem>>
        %dma_wait3A_205 = tpu.memref_squeeze %dma_wait3A_204 : memref<1x128x64xf32, #tpu.memory_space<vmem>> -> memref<128x64xf32, #tpu.memory_space<vmem>>
        %dma_wait3A_206 = arith.constant 0 : i32
        %dma_wait3A_207 = tpu.memref_slice %arg8[%dma_wait3A_201, %dma_wait3A_206] : memref<81x128xi32, #tpu.memory_space<vmem>> -> memref<1x128xi32, #tpu.memory_space<vmem>>
        %dma_wait3A_208 = tpu.memref_squeeze %dma_wait3A_207 : memref<1x128xi32, #tpu.memory_space<vmem>> -> memref<128xi32, #tpu.memory_space<vmem>>
        %dma_wait3A_209 = arith.constant 0 : i32
        %dma_wait3A_210 = arith.constant 0 : i32
        %dma_wait3A_211 = tpu.memref_slice %arg11[%dma_wait3A_209, %dma_wait3A_210] : memref<10112x64xf32, #tpu.memory_space<vmem_shared>> -> memref<10112x64xf32, #tpu.memory_space<vmem_shared>>
        tpu.wait_indirect_dma semaphore(%arg17 : memref<!tpu.dma_semaphore, #tpu.memory_space<semaphore_mem>>) src(%dma_wait3A_205 : memref<128x64xf32, #tpu.memory_space<vmem>>) dst(%dma_wait3A_211 : memref<10112x64xf32, #tpu.memory_space<vmem_shared>>)
      } else {
      }
      %gt3A_95 = arith.constant 0 : i32
      %gt3A_96 = arith.cmpi sgt, %scan3A_65, %gt3A_95 : i32
      %add3A_97 = arith.constant 3 : i32
      %add3A_98 = arith.addi %add3A_69, %add3A_97 : i32
      %sub3A = arith.constant 1 : i32
      %sub3A_99 = arith.subi %add3A_98, %sub3A : i32
      %lt3A = arith.constant 81 : i32
      %lt3A_100 = arith.cmpi slt, %sub3A_99, %lt3A : i32
      %and3A = arith.andi %gt3A_96, %lt3A_100 : i1
      %convert_element_type3A_101 = arith.extui %and3A : i1 to i32
      %cond3A_102 = arith.constant 0 : i32
      %cond3A_103 = arith.cmpi ne, %convert_element_type3A_101, %cond3A_102 : i32
      scf.if %cond3A_103 {
        %add3A_200 = arith.constant 3 : i32
        %add3A_201 = arith.addi %add3A_69, %add3A_200 : i32
        %sub3A_202 = arith.constant 1 : i32
        %sub3A_203 = arith.subi %add3A_201, %sub3A_202 : i32
        %dma_start3A_204 = arith.constant 2 : i32
        %dma_start3A_205 = arith.constant 0 : i32
        %dma_start3A_206 = arith.constant 0 : i32
        %dma_start3A_207 = tpu.memref_slice %arg9[%dma_start3A_204, %dma_start3A_205, %dma_start3A_206] : memref<3x128x64xf32, #tpu.memory_space<vmem>> -> memref<1x128x64xf32, #tpu.memory_space<vmem>>
        %dma_start3A_208 = tpu.memref_squeeze %dma_start3A_207 : memref<1x128x64xf32, #tpu.memory_space<vmem>> -> memref<128x64xf32, #tpu.memory_space<vmem>>
        %dma_start3A_209 = arith.constant 0 : i32
        %dma_start3A_210 = tpu.memref_slice %arg7[%sub3A_203, %dma_start3A_209] : memref<81x128xi32, #tpu.memory_space<vmem>> -> memref<1x128xi32, #tpu.memory_space<vmem>>
        %dma_start3A_211 = tpu.memref_squeeze %dma_start3A_210 : memref<1x128xi32, #tpu.memory_space<vmem>> -> memref<128xi32, #tpu.memory_space<vmem>>
        %dma_start3A_212 = arith.constant 0 : i32
        %dma_start3A_213 = arith.constant 0 : i32
        %dma_start3A_214 = tpu.memref_slice %arg10[%dma_start3A_212, %dma_start3A_213] : memref<10112x64xf32, #tpu.memory_space<vmem_shared>> -> memref<10112x64xf32, #tpu.memory_space<vmem_shared>>
        tpu.enqueue_indirect_dma source(%dma_start3A_214 : memref<10112x64xf32, #tpu.memory_space<vmem_shared>>) target(%dma_start3A_208 : memref<128x64xf32, #tpu.memory_space<vmem>>) offsets(%dma_start3A_211 : memref<128xi32, #tpu.memory_space<vmem>>) semaphore(%arg14 : memref<!tpu.dma_semaphore, #tpu.memory_space<semaphore_mem>>)
      } else {
      }
      %mul3A_104 = arith.constant 3 : i32
      %mul3A_105 = arith.muli %scan3A_65, %mul3A_104 : i32
      %add3A_106 = arith.constant 1 : i32
      %add3A_107 = arith.addi %mul3A_105, %add3A_106 : i32
      %dma_wait3A_108 = arith.constant 0 : i32
      %dma_wait3A_109 = arith.constant 1 : i32
      %dma_wait3A_110 = arith.constant 0 : i32
      %dma_wait3A_111 = arith.constant 0 : i32
      %dma_wait3A_112 = tpu.memref_slice %arg9[%dma_wait3A_109, %dma_wait3A_110, %dma_wait3A_111] : memref<3x128x64xf32, #tpu.memory_space<vmem>> -> memref<1x128x64xf32, #tpu.memory_space<vmem>>
      %dma_wait3A_113 = tpu.memref_squeeze %dma_wait3A_112 : memref<1x128x64xf32, #tpu.memory_space<vmem>> -> memref<128x64xf32, #tpu.memory_space<vmem>>
      %dma_wait3A_114 = arith.constant 0 : i32
      %dma_wait3A_115 = tpu.memref_slice %arg7[%dma_wait3A_108, %dma_wait3A_114] : memref<81x128xi32, #tpu.memory_space<vmem>> -> memref<1x128xi32, #tpu.memory_space<vmem>>
      %dma_wait3A_116 = tpu.memref_squeeze %dma_wait3A_115 : memref<1x128xi32, #tpu.memory_space<vmem>> -> memref<128xi32, #tpu.memory_space<vmem>>
      %dma_wait3A_117 = arith.constant 0 : i32
      %dma_wait3A_118 = arith.constant 0 : i32
      %dma_wait3A_119 = tpu.memref_slice %arg10[%dma_wait3A_117, %dma_wait3A_118] : memref<10112x64xf32, #tpu.memory_space<vmem_shared>> -> memref<10112x64xf32, #tpu.memory_space<vmem_shared>>
      tpu.wait_indirect_dma semaphore(%arg13 : memref<!tpu.dma_semaphore, #tpu.memory_space<semaphore_mem>>) src(%dma_wait3A_119 : memref<10112x64xf32, #tpu.memory_space<vmem_shared>>) dst(%dma_wait3A_113 : memref<128x64xf32, #tpu.memory_space<vmem>>)
      %dma_start3A_120 = arith.constant 1 : i32
      %dma_start3A_121 = arith.constant 0 : i32
      %dma_start3A_122 = arith.constant 0 : i32
      %dma_start3A_123 = tpu.memref_slice %arg9[%dma_start3A_120, %dma_start3A_121, %dma_start3A_122] : memref<3x128x64xf32, #tpu.memory_space<vmem>> -> memref<1x128x64xf32, #tpu.memory_space<vmem>>
      %dma_start3A_124 = tpu.memref_squeeze %dma_start3A_123 : memref<1x128x64xf32, #tpu.memory_space<vmem>> -> memref<128x64xf32, #tpu.memory_space<vmem>>
      %dma_start3A_125 = arith.constant 0 : i32
      %dma_start3A_126 = tpu.memref_slice %arg8[%add3A_107, %dma_start3A_125] : memref<81x128xi32, #tpu.memory_space<vmem>> -> memref<1x128xi32, #tpu.memory_space<vmem>>
      %dma_start3A_127 = tpu.memref_squeeze %dma_start3A_126 : memref<1x128xi32, #tpu.memory_space<vmem>> -> memref<128xi32, #tpu.memory_space<vmem>>
      %dma_start3A_128 = arith.constant 0 : i32
      %dma_start3A_129 = arith.constant 0 : i32
      %dma_start3A_130 = tpu.memref_slice %arg11[%dma_start3A_128, %dma_start3A_129] : memref<10112x64xf32, #tpu.memory_space<vmem_shared>> -> memref<10112x64xf32, #tpu.memory_space<vmem_shared>>
      tpu.enqueue_indirect_dma source(%dma_start3A_124 : memref<128x64xf32, #tpu.memory_space<vmem>>) target(%dma_start3A_130 : memref<10112x64xf32, #tpu.memory_space<vmem_shared>>) offsets(%dma_start3A_127 : memref<128xi32, #tpu.memory_space<vmem>>) semaphore(%arg16 : memref<!tpu.dma_semaphore, #tpu.memory_space<semaphore_mem>>) {add = true}
      %dma_wait3A_131 = arith.constant 0 : i32
      %dma_wait3A_132 = arith.constant 0 : i32
      %dma_wait3A_133 = arith.constant 0 : i32
      %dma_wait3A_134 = arith.constant 0 : i32
      %dma_wait3A_135 = tpu.memref_slice %arg9[%dma_wait3A_131, %dma_wait3A_133, %dma_wait3A_134] : memref<3x128x64xf32, #tpu.memory_space<vmem>> -> memref<1x128x64xf32, #tpu.memory_space<vmem>>
      %dma_wait3A_136 = tpu.memref_squeeze %dma_wait3A_135 : memref<1x128x64xf32, #tpu.memory_space<vmem>> -> memref<128x64xf32, #tpu.memory_space<vmem>>
      %dma_wait3A_137 = arith.constant 0 : i32
      %dma_wait3A_138 = tpu.memref_slice %arg8[%dma_wait3A_132, %dma_wait3A_137] : memref<81x128xi32, #tpu.memory_space<vmem>> -> memref<1x128xi32, #tpu.memory_space<vmem>>
      %dma_wait3A_139 = tpu.memref_squeeze %dma_wait3A_138 : memref<1x128xi32, #tpu.memory_space<vmem>> -> memref<128xi32, #tpu.memory_space<vmem>>
      %dma_wait3A_140 = arith.constant 0 : i32
      %dma_wait3A_141 = arith.constant 0 : i32
      %dma_wait3A_142 = tpu.memref_slice %arg11[%dma_wait3A_140, %dma_wait3A_141] : memref<10112x64xf32, #tpu.memory_space<vmem_shared>> -> memref<10112x64xf32, #tpu.memory_space<vmem_shared>>
      tpu.wait_indirect_dma semaphore(%arg15 : memref<!tpu.dma_semaphore, #tpu.memory_space<semaphore_mem>>) src(%dma_wait3A_136 : memref<128x64xf32, #tpu.memory_space<vmem>>) dst(%dma_wait3A_142 : memref<10112x64xf32, #tpu.memory_space<vmem_shared>>)
      %add3A_143 = arith.constant 3 : i32
      %add3A_144 = arith.addi %add3A_107, %add3A_143 : i32
      %sub3A_145 = arith.constant 1 : i32
      %sub3A_146 = arith.subi %add3A_144, %sub3A_145 : i32
      %lt3A_147 = arith.constant 81 : i32
      %lt3A_148 = arith.cmpi slt, %sub3A_146, %lt3A_147 : i32
      %convert_element_type3A_149 = arith.extui %lt3A_148 : i1 to i32
      %cond3A_150 = arith.constant 0 : i32
      %cond3A_151 = arith.cmpi ne, %convert_element_type3A_149, %cond3A_150 : i32
      scf.if %cond3A_151 {
        %add3A_200 = arith.constant 3 : i32
        %add3A_201 = arith.addi %add3A_107, %add3A_200 : i32
        %sub3A_202 = arith.constant 1 : i32
        %sub3A_203 = arith.subi %add3A_201, %sub3A_202 : i32
        %dma_start3A_204 = arith.constant 0 : i32
        %dma_start3A_205 = arith.constant 0 : i32
        %dma_start3A_206 = arith.constant 0 : i32
        %dma_start3A_207 = tpu.memref_slice %arg9[%dma_start3A_204, %dma_start3A_205, %dma_start3A_206] : memref<3x128x64xf32, #tpu.memory_space<vmem>> -> memref<1x128x64xf32, #tpu.memory_space<vmem>>
        %dma_start3A_208 = tpu.memref_squeeze %dma_start3A_207 : memref<1x128x64xf32, #tpu.memory_space<vmem>> -> memref<128x64xf32, #tpu.memory_space<vmem>>
        %dma_start3A_209 = arith.constant 0 : i32
        %dma_start3A_210 = tpu.memref_slice %arg7[%sub3A_203, %dma_start3A_209] : memref<81x128xi32, #tpu.memory_space<vmem>> -> memref<1x128xi32, #tpu.memory_space<vmem>>
        %dma_start3A_211 = tpu.memref_squeeze %dma_start3A_210 : memref<1x128xi32, #tpu.memory_space<vmem>> -> memref<128xi32, #tpu.memory_space<vmem>>
        %dma_start3A_212 = arith.constant 0 : i32
        %dma_start3A_213 = arith.constant 0 : i32
        %dma_start3A_214 = tpu.memref_slice %arg10[%dma_start3A_212, %dma_start3A_213] : memref<10112x64xf32, #tpu.memory_space<vmem_shared>> -> memref<10112x64xf32, #tpu.memory_space<vmem_shared>>
        tpu.enqueue_indirect_dma source(%dma_start3A_214 : memref<10112x64xf32, #tpu.memory_space<vmem_shared>>) target(%dma_start3A_208 : memref<128x64xf32, #tpu.memory_space<vmem>>) offsets(%dma_start3A_211 : memref<128xi32, #tpu.memory_space<vmem>>) semaphore(%arg12 : memref<!tpu.dma_semaphore, #tpu.memory_space<semaphore_mem>>)
      } else {
      }
      %mul3A_152 = arith.constant 3 : i32
      %mul3A_153 = arith.muli %scan3A_65, %mul3A_152 : i32
      %add3A_154 = arith.constant 2 : i32
      %add3A_155 = arith.addi %mul3A_153, %add3A_154 : i32
      %dma_wait3A_156 = arith.constant 0 : i32
      %dma_wait3A_157 = arith.constant 2 : i32
      %dma_wait3A_158 = arith.constant 0 : i32
      %dma_wait3A_159 = arith.constant 0 : i32
      %dma_wait3A_160 = tpu.memref_slice %arg9[%dma_wait3A_157, %dma_wait3A_158, %dma_wait3A_159] : memref<3x128x64xf32, #tpu.memory_space<vmem>> -> memref<1x128x64xf32, #tpu.memory_space<vmem>>
      %dma_wait3A_161 = tpu.memref_squeeze %dma_wait3A_160 : memref<1x128x64xf32, #tpu.memory_space<vmem>> -> memref<128x64xf32, #tpu.memory_space<vmem>>
      %dma_wait3A_162 = arith.constant 0 : i32
      %dma_wait3A_163 = tpu.memref_slice %arg7[%dma_wait3A_156, %dma_wait3A_162] : memref<81x128xi32, #tpu.memory_space<vmem>> -> memref<1x128xi32, #tpu.memory_space<vmem>>
      %dma_wait3A_164 = tpu.memref_squeeze %dma_wait3A_163 : memref<1x128xi32, #tpu.memory_space<vmem>> -> memref<128xi32, #tpu.memory_space<vmem>>
      %dma_wait3A_165 = arith.constant 0 : i32
      %dma_wait3A_166 = arith.constant 0 : i32
      %dma_wait3A_167 = tpu.memref_slice %arg10[%dma_wait3A_165, %dma_wait3A_166] : memref<10112x64xf32, #tpu.memory_space<vmem_shared>> -> memref<10112x64xf32, #tpu.memory_space<vmem_shared>>
      tpu.wait_indirect_dma semaphore(%arg14 : memref<!tpu.dma_semaphore, #tpu.memory_space<semaphore_mem>>) src(%dma_wait3A_167 : memref<10112x64xf32, #tpu.memory_space<vmem_shared>>) dst(%dma_wait3A_161 : memref<128x64xf32, #tpu.memory_space<vmem>>)
      %dma_start3A_168 = arith.constant 2 : i32
      %dma_start3A_169 = arith.constant 0 : i32
      %dma_start3A_170 = arith.constant 0 : i32
      %dma_start3A_171 = tpu.memref_slice %arg9[%dma_start3A_168, %dma_start3A_169, %dma_start3A_170] : memref<3x128x64xf32, #tpu.memory_space<vmem>> -> memref<1x128x64xf32, #tpu.memory_space<vmem>>
      %dma_start3A_172 = tpu.memref_squeeze %dma_start3A_171 : memref<1x128x64xf32, #tpu.memory_space<vmem>> -> memref<128x64xf32, #tpu.memory_space<vmem>>
      %dma_start3A_173 = arith.constant 0 : i32
      %dma_start3A_174 = tpu.memref_slice %arg8[%add3A_155, %dma_start3A_173] : memref<81x128xi32, #tpu.memory_space<vmem>> -> memref<1x128xi32, #tpu.memory_space<vmem>>
      %dma_start3A_175 = tpu.memref_squeeze %dma_start3A_174 : memref<1x128xi32, #tpu.memory_space<vmem>> -> memref<128xi32, #tpu.memory_space<vmem>>
      %dma_start3A_176 = arith.constant 0 : i32
      %dma_start3A_177 = arith.constant 0 : i32
      %dma_start3A_178 = tpu.memref_slice %arg11[%dma_start3A_176, %dma_start3A_177] : memref<10112x64xf32, #tpu.memory_space<vmem_shared>> -> memref<10112x64xf32, #tpu.memory_space<vmem_shared>>
      tpu.enqueue_indirect_dma source(%dma_start3A_172 : memref<128x64xf32, #tpu.memory_space<vmem>>) target(%dma_start3A_178 : memref<10112x64xf32, #tpu.memory_space<vmem_shared>>) offsets(%dma_start3A_175 : memref<128xi32, #tpu.memory_space<vmem>>) semaphore(%arg17 : memref<!tpu.dma_semaphore, #tpu.memory_space<semaphore_mem>>) {add = true}
      %dma_wait3A_179 = arith.constant 1 : i32
      %dma_wait3A_180 = arith.constant 0 : i32
      %dma_wait3A_181 = arith.constant 0 : i32
      %dma_wait3A_182 = arith.constant 0 : i32
      %dma_wait3A_183 = tpu.memref_slice %arg9[%dma_wait3A_179, %dma_wait3A_181, %dma_wait3A_182] : memref<3x128x64xf32, #tpu.memory_space<vmem>> -> memref<1x128x64xf32, #tpu.memory_space<vmem>>
      %dma_wait3A_184 = tpu.memref_squeeze %dma_wait3A_183 : memref<1x128x64xf32, #tpu.memory_space<vmem>> -> memref<128x64xf32, #tpu.memory_space<vmem>>
      %dma_wait3A_185 = arith.constant 0 : i32
      %dma_wait3A_186 = tpu.memref_slice %arg8[%dma_wait3A_180, %dma_wait3A_185] : memref<81x128xi32, #tpu.memory_space<vmem>> -> memref<1x128xi32, #tpu.memory_space<vmem>>
      %dma_wait3A_187 = tpu.memref_squeeze %dma_wait3A_186 : memref<1x128xi32, #tpu.memory_space<vmem>> -> memref<128xi32, #tpu.memory_space<vmem>>
      %dma_wait3A_188 = arith.constant 0 : i32
      %dma_wait3A_189 = arith.constant 0 : i32
      %dma_wait3A_190 = tpu.memref_slice %arg11[%dma_wait3A_188, %dma_wait3A_189] : memref<10112x64xf32, #tpu.memory_space<vmem_shared>> -> memref<10112x64xf32, #tpu.memory_space<vmem_shared>>
      tpu.wait_indirect_dma semaphore(%arg16 : memref<!tpu.dma_semaphore, #tpu.memory_space<semaphore_mem>>) src(%dma_wait3A_184 : memref<128x64xf32, #tpu.memory_space<vmem>>) dst(%dma_wait3A_190 : memref<10112x64xf32, #tpu.memory_space<vmem_shared>>)
      %add3A_191 = arith.constant 3 : i32
      %add3A_192 = arith.addi %add3A_155, %add3A_191 : i32
      %sub3A_193 = arith.constant 1 : i32
      %sub3A_194 = arith.subi %add3A_192, %sub3A_193 : i32
      %lt3A_195 = arith.constant 81 : i32
      %lt3A_196 = arith.cmpi slt, %sub3A_194, %lt3A_195 : i32
      %convert_element_type3A_197 = arith.extui %lt3A_196 : i1 to i32
      %cond3A_198 = arith.constant 0 : i32
      %cond3A_199 = arith.cmpi ne, %convert_element_type3A_197, %cond3A_198 : i32
      scf.if %cond3A_199 {
        %add3A_200 = arith.constant 3 : i32
        %add3A_201 = arith.addi %add3A_155, %add3A_200 : i32
        %sub3A_202 = arith.constant 1 : i32
        %sub3A_203 = arith.subi %add3A_201, %sub3A_202 : i32
        %dma_start3A_204 = arith.constant 1 : i32
        %dma_start3A_205 = arith.constant 0 : i32
        %dma_start3A_206 = arith.constant 0 : i32
        %dma_start3A_207 = tpu.memref_slice %arg9[%dma_start3A_204, %dma_start3A_205, %dma_start3A_206] : memref<3x128x64xf32, #tpu.memory_space<vmem>> -> memref<1x128x64xf32, #tpu.memory_space<vmem>>
        %dma_start3A_208 = tpu.memref_squeeze %dma_start3A_207 : memref<1x128x64xf32, #tpu.memory_space<vmem>> -> memref<128x64xf32, #tpu.memory_space<vmem>>
        %dma_start3A_209 = arith.constant 0 : i32
        %dma_start3A_210 = tpu.memref_slice %arg7[%sub3A_203, %dma_start3A_209] : memref<81x128xi32, #tpu.memory_space<vmem>> -> memref<1x128xi32, #tpu.memory_space<vmem>>
        %dma_start3A_211 = tpu.memref_squeeze %dma_start3A_210 : memref<1x128xi32, #tpu.memory_space<vmem>> -> memref<128xi32, #tpu.memory_space<vmem>>
        %dma_start3A_212 = arith.constant 0 : i32
        %dma_start3A_213 = arith.constant 0 : i32
        %dma_start3A_214 = tpu.memref_slice %arg10[%dma_start3A_212, %dma_start3A_213] : memref<10112x64xf32, #tpu.memory_space<vmem_shared>> -> memref<10112x64xf32, #tpu.memory_space<vmem_shared>>
        tpu.enqueue_indirect_dma source(%dma_start3A_214 : memref<10112x64xf32, #tpu.memory_space<vmem_shared>>) target(%dma_start3A_208 : memref<128x64xf32, #tpu.memory_space<vmem>>) offsets(%dma_start3A_211 : memref<128xi32, #tpu.memory_space<vmem>>) semaphore(%arg13 : memref<!tpu.dma_semaphore, #tpu.memory_space<semaphore_mem>>)
      } else {
      }
    }
    %scan3A_48 = arith.constant 27 : i32
    %dma_wait3A = arith.constant 2 : i32
    %dma_wait3A_49 = arith.constant 0 : i32
    %dma_wait3A_50 = arith.constant 0 : i32
    %dma_wait3A_51 = arith.constant 0 : i32
    %dma_wait3A_52 = tpu.memref_slice %arg9[%dma_wait3A, %dma_wait3A_50, %dma_wait3A_51] : memref<3x128x64xf32, #tpu.memory_space<vmem>> -> memref<1x128x64xf32, #tpu.memory_space<vmem>>
    %dma_wait3A_53 = tpu.memref_squeeze %dma_wait3A_52 : memref<1x128x64xf32, #tpu.memory_space<vmem>> -> memref<128x64xf32, #tpu.memory_space<vmem>>
    %dma_wait3A_54 = arith.constant 0 : i32
    %dma_wait3A_55 = tpu.memref_slice %arg8[%dma_wait3A_49, %dma_wait3A_54] : memref<81x128xi32, #tpu.memory_space<vmem>> -> memref<1x128xi32, #tpu.memory_space<vmem>>
    %dma_wait3A_56 = tpu.memref_squeeze %dma_wait3A_55 : memref<1x128xi32, #tpu.memory_space<vmem>> -> memref<128xi32, #tpu.memory_space<vmem>>
    %dma_wait3A_57 = arith.constant 0 : i32
    %dma_wait3A_58 = arith.constant 0 : i32
    %dma_wait3A_59 = tpu.memref_slice %arg11[%dma_wait3A_57, %dma_wait3A_58] : memref<10112x64xf32, #tpu.memory_space<vmem_shared>> -> memref<10112x64xf32, #tpu.memory_space<vmem_shared>>
    tpu.wait_indirect_dma semaphore(%arg17 : memref<!tpu.dma_semaphore, #tpu.memory_space<semaphore_mem>>) src(%dma_wait3A_53 : memref<128x64xf32, #tpu.memory_space<vmem>>) dst(%dma_wait3A_59 : memref<10112x64xf32, #tpu.memory_space<vmem_shared>>)
    %barrier3A_60 = arith.constant 0 : index
    tpu.barrier barrier_id(%barrier3A_60)
    %mul3A_61 = arith.constant 632 : i32
    %mul3A_62 = arith.muli %arg1, %mul3A_61 : i32
    %mul3A_63 = arith.constant 632 : i32
    %mul3A_64 = arith.muli %arg1, %mul3A_63 : i32
    "tpu.region"() ({
      %run_scoped3A = tpu.sem_alloc : memref<!tpu.dma_semaphore, #tpu.memory_space<semaphore_mem>>
      %dma_start3A_65 = arith.constant 0 : i32
      %dma_start3A_66 = tpu.memref_slice %arg6[%arg0, %mul3A_64, %dma_start3A_65] : memref<2x10112x64xf32, #tpu.memory_space<hbm>> -> memref<1x632x64xf32, #tpu.memory_space<hbm>>
      %dma_start3A_67 = tpu.memref_squeeze %dma_start3A_66 : memref<1x632x64xf32, #tpu.memory_space<hbm>> -> memref<632x64xf32, #tpu.memory_space<hbm>>
      %dma_start3A_68 = arith.constant 0 : i32
      %dma_start3A_69 = tpu.memref_slice %arg11[%mul3A_62, %dma_start3A_68] : memref<10112x64xf32, #tpu.memory_space<vmem_shared>> -> memref<632x64xf32, #tpu.memory_space<vmem_shared>>
      tpu.enqueue_dma source(%dma_start3A_69 : memref<632x64xf32, #tpu.memory_space<vmem_shared>>) target(%dma_start3A_67 : memref<632x64xf32, #tpu.memory_space<hbm>>) target_semaphore(%run_scoped3A : memref<!tpu.dma_semaphore, #tpu.memory_space<semaphore_mem>>)
      %dma_wait3A_70 = arith.constant 0 : i32
      %dma_wait3A_71 = tpu.memref_slice %arg6[%arg0, %mul3A_64, %dma_wait3A_70] : memref<2x10112x64xf32, #tpu.memory_space<hbm>> -> memref<1x632x64xf32, #tpu.memory_space<hbm>>
      %dma_wait3A_72 = tpu.memref_squeeze %dma_wait3A_71 : memref<1x632x64xf32, #tpu.memory_space<hbm>> -> memref<632x64xf32, #tpu.memory_space<hbm>>
      %dma_wait3A_73 = arith.constant 0 : i32
      %dma_wait3A_74 = tpu.memref_slice %arg11[%mul3A_62, %dma_wait3A_73] : memref<10112x64xf32, #tpu.memory_space<vmem_shared>> -> memref<632x64xf32, #tpu.memory_space<vmem_shared>>
      tpu.wait_dma2 semaphore(%run_scoped3A : memref<!tpu.dma_semaphore, #tpu.memory_space<semaphore_mem>>) src(%dma_wait3A_74 : memref<632x64xf32, #tpu.memory_space<vmem_shared>>) dst(%dma_wait3A_72 : memref<632x64xf32, #tpu.memory_space<hbm>>)
      tpu.yield
    }) : () -> ()
    return
  }
}

module attributes {stable_mosaic.version = 14 : i64} {
  func.func @_mlp_body(%arg0: i32, %arg1: memref<1264x128xf32, #tpu.memory_space<vmem>>, %arg2: memref<128x64xf32, #tpu.memory_space<vmem>>, %arg3: memref<1x64xf32, #tpu.memory_space<vmem>>, %arg4: memref<64x64xf32, #tpu.memory_space<vmem>>, %arg5: memref<1x64xf32, #tpu.memory_space<vmem>>, %arg6: memref<1264x64xf32, #tpu.memory_space<vmem>>) attributes {dimension_semantics = [#tpu.dimension_semantics<arbitrary>], iteration_bounds = array<i64: 8>, scalar_prefetch = 0 : i64, scratch_operands = 0 : i64, tpu.core_type = #tpu.core_type<tc>, window_params = [{transform_indices = @transform_0, window_bounds = array<i64: 1264, 128>}, {pipeline_mode = #tpu.pipeline_mode<synchronous>, transform_indices = @transform_1, window_bounds = array<i64: 128, 64>}, {pipeline_mode = #tpu.pipeline_mode<synchronous>, transform_indices = @transform_2, window_bounds = array<i64: 1, 64>}, {pipeline_mode = #tpu.pipeline_mode<synchronous>, transform_indices = @transform_3, window_bounds = array<i64: 64, 64>}, {pipeline_mode = #tpu.pipeline_mode<synchronous>, transform_indices = @transform_4, window_bounds = array<i64: 1, 64>}, {transform_indices = @transform_5, window_bounds = array<i64: 1264, 64>}]} {
    %get3A = arith.constant 0 : index
    %get3A_0 = arith.constant 0 : index
    %get3A_1 = vector.load %arg1[%get3A, %get3A_0] : memref<1264x128xf32, #tpu.memory_space<vmem>>, vector<1264x128xf32>
    %get3A_2 = arith.constant 0 : index
    %get3A_3 = arith.constant 0 : index
    %get3A_4 = vector.load %arg2[%get3A_2, %get3A_3] : memref<128x64xf32, #tpu.memory_space<vmem>>, vector<128x64xf32>
    %convert_element_type3A = arith.truncf %get3A_1 : vector<1264x128xf32> to vector<1264x128xbf16>
    %convert_element_type3A_5 = arith.truncf %get3A_4 : vector<128x64xf32> to vector<128x64xbf16>
    %dot_general3A = arith.constant dense<0.000000e+00> : vector<1264x64xf32>
    %dot_general3A_6 = tpu.matmul %convert_element_type3A, %convert_element_type3A_5, %dot_general3A {dimension_numbers = #tpu.dot_dimension_numbers<[1], [0], [0], [1], [0, 0, 1, 1], [], []>, transpose_lhs_hint = false} : vector<1264x128xbf16>, vector<128x64xbf16>, vector<1264x64xf32> -> vector<1264x64xf32>
    %get3A_7 = arith.constant 0 : index
    %get3A_8 = arith.constant 0 : index
    %get3A_9 = vector.load %arg3[%get3A_7, %get3A_8] : memref<1x64xf32, #tpu.memory_space<vmem>>, vector<1x64xf32>
    %add3A = vector.broadcast %get3A_9 : vector<1x64xf32> to vector<1264x64xf32>
    %add3A_10 = arith.addf %dot_general3A_6, %add3A : vector<1264x64xf32>
    %gt3A = arith.constant 0.000000e+00 : f32
    %gt3A_11 = vector.broadcast %gt3A : f32 to vector<1264x64xf32>
    %gt3A_12 = arith.cmpf ogt, %add3A_10, %gt3A_11 : vector<1264x64xf32>
    %mul3A = arith.constant 0.00999999977 : f32
    %mul3A_13 = vector.broadcast %mul3A : f32 to vector<1264x64xf32>
    %mul3A_14 = arith.mulf %mul3A_13, %add3A_10 : vector<1264x64xf32>
    %select_n3A = arith.select %gt3A_12, %add3A_10, %mul3A_14 : vector<1264x64xi1>, vector<1264x64xf32>
    %get3A_15 = arith.constant 0 : index
    %get3A_16 = arith.constant 0 : index
    %get3A_17 = vector.load %arg4[%get3A_15, %get3A_16] : memref<64x64xf32, #tpu.memory_space<vmem>>, vector<64x64xf32>
    %convert_element_type3A_18 = arith.truncf %select_n3A : vector<1264x64xf32> to vector<1264x64xbf16>
    %convert_element_type3A_19 = arith.truncf %get3A_17 : vector<64x64xf32> to vector<64x64xbf16>
    %dot_general3A_20 = arith.constant dense<0.000000e+00> : vector<1264x64xf32>
    %dot_general3A_21 = tpu.matmul %convert_element_type3A_18, %convert_element_type3A_19, %dot_general3A_20 {dimension_numbers = #tpu.dot_dimension_numbers<[1], [0], [0], [1], [0, 0, 1, 1], [], []>, transpose_lhs_hint = false} : vector<1264x64xbf16>, vector<64x64xbf16>, vector<1264x64xf32> -> vector<1264x64xf32>
    %get3A_22 = arith.constant 0 : index
    %get3A_23 = arith.constant 0 : index
    %get3A_24 = vector.load %arg5[%get3A_22, %get3A_23] : memref<1x64xf32, #tpu.memory_space<vmem>>, vector<1x64xf32>
    %add3A_25 = vector.broadcast %get3A_24 : vector<1x64xf32> to vector<1264x64xf32>
    %add3A_26 = arith.addf %dot_general3A_21, %add3A_25 : vector<1264x64xf32>
    %gt3A_27 = arith.constant 0.000000e+00 : f32
    %gt3A_28 = vector.broadcast %gt3A_27 : f32 to vector<1264x64xf32>
    %gt3A_29 = arith.cmpf ogt, %add3A_26, %gt3A_28 : vector<1264x64xf32>
    %mul3A_30 = arith.constant 0.00999999977 : f32
    %mul3A_31 = vector.broadcast %mul3A_30 : f32 to vector<1264x64xf32>
    %mul3A_32 = arith.mulf %mul3A_31, %add3A_26 : vector<1264x64xf32>
    %select_n3A_33 = arith.select %gt3A_29, %add3A_26, %mul3A_32 : vector<1264x64xi1>, vector<1264x64xf32>
    %swap3A = arith.constant 0 : index
    %swap3A_34 = arith.constant 0 : index
    %swap3A_35 = vector.load %arg6[%swap3A, %swap3A_34] : memref<1264x64xf32, #tpu.memory_space<vmem>>, vector<1264x64xf32>
    tpu.vector_store %arg6[%swap3A, %swap3A_34], %select_n3A_33 {strides = array<i32>} : memref<1264x64xf32, #tpu.memory_space<vmem>>, vector<1264x64xf32>,
    return
  }
  func.func @transform_0(%arg0: i32) -> (i32, i32) {
    %c0_i32 = arith.constant 0 : i32
    %c0_i32_0 = arith.constant 0 : i32
    return %arg0, %c0_i32 : i32, i32
  }
  func.func @transform_1(%arg0: i32) -> (i32, i32) {
    %c0_i32 = arith.constant 0 : i32
    %c0_i32_0 = arith.constant 0 : i32
    %c0_i32_1 = arith.constant 0 : i32
    return %c0_i32, %c0_i32_0 : i32, i32
  }
  func.func @transform_2(%arg0: i32) -> (i32, i32) {
    %c0_i32 = arith.constant 0 : i32
    %c0_i32_0 = arith.constant 0 : i32
    %c0_i32_1 = arith.constant 0 : i32
    return %c0_i32, %c0_i32_0 : i32, i32
  }
  func.func @transform_3(%arg0: i32) -> (i32, i32) {
    %c0_i32 = arith.constant 0 : i32
    %c0_i32_0 = arith.constant 0 : i32
    %c0_i32_1 = arith.constant 0 : i32
    return %c0_i32, %c0_i32_0 : i32, i32
  }
  func.func @transform_4(%arg0: i32) -> (i32, i32) {
    %c0_i32 = arith.constant 0 : i32
    %c0_i32_0 = arith.constant 0 : i32
    %c0_i32_1 = arith.constant 0 : i32
    return %c0_i32, %c0_i32_0 : i32, i32
  }
  func.func @transform_5(%arg0: i32) -> (i32, i32) {
    %c0_i32 = arith.constant 0 : i32
    %c0_i32_0 = arith.constant 0 : i32
    return %arg0, %c0_i32 : i32, i32
  }
}

module attributes {stable_mosaic.version = 14 : i64} {
  func.func @_ug_body(%arg0: i32, %arg1: memref<2x3x1264x16xf32, #tpu.memory_space<vmem>>, %arg2: memref<1264x64xf32, #tpu.memory_space<vmem>>, %arg3: memref<1264x3xf32, #tpu.memory_space<vmem>>, %arg4: memref<1264x64xf32, #tpu.memory_space<vmem>>) attributes {dimension_semantics = [#tpu.dimension_semantics<arbitrary>], iteration_bounds = array<i64: 8>, scalar_prefetch = 0 : i64, scratch_operands = 0 : i64, tpu.core_type = #tpu.core_type<tc>, window_params = [{transform_indices = @transform_0, window_bounds = array<i64: 2, 3, 1264, 16>}, {transform_indices = @transform_1, window_bounds = array<i64: 1264, 64>}, {transform_indices = @transform_2, window_bounds = array<i64: 1264, 3>}, {transform_indices = @transform_3, window_bounds = array<i64: 1264, 64>}]} {
    %get3A = arith.constant 0 : index
    %get3A_0 = arith.constant 0 : index
    %get3A_1 = arith.constant 0 : index
    %get3A_2 = arith.constant 0 : index
    %get3A_3 = vector.load %arg1[%get3A, %get3A_0, %get3A_1, %get3A_2] : memref<2x3x1264x16xf32, #tpu.memory_space<vmem>>, vector<1x1x1264x1xf32>
    %get3A_4 = vector.shape_cast %get3A_3 : vector<1x1x1264x1xf32> to vector<1264x1xf32>
    %get3A_5 = arith.constant 1 : index
    %get3A_6 = arith.constant 0 : index
    %get3A_7 = arith.constant 0 : index
    %get3A_8 = arith.constant 0 : index
    %get3A_9 = vector.load %arg1[%get3A_5, %get3A_6, %get3A_7, %get3A_8] : memref<2x3x1264x16xf32, #tpu.memory_space<vmem>>, vector<1x1x1264x1xf32>
    %get3A_10 = vector.shape_cast %get3A_9 : vector<1x1x1264x1xf32> to vector<1264x1xf32>
    %add3A = arith.addf %get3A_4, %get3A_10 : vector<1264x1xf32>
    %max3A = arith.constant 1.000000e+00 : f32
    %max3A_11 = vector.broadcast %max3A : f32 to vector<1264x1xf32>
    %max3A_12 = arith.maximumf %add3A, %max3A_11 : vector<1264x1xf32>
    %pow3A = arith.constant -5.000000e-01 : f32
    %pow3A_13 = vector.broadcast %pow3A : f32 to vector<1264x1xf32>
    %pow3A_14 = math.powf %max3A_12, %pow3A_13 : vector<1264x1xf32>
    %get3A_15 = arith.constant 0 : index
    %get3A_16 = arith.constant 1 : index
    %get3A_17 = arith.constant 0 : index
    %get3A_18 = arith.constant 0 : index
    %get3A_19 = vector.load %arg1[%get3A_15, %get3A_16, %get3A_17, %get3A_18] : memref<2x3x1264x16xf32, #tpu.memory_space<vmem>>, vector<1x1x1264x1xf32>
    %get3A_20 = vector.shape_cast %get3A_19 : vector<1x1x1264x1xf32> to vector<1264x1xf32>
    %get3A_21 = arith.constant 1 : index
    %get3A_22 = arith.constant 1 : index
    %get3A_23 = arith.constant 0 : index
    %get3A_24 = arith.constant 0 : index
    %get3A_25 = vector.load %arg1[%get3A_21, %get3A_22, %get3A_23, %get3A_24] : memref<2x3x1264x16xf32, #tpu.memory_space<vmem>>, vector<1x1x1264x1xf32>
    %get3A_26 = vector.shape_cast %get3A_25 : vector<1x1x1264x1xf32> to vector<1264x1xf32>
    %add3A_27 = arith.addf %get3A_20, %get3A_26 : vector<1264x1xf32>
    %max3A_28 = arith.constant 1.000000e+00 : f32
    %max3A_29 = vector.broadcast %max3A_28 : f32 to vector<1264x1xf32>
    %max3A_30 = arith.maximumf %add3A_27, %max3A_29 : vector<1264x1xf32>
    %pow3A_31 = arith.constant -5.000000e-01 : f32
    %pow3A_32 = vector.broadcast %pow3A_31 : f32 to vector<1264x1xf32>
    %pow3A_33 = math.powf %max3A_30, %pow3A_32 : vector<1264x1xf32>
    %get3A_34 = arith.constant 0 : index
    %get3A_35 = arith.constant 2 : index
    %get3A_36 = arith.constant 0 : index
    %get3A_37 = arith.constant 0 : index
    %get3A_38 = vector.load %arg1[%get3A_34, %get3A_35, %get3A_36, %get3A_37] : memref<2x3x1264x16xf32, #tpu.memory_space<vmem>>, vector<1x1x1264x1xf32>
    %get3A_39 = vector.shape_cast %get3A_38 : vector<1x1x1264x1xf32> to vector<1264x1xf32>
    %get3A_40 = arith.constant 1 : index
    %get3A_41 = arith.constant 2 : index
    %get3A_42 = arith.constant 0 : index
    %get3A_43 = arith.constant 0 : index
    %get3A_44 = vector.load %arg1[%get3A_40, %get3A_41, %get3A_42, %get3A_43] : memref<2x3x1264x16xf32, #tpu.memory_space<vmem>>, vector<1x1x1264x1xf32>
    %get3A_45 = vector.shape_cast %get3A_44 : vector<1x1x1264x1xf32> to vector<1264x1xf32>
    %add3A_46 = arith.addf %get3A_39, %get3A_45 : vector<1264x1xf32>
    %max3A_47 = arith.constant 1.000000e+00 : f32
    %max3A_48 = vector.broadcast %max3A_47 : f32 to vector<1264x1xf32>
    %max3A_49 = arith.maximumf %add3A_46, %max3A_48 : vector<1264x1xf32>
    %pow3A_50 = arith.constant -5.000000e-01 : f32
    %pow3A_51 = vector.broadcast %pow3A_50 : f32 to vector<1264x1xf32>
    %pow3A_52 = math.powf %max3A_49, %pow3A_51 : vector<1264x1xf32>
    %concatenate3A = tpu.concatenate %pow3A_14, %pow3A_33, %pow3A_52 in 1 : vector<1264x1xf32>, vector<1264x1xf32>, vector<1264x1xf32> -> vector<1264x3xf32>
    %swap3A = arith.constant 0 : index
    %swap3A_53 = arith.constant 0 : index
    %swap3A_54 = vector.load %arg3[%swap3A, %swap3A_53] : memref<1264x3xf32, #tpu.memory_space<vmem>>, vector<1264x3xf32>
    tpu.vector_store %arg3[%swap3A, %swap3A_53], %concatenate3A {strides = array<i32>} : memref<1264x3xf32, #tpu.memory_space<vmem>>, vector<1264x3xf32>,
    %get3A_55 = arith.constant 0 : index
    %get3A_56 = arith.constant 0 : index
    %get3A_57 = vector.load %arg2[%get3A_55, %get3A_56] : memref<1264x64xf32, #tpu.memory_space<vmem>>, vector<1264x64xf32>
    %mul3A = vector.broadcast %pow3A_14 : vector<1264x1xf32> to vector<1264x64xf32>
    %mul3A_58 = arith.mulf %get3A_57, %mul3A : vector<1264x64xf32>
    %swap3A_59 = arith.constant 0 : index
    %swap3A_60 = arith.constant 0 : index
    %swap3A_61 = vector.load %arg4[%swap3A_59, %swap3A_60] : memref<1264x64xf32, #tpu.memory_space<vmem>>, vector<1264x64xf32>
    tpu.vector_store %arg4[%swap3A_59, %swap3A_60], %mul3A_58 {strides = array<i32>} : memref<1264x64xf32, #tpu.memory_space<vmem>>, vector<1264x64xf32>,
    return
  }
  func.func @transform_0(%arg0: i32) -> (i32, i32, i32, i32) {
    %c0_i32 = arith.constant 0 : i32
    %c0_i32_0 = arith.constant 0 : i32
    %c0_i32_1 = arith.constant 0 : i32
    %c0_i32_2 = arith.constant 0 : i32
    return %c0_i32, %c0_i32_0, %arg0, %c0_i32_1 : i32, i32, i32, i32
  }
  func.func @transform_1(%arg0: i32) -> (i32, i32) {
    %c0_i32 = arith.constant 0 : i32
    %c0_i32_0 = arith.constant 0 : i32
    return %arg0, %c0_i32 : i32, i32
  }
  func.func @transform_2(%arg0: i32) -> (i32, i32) {
    %c0_i32 = arith.constant 0 : i32
    %c0_i32_0 = arith.constant 0 : i32
    return %arg0, %c0_i32 : i32, i32
  }
  func.func @transform_3(%arg0: i32) -> (i32, i32) {
    %c0_i32 = arith.constant 0 : i32
    %c0_i32_0 = arith.constant 0 : i32
    return %arg0, %c0_i32 : i32, i32
  }
}

module attributes {stable_mosaic.version = 14 : i64} {
  func.func @_comb_body(%arg0: i32, %arg1: memref<2x1264x64xf32, #tpu.memory_space<vmem>>, %arg2: memref<1264x64xf32, #tpu.memory_space<vmem>>, %arg3: memref<1264x3xf32, #tpu.memory_space<vmem>>, %arg4: memref<1264x64xf32, #tpu.memory_space<vmem>>, %arg5: memref<1264x64xf32, #tpu.memory_space<vmem>>) attributes {dimension_semantics = [#tpu.dimension_semantics<arbitrary>], iteration_bounds = array<i64: 8>, scalar_prefetch = 0 : i64, scratch_operands = 0 : i64, tpu.core_type = #tpu.core_type<tc>, window_params = [{transform_indices = @transform_0, window_bounds = array<i64: 2, 1264, 64>}, {transform_indices = @transform_1, window_bounds = array<i64: 1264, 64>}, {transform_indices = @transform_2, window_bounds = array<i64: 1264, 3>}, {transform_indices = @transform_3, window_bounds = array<i64: 1264, 64>}, {transform_indices = @transform_4, window_bounds = array<i64: 1264, 64>}]} {
    %get3A = arith.constant 0 : index
    %get3A_0 = arith.constant 0 : index
    %get3A_1 = vector.load %arg3[%get3A, %get3A_0] : memref<1264x3xf32, #tpu.memory_space<vmem>>, vector<1264x1xf32>
    %get3A_2 = arith.constant 0 : index
    %get3A_3 = arith.constant 0 : index
    %get3A_4 = vector.load %arg2[%get3A_2, %get3A_3] : memref<1264x64xf32, #tpu.memory_space<vmem>>, vector<1264x64xf32>
    %get3A_5 = arith.constant 0 : index
    %get3A_6 = arith.constant 0 : index
    %get3A_7 = arith.constant 0 : index
    %get3A_8 = vector.load %arg1[%get3A_5, %get3A_6, %get3A_7] : memref<2x1264x64xf32, #tpu.memory_space<vmem>>, vector<1x1264x64xf32>
    %get3A_9 = vector.shape_cast %get3A_8 : vector<1x1264x64xf32> to vector<1264x64xf32>
    %get3A_10 = arith.constant 1 : index
    %get3A_11 = arith.constant 0 : index
    %get3A_12 = arith.constant 0 : index
    %get3A_13 = vector.load %arg1[%get3A_10, %get3A_11, %get3A_12] : memref<2x1264x64xf32, #tpu.memory_space<vmem>>, vector<1x1264x64xf32>
    %get3A_14 = vector.shape_cast %get3A_13 : vector<1x1264x64xf32> to vector<1264x64xf32>
    %add3A = arith.addf %get3A_9, %get3A_14 : vector<1264x64xf32>
    %mul3A = vector.broadcast %get3A_1 : vector<1264x1xf32> to vector<1264x64xf32>
    %mul3A_15 = arith.mulf %add3A, %mul3A : vector<1264x64xf32>
    %sub3A = arith.subf %get3A_4, %mul3A_15 : vector<1264x64xf32>
    %swap3A = arith.constant 0 : index
    %swap3A_16 = arith.constant 0 : index
    %swap3A_17 = vector.load %arg4[%swap3A, %swap3A_16] : memref<1264x64xf32, #tpu.memory_space<vmem>>, vector<1264x64xf32>
    tpu.vector_store %arg4[%swap3A, %swap3A_16], %sub3A {strides = array<i32>} : memref<1264x64xf32, #tpu.memory_space<vmem>>, vector<1264x64xf32>,
    %mul3A_18 = vector.broadcast %get3A_1 : vector<1264x1xf32> to vector<1264x64xf32>
    %mul3A_19 = arith.mulf %sub3A, %mul3A_18 : vector<1264x64xf32>
    %swap3A_20 = arith.constant 0 : index
    %swap3A_21 = arith.constant 0 : index
    %swap3A_22 = vector.load %arg5[%swap3A_20, %swap3A_21] : memref<1264x64xf32, #tpu.memory_space<vmem>>, vector<1264x64xf32>
    tpu.vector_store %arg5[%swap3A_20, %swap3A_21], %mul3A_19 {strides = array<i32>} : memref<1264x64xf32, #tpu.memory_space<vmem>>, vector<1264x64xf32>,
    return
  }
  func.func @transform_0(%arg0: i32) -> (i32, i32, i32) {
    %c0_i32 = arith.constant 0 : i32
    %c0_i32_0 = arith.constant 0 : i32
    %c0_i32_1 = arith.constant 0 : i32
    return %c0_i32, %arg0, %c0_i32_0 : i32, i32, i32
  }
  func.func @transform_1(%arg0: i32) -> (i32, i32) {
    %c0_i32 = arith.constant 0 : i32
    %c0_i32_0 = arith.constant 0 : i32
    return %arg0, %c0_i32 : i32, i32
  }
  func.func @transform_2(%arg0: i32) -> (i32, i32) {
    %c0_i32 = arith.constant 0 : i32
    %c0_i32_0 = arith.constant 0 : i32
    return %arg0, %c0_i32 : i32, i32
  }
  func.func @transform_3(%arg0: i32) -> (i32, i32) {
    %c0_i32 = arith.constant 0 : i32
    %c0_i32_0 = arith.constant 0 : i32
    return %arg0, %c0_i32 : i32, i32
  }
  func.func @transform_4(%arg0: i32) -> (i32, i32) {
    %c0_i32 = arith.constant 0 : i32
    %c0_i32_0 = arith.constant 0 : i32
    return %arg0, %c0_i32 : i32, i32
  }
}

module attributes {stable_mosaic.version = 14 : i64} {
  func.func @_fin_mid_body(%arg0: i32, %arg1: memref<2x1264x64xf32, #tpu.memory_space<vmem>>, %arg2: memref<1264x64xf32, #tpu.memory_space<vmem>>, %arg3: memref<1264x64xf32, #tpu.memory_space<vmem>>, %arg4: memref<1264x3xf32, #tpu.memory_space<vmem>>, %arg5: memref<192x64xf32, #tpu.memory_space<vmem>>, %arg6: memref<1x64xf32, #tpu.memory_space<vmem>>, %arg7: memref<1264x64xf32, #tpu.memory_space<vmem>>, %arg8: memref<1264x64xf32, #tpu.memory_space<vmem>>, %arg9: memref<1264x64xf32, #tpu.memory_space<vmem>>, %arg10: memref<1264x64xf32, #tpu.memory_space<vmem>>) attributes {dimension_semantics = [#tpu.dimension_semantics<arbitrary>], iteration_bounds = array<i64: 8>, scalar_prefetch = 0 : i64, scratch_operands = 0 : i64, tpu.core_type = #tpu.core_type<tc>, window_params = [{transform_indices = @transform_0, window_bounds = array<i64: 2, 1264, 64>}, {transform_indices = @transform_1, window_bounds = array<i64: 1264, 64>}, {transform_indices = @transform_2, window_bounds = array<i64: 1264, 64>}, {transform_indices = @transform_3, window_bounds = array<i64: 1264, 3>}, {pipeline_mode = #tpu.pipeline_mode<synchronous>, transform_indices = @transform_4, window_bounds = array<i64: 192, 64>}, {pipeline_mode = #tpu.pipeline_mode<synchronous>, transform_indices = @transform_5, window_bounds = array<i64: 1, 64>}, {transform_indices = @transform_6, window_bounds = array<i64: 1264, 64>}, {transform_indices = @transform_7, window_bounds = array<i64: 1264, 64>}, {transform_indices = @transform_8, window_bounds = array<i64: 1264, 64>}, {transform_indices = @transform_9, window_bounds = array<i64: 1264, 64>}]} {
    %get3A = arith.constant 0 : index
    %get3A_0 = arith.constant 0 : index
    %get3A_1 = vector.load %arg2[%get3A, %get3A_0] : memref<1264x64xf32, #tpu.memory_space<vmem>>, vector<1264x64xf32>
    %get3A_2 = arith.constant 0 : index
    %get3A_3 = arith.constant 0 : index
    %get3A_4 = vector.load %arg3[%get3A_2, %get3A_3] : memref<1264x64xf32, #tpu.memory_space<vmem>>, vector<1264x64xf32>
    %get3A_5 = arith.constant 0 : index
    %get3A_6 = arith.constant 0 : index
    %get3A_7 = arith.constant 0 : index
    %get3A_8 = vector.load %arg1[%get3A_5, %get3A_6, %get3A_7] : memref<2x1264x64xf32, #tpu.memory_space<vmem>>, vector<1x1264x64xf32>
    %get3A_9 = vector.shape_cast %get3A_8 : vector<1x1264x64xf32> to vector<1264x64xf32>
    %get3A_10 = arith.constant 1 : index
    %get3A_11 = arith.constant 0 : index
    %get3A_12 = arith.constant 0 : index
    %get3A_13 = vector.load %arg1[%get3A_10, %get3A_11, %get3A_12] : memref<2x1264x64xf32, #tpu.memory_space<vmem>>, vector<1x1264x64xf32>
    %get3A_14 = vector.shape_cast %get3A_13 : vector<1x1264x64xf32> to vector<1264x64xf32>
    %add3A = arith.addf %get3A_9, %get3A_14 : vector<1264x64xf32>
    %get3A_15 = arith.constant 0 : index
    %get3A_16 = arith.constant 0 : index
    %get3A_17 = vector.load %arg4[%get3A_15, %get3A_16] : memref<1264x3xf32, #tpu.memory_space<vmem>>, vector<1264x1xf32>
    %mul3A = vector.broadcast %get3A_17 : vector<1264x1xf32> to vector<1264x64xf32>
    %mul3A_18 = arith.mulf %add3A, %mul3A : vector<1264x64xf32>
    %sub3A = arith.subf %get3A_4, %mul3A_18 : vector<1264x64xf32>
    %get3A_19 = arith.constant 0 : index
    %get3A_20 = arith.constant 0 : index
    %get3A_21 = vector.load %arg5[%get3A_19, %get3A_20] : memref<192x64xf32, #tpu.memory_space<vmem>>, vector<192x64xf32>
    %mul3A_22 = arith.constant 3.000000e+00 : f32
    %mul3A_23 = vector.broadcast %mul3A_22 : f32 to vector<1264x64xf32>
    %mul3A_24 = arith.mulf %mul3A_23, %get3A_1 : vector<1264x64xf32>
    %mul3A_25 = arith.constant 3.000000e+00 : f32
    %mul3A_26 = vector.broadcast %mul3A_25 : f32 to vector<1264x64xf32>
    %mul3A_27 = arith.mulf %mul3A_26, %get3A_4 : vector<1264x64xf32>
    %sub3A_28 = arith.subf %mul3A_24, %mul3A_27 : vector<1264x64xf32>
    %mul3A_29 = arith.constant 7.500000e-01 : f32
    %mul3A_30 = vector.broadcast %mul3A_29 : f32 to vector<1264x64xf32>
    %mul3A_31 = arith.mulf %mul3A_30, %sub3A : vector<1264x64xf32>
    %add3A_32 = arith.addf %sub3A_28, %mul3A_31 : vector<1264x64xf32>
    %mul3A_33 = arith.constant 3.000000e+00 : f32
    %mul3A_34 = vector.broadcast %mul3A_33 : f32 to vector<1264x64xf32>
    %mul3A_35 = arith.mulf %mul3A_34, %get3A_4 : vector<1264x64xf32>
    %mul3A_36 = arith.constant 1.500000e+00 : f32
    %mul3A_37 = vector.broadcast %mul3A_36 : f32 to vector<1264x64xf32>
    %mul3A_38 = arith.mulf %mul3A_37, %sub3A : vector<1264x64xf32>
    %sub3A_39 = arith.subf %mul3A_35, %mul3A_38 : vector<1264x64xf32>
    %mul3A_40 = arith.constant 7.500000e-01 : f32
    %mul3A_41 = vector.broadcast %mul3A_40 : f32 to vector<1264x64xf32>
    %mul3A_42 = arith.mulf %mul3A_41, %sub3A : vector<1264x64xf32>
    %slice3A = vector.extract_strided_slice %get3A_21 {offsets = [0, 0], sizes = [64, 64], strides = [1, 1]} : vector<192x64xf32> to vector<64x64xf32>
    %convert_element_type3A = arith.truncf %add3A_32 : vector<1264x64xf32> to vector<1264x64xbf16>
    %convert_element_type3A_43 = arith.truncf %slice3A : vector<64x64xf32> to vector<64x64xbf16>
    %dot_general3A = arith.constant dense<0.000000e+00> : vector<1264x64xf32>
    %dot_general3A_44 = tpu.matmul %convert_element_type3A, %convert_element_type3A_43, %dot_general3A {dimension_numbers = #tpu.dot_dimension_numbers<[1], [0], [0], [1], [0, 0, 1, 1], [], []>, transpose_lhs_hint = false} : vector<1264x64xbf16>, vector<64x64xbf16>, vector<1264x64xf32> -> vector<1264x64xf32>
    %slice3A_45 = vector.extract_strided_slice %get3A_21 {offsets = [64, 0], sizes = [64, 64], strides = [1, 1]} : vector<192x64xf32> to vector<64x64xf32>
    %convert_element_type3A_46 = arith.truncf %sub3A_39 : vector<1264x64xf32> to vector<1264x64xbf16>
    %convert_element_type3A_47 = arith.truncf %slice3A_45 : vector<64x64xf32> to vector<64x64xbf16>
    %dot_general3A_48 = arith.constant dense<0.000000e+00> : vector<1264x64xf32>
    %dot_general3A_49 = tpu.matmul %convert_element_type3A_46, %convert_element_type3A_47, %dot_general3A_48 {dimension_numbers = #tpu.dot_dimension_numbers<[1], [0], [0], [1], [0, 0, 1, 1], [], []>, transpose_lhs_hint = false} : vector<1264x64xbf16>, vector<64x64xbf16>, vector<1264x64xf32> -> vector<1264x64xf32>
    %add3A_50 = arith.addf %dot_general3A_44, %dot_general3A_49 : vector<1264x64xf32>
    %slice3A_51 = vector.extract_strided_slice %get3A_21 {offsets = [128, 0], sizes = [64, 64], strides = [1, 1]} : vector<192x64xf32> to vector<64x64xf32>
    %convert_element_type3A_52 = arith.truncf %mul3A_42 : vector<1264x64xf32> to vector<1264x64xbf16>
    %convert_element_type3A_53 = arith.truncf %slice3A_51 : vector<64x64xf32> to vector<64x64xbf16>
    %dot_general3A_54 = arith.constant dense<0.000000e+00> : vector<1264x64xf32>
    %dot_general3A_55 = tpu.matmul %convert_element_type3A_52, %convert_element_type3A_53, %dot_general3A_54 {dimension_numbers = #tpu.dot_dimension_numbers<[1], [0], [0], [1], [0, 0, 1, 1], [], []>, transpose_lhs_hint = false} : vector<1264x64xbf16>, vector<64x64xbf16>, vector<1264x64xf32> -> vector<1264x64xf32>
    %add3A_56 = arith.addf %add3A_50, %dot_general3A_55 : vector<1264x64xf32>
    %get3A_57 = arith.constant 0 : index
    %get3A_58 = arith.constant 0 : index
    %get3A_59 = vector.load %arg6[%get3A_57, %get3A_58] : memref<1x64xf32, #tpu.memory_space<vmem>>, vector<1x64xf32>
    %add3A_60 = vector.broadcast %get3A_59 : vector<1x64xf32> to vector<1264x64xf32>
    %add3A_61 = arith.addf %add3A_56, %add3A_60 : vector<1264x64xf32>
    %get3A_62 = arith.constant 0 : index
    %get3A_63 = arith.constant 0 : index
    %get3A_64 = vector.load %arg7[%get3A_62, %get3A_63] : memref<1264x64xf32, #tpu.memory_space<vmem>>, vector<1264x64xf32>
    %add3A_65 = arith.addf %get3A_64, %add3A_61 : vector<1264x64xf32>
    %swap3A = arith.constant 0 : index
    %swap3A_66 = arith.constant 0 : index
    %swap3A_67 = vector.load %arg8[%swap3A, %swap3A_66] : memref<1264x64xf32, #tpu.memory_space<vmem>>, vector<1264x64xf32>
    tpu.vector_store %arg8[%swap3A, %swap3A_66], %add3A_61 {strides = array<i32>} : memref<1264x64xf32, #tpu.memory_space<vmem>>, vector<1264x64xf32>,
    %swap3A_68 = arith.constant 0 : index
    %swap3A_69 = arith.constant 0 : index
    %swap3A_70 = vector.load %arg9[%swap3A_68, %swap3A_69] : memref<1264x64xf32, #tpu.memory_space<vmem>>, vector<1264x64xf32>
    tpu.vector_store %arg9[%swap3A_68, %swap3A_69], %add3A_65 {strides = array<i32>} : memref<1264x64xf32, #tpu.memory_space<vmem>>, vector<1264x64xf32>,
    %get3A_71 = arith.constant 0 : index
    %get3A_72 = arith.constant 1 : index
    %get3A_73 = vector.load %arg4[%get3A_71, %get3A_72] : memref<1264x3xf32, #tpu.memory_space<vmem>>, vector<1264x1xf32>
    %mul3A_74 = vector.broadcast %get3A_73 : vector<1264x1xf32> to vector<1264x64xf32>
    %mul3A_75 = arith.mulf %add3A_61, %mul3A_74 : vector<1264x64xf32>
    %swap3A_76 = arith.constant 0 : index
    %swap3A_77 = arith.constant 0 : index
    %swap3A_78 = vector.load %arg10[%swap3A_76, %swap3A_77] : memref<1264x64xf32, #tpu.memory_space<vmem>>, vector<1264x64xf32>
    tpu.vector_store %arg10[%swap3A_76, %swap3A_77], %mul3A_75 {strides = array<i32>} : memref<1264x64xf32, #tpu.memory_space<vmem>>, vector<1264x64xf32>,
    return
  }
  func.func @transform_0(%arg0: i32) -> (i32, i32, i32) {
    %c0_i32 = arith.constant 0 : i32
    %c0_i32_0 = arith.constant 0 : i32
    %c0_i32_1 = arith.constant 0 : i32
    return %c0_i32, %arg0, %c0_i32_0 : i32, i32, i32
  }
  func.func @transform_1(%arg0: i32) -> (i32, i32) {
    %c0_i32 = arith.constant 0 : i32
    %c0_i32_0 = arith.constant 0 : i32
    return %arg0, %c0_i32 : i32, i32
  }
  func.func @transform_2(%arg0: i32) -> (i32, i32) {
    %c0_i32 = arith.constant 0 : i32
    %c0_i32_0 = arith.constant 0 : i32
    return %arg0, %c0_i32 : i32, i32
  }
  func.func @transform_3(%arg0: i32) -> (i32, i32) {
    %c0_i32 = arith.constant 0 : i32
    %c0_i32_0 = arith.constant 0 : i32
    return %arg0, %c0_i32 : i32, i32
  }
  func.func @transform_4(%arg0: i32) -> (i32, i32) {
    %c0_i32 = arith.constant 0 : i32
    %c0_i32_0 = arith.constant 0 : i32
    %c0_i32_1 = arith.constant 0 : i32
    return %c0_i32, %c0_i32_0 : i32, i32
  }
  func.func @transform_5(%arg0: i32) -> (i32, i32) {
    %c0_i32 = arith.constant 0 : i32
    %c0_i32_0 = arith.constant 0 : i32
    %c0_i32_1 = arith.constant 0 : i32
    return %c0_i32, %c0_i32_0 : i32, i32
  }
  func.func @transform_6(%arg0: i32) -> (i32, i32) {
    %c0_i32 = arith.constant 0 : i32
    %c0_i32_0 = arith.constant 0 : i32
    return %arg0, %c0_i32 : i32, i32
  }
  func.func @transform_7(%arg0: i32) -> (i32, i32) {
    %c0_i32 = arith.constant 0 : i32
    %c0_i32_0 = arith.constant 0 : i32
    return %arg0, %c0_i32 : i32, i32
  }
  func.func @transform_8(%arg0: i32) -> (i32, i32) {
    %c0_i32 = arith.constant 0 : i32
    %c0_i32_0 = arith.constant 0 : i32
    return %arg0, %c0_i32 : i32, i32
  }
  func.func @transform_9(%arg0: i32) -> (i32, i32) {
    %c0_i32 = arith.constant 0 : i32
    %c0_i32_0 = arith.constant 0 : i32
    return %arg0, %c0_i32 : i32, i32
  }
}

module attributes {stable_mosaic.version = 14 : i64} {
  func.func @_comb_body(%arg0: i32, %arg1: memref<2x1264x64xf32, #tpu.memory_space<vmem>>, %arg2: memref<1264x64xf32, #tpu.memory_space<vmem>>, %arg3: memref<1264x3xf32, #tpu.memory_space<vmem>>, %arg4: memref<1264x64xf32, #tpu.memory_space<vmem>>, %arg5: memref<1264x64xf32, #tpu.memory_space<vmem>>) attributes {dimension_semantics = [#tpu.dimension_semantics<arbitrary>], iteration_bounds = array<i64: 8>, scalar_prefetch = 0 : i64, scratch_operands = 0 : i64, tpu.core_type = #tpu.core_type<tc>, window_params = [{transform_indices = @transform_0, window_bounds = array<i64: 2, 1264, 64>}, {transform_indices = @transform_1, window_bounds = array<i64: 1264, 64>}, {transform_indices = @transform_2, window_bounds = array<i64: 1264, 3>}, {transform_indices = @transform_3, window_bounds = array<i64: 1264, 64>}, {transform_indices = @transform_4, window_bounds = array<i64: 1264, 64>}]} {
    %get3A = arith.constant 0 : index
    %get3A_0 = arith.constant 1 : index
    %get3A_1 = vector.load %arg3[%get3A, %get3A_0] : memref<1264x3xf32, #tpu.memory_space<vmem>>, vector<1264x1xf32>
    %get3A_2 = arith.constant 0 : index
    %get3A_3 = arith.constant 0 : index
    %get3A_4 = vector.load %arg2[%get3A_2, %get3A_3] : memref<1264x64xf32, #tpu.memory_space<vmem>>, vector<1264x64xf32>
    %get3A_5 = arith.constant 0 : index
    %get3A_6 = arith.constant 0 : index
    %get3A_7 = arith.constant 0 : index
    %get3A_8 = vector.load %arg1[%get3A_5, %get3A_6, %get3A_7] : memref<2x1264x64xf32, #tpu.memory_space<vmem>>, vector<1x1264x64xf32>
    %get3A_9 = vector.shape_cast %get3A_8 : vector<1x1264x64xf32> to vector<1264x64xf32>
    %get3A_10 = arith.constant 1 : index
    %get3A_11 = arith.constant 0 : index
    %get3A_12 = arith.constant 0 : index
    %get3A_13 = vector.load %arg1[%get3A_10, %get3A_11, %get3A_12] : memref<2x1264x64xf32, #tpu.memory_space<vmem>>, vector<1x1264x64xf32>
    %get3A_14 = vector.shape_cast %get3A_13 : vector<1x1264x64xf32> to vector<1264x64xf32>
    %add3A = arith.addf %get3A_9, %get3A_14 : vector<1264x64xf32>
    %mul3A = vector.broadcast %get3A_1 : vector<1264x1xf32> to vector<1264x64xf32>
    %mul3A_15 = arith.mulf %add3A, %mul3A : vector<1264x64xf32>
    %sub3A = arith.subf %get3A_4, %mul3A_15 : vector<1264x64xf32>
    %swap3A = arith.constant 0 : index
    %swap3A_16 = arith.constant 0 : index
    %swap3A_17 = vector.load %arg4[%swap3A, %swap3A_16] : memref<1264x64xf32, #tpu.memory_space<vmem>>, vector<1264x64xf32>
    tpu.vector_store %arg4[%swap3A, %swap3A_16], %sub3A {strides = array<i32>} : memref<1264x64xf32, #tpu.memory_space<vmem>>, vector<1264x64xf32>,
    %mul3A_18 = vector.broadcast %get3A_1 : vector<1264x1xf32> to vector<1264x64xf32>
    %mul3A_19 = arith.mulf %sub3A, %mul3A_18 : vector<1264x64xf32>
    %swap3A_20 = arith.constant 0 : index
    %swap3A_21 = arith.constant 0 : index
    %swap3A_22 = vector.load %arg5[%swap3A_20, %swap3A_21] : memref<1264x64xf32, #tpu.memory_space<vmem>>, vector<1264x64xf32>
    tpu.vector_store %arg5[%swap3A_20, %swap3A_21], %mul3A_19 {strides = array<i32>} : memref<1264x64xf32, #tpu.memory_space<vmem>>, vector<1264x64xf32>,
    return
  }
  func.func @transform_0(%arg0: i32) -> (i32, i32, i32) {
    %c0_i32 = arith.constant 0 : i32
    %c0_i32_0 = arith.constant 0 : i32
    %c0_i32_1 = arith.constant 0 : i32
    return %c0_i32, %arg0, %c0_i32_0 : i32, i32, i32
  }
  func.func @transform_1(%arg0: i32) -> (i32, i32) {
    %c0_i32 = arith.constant 0 : i32
    %c0_i32_0 = arith.constant 0 : i32
    return %arg0, %c0_i32 : i32, i32
  }
  func.func @transform_2(%arg0: i32) -> (i32, i32) {
    %c0_i32 = arith.constant 0 : i32
    %c0_i32_0 = arith.constant 0 : i32
    return %arg0, %c0_i32 : i32, i32
  }
  func.func @transform_3(%arg0: i32) -> (i32, i32) {
    %c0_i32 = arith.constant 0 : i32
    %c0_i32_0 = arith.constant 0 : i32
    return %arg0, %c0_i32 : i32, i32
  }
  func.func @transform_4(%arg0: i32) -> (i32, i32) {
    %c0_i32 = arith.constant 0 : i32
    %c0_i32_0 = arith.constant 0 : i32
    return %arg0, %c0_i32 : i32, i32
  }
}

module attributes {stable_mosaic.version = 14 : i64} {
  func.func @_fin_mid_body(%arg0: i32, %arg1: memref<2x1264x64xf32, #tpu.memory_space<vmem>>, %arg2: memref<1264x64xf32, #tpu.memory_space<vmem>>, %arg3: memref<1264x64xf32, #tpu.memory_space<vmem>>, %arg4: memref<1264x3xf32, #tpu.memory_space<vmem>>, %arg5: memref<192x64xf32, #tpu.memory_space<vmem>>, %arg6: memref<1x64xf32, #tpu.memory_space<vmem>>, %arg7: memref<1264x64xf32, #tpu.memory_space<vmem>>, %arg8: memref<1264x64xf32, #tpu.memory_space<vmem>>, %arg9: memref<1264x64xf32, #tpu.memory_space<vmem>>, %arg10: memref<1264x64xf32, #tpu.memory_space<vmem>>) attributes {dimension_semantics = [#tpu.dimension_semantics<arbitrary>], iteration_bounds = array<i64: 8>, scalar_prefetch = 0 : i64, scratch_operands = 0 : i64, tpu.core_type = #tpu.core_type<tc>, window_params = [{transform_indices = @transform_0, window_bounds = array<i64: 2, 1264, 64>}, {transform_indices = @transform_1, window_bounds = array<i64: 1264, 64>}, {transform_indices = @transform_2, window_bounds = array<i64: 1264, 64>}, {transform_indices = @transform_3, window_bounds = array<i64: 1264, 3>}, {pipeline_mode = #tpu.pipeline_mode<synchronous>, transform_indices = @transform_4, window_bounds = array<i64: 192, 64>}, {pipeline_mode = #tpu.pipeline_mode<synchronous>, transform_indices = @transform_5, window_bounds = array<i64: 1, 64>}, {transform_indices = @transform_6, window_bounds = array<i64: 1264, 64>}, {transform_indices = @transform_7, window_bounds = array<i64: 1264, 64>}, {transform_indices = @transform_8, window_bounds = array<i64: 1264, 64>}, {transform_indices = @transform_9, window_bounds = array<i64: 1264, 64>}]} {
    %get3A = arith.constant 0 : index
    %get3A_0 = arith.constant 0 : index
    %get3A_1 = vector.load %arg2[%get3A, %get3A_0] : memref<1264x64xf32, #tpu.memory_space<vmem>>, vector<1264x64xf32>
    %get3A_2 = arith.constant 0 : index
    %get3A_3 = arith.constant 0 : index
    %get3A_4 = vector.load %arg3[%get3A_2, %get3A_3] : memref<1264x64xf32, #tpu.memory_space<vmem>>, vector<1264x64xf32>
    %get3A_5 = arith.constant 0 : index
    %get3A_6 = arith.constant 0 : index
    %get3A_7 = arith.constant 0 : index
    %get3A_8 = vector.load %arg1[%get3A_5, %get3A_6, %get3A_7] : memref<2x1264x64xf32, #tpu.memory_space<vmem>>, vector<1x1264x64xf32>
    %get3A_9 = vector.shape_cast %get3A_8 : vector<1x1264x64xf32> to vector<1264x64xf32>
    %get3A_10 = arith.constant 1 : index
    %get3A_11 = arith.constant 0 : index
    %get3A_12 = arith.constant 0 : index
    %get3A_13 = vector.load %arg1[%get3A_10, %get3A_11, %get3A_12] : memref<2x1264x64xf32, #tpu.memory_space<vmem>>, vector<1x1264x64xf32>
    %get3A_14 = vector.shape_cast %get3A_13 : vector<1x1264x64xf32> to vector<1264x64xf32>
    %add3A = arith.addf %get3A_9, %get3A_14 : vector<1264x64xf32>
    %get3A_15 = arith.constant 0 : index
    %get3A_16 = arith.constant 1 : index
    %get3A_17 = vector.load %arg4[%get3A_15, %get3A_16] : memref<1264x3xf32, #tpu.memory_space<vmem>>, vector<1264x1xf32>
    %mul3A = vector.broadcast %get3A_17 : vector<1264x1xf32> to vector<1264x64xf32>
    %mul3A_18 = arith.mulf %add3A, %mul3A : vector<1264x64xf32>
    %sub3A = arith.subf %get3A_4, %mul3A_18 : vector<1264x64xf32>
    %get3A_19 = arith.constant 0 : index
    %get3A_20 = arith.constant 0 : index
    %get3A_21 = vector.load %arg5[%get3A_19, %get3A_20] : memref<192x64xf32, #tpu.memory_space<vmem>>, vector<192x64xf32>
    %mul3A_22 = arith.constant 3.000000e+00 : f32
    %mul3A_23 = vector.broadcast %mul3A_22 : f32 to vector<1264x64xf32>
    %mul3A_24 = arith.mulf %mul3A_23, %get3A_1 : vector<1264x64xf32>
    %mul3A_25 = arith.constant 3.000000e+00 : f32
    %mul3A_26 = vector.broadcast %mul3A_25 : f32 to vector<1264x64xf32>
    %mul3A_27 = arith.mulf %mul3A_26, %get3A_4 : vector<1264x64xf32>
    %sub3A_28 = arith.subf %mul3A_24, %mul3A_27 : vector<1264x64xf32>
    %mul3A_29 = arith.constant 7.500000e-01 : f32
    %mul3A_30 = vector.broadcast %mul3A_29 : f32 to vector<1264x64xf32>
    %mul3A_31 = arith.mulf %mul3A_30, %sub3A : vector<1264x64xf32>
    %add3A_32 = arith.addf %sub3A_28, %mul3A_31 : vector<1264x64xf32>
    %mul3A_33 = arith.constant 3.000000e+00 : f32
    %mul3A_34 = vector.broadcast %mul3A_33 : f32 to vector<1264x64xf32>
    %mul3A_35 = arith.mulf %mul3A_34, %get3A_4 : vector<1264x64xf32>
    %mul3A_36 = arith.constant 1.500000e+00 : f32
    %mul3A_37 = vector.broadcast %mul3A_36 : f32 to vector<1264x64xf32>
    %mul3A_38 = arith.mulf %mul3A_37, %sub3A : vector<1264x64xf32>
    %sub3A_39 = arith.subf %mul3A_35, %mul3A_38 : vector<1264x64xf32>
    %mul3A_40 = arith.constant 7.500000e-01 : f32
    %mul3A_41 = vector.broadcast %mul3A_40 : f32 to vector<1264x64xf32>
    %mul3A_42 = arith.mulf %mul3A_41, %sub3A : vector<1264x64xf32>
    %slice3A = vector.extract_strided_slice %get3A_21 {offsets = [0, 0], sizes = [64, 64], strides = [1, 1]} : vector<192x64xf32> to vector<64x64xf32>
    %convert_element_type3A = arith.truncf %add3A_32 : vector<1264x64xf32> to vector<1264x64xbf16>
    %convert_element_type3A_43 = arith.truncf %slice3A : vector<64x64xf32> to vector<64x64xbf16>
    %dot_general3A = arith.constant dense<0.000000e+00> : vector<1264x64xf32>
    %dot_general3A_44 = tpu.matmul %convert_element_type3A, %convert_element_type3A_43, %dot_general3A {dimension_numbers = #tpu.dot_dimension_numbers<[1], [0], [0], [1], [0, 0, 1, 1], [], []>, transpose_lhs_hint = false} : vector<1264x64xbf16>, vector<64x64xbf16>, vector<1264x64xf32> -> vector<1264x64xf32>
    %slice3A_45 = vector.extract_strided_slice %get3A_21 {offsets = [64, 0], sizes = [64, 64], strides = [1, 1]} : vector<192x64xf32> to vector<64x64xf32>
    %convert_element_type3A_46 = arith.truncf %sub3A_39 : vector<1264x64xf32> to vector<1264x64xbf16>
    %convert_element_type3A_47 = arith.truncf %slice3A_45 : vector<64x64xf32> to vector<64x64xbf16>
    %dot_general3A_48 = arith.constant dense<0.000000e+00> : vector<1264x64xf32>
    %dot_general3A_49 = tpu.matmul %convert_element_type3A_46, %convert_element_type3A_47, %dot_general3A_48 {dimension_numbers = #tpu.dot_dimension_numbers<[1], [0], [0], [1], [0, 0, 1, 1], [], []>, transpose_lhs_hint = false} : vector<1264x64xbf16>, vector<64x64xbf16>, vector<1264x64xf32> -> vector<1264x64xf32>
    %add3A_50 = arith.addf %dot_general3A_44, %dot_general3A_49 : vector<1264x64xf32>
    %slice3A_51 = vector.extract_strided_slice %get3A_21 {offsets = [128, 0], sizes = [64, 64], strides = [1, 1]} : vector<192x64xf32> to vector<64x64xf32>
    %convert_element_type3A_52 = arith.truncf %mul3A_42 : vector<1264x64xf32> to vector<1264x64xbf16>
    %convert_element_type3A_53 = arith.truncf %slice3A_51 : vector<64x64xf32> to vector<64x64xbf16>
    %dot_general3A_54 = arith.constant dense<0.000000e+00> : vector<1264x64xf32>
    %dot_general3A_55 = tpu.matmul %convert_element_type3A_52, %convert_element_type3A_53, %dot_general3A_54 {dimension_numbers = #tpu.dot_dimension_numbers<[1], [0], [0], [1], [0, 0, 1, 1], [], []>, transpose_lhs_hint = false} : vector<1264x64xbf16>, vector<64x64xbf16>, vector<1264x64xf32> -> vector<1264x64xf32>
    %add3A_56 = arith.addf %add3A_50, %dot_general3A_55 : vector<1264x64xf32>
    %get3A_57 = arith.constant 0 : index
    %get3A_58 = arith.constant 0 : index
    %get3A_59 = vector.load %arg6[%get3A_57, %get3A_58] : memref<1x64xf32, #tpu.memory_space<vmem>>, vector<1x64xf32>
    %add3A_60 = vector.broadcast %get3A_59 : vector<1x64xf32> to vector<1264x64xf32>
    %add3A_61 = arith.addf %add3A_56, %add3A_60 : vector<1264x64xf32>
    %get3A_62 = arith.constant 0 : index
    %get3A_63 = arith.constant 0 : index
    %get3A_64 = vector.load %arg7[%get3A_62, %get3A_63] : memref<1264x64xf32, #tpu.memory_space<vmem>>, vector<1264x64xf32>
    %add3A_65 = arith.addf %get3A_64, %add3A_61 : vector<1264x64xf32>
    %swap3A = arith.constant 0 : index
    %swap3A_66 = arith.constant 0 : index
    %swap3A_67 = vector.load %arg8[%swap3A, %swap3A_66] : memref<1264x64xf32, #tpu.memory_space<vmem>>, vector<1264x64xf32>
    tpu.vector_store %arg8[%swap3A, %swap3A_66], %add3A_61 {strides = array<i32>} : memref<1264x64xf32, #tpu.memory_space<vmem>>, vector<1264x64xf32>,
    %swap3A_68 = arith.constant 0 : index
    %swap3A_69 = arith.constant 0 : index
    %swap3A_70 = vector.load %arg9[%swap3A_68, %swap3A_69] : memref<1264x64xf32, #tpu.memory_space<vmem>>, vector<1264x64xf32>
    tpu.vector_store %arg9[%swap3A_68, %swap3A_69], %add3A_65 {strides = array<i32>} : memref<1264x64xf32, #tpu.memory_space<vmem>>, vector<1264x64xf32>,
    %get3A_71 = arith.constant 0 : index
    %get3A_72 = arith.constant 2 : index
    %get3A_73 = vector.load %arg4[%get3A_71, %get3A_72] : memref<1264x3xf32, #tpu.memory_space<vmem>>, vector<1264x1xf32>
    %mul3A_74 = vector.broadcast %get3A_73 : vector<1264x1xf32> to vector<1264x64xf32>
    %mul3A_75 = arith.mulf %add3A_61, %mul3A_74 : vector<1264x64xf32>
    %swap3A_76 = arith.constant 0 : index
    %swap3A_77 = arith.constant 0 : index
    %swap3A_78 = vector.load %arg10[%swap3A_76, %swap3A_77] : memref<1264x64xf32, #tpu.memory_space<vmem>>, vector<1264x64xf32>
    tpu.vector_store %arg10[%swap3A_76, %swap3A_77], %mul3A_75 {strides = array<i32>} : memref<1264x64xf32, #tpu.memory_space<vmem>>, vector<1264x64xf32>,
    return
  }
  func.func @transform_0(%arg0: i32) -> (i32, i32, i32) {
    %c0_i32 = arith.constant 0 : i32
    %c0_i32_0 = arith.constant 0 : i32
    %c0_i32_1 = arith.constant 0 : i32
    return %c0_i32, %arg0, %c0_i32_0 : i32, i32, i32
  }
  func.func @transform_1(%arg0: i32) -> (i32, i32) {
    %c0_i32 = arith.constant 0 : i32
    %c0_i32_0 = arith.constant 0 : i32
    return %arg0, %c0_i32 : i32, i32
  }
  func.func @transform_2(%arg0: i32) -> (i32, i32) {
    %c0_i32 = arith.constant 0 : i32
    %c0_i32_0 = arith.constant 0 : i32
    return %arg0, %c0_i32 : i32, i32
  }
  func.func @transform_3(%arg0: i32) -> (i32, i32) {
    %c0_i32 = arith.constant 0 : i32
    %c0_i32_0 = arith.constant 0 : i32
    return %arg0, %c0_i32 : i32, i32
  }
  func.func @transform_4(%arg0: i32) -> (i32, i32) {
    %c0_i32 = arith.constant 0 : i32
    %c0_i32_0 = arith.constant 0 : i32
    %c0_i32_1 = arith.constant 0 : i32
    return %c0_i32, %c0_i32_0 : i32, i32
  }
  func.func @transform_5(%arg0: i32) -> (i32, i32) {
    %c0_i32 = arith.constant 0 : i32
    %c0_i32_0 = arith.constant 0 : i32
    %c0_i32_1 = arith.constant 0 : i32
    return %c0_i32, %c0_i32_0 : i32, i32
  }
  func.func @transform_6(%arg0: i32) -> (i32, i32) {
    %c0_i32 = arith.constant 0 : i32
    %c0_i32_0 = arith.constant 0 : i32
    return %arg0, %c0_i32 : i32, i32
  }
  func.func @transform_7(%arg0: i32) -> (i32, i32) {
    %c0_i32 = arith.constant 0 : i32
    %c0_i32_0 = arith.constant 0 : i32
    return %arg0, %c0_i32 : i32, i32
  }
  func.func @transform_8(%arg0: i32) -> (i32, i32) {
    %c0_i32 = arith.constant 0 : i32
    %c0_i32_0 = arith.constant 0 : i32
    return %arg0, %c0_i32 : i32, i32
  }
  func.func @transform_9(%arg0: i32) -> (i32, i32) {
    %c0_i32 = arith.constant 0 : i32
    %c0_i32_0 = arith.constant 0 : i32
    return %arg0, %c0_i32 : i32, i32
  }
}

module attributes {stable_mosaic.version = 14 : i64} {
  func.func @_comb_body(%arg0: i32, %arg1: memref<2x1264x64xf32, #tpu.memory_space<vmem>>, %arg2: memref<1264x64xf32, #tpu.memory_space<vmem>>, %arg3: memref<1264x3xf32, #tpu.memory_space<vmem>>, %arg4: memref<1264x64xf32, #tpu.memory_space<vmem>>, %arg5: memref<1264x64xf32, #tpu.memory_space<vmem>>) attributes {dimension_semantics = [#tpu.dimension_semantics<arbitrary>], iteration_bounds = array<i64: 8>, scalar_prefetch = 0 : i64, scratch_operands = 0 : i64, tpu.core_type = #tpu.core_type<tc>, window_params = [{transform_indices = @transform_0, window_bounds = array<i64: 2, 1264, 64>}, {transform_indices = @transform_1, window_bounds = array<i64: 1264, 64>}, {transform_indices = @transform_2, window_bounds = array<i64: 1264, 3>}, {transform_indices = @transform_3, window_bounds = array<i64: 1264, 64>}, {transform_indices = @transform_4, window_bounds = array<i64: 1264, 64>}]} {
    %get3A = arith.constant 0 : index
    %get3A_0 = arith.constant 2 : index
    %get3A_1 = vector.load %arg3[%get3A, %get3A_0] : memref<1264x3xf32, #tpu.memory_space<vmem>>, vector<1264x1xf32>
    %get3A_2 = arith.constant 0 : index
    %get3A_3 = arith.constant 0 : index
    %get3A_4 = vector.load %arg2[%get3A_2, %get3A_3] : memref<1264x64xf32, #tpu.memory_space<vmem>>, vector<1264x64xf32>
    %get3A_5 = arith.constant 0 : index
    %get3A_6 = arith.constant 0 : index
    %get3A_7 = arith.constant 0 : index
    %get3A_8 = vector.load %arg1[%get3A_5, %get3A_6, %get3A_7] : memref<2x1264x64xf32, #tpu.memory_space<vmem>>, vector<1x1264x64xf32>
    %get3A_9 = vector.shape_cast %get3A_8 : vector<1x1264x64xf32> to vector<1264x64xf32>
    %get3A_10 = arith.constant 1 : index
    %get3A_11 = arith.constant 0 : index
    %get3A_12 = arith.constant 0 : index
    %get3A_13 = vector.load %arg1[%get3A_10, %get3A_11, %get3A_12] : memref<2x1264x64xf32, #tpu.memory_space<vmem>>, vector<1x1264x64xf32>
    %get3A_14 = vector.shape_cast %get3A_13 : vector<1x1264x64xf32> to vector<1264x64xf32>
    %add3A = arith.addf %get3A_9, %get3A_14 : vector<1264x64xf32>
    %mul3A = vector.broadcast %get3A_1 : vector<1264x1xf32> to vector<1264x64xf32>
    %mul3A_15 = arith.mulf %add3A, %mul3A : vector<1264x64xf32>
    %sub3A = arith.subf %get3A_4, %mul3A_15 : vector<1264x64xf32>
    %swap3A = arith.constant 0 : index
    %swap3A_16 = arith.constant 0 : index
    %swap3A_17 = vector.load %arg4[%swap3A, %swap3A_16] : memref<1264x64xf32, #tpu.memory_space<vmem>>, vector<1264x64xf32>
    tpu.vector_store %arg4[%swap3A, %swap3A_16], %sub3A {strides = array<i32>} : memref<1264x64xf32, #tpu.memory_space<vmem>>, vector<1264x64xf32>,
    %mul3A_18 = vector.broadcast %get3A_1 : vector<1264x1xf32> to vector<1264x64xf32>
    %mul3A_19 = arith.mulf %sub3A, %mul3A_18 : vector<1264x64xf32>
    %swap3A_20 = arith.constant 0 : index
    %swap3A_21 = arith.constant 0 : index
    %swap3A_22 = vector.load %arg5[%swap3A_20, %swap3A_21] : memref<1264x64xf32, #tpu.memory_space<vmem>>, vector<1264x64xf32>
    tpu.vector_store %arg5[%swap3A_20, %swap3A_21], %mul3A_19 {strides = array<i32>} : memref<1264x64xf32, #tpu.memory_space<vmem>>, vector<1264x64xf32>,
    return
  }
  func.func @transform_0(%arg0: i32) -> (i32, i32, i32) {
    %c0_i32 = arith.constant 0 : i32
    %c0_i32_0 = arith.constant 0 : i32
    %c0_i32_1 = arith.constant 0 : i32
    return %c0_i32, %arg0, %c0_i32_0 : i32, i32, i32
  }
  func.func @transform_1(%arg0: i32) -> (i32, i32) {
    %c0_i32 = arith.constant 0 : i32
    %c0_i32_0 = arith.constant 0 : i32
    return %arg0, %c0_i32 : i32, i32
  }
  func.func @transform_2(%arg0: i32) -> (i32, i32) {
    %c0_i32 = arith.constant 0 : i32
    %c0_i32_0 = arith.constant 0 : i32
    return %arg0, %c0_i32 : i32, i32
  }
  func.func @transform_3(%arg0: i32) -> (i32, i32) {
    %c0_i32 = arith.constant 0 : i32
    %c0_i32_0 = arith.constant 0 : i32
    return %arg0, %c0_i32 : i32, i32
  }
  func.func @transform_4(%arg0: i32) -> (i32, i32) {
    %c0_i32 = arith.constant 0 : i32
    %c0_i32_0 = arith.constant 0 : i32
    return %arg0, %c0_i32 : i32, i32
  }
}

module attributes {stable_mosaic.version = 14 : i64} {
  func.func @_fin_last_body(%arg0: i32, %arg1: memref<2x1264x64xf32, #tpu.memory_space<vmem>>, %arg2: memref<1264x64xf32, #tpu.memory_space<vmem>>, %arg3: memref<1264x64xf32, #tpu.memory_space<vmem>>, %arg4: memref<1264x3xf32, #tpu.memory_space<vmem>>, %arg5: memref<192x64xf32, #tpu.memory_space<vmem>>, %arg6: memref<1x64xf32, #tpu.memory_space<vmem>>, %arg7: memref<1264x64xf32, #tpu.memory_space<vmem>>, %arg8: memref<64x128xf32, #tpu.memory_space<vmem>>, %arg9: memref<1x128xf32, #tpu.memory_space<vmem>>, %arg10: memref<1264x128xf32, #tpu.memory_space<vmem>>) attributes {dimension_semantics = [#tpu.dimension_semantics<arbitrary>], iteration_bounds = array<i64: 8>, scalar_prefetch = 0 : i64, scratch_operands = 0 : i64, tpu.core_type = #tpu.core_type<tc>, window_params = [{transform_indices = @transform_0, window_bounds = array<i64: 2, 1264, 64>}, {transform_indices = @transform_1, window_bounds = array<i64: 1264, 64>}, {transform_indices = @transform_2, window_bounds = array<i64: 1264, 64>}, {transform_indices = @transform_3, window_bounds = array<i64: 1264, 3>}, {pipeline_mode = #tpu.pipeline_mode<synchronous>, transform_indices = @transform_4, window_bounds = array<i64: 192, 64>}, {pipeline_mode = #tpu.pipeline_mode<synchronous>, transform_indices = @transform_5, window_bounds = array<i64: 1, 64>}, {transform_indices = @transform_6, window_bounds = array<i64: 1264, 64>}, {pipeline_mode = #tpu.pipeline_mode<synchronous>, transform_indices = @transform_7, window_bounds = array<i64: 64, 128>}, {pipeline_mode = #tpu.pipeline_mode<synchronous>, transform_indices = @transform_8, window_bounds = array<i64: 1, 128>}, {transform_indices = @transform_9, window_bounds = array<i64: 1264, 128>}]} {
    %get3A = arith.constant 0 : index
    %get3A_0 = arith.constant 0 : index
    %get3A_1 = vector.load %arg2[%get3A, %get3A_0] : memref<1264x64xf32, #tpu.memory_space<vmem>>, vector<1264x64xf32>
    %get3A_2 = arith.constant 0 : index
    %get3A_3 = arith.constant 0 : index
    %get3A_4 = vector.load %arg3[%get3A_2, %get3A_3] : memref<1264x64xf32, #tpu.memory_space<vmem>>, vector<1264x64xf32>
    %get3A_5 = arith.constant 0 : index
    %get3A_6 = arith.constant 0 : index
    %get3A_7 = arith.constant 0 : index
    %get3A_8 = vector.load %arg1[%get3A_5, %get3A_6, %get3A_7] : memref<2x1264x64xf32, #tpu.memory_space<vmem>>, vector<1x1264x64xf32>
    %get3A_9 = vector.shape_cast %get3A_8 : vector<1x1264x64xf32> to vector<1264x64xf32>
    %get3A_10 = arith.constant 1 : index
    %get3A_11 = arith.constant 0 : index
    %get3A_12 = arith.constant 0 : index
    %get3A_13 = vector.load %arg1[%get3A_10, %get3A_11, %get3A_12] : memref<2x1264x64xf32, #tpu.memory_space<vmem>>, vector<1x1264x64xf32>
    %get3A_14 = vector.shape_cast %get3A_13 : vector<1x1264x64xf32> to vector<1264x64xf32>
    %add3A = arith.addf %get3A_9, %get3A_14 : vector<1264x64xf32>
    %get3A_15 = arith.constant 0 : index
    %get3A_16 = arith.constant 2 : index
    %get3A_17 = vector.load %arg4[%get3A_15, %get3A_16] : memref<1264x3xf32, #tpu.memory_space<vmem>>, vector<1264x1xf32>
    %mul3A = vector.broadcast %get3A_17 : vector<1264x1xf32> to vector<1264x64xf32>
    %mul3A_18 = arith.mulf %add3A, %mul3A : vector<1264x64xf32>
    %sub3A = arith.subf %get3A_4, %mul3A_18 : vector<1264x64xf32>
    %get3A_19 = arith.constant 0 : index
    %get3A_20 = arith.constant 0 : index
    %get3A_21 = vector.load %arg5[%get3A_19, %get3A_20] : memref<192x64xf32, #tpu.memory_space<vmem>>, vector<192x64xf32>
    %mul3A_22 = arith.constant 3.000000e+00 : f32
    %mul3A_23 = vector.broadcast %mul3A_22 : f32 to vector<1264x64xf32>
    %mul3A_24 = arith.mulf %mul3A_23, %get3A_1 : vector<1264x64xf32>
    %mul3A_25 = arith.constant 3.000000e+00 : f32
    %mul3A_26 = vector.broadcast %mul3A_25 : f32 to vector<1264x64xf32>
    %mul3A_27 = arith.mulf %mul3A_26, %get3A_4 : vector<1264x64xf32>
    %sub3A_28 = arith.subf %mul3A_24, %mul3A_27 : vector<1264x64xf32>
    %mul3A_29 = arith.constant 7.500000e-01 : f32
    %mul3A_30 = vector.broadcast %mul3A_29 : f32 to vector<1264x64xf32>
    %mul3A_31 = arith.mulf %mul3A_30, %sub3A : vector<1264x64xf32>
    %add3A_32 = arith.addf %sub3A_28, %mul3A_31 : vector<1264x64xf32>
    %mul3A_33 = arith.constant 3.000000e+00 : f32
    %mul3A_34 = vector.broadcast %mul3A_33 : f32 to vector<1264x64xf32>
    %mul3A_35 = arith.mulf %mul3A_34, %get3A_4 : vector<1264x64xf32>
    %mul3A_36 = arith.constant 1.500000e+00 : f32
    %mul3A_37 = vector.broadcast %mul3A_36 : f32 to vector<1264x64xf32>
    %mul3A_38 = arith.mulf %mul3A_37, %sub3A : vector<1264x64xf32>
    %sub3A_39 = arith.subf %mul3A_35, %mul3A_38 : vector<1264x64xf32>
    %mul3A_40 = arith.constant 7.500000e-01 : f32
    %mul3A_41 = vector.broadcast %mul3A_40 : f32 to vector<1264x64xf32>
    %mul3A_42 = arith.mulf %mul3A_41, %sub3A : vector<1264x64xf32>
    %slice3A = vector.extract_strided_slice %get3A_21 {offsets = [0, 0], sizes = [64, 64], strides = [1, 1]} : vector<192x64xf32> to vector<64x64xf32>
    %convert_element_type3A = arith.truncf %add3A_32 : vector<1264x64xf32> to vector<1264x64xbf16>
    %convert_element_type3A_43 = arith.truncf %slice3A : vector<64x64xf32> to vector<64x64xbf16>
    %dot_general3A = arith.constant dense<0.000000e+00> : vector<1264x64xf32>
    %dot_general3A_44 = tpu.matmul %convert_element_type3A, %convert_element_type3A_43, %dot_general3A {dimension_numbers = #tpu.dot_dimension_numbers<[1], [0], [0], [1], [0, 0, 1, 1], [], []>, transpose_lhs_hint = false} : vector<1264x64xbf16>, vector<64x64xbf16>, vector<1264x64xf32> -> vector<1264x64xf32>
    %slice3A_45 = vector.extract_strided_slice %get3A_21 {offsets = [64, 0], sizes = [64, 64], strides = [1, 1]} : vector<192x64xf32> to vector<64x64xf32>
    %convert_element_type3A_46 = arith.truncf %sub3A_39 : vector<1264x64xf32> to vector<1264x64xbf16>
    %convert_element_type3A_47 = arith.truncf %slice3A_45 : vector<64x64xf32> to vector<64x64xbf16>
    %dot_general3A_48 = arith.constant dense<0.000000e+00> : vector<1264x64xf32>
    %dot_general3A_49 = tpu.matmul %convert_element_type3A_46, %convert_element_type3A_47, %dot_general3A_48 {dimension_numbers = #tpu.dot_dimension_numbers<[1], [0], [0], [1], [0, 0, 1, 1], [], []>, transpose_lhs_hint = false} : vector<1264x64xbf16>, vector<64x64xbf16>, vector<1264x64xf32> -> vector<1264x64xf32>
    %add3A_50 = arith.addf %dot_general3A_44, %dot_general3A_49 : vector<1264x64xf32>
    %slice3A_51 = vector.extract_strided_slice %get3A_21 {offsets = [128, 0], sizes = [64, 64], strides = [1, 1]} : vector<192x64xf32> to vector<64x64xf32>
    %convert_element_type3A_52 = arith.truncf %mul3A_42 : vector<1264x64xf32> to vector<1264x64xbf16>
    %convert_element_type3A_53 = arith.truncf %slice3A_51 : vector<64x64xf32> to vector<64x64xbf16>
    %dot_general3A_54 = arith.constant dense<0.000000e+00> : vector<1264x64xf32>
    %dot_general3A_55 = tpu.matmul %convert_element_type3A_52, %convert_element_type3A_53, %dot_general3A_54 {dimension_numbers = #tpu.dot_dimension_numbers<[1], [0], [0], [1], [0, 0, 1, 1], [], []>, transpose_lhs_hint = false} : vector<1264x64xbf16>, vector<64x64xbf16>, vector<1264x64xf32> -> vector<1264x64xf32>
    %add3A_56 = arith.addf %add3A_50, %dot_general3A_55 : vector<1264x64xf32>
    %get3A_57 = arith.constant 0 : index
    %get3A_58 = arith.constant 0 : index
    %get3A_59 = vector.load %arg6[%get3A_57, %get3A_58] : memref<1x64xf32, #tpu.memory_space<vmem>>, vector<1x64xf32>
    %add3A_60 = vector.broadcast %get3A_59 : vector<1x64xf32> to vector<1264x64xf32>
    %add3A_61 = arith.addf %add3A_56, %add3A_60 : vector<1264x64xf32>
    %get3A_62 = arith.constant 0 : index
    %get3A_63 = arith.constant 0 : index
    %get3A_64 = vector.load %arg7[%get3A_62, %get3A_63] : memref<1264x64xf32, #tpu.memory_space<vmem>>, vector<1264x64xf32>
    %add3A_65 = arith.addf %get3A_64, %add3A_61 : vector<1264x64xf32>
    %gt3A = arith.constant 0.000000e+00 : f32
    %gt3A_66 = vector.broadcast %gt3A : f32 to vector<1264x64xf32>
    %gt3A_67 = arith.cmpf ogt, %add3A_65, %gt3A_66 : vector<1264x64xf32>
    %mul3A_68 = arith.constant 0.00999999977 : f32
    %mul3A_69 = vector.broadcast %mul3A_68 : f32 to vector<1264x64xf32>
    %mul3A_70 = arith.mulf %mul3A_69, %add3A_65 : vector<1264x64xf32>
    %select_n3A = arith.select %gt3A_67, %add3A_65, %mul3A_70 : vector<1264x64xi1>, vector<1264x64xf32>
    %get3A_71 = arith.constant 0 : index
    %get3A_72 = arith.constant 0 : index
    %get3A_73 = vector.load %arg8[%get3A_71, %get3A_72] : memref<64x128xf32, #tpu.memory_space<vmem>>, vector<64x128xf32>
    %convert_element_type3A_74 = arith.truncf %select_n3A : vector<1264x64xf32> to vector<1264x64xbf16>
    %convert_element_type3A_75 = arith.truncf %get3A_73 : vector<64x128xf32> to vector<64x128xbf16>
    %dot_general3A_76 = arith.constant dense<0.000000e+00> : vector<1264x128xf32>
    %dot_general3A_77 = tpu.matmul %convert_element_type3A_74, %convert_element_type3A_75, %dot_general3A_76 {dimension_numbers = #tpu.dot_dimension_numbers<[1], [0], [0], [1], [0, 0, 1, 1], [], []>, transpose_lhs_hint = false} : vector<1264x64xbf16>, vector<64x128xbf16>, vector<1264x128xf32> -> vector<1264x128xf32>
    %get3A_78 = arith.constant 0 : index
    %get3A_79 = arith.constant 0 : index
    %get3A_80 = vector.load %arg9[%get3A_78, %get3A_79] : memref<1x128xf32, #tpu.memory_space<vmem>>, vector<1x128xf32>
    %add3A_81 = vector.broadcast %get3A_80 : vector<1x128xf32> to vector<1264x128xf32>
    %add3A_82 = arith.addf %dot_general3A_77, %add3A_81 : vector<1264x128xf32>
    %swap3A = arith.constant 0 : index
    %swap3A_83 = arith.constant 0 : index
    %swap3A_84 = vector.load %arg10[%swap3A, %swap3A_83] : memref<1264x128xf32, #tpu.memory_space<vmem>>, vector<1264x128xf32>
    tpu.vector_store %arg10[%swap3A, %swap3A_83], %add3A_82 {strides = array<i32>} : memref<1264x128xf32, #tpu.memory_space<vmem>>, vector<1264x128xf32>,
    return
  }
  func.func @transform_0(%arg0: i32) -> (i32, i32, i32) {
    %c0_i32 = arith.constant 0 : i32
    %c0_i32_0 = arith.constant 0 : i32
    %c0_i32_1 = arith.constant 0 : i32
    return %c0_i32, %arg0, %c0_i32_0 : i32, i32, i32
  }
  func.func @transform_1(%arg0: i32) -> (i32, i32) {
    %c0_i32 = arith.constant 0 : i32
    %c0_i32_0 = arith.constant 0 : i32
    return %arg0, %c0_i32 : i32, i32
  }
  func.func @transform_2(%arg0: i32) -> (i32, i32) {
    %c0_i32 = arith.constant 0 : i32
    %c0_i32_0 = arith.constant 0 : i32
    return %arg0, %c0_i32 : i32, i32
  }
  func.func @transform_3(%arg0: i32) -> (i32, i32) {
    %c0_i32 = arith.constant 0 : i32
    %c0_i32_0 = arith.constant 0 : i32
    return %arg0, %c0_i32 : i32, i32
  }
  func.func @transform_4(%arg0: i32) -> (i32, i32) {
    %c0_i32 = arith.constant 0 : i32
    %c0_i32_0 = arith.constant 0 : i32
    %c0_i32_1 = arith.constant 0 : i32
    return %c0_i32, %c0_i32_0 : i32, i32
  }
  func.func @transform_5(%arg0: i32) -> (i32, i32) {
    %c0_i32 = arith.constant 0 : i32
    %c0_i32_0 = arith.constant 0 : i32
    %c0_i32_1 = arith.constant 0 : i32
    return %c0_i32, %c0_i32_0 : i32, i32
  }
  func.func @transform_6(%arg0: i32) -> (i32, i32) {
    %c0_i32 = arith.constant 0 : i32
    %c0_i32_0 = arith.constant 0 : i32
    return %arg0, %c0_i32 : i32, i32
  }
  func.func @transform_7(%arg0: i32) -> (i32, i32) {
    %c0_i32 = arith.constant 0 : i32
    %c0_i32_0 = arith.constant 0 : i32
    %c0_i32_1 = arith.constant 0 : i32
    return %c0_i32, %c0_i32_0 : i32, i32
  }
  func.func @transform_8(%arg0: i32) -> (i32, i32) {
    %c0_i32 = arith.constant 0 : i32
    %c0_i32_0 = arith.constant 0 : i32
    %c0_i32_1 = arith.constant 0 : i32
    return %c0_i32, %c0_i32_0 : i32, i32
  }
  func.func @transform_9(%arg0: i32) -> (i32, i32) {
    %c0_i32 = arith.constant 0 : i32
    %c0_i32_0 = arith.constant 0 : i32
    return %arg0, %c0_i32 : i32, i32
  }
}

</mosaic_0001>

<sc_bundles>
// kernel: kernel.17.cloned.1.call-start
scs
__scs_entry_jumppad:
0x0: {  	(pc) =	sbr.rel $0x88, $3  }
0x1: {  	(tag) =	ssettag $0x0;
	lr =	simm.s32 $0x1  }
0x2: {  	[smem:$0x3F95] =	sst lr;
	_ =	strace $0xD0000000  }
0x3: {  	_ = 	snop  }
0x4: {  	_ = 	snop  }
0x5: {  	_ = 	snop  }
0x6: {  	_ = 	snop  }
0x7: {  	_ = 	snop  }
__scs_overlays_trampoline_lowered:
0x8: {  	[smem:$0x3FA4] =	sst s0  }
0x9: {  	[smem:$0x3FA5] =	sst s1  }
0xa: {  	[smem:$0x3FA6] =	sst s2  }
0xb: {  	[smem:$0x3FA7] =	sst s3  }
0xc: {  	[smem:$0x3FA8] =	sst s4  }
0xd: {  	[smem:$0x3FA9] =	sst s5  }
0xe: {  	[smem:$0x3FAA] =	sst s6  }
0xf: {  	[smem:$0x3FAB] =	sst s7  }
0x10: {  	[smem:$0x3FAC] =	sst s8  }
0x11: {  	[smem:$0x3FAD] =	sst s9;
	s0 =	simm.s32 @!p0 $0x0  }
0x12: {  	s1 =	sld [smem:$0x3F93];
	s0 =	simm.s32 @p0 $0x1  }
0x13: {  	[smem:$0x3FAE] =	sst s0;
	s0 =	simm.s32 @!p1 $0x0  }
0x14: {  	s2 =	sld [smem:$0x3F92];
	s0 =	simm.s32 @p1 $0x1  }
0x15: {  	[smem:$0x3FAF] =	sst s0;
	s0 =	simm.s32 @!p2 $0x0  }
0x16: {  	s3 =	sld [smem:$0x3FDB];
	s0 =	simm.s32 @p2 $0x1  }
0x17: {  	s4 =	simm.s32 $0x1BF5;
	[smem:$0x3FB1] =	sst s0  }
0x18: {  	s0 =	sld [smem:$0x3F94];
	_ =	swait.ge [sflag:s4], $0x0  }
0x19: {  	s7 =	sld [smem:$0x3F95]  }
0x1a: {  	s8 =	sadd.s32 $0xFFFFE003, lr  }
0x1b: {  	s9 =	sadd.s32 $0xFFFFFEF7, lr;
	s5 =	simm.s32 $0xFFFFFFFF;
	p2 =	slt.u32 s8, $0xFFFFF086  }
0x1c: {  	p1 =	slt.u32 s9, $0xF7A;
	s5 =	simm.s32 @!p2 $0x0  }
0x1d: {  	s5 =	simm.s32 @p1 $0x1;
	p0 =	seq.s32 s7, s2  }
0x1e: {  	s7 =	smul.u32 @!p0 $0xF7A, s2;
	p2 =	seq.s32 @!p0 s5, $0x0  }
0x1f: {  	s9 =	smul.u32 $0xF7A, s1;
	s8 =	simm.s32 @!p0 $0x1BF5;
	p2 =	por !p2, p0  }
0x20: {  	[sflag:s8] =	ssyncset.s32 @!p0 $0xFFFFF086;
	s6 =	sadd.s32 @!p0 s3, s7;
	s7 =	simm.s32 @!p0 $0x108  }
0x21: {  	s3 =	sadd.s32 s3, s9;
	s6 =	sadd.s32 @!p0 $0x88, s6;
	s7 =	simm.s32 @p2 $0x1082  }
0x22: {  	[simem:s7], [sflag:s8] =	dma.local @!p0 [hbm:s6], $0xF7A  }
0x23: {  	s9 =	sor.u32 $0xD0000000, s2;
	s6 =	simm.s32 $0x108;
	_ =	swait.ge @!p0 [sflag:s8], $0x0  }
0x24: {  	s3 =	sadd.s32 $0x88, s3;
	s6 =	simm.s32 @!p1 $0x1082;
	[sflag:s4] =	ssyncset.s32 $0xFFFFF086  }
0x25: {  	[simem:s6], [sflag:s4] =	dma.local [hbm:s3], $0xF7A  }
0x26: {  	[smem:$0x3F95] =	sst s1;
	(tag) =	ssettag s2;
	_ =	strace s9  }
0x27: {  	s1 =	sld [smem:$0x3FA5]  }
0x28: {  	s2 =	sld [smem:$0x3FA6]  }
0x29: {  	s4 =	sld [smem:$0x3FA8]  }
0x2a: {  	p0 =	seq.s32 s5, $0x0;
	s5 =	sld [smem:$0x3FA9]  }
0x2b: {  	s6 =	sld [smem:$0x3FAA]  }
0x2c: {  	s7 =	sld [smem:$0x3FAB]  }
0x2d: {  	s3 =	simm.s32 $0x108;
	s8 =	sld [smem:$0x3FAC]  }
0x2e: {  	s3 =	simm.s32 @!p0 $0x1082;
	s9 =	sld [smem:$0x3FAD]  }
0x2f: {  	lr =	sadd.s32 s0, s3;
	s0 =	sld [smem:$0x3FA4]  }
0x30: {  	s3 =	sld [smem:$0x3FA7]  }
0x31: {  	[smem:$0x3FB0] =	sst s10  }
0x32: {  	s10 =	sld [smem:$0x3FAE];
	_ =	sdelay $0x3  }
0x33: {  	p0 =	seq.s32 s10, $0x1;
	s10 =	sld [smem:$0x3FB0];
	_ =	sdelay $0x3  }
0x34: {  	[smem:$0x3FB0] =	sst s10  }
0x35: {  	s10 =	sld [smem:$0x3FAF];
	_ =	sdelay $0x3  }
0x36: {  	p1 =	seq.s32 s10, $0x1;
	s10 =	sld [smem:$0x3FB0];
	_ =	sdelay $0x3  }
0x37: {  	[smem:$0x3FB0] =	sst s10  }
0x38: {  	s10 =	sld [smem:$0x3FB1]  }
0x39: {  	_ = 	snop;
	(pc) =	sbr.ind lr, $3  }
0x3a: {  	_ = 	snop  }
0x3b: {  	_ = 	snop  }
0x3c: {  	p2 =	seq.s32 s10, $0x1;
	s10 =	sld [smem:$0x3FB0]  }
0x3d: {  	_ =	shalt  }
0x3e: {  	_ =	shalt  }
0x3f: {  	_ =	shalt  }
0x40: {  	_ =	shalt  }
0x41: {  	_ =	shalt  }
0x42: {  	_ =	shalt  }
0x43: {  	_ =	shalt  }
0x44: {  	_ =	shalt  }
0x45: {  	_ =	shalt  }
0x46: {  	_ =	shalt  }
0x47: {  	_ =	shalt  }
0x48: {  	_ =	shalt  }
0x49: {  	_ =	shalt  }
0x4a: {  	_ =	shalt  }
0x4b: {  	_ =	shalt  }
0x4c: {  	_ =	shalt  }
0x4d: {  	_ =	shalt  }
0x4e: {  	_ =	shalt  }
0x4f: {  	_ =	shalt  }
0x50: {  	_ =	shalt  }
0x51: {  	_ =	shalt  }
0x52: {  	_ =	shalt  }
0x53: {  	_ =	shalt  }
0x54: {  	_ =	shalt  }
0x55: {  	_ =	shalt  }
0x56: {  	_ =	shalt  }
0x57: {  	_ =	shalt  }
0x58: {  	_ =	shalt  }
0x59: {  	_ =	shalt  }
0x5a: {  	_ =	shalt  }
0x5b: {  	_ =	shalt  }
0x5c: {  	_ =	shalt  }
0x5d: {  	_ =	shalt  }
0x5e: {  	_ =	shalt  }
0x5f: {  	_ =	shalt  }
0x60: {  	_ =	shalt  }
0x61: {  	_ =	shalt  }
0x62: {  	_ =	shalt  }
0x63: {  	_ =	shalt  }
0x64: {  	_ =	shalt  }
0x65: {  	_ =	shalt  }
0x66: {  	_ =	shalt  }
0x67: {  	_ =	shalt  }
0x68: {  	_ =	shalt  }
0x69: {  	_ =	shalt  }
0x6a: {  	_ =	shalt  }
0x6b: {  	_ =	shalt  }
0x6c: {  	_ =	shalt  }
0x6d: {  	_ =	shalt  }
0x6e: {  	_ =	shalt  }
0x6f: {  	_ =	shalt  }
0x70: {  	_ =	shalt  }
0x71: {  	_ =	shalt  }
0x72: {  	_ =	shalt  }
0x73: {  	_ =	shalt  }
0x74: {  	_ =	shalt  }
0x75: {  	_ =	shalt  }
0x76: {  	_ =	shalt  }
0x77: {  	_ =	shalt  }
0x78: {  	_ =	shalt  }
0x79: {  	_ =	shalt  }
0x7a: {  	_ =	shalt  }
0x7b: {  	_ =	shalt  }
0x7c: {  	_ =	shalt  }
0x7d: {  	_ =	shalt  }
0x7e: {  	_ =	shalt  }
0x7f: {  	_ =	shalt  }
0x80: {  	_ =	shalt  }
0x81: {  	_ =	shalt  }
0x82: {  	_ =	shalt  }
0x83: {  	_ =	shalt  }
0x84: {  	_ =	shalt  }
0x85: {  	_ =	shalt  }
0x86: {  	_ =	shalt  }
0x87: {  	_ =	shalt  }
.Lfunc_end0:
.L_simem_size_0:
called_computation_lowered:
.L_overlay_start_0:
0x88: {  	s2 =	sld [smem:$0x3FD9]  }
0x89: {  	s3 =	sld [smem:$0x3FFE];
	_ =	sdelay $0x1  }
0x8a: {  	s1 =	srdreg.scid  }
0x8b: {  	s0 =	sand.u32 $0x1, s1  }
0x8c: {  	s17 =	sshll.u32 s0, $0xA;
	s2 =	sadd.s32 s3, s2  }
0x8d: {  	s2 =	sadd.s32 s2, s17  }
0x8e: {  	[smem:$0x3FBC] =	sst s2  }
0x8f: {  	_ = 	snop  }
0x90: {  	s2 =	sld [smem:$0x3FD0];
	(tm) =	ssettm $0x1  }
0x91: {  	s18 =	sld [smem:$0x3FFB];
	_ =	sdelay $0x3  }
0x92: {  	_ =	strace s18  }
0x93: {  	s3 =	sld [smem:$0x3FFC];
	_ =	sdelay $0x3  }
0x94: {  	_ =	strace s3  }
0x95: {  	s3 =	sld [smem:$0x3FFD];
	_ =	sdelay $0x3  }
0x96: {  	_ =	strace s3  }
0x97: {  	_ =	strace $0x8FFFFFFF  }
0x98: {  	s19 =	sld [smem:$0x3FDB];
	_ =	sdelay $0x1  }
0x99: {  	s4 =	simm.s32 $_scs_section_size  }
0x9a: {  	s5 =	simm.s32 $_size__tile_overlayer_lowered;
	s6 =	simm.s32 $_tile_overlayer_lowered  }
0x9b: {  	s22 =	simm.s32 $0x1BFF;
	s21 =	sshll.u32 s6, $0x1;
	s3 =	sadd.s32 s4, s19  }
0x9c: {  	s7 =	simm.s32 $0x0;
	s20 =	sshll.u32 s5, $0x1;
	s5 =	sadd.s32 s21, s3  }
0x9d: {  	[timem:s7], [sflag:s22] =	dma.local [hbm:s5], s20  }
0x9e: {  	_ =	swait.ge [sflag:s22], s20  }
0x9f: {  	s4 =	ssub.s32 $0x0, s20;
	[sflag:s22] =	ssyncset.done $0x0  }
0xa0: {  	[sflag:s22] =	ssyncadd.s32 s4;
	_ =	sdelay $0x1  }
0xa1: {  	s23 =	simm.s32 $0x1B8B  }
0xa2: {  	_ =	swait.ge [sflag:s23], $0x1  }
0xa3: {  	[sflag:s23] =	ssyncset.done $0x0  }
0xa4: {  	s25 =	simm.s32 $0x1B8E;
	s24 =	sld [smem:$0x3FFE];
	[sflag:s23] =	ssyncadd.s32 $0xFFFFFFFF  }
0xa5: {  	s26 =	simm.s32 $execute0_lowered;
	[smem:$0x3FD2] =	sst s25  }
0xa6: {  	s5 =	sshll.u32 s26, $0x1;
	_ =	strace $0x80000046;
	[dreg:$0x1] =	wrdreg $0xFFFFFFFF  }
0xa7: {  	s28 =	simm.s32 $_size_execute0_lowered;
	s3 =	sadd.s32 s3, s5;
	[dreg:$0x0] =	wrdreg $0x0  }
0xa8: {  	s5 =	sshll.u32 s28, $0x1;
	[dreg:$0x2] =	wrdreg s3  }
0xa9: {  	[dreg:$0x3] =	wrdreg s5  }
0xaa: {  	[dreg:$0x4] =	wrdreg $0xC0  }
0xab: {  	_ =	task [dreg:s7], $0x5FFFF  }
0xac: {  	[dreg:$0x1] =	wrdreg $0xFFFFFFFF  }
0xad: {  	[dreg:$0x0] =	wrdreg $0x60  }
0xae: {  	[dreg:$0x2] =	wrdreg s24  }
0xaf: {  	[dreg:$0x3] =	wrdreg s2  }
0xb0: {  	[dreg:$0x4] =	wrdreg $0x30800  }
0xb1: {  	[dreg:$0x5] =	wrdreg $0x9  }
0xb2: {  	_ =	task.clear_ibuf [dreg:s7], $0x6FFFF;
	_ =	strace $0x90000046  }
0xb3: {  	s29 =	simm.s32 $0x9;
	_ =	strace $0x80000048  }
0xb4: {  	_ =	swait.ge [sflag:s29], $0x1  }
0xb5: {  	[sflag:s29] =	ssyncadd.s32 $0xFFFFFFFF  }
0xb6: {  	_ =	strace $0x90000048  }
0xb7: {  	_ =	sfence  }
0xb8: {  	s30 =	sld [smem:$0x0];
	_ =	sdelay $0x2  }
0xb9: {  	s31 =	sshll.u32 s1, $0xD;
	s1 =	sshrl.u32 s1, $0x2  }
0xba: {  	s3 =	sand.u32 $0x4000, s31;
	s1 =	sadd.s32 s1, s30  }
0xbb: {  	s0 =	sor.u32 s3, s0;
	s1 =	sshll.u32 s1, $0x11  }
0xbc: {  	s0 =	sor.u32 s1, s0  }
0xbd: {  	s0 =	sadd.s32 $0x8F2B, s0  }
0xbe: {  	[sflag:s0] =	ssyncadd.remote.s32 $0x1  }
0xbf: {  	_ =	sfence.sel $0xFFFF  }
0xc0: {  	[dreg:$0x0] =	wrdreg $0xFFFFFFFF;
	(pc) =	sbr.abs _section_cstart, $3  }
0xc1: {  	[dreg:$0x1] =	wrdreg $0xFFFFFFFF  }
0xc2: {  	_ =	task.clear_ibuf [dreg:s7], $0x2FFFF;
	_ =	strace $0x9FFFFFFF  }
0xc3: {  	(tm) =	ssettm $0x7FFFFFFF  }
tec
execute0_lowered:
.L_overlay_start_1:
0x0: {  	(tag) =	ssettag $0x1  }
0x1: {  	s5 =	rddreg [dreg:$0x0]  }
0x2: {  	s1 =	srdreg.scid;
	s2 =	rddreg [dreg:$0x1]  }
0x3: {  	s0 =	stileid.u32;
	s3 =	rddreg [dreg:$0x2]  }
0x4: {  	s4 =	simm.s32 $0x0;
	s14 =	simm.s32 $0x1;
	s17 =	simm.s32 $0x80  }
0x5: {  	s18 =	simm.s32 $0x0;
	s6 =	sand.u32 $0x1, s1;
	s30 =	sshll.u32 s0, $0x1  }
0x6: {  	s8 =	smul.u32 $0x2780, s0;
	[smem:$0x7FF] =	sst s4;
	s15 =	sshll.u32 s0, $0x6  }
0x7: {  	s1 =	sor.u32 s6, s30;
	s9 =	smul.u32 $0x76800, s6;
	s6 =	ssub.s32 $0x2, s6  }
0x8: {  	s15 =	sor.u32 $0x1C01, s15;
	s7 =	smul.u32 $0x2880, s1;
	s1 =	rddreg [dreg:$0x3]  }
0x9: {  	_ =	strace $0x80000047;
	s31 =	sshrl.u32 s8, $0x3;
	s11 =	sshrl.u32 s6, $0x1  }
0xa: {  	s16 =	sadd.s32 s8, s3;
	s9 =	sadd.s32 s8, s9;
	s13 =	ssub.s32 s6, s11  }
0xb: {  	s16 =	sshrl.u32 s16, $0x3;
	s7 =	sshrl.u32 s7, $0x3;
	s9 =	sshrl.u32 s9, $0x3  }
0xc: {  	s10 =	sadd.s32 s7, s5;
	s7 =	sadd.s32 s31, s5;
	s12 =	sadd.s32 s9, s5  }
0xd: {  	s5 =	sadd.s32 $0x60400, s7;
	s6 =	sadd.s32 $0x41E00, s10;
	s7 =	sadd.s32 $0x65400, s12  }
0xe: {  	s8 =	sadd.s32 $0x4C000, s10;
	s9 =	sadd.s32 $0x6A300, s12;
	s10 =	sadd.s32 $0x56200, s10  }
0xf: {  	s11 =	sadd.s32 $0x6F200, s12;
	s12 =	smax.u32 s13, $0x1;
	s13 =	simm.s32 $0x2880  }
.LBB2_1:
0x10: {  	[tilespmem:s13], [sflag:$0x1] =	stream.linear.gather [hbm4b:s2+s4], $0x800, $0x38;
	[tilespmem:$0x5800] =	vst v63  }
0x11: {  	_ =	swait.ge [sflag:s14], $0x800  }
0x12: {  	[sflag:s14] =	ssyncset.done $0x0  }
0x13: {  	[sflag:s14] =	ssyncadd.s32 $0xFFFFF800  }
0x14: {  	[spmem:s16], [sflag:s15] =	dma.local [hbm:s5], $0x4F0  }
0x15: {  	_ =	swait.ge [sflag:s14], $0x4F0  }
0x16: {  	[sflag:s14] =	ssyncset.done $0x0  }
0x17: {  	[sflag:s14] =	ssyncadd.s32 $0xFFFFFB10  }
0x18: {  	[tilespmem:s4], [sflag:$0x1] =	stream.linear.gather [hbm4b:s6+s4], $0x2880, $0x38;
	[tilespmem:$0x5800] =	vst v63  }
0x19: {  	_ =	swait.ge [sflag:s14], $0x2880  }
0x1a: {  	[sflag:s14] =	ssyncset.done $0x0  }
0x1b: {  	[sflag:s14] =	ssyncadd.s32 $0xFFFFD780  }
0x1c: {  	s19 =	simm.s32 $0x0;
	[bflag:$0x0] =	sbarrier.arrive $0xFFFF  }
0x1d: {  	[spmem:s3] =	stream.indirect.scatter.add.f32 [tilespmem:s13], [sflag:$0x1], $0x10, s19, s17, $0xb8;
	[tilespmem:$0x5800] =	vst v63  }
0x1e: {  	_ =	swait.ge [sflag:s14], $0x800  }
0x1f: {  	s19 =	simm.s32 $0x200;
	[sflag:s14] =	ssyncset.done $0x0  }
.LBB2_2:
0x20: {  	s20 =	sshra.s32 s19, $0x2;
	[sflag:s14] =	ssyncadd.s32 $0xFFFFF800;
	p0 =	sne.s32 s19, $0xA000  }
0x21: {  	[spmem:s3] =	stream.indirect.scatter.add.f32 [tilespmem:s13], [sflag:$0x1], $0x10, s20, s17, $0xb8;
	[tilespmem:$0x5800] =	vst v63  }
.Ltmp0:
0x22: {  	_ = 	snop;
	(pc) =	sbr.rel @p0 .LBB2_2-.Ltmp0, $4  }
0x23: {  	_ = 	snop  }
0x24: {  	s19 =	sadd.s32 $0x200, s19  }
0x25: {  	_ =	swait.ge [sflag:s14], $0x800  }
0x26: {  	[sflag:s14] =	ssyncset.done $0x0  }
0x27: {  	[sflag:s14] =	ssyncadd.s32 $0xFFFFF800  }
0x28: {  	[bflag:$0x0] =	sbarrier.arrive $0xFFFF  }
0x29: {  	[hbm:s7], [sflag:s15] =	dma.local [spmem:s16], $0x4F0  }
0x2a: {  	_ =	swait.ge [sflag:s14], $0x4F0  }
0x2b: {  	[sflag:s14] =	ssyncset.done $0x0  }
0x2c: {  	[sflag:s14] =	ssyncadd.s32 $0xFFFFFB10  }
0x2d: {  	[spmem:s16], [sflag:s15] =	dma.local [hbm:s5], $0x4F0  }
0x2e: {  	_ =	swait.ge [sflag:s14], $0x4F0  }
0x2f: {  	[sflag:s14] =	ssyncset.done $0x0  }
0x30: {  	s19 =	simm.s32 $0x0;
	[sflag:s14] =	ssyncadd.s32 $0xFFFFFB10  }
0x31: {  	[tilespmem:s19], [sflag:$0x1] =	stream.linear.gather [hbm4b:s8+s19], $0x2880, $0x38;
	[tilespmem:$0x5800] =	vst v63  }
0x32: {  	_ =	swait.ge [sflag:s14], $0x2880  }
0x33: {  	[sflag:s14] =	ssyncset.done $0x0  }
0x34: {  	[sflag:s14] =	ssyncadd.s32 $0xFFFFD780  }
0x35: {  	s31 =	simm.s32 $0x0;
	[bflag:$0x0] =	sbarrier.arrive $0xFFFF  }
0x36: {  	[spmem:s3] =	stream.indirect.scatter.add.f32 [tilespmem:s13], [sflag:$0x1], $0x10, s31, s17, $0xb8;
	[tilespmem:$0x5800] =	vst v63  }
0x37: {  	_ =	swait.ge [sflag:s14], $0x800  }
0x38: {  	s19 =	simm.s32 $0x200;
	[sflag:s14] =	ssyncset.done $0x0  }
.LBB2_4:
0x39: {  	s20 =	sshra.s32 s19, $0x2;
	[sflag:s14] =	ssyncadd.s32 $0xFFFFF800;
	p0 =	sne.s32 s19, $0xA000  }
0x3a: {  	[spmem:s3] =	stream.indirect.scatter.add.f32 [tilespmem:s13], [sflag:$0x1], $0x10, s20, s17, $0xb8;
	[tilespmem:$0x5800] =	vst v63  }
.Ltmp1:
0x3b: {  	_ = 	snop;
	(pc) =	sbr.rel @p0 .LBB2_4-.Ltmp1, $4  }
0x3c: {  	_ = 	snop  }
0x3d: {  	s19 =	sadd.s32 $0x200, s19  }
0x3e: {  	_ =	swait.ge [sflag:s14], $0x800  }
0x3f: {  	[sflag:s14] =	ssyncset.done $0x0  }
0x40: {  	[sflag:s14] =	ssyncadd.s32 $0xFFFFF800  }
0x41: {  	[bflag:$0x0] =	sbarrier.arrive $0xFFFF  }
0x42: {  	[hbm:s9], [sflag:s15] =	dma.local [spmem:s16], $0x4F0  }
0x43: {  	_ =	swait.ge [sflag:s14], $0x4F0  }
0x44: {  	[sflag:s14] =	ssyncset.done $0x0  }
0x45: {  	[sflag:s14] =	ssyncadd.s32 $0xFFFFFB10  }
0x46: {  	[spmem:s16], [sflag:s15] =	dma.local [hbm:s5], $0x4F0  }
0x47: {  	_ =	swait.ge [sflag:s14], $0x4F0  }
0x48: {  	[sflag:s14] =	ssyncset.done $0x0  }
0x49: {  	s19 =	simm.s32 $0x0;
	[sflag:s14] =	ssyncadd.s32 $0xFFFFFB10  }
0x4a: {  	[tilespmem:s19], [sflag:$0x1] =	stream.linear.gather [hbm4b:s10+s19], $0x2880, $0x38;
	[tilespmem:$0x5800] =	vst v63  }
0x4b: {  	_ =	swait.ge [sflag:s14], $0x2880  }
0x4c: {  	[sflag:s14] =	ssyncset.done $0x0  }
0x4d: {  	[sflag:s14] =	ssyncadd.s32 $0xFFFFD780  }
0x4e: {  	s31 =	simm.s32 $0x0;
	[bflag:$0x0] =	sbarrier.arrive $0xFFFF  }
0x4f: {  	[spmem:s3] =	stream.indirect.scatter.add.f32 [tilespmem:s13], [sflag:$0x1], $0x10, s31, s17, $0xb8;
	[tilespmem:$0x5800] =	vst v63  }
0x50: {  	_ =	swait.ge [sflag:s14], $0x800  }
0x51: {  	s19 =	simm.s32 $0x200;
	[sflag:s14] =	ssyncset.done $0x0  }
.LBB2_6:
0x52: {  	s20 =	sshra.s32 s19, $0x2;
	[sflag:s14] =	ssyncadd.s32 $0xFFFFF800;
	p0 =	sne.s32 s19, $0xA000  }
0x53: {  	[spmem:s3] =	stream.indirect.scatter.add.f32 [tilespmem:s13], [sflag:$0x1], $0x10, s20, s17, $0xb8;
	[tilespmem:$0x5800] =	vst v63  }
.Ltmp2:
0x54: {  	_ = 	snop;
	(pc) =	sbr.rel @p0 .LBB2_6-.Ltmp2, $4  }
0x55: {  	_ = 	snop  }
0x56: {  	s19 =	sadd.s32 $0x200, s19  }
0x57: {  	_ =	swait.ge [sflag:s14], $0x800  }
0x58: {  	[sflag:s14] =	ssyncset.done $0x0  }
0x59: {  	s18 =	sadd.s32 $0x1, s18  }
0x5a: {  	[sflag:s14] =	ssyncadd.s32 $0xFFFFF800;
	p0 =	sne.s32 s18, s12  }
.Ltmp3:
0x5b: {  	[bflag:$0x0] =	sbarrier.arrive $0xFFFF;
	(pc) =	sbr.rel @p0 .LBB2_1-.Ltmp3, $4  }
0x5c: {  	[hbm:s11], [sflag:s15] =	dma.local [spmem:s16], $0x4F0  }
0x5d: {  	_ =	swait.ge [sflag:s14], $0x4F0  }
0x5e: {  	[sflag:s14] =	ssyncset.done $0x0  }
0x5f: {  	[sflag:s14] =	ssyncadd.s32 $0xFFFFFB10  }
0x60: {  	_ =	sfence.sel $0x180000  }
0x61: {  	[bflag:$0x0] =	sbarrier.arrive $0xFFFF  }
0x62: {  	p0 =	sne.s32 s0, $0x0;
	_ =	strace $0x90000047  }
0x63: {  	s0 =	sadd.s32 @!p0 $0x100000, s1;
	[bflag:$0x2] =	sbarrier.arrive $0xFFFF  }
0x64: {  	[sflag:s0] =	ssyncadd.tile.s32 @!p0 $0x1;
	_ =	shalt  }
.Lfunc_end2:
_tile_overlayer_lowered:
.L_overlay_start_2:
0x65: {  	(tag) =	ssettag $0x2  }
0x66: {  	s0 =	rddreg [dreg:$0x0];
	s2 =	stileid.u32  }
0x67: {  	s1 =	rddreg [dreg:$0x1];
	p0 =	sne.s32 s2, $0x0  }
0x68: {  	s3 =	rddreg [dreg:$0x2];
	[bflag:$0x3] =	sbarrier.arrive $0xFFFF;
	s2 =	simm.s32 @!p0 $0x1C01  }
0x69: {  	[timem:s3], [sflag:s2] =	dma.local @!p0 [hbm:s0], s1  }
0x6a: {  	s0 =	simm.s32 @!p0 $0x1  }
0x6b: {  	_ =	swait.ge @!p0 [sflag:s0], s1  }
0x6c: {  	s1 =	ssub.s32 @!p0 $0x0, s1;
	[sflag:s0] =	ssyncset.done @!p0 $0x0  }
0x6d: {  	[sflag:s0] =	ssyncadd.s32 @!p0 s1  }
0x6e: {  	[bflag:$0x3] =	sbarrier.arrive $0xFFFF  }
0x6f: {  	_ =	shalt  }

// kernel: kernel.20.cloned.1.call-start
scs
__scs_entry_jumppad:
0x0: {  	(pc) =	sbr.rel $0x88, $3  }
0x1: {  	(tag) =	ssettag $0x0;
	lr =	simm.s32 $0x1  }
0x2: {  	[smem:$0x3F95] =	sst lr;
	_ =	strace $0xD0000000  }
0x3: {  	_ = 	snop  }
0x4: {  	_ = 	snop  }
0x5: {  	_ = 	snop  }
0x6: {  	_ = 	snop  }
0x7: {  	_ = 	snop  }
__scs_overlays_trampoline_lowered:
0x8: {  	[smem:$0x3FA4] =	sst s0  }
0x9: {  	[smem:$0x3FA5] =	sst s1  }
0xa: {  	[smem:$0x3FA6] =	sst s2  }
0xb: {  	[smem:$0x3FA7] =	sst s3  }
0xc: {  	[smem:$0x3FA8] =	sst s4  }
0xd: {  	[smem:$0x3FA9] =	sst s5  }
0xe: {  	[smem:$0x3FAA] =	sst s6  }
0xf: {  	[smem:$0x3FAB] =	sst s7  }
0x10: {  	[smem:$0x3FAC] =	sst s8  }
0x11: {  	[smem:$0x3FAD] =	sst s9;
	s0 =	simm.s32 @!p0 $0x0  }
0x12: {  	s1 =	sld [smem:$0x3F93];
	s0 =	simm.s32 @p0 $0x1  }
0x13: {  	[smem:$0x3FAE] =	sst s0;
	s0 =	simm.s32 @!p1 $0x0  }
0x14: {  	s2 =	sld [smem:$0x3F92];
	s0 =	simm.s32 @p1 $0x1  }
0x15: {  	[smem:$0x3FAF] =	sst s0;
	s0 =	simm.s32 @!p2 $0x0  }
0x16: {  	s3 =	sld [smem:$0x3FDB];
	s0 =	simm.s32 @p2 $0x1  }
0x17: {  	s4 =	simm.s32 $0x1BF5;
	[smem:$0x3FB1] =	sst s0  }
0x18: {  	s0 =	sld [smem:$0x3F94];
	_ =	swait.ge [sflag:s4], $0x0  }
0x19: {  	s7 =	sld [smem:$0x3F95]  }
0x1a: {  	s8 =	sadd.s32 $0xFFFFE003, lr  }
0x1b: {  	s9 =	sadd.s32 $0xFFFFFEF7, lr;
	s5 =	simm.s32 $0xFFFFFFFF;
	p2 =	slt.u32 s8, $0xFFFFF086  }
0x1c: {  	p1 =	slt.u32 s9, $0xF7A;
	s5 =	simm.s32 @!p2 $0x0  }
0x1d: {  	s5 =	simm.s32 @p1 $0x1;
	p0 =	seq.s32 s7, s2  }
0x1e: {  	s7 =	smul.u32 @!p0 $0xF7A, s2;
	p2 =	seq.s32 @!p0 s5, $0x0  }
0x1f: {  	s9 =	smul.u32 $0xF7A, s1;
	s8 =	simm.s32 @!p0 $0x1BF5;
	p2 =	por !p2, p0  }
0x20: {  	[sflag:s8] =	ssyncset.s32 @!p0 $0xFFFFF086;
	s6 =	sadd.s32 @!p0 s3, s7;
	s7 =	simm.s32 @!p0 $0x108  }
0x21: {  	s3 =	sadd.s32 s3, s9;
	s6 =	sadd.s32 @!p0 $0x88, s6;
	s7 =	simm.s32 @p2 $0x1082  }
0x22: {  	[simem:s7], [sflag:s8] =	dma.local @!p0 [hbm:s6], $0xF7A  }
0x23: {  	s9 =	sor.u32 $0xD0000000, s2;
	s6 =	simm.s32 $0x108;
	_ =	swait.ge @!p0 [sflag:s8], $0x0  }
0x24: {  	s3 =	sadd.s32 $0x88, s3;
	s6 =	simm.s32 @!p1 $0x1082;
	[sflag:s4] =	ssyncset.s32 $0xFFFFF086  }
0x25: {  	[simem:s6], [sflag:s4] =	dma.local [hbm:s3], $0xF7A  }
0x26: {  	[smem:$0x3F95] =	sst s1;
	(tag) =	ssettag s2;
	_ =	strace s9  }
0x27: {  	s1 =	sld [smem:$0x3FA5]  }
0x28: {  	s2 =	sld [smem:$0x3FA6]  }
0x29: {  	s4 =	sld [smem:$0x3FA8]  }
0x2a: {  	p0 =	seq.s32 s5, $0x0;
	s5 =	sld [smem:$0x3FA9]  }
0x2b: {  	s6 =	sld [smem:$0x3FAA]  }
0x2c: {  	s7 =	sld [smem:$0x3FAB]  }
0x2d: {  	s3 =	simm.s32 $0x108;
	s8 =	sld [smem:$0x3FAC]  }
0x2e: {  	s3 =	simm.s32 @!p0 $0x1082;
	s9 =	sld [smem:$0x3FAD]  }
0x2f: {  	lr =	sadd.s32 s0, s3;
	s0 =	sld [smem:$0x3FA4]  }
0x30: {  	s3 =	sld [smem:$0x3FA7]  }
0x31: {  	[smem:$0x3FB0] =	sst s10  }
0x32: {  	s10 =	sld [smem:$0x3FAE];
	_ =	sdelay $0x3  }
0x33: {  	p0 =	seq.s32 s10, $0x1;
	s10 =	sld [smem:$0x3FB0];
	_ =	sdelay $0x3  }
0x34: {  	[smem:$0x3FB0] =	sst s10  }
0x35: {  	s10 =	sld [smem:$0x3FAF];
	_ =	sdelay $0x3  }
0x36: {  	p1 =	seq.s32 s10, $0x1;
	s10 =	sld [smem:$0x3FB0];
	_ =	sdelay $0x3  }
0x37: {  	[smem:$0x3FB0] =	sst s10  }
0x38: {  	s10 =	sld [smem:$0x3FB1]  }
0x39: {  	_ = 	snop;
	(pc) =	sbr.ind lr, $3  }
0x3a: {  	_ = 	snop  }
0x3b: {  	_ = 	snop  }
0x3c: {  	p2 =	seq.s32 s10, $0x1;
	s10 =	sld [smem:$0x3FB0]  }
0x3d: {  	_ =	shalt  }
0x3e: {  	_ =	shalt  }
0x3f: {  	_ =	shalt  }
0x40: {  	_ =	shalt  }
0x41: {  	_ =	shalt  }
0x42: {  	_ =	shalt  }
0x43: {  	_ =	shalt  }
0x44: {  	_ =	shalt  }
0x45: {  	_ =	shalt  }
0x46: {  	_ =	shalt  }
0x47: {  	_ =	shalt  }
0x48: {  	_ =	shalt  }
0x49: {  	_ =	shalt  }
0x4a: {  	_ =	shalt  }
0x4b: {  	_ =	shalt  }
0x4c: {  	_ =	shalt  }
0x4d: {  	_ =	shalt  }
0x4e: {  	_ =	shalt  }
0x4f: {  	_ =	shalt  }
0x50: {  	_ =	shalt  }
0x51: {  	_ =	shalt  }
0x52: {  	_ =	shalt  }
0x53: {  	_ =	shalt  }
0x54: {  	_ =	shalt  }
0x55: {  	_ =	shalt  }
0x56: {  	_ =	shalt  }
0x57: {  	_ =	shalt  }
0x58: {  	_ =	shalt  }
0x59: {  	_ =	shalt  }
0x5a: {  	_ =	shalt  }
0x5b: {  	_ =	shalt  }
0x5c: {  	_ =	shalt  }
0x5d: {  	_ =	shalt  }
0x5e: {  	_ =	shalt  }
0x5f: {  	_ =	shalt  }
0x60: {  	_ =	shalt  }
0x61: {  	_ =	shalt  }
0x62: {  	_ =	shalt  }
0x63: {  	_ =	shalt  }
0x64: {  	_ =	shalt  }
0x65: {  	_ =	shalt  }
0x66: {  	_ =	shalt  }
0x67: {  	_ =	shalt  }
0x68: {  	_ =	shalt  }
0x69: {  	_ =	shalt  }
0x6a: {  	_ =	shalt  }
0x6b: {  	_ =	shalt  }
0x6c: {  	_ =	shalt  }
0x6d: {  	_ =	shalt  }
0x6e: {  	_ =	shalt  }
0x6f: {  	_ =	shalt  }
0x70: {  	_ =	shalt  }
0x71: {  	_ =	shalt  }
0x72: {  	_ =	shalt  }
0x73: {  	_ =	shalt  }
0x74: {  	_ =	shalt  }
0x75: {  	_ =	shalt  }
0x76: {  	_ =	shalt  }
0x77: {  	_ =	shalt  }
0x78: {  	_ =	shalt  }
0x79: {  	_ =	shalt  }
0x7a: {  	_ =	shalt  }
0x7b: {  	_ =	shalt  }
0x7c: {  	_ =	shalt  }
0x7d: {  	_ =	shalt  }
0x7e: {  	_ =	shalt  }
0x7f: {  	_ =	shalt  }
0x80: {  	_ =	shalt  }
0x81: {  	_ =	shalt  }
0x82: {  	_ =	shalt  }
0x83: {  	_ =	shalt  }
0x84: {  	_ =	shalt  }
0x85: {  	_ =	shalt  }
0x86: {  	_ =	shalt  }
0x87: {  	_ =	shalt  }
.Lfunc_end0:
.L_simem_size_0:
called_computation.1_lowered:
.L_overlay_start_0:
0x88: {  	s2 =	sld [smem:$0x3FD9]  }
0x89: {  	s3 =	sld [smem:$0x3FFE];
	_ =	sdelay $0x1  }
0x8a: {  	s1 =	srdreg.scid  }
0x8b: {  	s0 =	sand.u32 $0x1, s1  }
0x8c: {  	s16 =	sshll.u32 s0, $0xA;
	s2 =	sadd.s32 s3, s2  }
0x8d: {  	s2 =	sadd.s32 s2, s16  }
0x8e: {  	[smem:$0x3FBC] =	sst s2  }
0x8f: {  	_ = 	snop  }
0x90: {  	(tm) =	ssettm $0x1  }
0x91: {  	s17 =	sld [smem:$0x3FFB];
	_ =	sdelay $0x3  }
0x92: {  	_ =	strace s17  }
0x93: {  	s2 =	sld [smem:$0x3FFC];
	_ =	sdelay $0x3  }
0x94: {  	_ =	strace s2  }
0x95: {  	s2 =	sld [smem:$0x3FFD];
	_ =	sdelay $0x3  }
0x96: {  	_ =	strace s2  }
0x97: {  	_ =	strace $0x8FFFFFFF  }
0x98: {  	s18 =	sld [smem:$0x3FDB];
	_ =	sdelay $0x1  }
0x99: {  	s19 =	simm.s32 $_scs_section_size  }
0x9a: {  	s4 =	simm.s32 $_size__tile_overlayer_lowered;
	s5 =	simm.s32 $_tile_overlayer_lowered  }
0x9b: {  	s22 =	simm.s32 $0x1BFF;
	s21 =	sshll.u32 s5, $0x1;
	s2 =	sadd.s32 s19, s18  }
0x9c: {  	s6 =	simm.s32 $0x0;
	s20 =	sshll.u32 s4, $0x1;
	s4 =	sadd.s32 s21, s2  }
0x9d: {  	[timem:s6], [sflag:s22] =	dma.local [hbm:s4], s20  }
0x9e: {  	_ =	swait.ge [sflag:s22], s20  }
0x9f: {  	s3 =	ssub.s32 $0x0, s20;
	[sflag:s22] =	ssyncset.done $0x0  }
0xa0: {  	[sflag:s22] =	ssyncadd.s32 s3;
	_ =	sdelay $0x1  }
0xa1: {  	s23 =	simm.s32 $0x1B8B  }
0xa2: {  	_ =	swait.ge [sflag:s23], $0x1  }
0xa3: {  	[sflag:s23] =	ssyncset.done $0x0  }
0xa4: {  	s25 =	simm.s32 $0x1B8E;
	s24 =	sld [smem:$0x3FFE];
	[sflag:s23] =	ssyncadd.s32 $0xFFFFFFFF  }
0xa5: {  	s26 =	simm.s32 $execute0_lowered;
	[smem:$0x3FD2] =	sst s25  }
0xa6: {  	s4 =	sshll.u32 s26, $0x1;
	_ =	strace $0x80000049;
	[dreg:$0x1] =	wrdreg $0xFFFFFFFF  }
0xa7: {  	s28 =	simm.s32 $_size_execute0_lowered;
	s2 =	sadd.s32 s2, s4;
	[dreg:$0x0] =	wrdreg $0x0  }
0xa8: {  	s4 =	sshll.u32 s28, $0x1;
	[dreg:$0x2] =	wrdreg s2  }
0xa9: {  	[dreg:$0x3] =	wrdreg s4  }
0xaa: {  	[dreg:$0x4] =	wrdreg $0xC0  }
0xab: {  	_ =	task [dreg:s6], $0x5FFFF  }
0xac: {  	[dreg:$0x1] =	wrdreg $0xFFFFFFFF  }
0xad: {  	[dreg:$0x0] =	wrdreg $0x60  }
0xae: {  	[dreg:$0x2] =	wrdreg s24  }
0xaf: {  	[dreg:$0x3] =	wrdreg $0x14F000  }
0xb0: {  	[dreg:$0x4] =	wrdreg $0xB1000  }
0xb1: {  	[dreg:$0x5] =	wrdreg $0x9  }
0xb2: {  	_ =	task.clear_ibuf [dreg:s6], $0x6FFFF;
	_ =	strace $0x90000049  }
0xb3: {  	s29 =	simm.s32 $0x9;
	_ =	strace $0x8000004B  }
0xb4: {  	_ =	swait.ge [sflag:s29], $0x1  }
0xb5: {  	[sflag:s29] =	ssyncadd.s32 $0xFFFFFFFF  }
0xb6: {  	_ =	strace $0x9000004B  }
0xb7: {  	_ =	sfence  }
0xb8: {  	s30 =	sld [smem:$0x0];
	_ =	sdelay $0x2  }
0xb9: {  	s31 =	sshll.u32 s1, $0xD;
	s1 =	sshrl.u32 s1, $0x2  }
0xba: {  	s3 =	sand.u32 $0x4000, s31;
	s1 =	sadd.s32 s1, s30  }
0xbb: {  	s0 =	sor.u32 s3, s0;
	s1 =	sshll.u32 s1, $0x11  }
0xbc: {  	s0 =	sor.u32 s1, s0  }
0xbd: {  	s0 =	sadd.s32 $0x8F2B, s0  }
0xbe: {  	[sflag:s0] =	ssyncadd.remote.s32 $0x1  }
0xbf: {  	_ =	sfence.sel $0xFFFF  }
0xc0: {  	[dreg:$0x0] =	wrdreg $0xFFFFFFFF;
	(pc) =	sbr.abs _section_cstart, $3  }
0xc1: {  	[dreg:$0x1] =	wrdreg $0xFFFFFFFF  }
0xc2: {  	_ =	task.clear_ibuf [dreg:s6], $0x2FFFF;
	_ =	strace $0x9FFFFFFF  }
0xc3: {  	(tm) =	ssettm $0x7FFFFFFF  }
tec
execute0_lowered:
.L_overlay_start_1:
0x0: {  	(tag) =	ssettag $0x1  }
0x1: {  	s0 =	rddreg [dreg:$0x0]  }
0x2: {  	s2 =	rddreg [dreg:$0x1]  }
0x3: {  	s3 =	rddreg [dreg:$0x2]  }
0x4: {  	s11 =	stileid.u32;
	s1 =	srdreg.scid;
	s4 =	simm.s32 $0x0  }
0x5: {  	s13 =	simm.s32 $0x7;
	s15 =	simm.s32 $0x2880;
	s16 =	simm.s32 $0x80  }
0x6: {  	s17 =	simm.s32 $0x5100;
	s18 =	simm.s32 $0x7100;
	s20 =	simm.s32 $0x9100  }
0x7: {  	s21 =	simm.s32 $0x1;
	s22 =	simm.s32 $0x2;
	s24 =	simm.s32 $0x4  }
0x8: {  	s28 =	simm.s32 $0x2980;
	s29 =	simm.s32 $0x5;
	s30 =	simm.s32 $0x200  }
0x9: {  	s31 =	simm.s32 $0x6;
	s7 =	smul.u32 $0x9E00, s11;
	s1 =	sand.u32 $0x1, s1  }
0xa: {  	[smem:$0x7FF] =	sst s4;
	s5 =	sshll.u32 s11, $0x1;
	s26 =	sshll.u32 s11, $0x6  }
0xb: {  	s6 =	smul.u32 $0x9E000, s1;
	_ =	strace $0x8000004A;
	s5 =	sor.u32 s1, s5  }
0xc: {  	s1 =	ssub.s32 $0x2, s1;
	s8 =	sshrl.u32 s7, $0x3;
	s5 =	smul.u32 $0x510, s5  }
0xd: {  	s9 =	sshrl.u32 s1, $0x1;
	s12 =	sadd.s32 s7, s2;
	s14 =	sadd.s32 s7, s3  }
0xe: {  	s6 =	sadd.s32 s7, s6;
	s8 =	sadd.s32 s8, s0;
	s1 =	ssub.s32 s1, s9  }
.Ltmp0:
0xf: {  	s12 =	sshrl.u32 s12, $0x3;
	s14 =	sshrl.u32 s14, $0x3;
	(pc) =	sbr.rel .LBB2_1-.Ltmp0, $4  }
0x10: {  	s6 =	sshrl.u32 s6, $0x3;
	s10 =	sadd.s32 s5, s0;
	s5 =	sadd.s32 $0x7D200, s8  }
0x11: {  	s7 =	sadd.s32 $0x69600, s8;
	s11 =	smax.u32 s1, $0x1;
	s0 =	sadd.s32 s6, s0  }
0x12: {  	s6 =	sor.u32 $0x1C07, s26;
	s8 =	sadd.s32 $0x5200, s10;
	s9 =	sadd.s32 $0x2DA00, s10  }
0x13: {  	s26 =	simm.s32 $0x3;
	s10 =	sadd.s32 $0x90E00, s0;
	s0 =	simm.s32 $0x0  }
.LBB2_4:
0x14: {  	_ =	swait.ge [sflag:s26], $0x2000  }
0x15: {  	[sflag:s26] =	ssyncset.done $0x0  }
0x16: {  	[sflag:s26] =	ssyncadd.s32 $0xFFFFE000  }
0x17: {  	[spmem:s2] =	stream.indirect.scatter.add.f32 [tilespmem:s20], [sflag:$0x6], $0x40, s23, s16, $0xb8;
	[tilespmem:$0x1ED00] =	vst v63  }
0x18: {  	_ =	swait.ge [sflag:s29], $0x2000  }
0x19: {  	[sflag:s29] =	ssyncset.done $0x0  }
0x1a: {  	[sflag:s29] =	ssyncadd.s32 $0xFFFFE000  }
0x1b: {  	_ =	swait.ge [sflag:s31], $0x2000  }
0x1c: {  	s0 =	sadd.s32 $0x1, s0;
	[sflag:s31] =	ssyncset.done $0x0  }
0x1d: {  	p0 =	sne.s32 s0, s11;
	[sflag:s31] =	ssyncadd.s32 $0xFFFFE000  }
.Ltmp1:
0x1e: {  	[bflag:$0x0] =	sbarrier.arrive $0xFFFF;
	(pc) =	sbr.rel @!p0 .LBB2_5-.Ltmp1, $4  }
0x1f: {  	[hbm:s10], [sflag:s6] =	dma.local [spmem:s12], $0x13C0  }
0x20: {  	_ =	swait.ge [sflag:s13], $0x13C0  }
0x21: {  	[sflag:s13] =	ssyncset.done $0x0  }
0x22: {  	[sflag:s13] =	ssyncadd.s32 $0xFFFFEC40  }
.LBB2_1:
0x23: {  	[spmem:s12], [sflag:s6] =	dma.local [hbm:s5], $0x13C0  }
0x24: {  	_ =	swait.ge [sflag:s13], $0x13C0  }
0x25: {  	[sflag:s13] =	ssyncset.done $0x0  }
0x26: {  	[sflag:s13] =	ssyncadd.s32 $0xFFFFEC40  }
0x27: {  	[spmem:s14], [sflag:s6] =	dma.local [hbm:s7], $0x13C0  }
0x28: {  	_ =	swait.ge [sflag:s13], $0x13C0  }
0x29: {  	[sflag:s13] =	ssyncset.done $0x0  }
0x2a: {  	[sflag:s13] =	ssyncadd.s32 $0xFFFFEC40  }
0x2b: {  	[tilespmem:s4], [sflag:$0x7] =	stream.linear.gather [hbm4b:s8+s4], $0x2880, $0x38;
	[tilespmem:$0x1ED00] =	vst v63  }
0x2c: {  	_ =	swait.ge [sflag:s13], $0x2880  }
0x2d: {  	[sflag:s13] =	ssyncset.done $0x0  }
0x2e: {  	[sflag:s13] =	ssyncadd.s32 $0xFFFFD780  }
0x2f: {  	[tilespmem:s15], [sflag:$0x7] =	stream.linear.gather [hbm4b:s9+s4], $0x2880, $0x38;
	[tilespmem:$0x1ED00] =	vst v63  }
0x30: {  	_ =	swait.ge [sflag:s13], $0x2880  }
0x31: {  	[sflag:s13] =	ssyncset.done $0x0  }
0x32: {  	[sflag:s13] =	ssyncadd.s32 $0xFFFFD780  }
0x33: {  	[bflag:$0x0] =	sbarrier.arrive $0xFFFF  }
0x34: {  	[tilespmem:s17], [sflag:$0x1] =	stream.indirect.gather [spmem:s3], $0x40, s4, s16, $0xb8;
	[tilespmem:$0x1ED00] =	vst v63  }
0x35: {  	_ = 	snop  }
0x36: {  	[tilespmem:s18], [sflag:$0x2] =	stream.indirect.gather [spmem:s3], $0x40, s16, s16, $0xb8;
	[tilespmem:$0x1ED00] =	vst v63  }
0x37: {  	s1 =	simm.s32 $0x100  }
0x38: {  	[tilespmem:s20], [sflag:$0x3] =	stream.indirect.gather [spmem:s3], $0x40, s1, s16, $0xb8;
	[tilespmem:$0x1ED00] =	vst v63  }
0x39: {  	_ =	swait.ge [sflag:s21], $0x2000  }
0x3a: {  	[sflag:s21] =	ssyncset.done $0x0  }
0x3b: {  	[sflag:s21] =	ssyncadd.s32 $0xFFFFE000  }
0x3c: {  	[spmem:s2] =	stream.indirect.scatter.add.f32 [tilespmem:s17], [sflag:$0x4], $0x40, s15, s16, $0xb8;
	[tilespmem:$0x1ED00] =	vst v63  }
0x3d: {  	_ =	swait.ge [sflag:s22], $0x2000  }
0x3e: {  	[sflag:s22] =	ssyncset.done $0x0  }
0x3f: {  	s23 =	simm.s32 $0x2900;
	[sflag:s22] =	ssyncadd.s32 $0xFFFFE000  }
0x40: {  	[spmem:s2] =	stream.indirect.scatter.add.f32 [tilespmem:s18], [sflag:$0x5], $0x40, s23, s16, $0xb8;
	[tilespmem:$0x1ED00] =	vst v63  }
0x41: {  	_ =	swait.ge [sflag:s24], $0x2000  }
0x42: {  	[sflag:s24] =	ssyncset.done $0x0  }
0x43: {  	s25 =	simm.s32 $0x180;
	[sflag:s24] =	ssyncadd.s32 $0xFFFFE000  }
0x44: {  	[tilespmem:s17], [sflag:$0x1] =	stream.indirect.gather [spmem:s3], $0x40, s25, s16, $0xb8;
	[tilespmem:$0x1ED00] =	vst v63  }
0x45: {  	_ =	swait.ge [sflag:s26], $0x2000  }
0x46: {  	[sflag:s26] =	ssyncset.done $0x0  }
0x47: {  	[sflag:s26] =	ssyncadd.s32 $0xFFFFE000  }
0x48: {  	[spmem:s2] =	stream.indirect.scatter.add.f32 [tilespmem:s20], [sflag:$0x6], $0x40, s28, s16, $0xb8;
	[tilespmem:$0x1ED00] =	vst v63  }
0x49: {  	_ =	swait.ge [sflag:s29], $0x2000  }
0x4a: {  	[sflag:s29] =	ssyncset.done $0x0  }
0x4b: {  	s1 =	simm.s32 $0x0;
	[sflag:s29] =	ssyncadd.s32 $0xFFFFE000  }
0x4c: {  	[tilespmem:s18], [sflag:$0x2] =	stream.indirect.gather [spmem:s3], $0x40, s30, s16, $0xb8;
	[tilespmem:$0x1ED00] =	vst v63  }
.LBB2_2:
0x4d: {  	_ =	swait.ge [sflag:s21], $0x2000  }
0x4e: {  	s19 =	sshra.s32 s1, $0x2;
	[sflag:s21] =	ssyncset.done $0x0  }
0x4f: {  	s23 =	sadd.s32 $0x2A00, s19;
	[sflag:s21] =	ssyncadd.s32 $0xFFFFE000  }
0x50: {  	[spmem:s2] =	stream.indirect.scatter.add.f32 [tilespmem:s17], [sflag:$0x4], $0x40, s23, s16, $0xb8;
	[tilespmem:$0x1ED00] =	vst v63  }
0x51: {  	_ =	swait.ge [sflag:s31], $0x2000  }
0x52: {  	[sflag:s31] =	ssyncset.done $0x0  }
0x53: {  	s25 =	sadd.s32 $0x280, s19;
	[sflag:s31] =	ssyncadd.s32 $0xFFFFE000  }
0x54: {  	[tilespmem:s20], [sflag:$0x3] =	stream.indirect.gather [spmem:s3], $0x40, s25, s16, $0xb8;
	[tilespmem:$0x1ED00] =	vst v63  }
0x55: {  	_ =	swait.ge [sflag:s22], $0x2000  }
0x56: {  	p0 =	seq.s32 s1, $0x9600;
	[sflag:s22] =	ssyncset.done $0x0  }
.Ltmp2:
0x57: {  	s25 =	sadd.s32 $0x2A80, s19;
	[sflag:s22] =	ssyncadd.s32 $0xFFFFE000;
	(pc) =	sbr.rel @p0 .LBB2_4-.Ltmp2, $4  }
0x58: {  	[spmem:s2] =	stream.indirect.scatter.add.f32 [tilespmem:s18], [sflag:$0x5], $0x40, s25, s16, $0xb8;
	[tilespmem:$0x1ED00] =	vst v63  }
0x59: {  	_ =	swait.ge [sflag:s24], $0x2000  }
0x5a: {  	[sflag:s24] =	ssyncset.done $0x0  }
0x5b: {  	s23 =	sadd.s32 $0x2B00, s19;
	[sflag:s24] =	ssyncadd.s32 $0xFFFFE000  }
0x5c: {  	s25 =	sadd.s32 $0x300, s19  }
0x5d: {  	[tilespmem:s17], [sflag:$0x1] =	stream.indirect.gather [spmem:s3], $0x40, s25, s16, $0xb8;
	[tilespmem:$0x1ED00] =	vst v63  }
0x5e: {  	_ =	swait.ge [sflag:s26], $0x2000  }
0x5f: {  	[sflag:s26] =	ssyncset.done $0x0  }
0x60: {  	[sflag:s26] =	ssyncadd.s32 $0xFFFFE000  }
0x61: {  	[spmem:s2] =	stream.indirect.scatter.add.f32 [tilespmem:s20], [sflag:$0x6], $0x40, s23, s16, $0xb8;
	[tilespmem:$0x1ED00] =	vst v63  }
.Ltmp3:
0x62: {  	_ = 	snop;
	(pc) =	sbr.rel .LBB2_2-.Ltmp3, $4  }
0x63: {  	_ =	swait.ge [sflag:s29], $0x2000  }
0x64: {  	[sflag:s29] =	ssyncset.done $0x0  }
0x65: {  	s1 =	sadd.s32 $0x600, s1;
	s25 =	sadd.s32 $0x380, s19;
	[sflag:s29] =	ssyncadd.s32 $0xFFFFE000  }
0x66: {  	[tilespmem:s18], [sflag:$0x2] =	stream.indirect.gather [spmem:s3], $0x40, s25, s16, $0xb8;
	[tilespmem:$0x1ED00] =	vst v63  }
.LBB2_5:
0x67: {  	_ =	sfence.sel $0x180000  }
0x68: {  	[bflag:$0x0] =	sbarrier.arrive $0xFFFF  }
0x69: {  	_ =	strace $0x9000004A  }
0x6a: {  	s0 =	stileid.u32;
	[bflag:$0x2] =	sbarrier.arrive $0xFFFF  }
0x6b: {  	p0 =	sne.s32 s0, $0x0;
	s0 =	rddreg [dreg:$0x3]  }
0x6c: {  	s0 =	sadd.s32 @!p0 $0x100000, s0  }
0x6d: {  	[sflag:s0] =	ssyncadd.tile.s32 @!p0 $0x1;
	_ =	shalt  }
.Lfunc_end2:
_tile_overlayer_lowered:
.L_overlay_start_2:
0x6e: {  	(tag) =	ssettag $0x2  }
0x6f: {  	s0 =	rddreg [dreg:$0x0];
	s2 =	stileid.u32  }
0x70: {  	s1 =	rddreg [dreg:$0x1];
	p0 =	sne.s32 s2, $0x0  }
0x71: {  	s3 =	rddreg [dreg:$0x2];
	[bflag:$0x3] =	sbarrier.arrive $0xFFFF;
	s2 =	simm.s32 @!p0 $0x1C07  }
0x72: {  	[timem:s3], [sflag:s2] =	dma.local @!p0 [hbm:s0], s1  }
0x73: {  	s0 =	simm.s32 @!p0 $0x7  }
0x74: {  	_ =	swait.ge @!p0 [sflag:s0], s1  }
0x75: {  	s1 =	ssub.s32 @!p0 $0x0, s1;
	[sflag:s0] =	ssyncset.done @!p0 $0x0  }
0x76: {  	[sflag:s0] =	ssyncadd.s32 @!p0 s1  }
0x77: {  	[bflag:$0x3] =	sbarrier.arrive $0xFFFF  }
0x78: {  	_ =	shalt  }

// kernel: kernel.23.cloned.1.call-start
scs
__scs_entry_jumppad:
0x0: {  	(pc) =	sbr.rel $0x88, $3  }
0x1: {  	(tag) =	ssettag $0x0;
	lr =	simm.s32 $0x1  }
0x2: {  	[smem:$0x3F95] =	sst lr;
	_ =	strace $0xD0000000  }
0x3: {  	_ = 	snop  }
0x4: {  	_ = 	snop  }
0x5: {  	_ = 	snop  }
0x6: {  	_ = 	snop  }
0x7: {  	_ = 	snop  }
__scs_overlays_trampoline_lowered:
0x8: {  	[smem:$0x3FA4] =	sst s0  }
0x9: {  	[smem:$0x3FA5] =	sst s1  }
0xa: {  	[smem:$0x3FA6] =	sst s2  }
0xb: {  	[smem:$0x3FA7] =	sst s3  }
0xc: {  	[smem:$0x3FA8] =	sst s4  }
0xd: {  	[smem:$0x3FA9] =	sst s5  }
0xe: {  	[smem:$0x3FAA] =	sst s6  }
0xf: {  	[smem:$0x3FAB] =	sst s7  }
0x10: {  	[smem:$0x3FAC] =	sst s8  }
0x11: {  	[smem:$0x3FAD] =	sst s9;
	s0 =	simm.s32 @!p0 $0x0  }
0x12: {  	s1 =	sld [smem:$0x3F93];
	s0 =	simm.s32 @p0 $0x1  }
0x13: {  	[smem:$0x3FAE] =	sst s0;
	s0 =	simm.s32 @!p1 $0x0  }
0x14: {  	s2 =	sld [smem:$0x3F92];
	s0 =	simm.s32 @p1 $0x1  }
0x15: {  	[smem:$0x3FAF] =	sst s0;
	s0 =	simm.s32 @!p2 $0x0  }
0x16: {  	s3 =	sld [smem:$0x3FDB];
	s0 =	simm.s32 @p2 $0x1  }
0x17: {  	s4 =	simm.s32 $0x1BF5;
	[smem:$0x3FB1] =	sst s0  }
0x18: {  	s0 =	sld [smem:$0x3F94];
	_ =	swait.ge [sflag:s4], $0x0  }
0x19: {  	s7 =	sld [smem:$0x3F95]  }
0x1a: {  	s8 =	sadd.s32 $0xFFFFE003, lr  }
0x1b: {  	s9 =	sadd.s32 $0xFFFFFEF7, lr;
	s5 =	simm.s32 $0xFFFFFFFF;
	p2 =	slt.u32 s8, $0xFFFFF086  }
0x1c: {  	p1 =	slt.u32 s9, $0xF7A;
	s5 =	simm.s32 @!p2 $0x0  }
0x1d: {  	s5 =	simm.s32 @p1 $0x1;
	p0 =	seq.s32 s7, s2  }
0x1e: {  	s7 =	smul.u32 @!p0 $0xF7A, s2;
	p2 =	seq.s32 @!p0 s5, $0x0  }
0x1f: {  	s9 =	smul.u32 $0xF7A, s1;
	s8 =	simm.s32 @!p0 $0x1BF5;
	p2 =	por !p2, p0  }
0x20: {  	[sflag:s8] =	ssyncset.s32 @!p0 $0xFFFFF086;
	s6 =	sadd.s32 @!p0 s3, s7;
	s7 =	simm.s32 @!p0 $0x108  }
0x21: {  	s3 =	sadd.s32 s3, s9;
	s6 =	sadd.s32 @!p0 $0x88, s6;
	s7 =	simm.s32 @p2 $0x1082  }
0x22: {  	[simem:s7], [sflag:s8] =	dma.local @!p0 [hbm:s6], $0xF7A  }
0x23: {  	s9 =	sor.u32 $0xD0000000, s2;
	s6 =	simm.s32 $0x108;
	_ =	swait.ge @!p0 [sflag:s8], $0x0  }
0x24: {  	s3 =	sadd.s32 $0x88, s3;
	s6 =	simm.s32 @!p1 $0x1082;
	[sflag:s4] =	ssyncset.s32 $0xFFFFF086  }
0x25: {  	[simem:s6], [sflag:s4] =	dma.local [hbm:s3], $0xF7A  }
0x26: {  	[smem:$0x3F95] =	sst s1;
	(tag) =	ssettag s2;
	_ =	strace s9  }
0x27: {  	s1 =	sld [smem:$0x3FA5]  }
0x28: {  	s2 =	sld [smem:$0x3FA6]  }
0x29: {  	s4 =	sld [smem:$0x3FA8]  }
0x2a: {  	p0 =	seq.s32 s5, $0x0;
	s5 =	sld [smem:$0x3FA9]  }
0x2b: {  	s6 =	sld [smem:$0x3FAA]  }
0x2c: {  	s7 =	sld [smem:$0x3FAB]  }
0x2d: {  	s3 =	simm.s32 $0x108;
	s8 =	sld [smem:$0x3FAC]  }
0x2e: {  	s3 =	simm.s32 @!p0 $0x1082;
	s9 =	sld [smem:$0x3FAD]  }
0x2f: {  	lr =	sadd.s32 s0, s3;
	s0 =	sld [smem:$0x3FA4]  }
0x30: {  	s3 =	sld [smem:$0x3FA7]  }
0x31: {  	[smem:$0x3FB0] =	sst s10  }
0x32: {  	s10 =	sld [smem:$0x3FAE];
	_ =	sdelay $0x3  }
0x33: {  	p0 =	seq.s32 s10, $0x1;
	s10 =	sld [smem:$0x3FB0];
	_ =	sdelay $0x3  }
0x34: {  	[smem:$0x3FB0] =	sst s10  }
0x35: {  	s10 =	sld [smem:$0x3FAF];
	_ =	sdelay $0x3  }
0x36: {  	p1 =	seq.s32 s10, $0x1;
	s10 =	sld [smem:$0x3FB0];
	_ =	sdelay $0x3  }
0x37: {  	[smem:$0x3FB0] =	sst s10  }
0x38: {  	s10 =	sld [smem:$0x3FB1]  }
0x39: {  	_ = 	snop;
	(pc) =	sbr.ind lr, $3  }
0x3a: {  	_ = 	snop  }
0x3b: {  	_ = 	snop  }
0x3c: {  	p2 =	seq.s32 s10, $0x1;
	s10 =	sld [smem:$0x3FB0]  }
0x3d: {  	_ =	shalt  }
0x3e: {  	_ =	shalt  }
0x3f: {  	_ =	shalt  }
0x40: {  	_ =	shalt  }
0x41: {  	_ =	shalt  }
0x42: {  	_ =	shalt  }
0x43: {  	_ =	shalt  }
0x44: {  	_ =	shalt  }
0x45: {  	_ =	shalt  }
0x46: {  	_ =	shalt  }
0x47: {  	_ =	shalt  }
0x48: {  	_ =	shalt  }
0x49: {  	_ =	shalt  }
0x4a: {  	_ =	shalt  }
0x4b: {  	_ =	shalt  }
0x4c: {  	_ =	shalt  }
0x4d: {  	_ =	shalt  }
0x4e: {  	_ =	shalt  }
0x4f: {  	_ =	shalt  }
0x50: {  	_ =	shalt  }
0x51: {  	_ =	shalt  }
0x52: {  	_ =	shalt  }
0x53: {  	_ =	shalt  }
0x54: {  	_ =	shalt  }
0x55: {  	_ =	shalt  }
0x56: {  	_ =	shalt  }
0x57: {  	_ =	shalt  }
0x58: {  	_ =	shalt  }
0x59: {  	_ =	shalt  }
0x5a: {  	_ =	shalt  }
0x5b: {  	_ =	shalt  }
0x5c: {  	_ =	shalt  }
0x5d: {  	_ =	shalt  }
0x5e: {  	_ =	shalt  }
0x5f: {  	_ =	shalt  }
0x60: {  	_ =	shalt  }
0x61: {  	_ =	shalt  }
0x62: {  	_ =	shalt  }
0x63: {  	_ =	shalt  }
0x64: {  	_ =	shalt  }
0x65: {  	_ =	shalt  }
0x66: {  	_ =	shalt  }
0x67: {  	_ =	shalt  }
0x68: {  	_ =	shalt  }
0x69: {  	_ =	shalt  }
0x6a: {  	_ =	shalt  }
0x6b: {  	_ =	shalt  }
0x6c: {  	_ =	shalt  }
0x6d: {  	_ =	shalt  }
0x6e: {  	_ =	shalt  }
0x6f: {  	_ =	shalt  }
0x70: {  	_ =	shalt  }
0x71: {  	_ =	shalt  }
0x72: {  	_ =	shalt  }
0x73: {  	_ =	shalt  }
0x74: {  	_ =	shalt  }
0x75: {  	_ =	shalt  }
0x76: {  	_ =	shalt  }
0x77: {  	_ =	shalt  }
0x78: {  	_ =	shalt  }
0x79: {  	_ =	shalt  }
0x7a: {  	_ =	shalt  }
0x7b: {  	_ =	shalt  }
0x7c: {  	_ =	shalt  }
0x7d: {  	_ =	shalt  }
0x7e: {  	_ =	shalt  }
0x7f: {  	_ =	shalt  }
0x80: {  	_ =	shalt  }
0x81: {  	_ =	shalt  }
0x82: {  	_ =	shalt  }
0x83: {  	_ =	shalt  }
0x84: {  	_ =	shalt  }
0x85: {  	_ =	shalt  }
0x86: {  	_ =	shalt  }
0x87: {  	_ =	shalt  }
.Lfunc_end0:
.L_simem_size_0:
called_computation.2_lowered:
.L_overlay_start_0:
0x88: {  	s2 =	sld [smem:$0x3FD9]  }
0x89: {  	s3 =	sld [smem:$0x3FFE];
	_ =	sdelay $0x1  }
0x8a: {  	s1 =	srdreg.scid  }
0x8b: {  	s0 =	sand.u32 $0x1, s1  }
0x8c: {  	s16 =	sshll.u32 s0, $0xA;
	s2 =	sadd.s32 s3, s2  }
0x8d: {  	s2 =	sadd.s32 s2, s16  }
0x8e: {  	[smem:$0x3FBC] =	sst s2  }
0x8f: {  	_ = 	snop  }
0x90: {  	(tm) =	ssettm $0x1  }
0x91: {  	s17 =	sld [smem:$0x3FFB];
	_ =	sdelay $0x3  }
0x92: {  	_ =	strace s17  }
0x93: {  	s2 =	sld [smem:$0x3FFC];
	_ =	sdelay $0x3  }
0x94: {  	_ =	strace s2  }
0x95: {  	s2 =	sld [smem:$0x3FFD];
	_ =	sdelay $0x3  }
0x96: {  	_ =	strace s2  }
0x97: {  	_ =	strace $0x8FFFFFFF  }
0x98: {  	s18 =	sld [smem:$0x3FDB];
	_ =	sdelay $0x1  }
0x99: {  	s19 =	simm.s32 $_scs_section_size  }
0x9a: {  	s4 =	simm.s32 $_size__tile_overlayer_lowered;
	s5 =	simm.s32 $_tile_overlayer_lowered  }
0x9b: {  	s22 =	simm.s32 $0x1BFF;
	s21 =	sshll.u32 s5, $0x1;
	s2 =	sadd.s32 s19, s18  }
0x9c: {  	s6 =	simm.s32 $0x0;
	s20 =	sshll.u32 s4, $0x1;
	s4 =	sadd.s32 s21, s2  }
0x9d: {  	[timem:s6], [sflag:s22] =	dma.local [hbm:s4], s20  }
0x9e: {  	_ =	swait.ge [sflag:s22], s20  }
0x9f: {  	s3 =	ssub.s32 $0x0, s20;
	[sflag:s22] =	ssyncset.done $0x0  }
0xa0: {  	[sflag:s22] =	ssyncadd.s32 s3;
	_ =	sdelay $0x1  }
0xa1: {  	s23 =	simm.s32 $0x1B8B  }
0xa2: {  	_ =	swait.ge [sflag:s23], $0x1  }
0xa3: {  	[sflag:s23] =	ssyncset.done $0x0  }
0xa4: {  	s25 =	simm.s32 $0x1B8E;
	s24 =	sld [smem:$0x3FFE];
	[sflag:s23] =	ssyncadd.s32 $0xFFFFFFFF  }
0xa5: {  	s26 =	simm.s32 $execute0_lowered;
	[smem:$0x3FD2] =	sst s25  }
0xa6: {  	s4 =	sshll.u32 s26, $0x1;
	_ =	strace $0x8000004C;
	[dreg:$0x1] =	wrdreg $0xFFFFFFFF  }
0xa7: {  	s28 =	simm.s32 $_size_execute0_lowered;
	s2 =	sadd.s32 s2, s4;
	[dreg:$0x0] =	wrdreg $0x0  }
0xa8: {  	s4 =	sshll.u32 s28, $0x1;
	[dreg:$0x2] =	wrdreg s2  }
0xa9: {  	[dreg:$0x3] =	wrdreg s4  }
0xaa: {  	[dreg:$0x4] =	wrdreg $0xC0  }
0xab: {  	_ =	task [dreg:s6], $0x5FFFF  }
0xac: {  	[dreg:$0x1] =	wrdreg $0xFFFFFFFF  }
0xad: {  	[dreg:$0x0] =	wrdreg $0x60  }
0xae: {  	[dreg:$0x2] =	wrdreg s24  }
0xaf: {  	[dreg:$0x3] =	wrdreg $0x14F000  }
0xb0: {  	[dreg:$0x4] =	wrdreg $0xB1000  }
0xb1: {  	[dreg:$0x5] =	wrdreg $0x9  }
0xb2: {  	_ =	task.clear_ibuf [dreg:s6], $0x6FFFF;
	_ =	strace $0x9000004C  }
0xb3: {  	s29 =	simm.s32 $0x9;
	_ =	strace $0x8000004E  }
0xb4: {  	_ =	swait.ge [sflag:s29], $0x1  }
0xb5: {  	[sflag:s29] =	ssyncadd.s32 $0xFFFFFFFF  }
0xb6: {  	_ =	strace $0x9000004E  }
0xb7: {  	_ =	sfence  }
0xb8: {  	s30 =	sld [smem:$0x0];
	_ =	sdelay $0x2  }
0xb9: {  	s31 =	sshll.u32 s1, $0xD;
	s1 =	sshrl.u32 s1, $0x2  }
0xba: {  	s3 =	sand.u32 $0x4000, s31;
	s1 =	sadd.s32 s1, s30  }
0xbb: {  	s0 =	sor.u32 s3, s0;
	s1 =	sshll.u32 s1, $0x11  }
0xbc: {  	s0 =	sor.u32 s1, s0  }
0xbd: {  	s0 =	sadd.s32 $0x8F2B, s0  }
0xbe: {  	[sflag:s0] =	ssyncadd.remote.s32 $0x1  }
0xbf: {  	_ =	sfence.sel $0xFFFF  }
0xc0: {  	[dreg:$0x0] =	wrdreg $0xFFFFFFFF;
	(pc) =	sbr.abs _section_cstart, $3  }
0xc1: {  	[dreg:$0x1] =	wrdreg $0xFFFFFFFF  }
0xc2: {  	_ =	task.clear_ibuf [dreg:s6], $0x2FFFF;
	_ =	strace $0x9FFFFFFF  }
0xc3: {  	(tm) =	ssettm $0x7FFFFFFF  }
tec
execute0_lowered:
.L_overlay_start_1:
0x0: {  	(tag) =	ssettag $0x1  }
0x1: {  	s0 =	rddreg [dreg:$0x0]  }
0x2: {  	s2 =	rddreg [dreg:$0x1]  }
0x3: {  	s3 =	rddreg [dreg:$0x2]  }
0x4: {  	s11 =	stileid.u32;
	s1 =	srdreg.scid;
	s4 =	simm.s32 $0x0  }
0x5: {  	s13 =	simm.s32 $0x7;
	s15 =	simm.s32 $0x2880;
	s16 =	simm.s32 $0x80  }
0x6: {  	s17 =	simm.s32 $0x5100;
	s18 =	simm.s32 $0x7100;
	s20 =	simm.s32 $0x9100  }
0x7: {  	s21 =	simm.s32 $0x1;
	s22 =	simm.s32 $0x2;
	s24 =	simm.s32 $0x4  }
0x8: {  	s28 =	simm.s32 $0x2980;
	s29 =	simm.s32 $0x5;
	s30 =	simm.s32 $0x200  }
0x9: {  	s31 =	simm.s32 $0x6;
	s7 =	smul.u32 $0x9E00, s11;
	s1 =	sand.u32 $0x1, s1  }
0xa: {  	[smem:$0x7FF] =	sst s4;
	s5 =	sshll.u32 s11, $0x1;
	s26 =	sshll.u32 s11, $0x6  }
0xb: {  	s6 =	smul.u32 $0x9E000, s1;
	_ =	strace $0x8000004D;
	s5 =	sor.u32 s1, s5  }
0xc: {  	s1 =	ssub.s32 $0x2, s1;
	s8 =	sshrl.u32 s7, $0x3;
	s5 =	smul.u32 $0x510, s5  }
0xd: {  	s9 =	sshrl.u32 s1, $0x1;
	s12 =	sadd.s32 s7, s2;
	s14 =	sadd.s32 s7, s3  }
0xe: {  	s6 =	sadd.s32 s7, s6;
	s8 =	sadd.s32 s8, s0;
	s1 =	ssub.s32 s1, s9  }
.Ltmp0:
0xf: {  	s12 =	sshrl.u32 s12, $0x3;
	s14 =	sshrl.u32 s14, $0x3;
	(pc) =	sbr.rel .LBB2_1-.Ltmp0, $4  }
0x10: {  	s6 =	sshrl.u32 s6, $0x3;
	s10 =	sadd.s32 s5, s0;
	s5 =	sadd.s32 $0x7D200, s8  }
0x11: {  	s7 =	sadd.s32 $0x69600, s8;
	s11 =	smax.u32 s1, $0x1;
	s0 =	sadd.s32 s6, s0  }
0x12: {  	s6 =	sor.u32 $0x1C07, s26;
	s8 =	sadd.s32 $0x5200, s10;
	s9 =	sadd.s32 $0x2DA00, s10  }
0x13: {  	s26 =	simm.s32 $0x3;
	s10 =	sadd.s32 $0xB8600, s0;
	s0 =	simm.s32 $0x0  }
.LBB2_4:
0x14: {  	_ =	swait.ge [sflag:s26], $0x2000  }
0x15: {  	[sflag:s26] =	ssyncset.done $0x0  }
0x16: {  	[sflag:s26] =	ssyncadd.s32 $0xFFFFE000  }
0x17: {  	[spmem:s2] =	stream.indirect.scatter.add.f32 [tilespmem:s20], [sflag:$0x6], $0x40, s23, s16, $0xb8;
	[tilespmem:$0x1ED00] =	vst v63  }
0x18: {  	_ =	swait.ge [sflag:s29], $0x2000  }
0x19: {  	[sflag:s29] =	ssyncset.done $0x0  }
0x1a: {  	[sflag:s29] =	ssyncadd.s32 $0xFFFFE000  }
0x1b: {  	_ =	swait.ge [sflag:s31], $0x2000  }
0x1c: {  	s0 =	sadd.s32 $0x1, s0;
	[sflag:s31] =	ssyncset.done $0x0  }
0x1d: {  	p0 =	sne.s32 s0, s11;
	[sflag:s31] =	ssyncadd.s32 $0xFFFFE000  }
.Ltmp1:
0x1e: {  	[bflag:$0x0] =	sbarrier.arrive $0xFFFF;
	(pc) =	sbr.rel @!p0 .LBB2_5-.Ltmp1, $4  }
0x1f: {  	[hbm:s10], [sflag:s6] =	dma.local [spmem:s12], $0x13C0  }
0x20: {  	_ =	swait.ge [sflag:s13], $0x13C0  }
0x21: {  	[sflag:s13] =	ssyncset.done $0x0  }
0x22: {  	[sflag:s13] =	ssyncadd.s32 $0xFFFFEC40  }
.LBB2_1:
0x23: {  	[spmem:s12], [sflag:s6] =	dma.local [hbm:s5], $0x13C0  }
0x24: {  	_ =	swait.ge [sflag:s13], $0x13C0  }
0x25: {  	[sflag:s13] =	ssyncset.done $0x0  }
0x26: {  	[sflag:s13] =	ssyncadd.s32 $0xFFFFEC40  }
0x27: {  	[spmem:s14], [sflag:s6] =	dma.local [hbm:s7], $0x13C0  }
0x28: {  	_ =	swait.ge [sflag:s13], $0x13C0  }
0x29: {  	[sflag:s13] =	ssyncset.done $0x0  }
0x2a: {  	[sflag:s13] =	ssyncadd.s32 $0xFFFFEC40  }
0x2b: {  	[tilespmem:s4], [sflag:$0x7] =	stream.linear.gather [hbm4b:s8+s4], $0x2880, $0x38;
	[tilespmem:$0x1ED00] =	vst v63  }
0x2c: {  	_ =	swait.ge [sflag:s13], $0x2880  }
0x2d: {  	[sflag:s13] =	ssyncset.done $0x0  }
0x2e: {  	[sflag:s13] =	ssyncadd.s32 $0xFFFFD780  }
0x2f: {  	[tilespmem:s15], [sflag:$0x7] =	stream.linear.gather [hbm4b:s9+s4], $0x2880, $0x38;
	[tilespmem:$0x1ED00] =	vst v63  }
0x30: {  	_ =	swait.ge [sflag:s13], $0x2880  }
0x31: {  	[sflag:s13] =	ssyncset.done $0x0  }
0x32: {  	[sflag:s13] =	ssyncadd.s32 $0xFFFFD780  }
0x33: {  	[bflag:$0x0] =	sbarrier.arrive $0xFFFF  }
0x34: {  	[tilespmem:s17], [sflag:$0x1] =	stream.indirect.gather [spmem:s3], $0x40, s4, s16, $0xb8;
	[tilespmem:$0x1ED00] =	vst v63  }
0x35: {  	_ = 	snop  }
0x36: {  	[tilespmem:s18], [sflag:$0x2] =	stream.indirect.gather [spmem:s3], $0x40, s16, s16, $0xb8;
	[tilespmem:$0x1ED00] =	vst v63  }
0x37: {  	s1 =	simm.s32 $0x100  }
0x38: {  	[tilespmem:s20], [sflag:$0x3] =	stream.indirect.gather [spmem:s3], $0x40, s1, s16, $0xb8;
	[tilespmem:$0x1ED00] =	vst v63  }
0x39: {  	_ =	swait.ge [sflag:s21], $0x2000  }
0x3a: {  	[sflag:s21] =	ssyncset.done $0x0  }
0x3b: {  	[sflag:s21] =	ssyncadd.s32 $0xFFFFE000  }
0x3c: {  	[spmem:s2] =	stream.indirect.scatter.add.f32 [tilespmem:s17], [sflag:$0x4], $0x40, s15, s16, $0xb8;
	[tilespmem:$0x1ED00] =	vst v63  }
0x3d: {  	_ =	swait.ge [sflag:s22], $0x2000  }
0x3e: {  	[sflag:s22] =	ssyncset.done $0x0  }
0x3f: {  	s23 =	simm.s32 $0x2900;
	[sflag:s22] =	ssyncadd.s32 $0xFFFFE000  }
0x40: {  	[spmem:s2] =	stream.indirect.scatter.add.f32 [tilespmem:s18], [sflag:$0x5], $0x40, s23, s16, $0xb8;
	[tilespmem:$0x1ED00] =	vst v63  }
0x41: {  	_ =	swait.ge [sflag:s24], $0x2000  }
0x42: {  	[sflag:s24] =	ssyncset.done $0x0  }
0x43: {  	s25 =	simm.s32 $0x180;
	[sflag:s24] =	ssyncadd.s32 $0xFFFFE000  }
0x44: {  	[tilespmem:s17], [sflag:$0x1] =	stream.indirect.gather [spmem:s3], $0x40, s25, s16, $0xb8;
	[tilespmem:$0x1ED00] =	vst v63  }
0x45: {  	_ =	swait.ge [sflag:s26], $0x2000  }
0x46: {  	[sflag:s26] =	ssyncset.done $0x0  }
0x47: {  	[sflag:s26] =	ssyncadd.s32 $0xFFFFE000  }
0x48: {  	[spmem:s2] =	stream.indirect.scatter.add.f32 [tilespmem:s20], [sflag:$0x6], $0x40, s28, s16, $0xb8;
	[tilespmem:$0x1ED00] =	vst v63  }
0x49: {  	_ =	swait.ge [sflag:s29], $0x2000  }
0x4a: {  	[sflag:s29] =	ssyncset.done $0x0  }
0x4b: {  	s1 =	simm.s32 $0x0;
	[sflag:s29] =	ssyncadd.s32 $0xFFFFE000  }
0x4c: {  	[tilespmem:s18], [sflag:$0x2] =	stream.indirect.gather [spmem:s3], $0x40, s30, s16, $0xb8;
	[tilespmem:$0x1ED00] =	vst v63  }
.LBB2_2:
0x4d: {  	_ =	swait.ge [sflag:s21], $0x2000  }
0x4e: {  	s19 =	sshra.s32 s1, $0x2;
	[sflag:s21] =	ssyncset.done $0x0  }
0x4f: {  	s23 =	sadd.s32 $0x2A00, s19;
	[sflag:s21] =	ssyncadd.s32 $0xFFFFE000  }
0x50: {  	[spmem:s2] =	stream.indirect.scatter.add.f32 [tilespmem:s17], [sflag:$0x4], $0x40, s23, s16, $0xb8;
	[tilespmem:$0x1ED00] =	vst v63  }
0x51: {  	_ =	swait.ge [sflag:s31], $0x2000  }
0x52: {  	[sflag:s31] =	ssyncset.done $0x0  }
0x53: {  	s25 =	sadd.s32 $0x280, s19;
	[sflag:s31] =	ssyncadd.s32 $0xFFFFE000  }
0x54: {  	[tilespmem:s20], [sflag:$0x3] =	stream.indirect.gather [spmem:s3], $0x40, s25, s16, $0xb8;
	[tilespmem:$0x1ED00] =	vst v63  }
0x55: {  	_ =	swait.ge [sflag:s22], $0x2000  }
0x56: {  	p0 =	seq.s32 s1, $0x9600;
	[sflag:s22] =	ssyncset.done $0x0  }
.Ltmp2:
0x57: {  	s25 =	sadd.s32 $0x2A80, s19;
	[sflag:s22] =	ssyncadd.s32 $0xFFFFE000;
	(pc) =	sbr.rel @p0 .LBB2_4-.Ltmp2, $4  }
0x58: {  	[spmem:s2] =	stream.indirect.scatter.add.f32 [tilespmem:s18], [sflag:$0x5], $0x40, s25, s16, $0xb8;
	[tilespmem:$0x1ED00] =	vst v63  }
0x59: {  	_ =	swait.ge [sflag:s24], $0x2000  }
0x5a: {  	[sflag:s24] =	ssyncset.done $0x0  }
0x5b: {  	s23 =	sadd.s32 $0x2B00, s19;
	[sflag:s24] =	ssyncadd.s32 $0xFFFFE000  }
0x5c: {  	s25 =	sadd.s32 $0x300, s19  }
0x5d: {  	[tilespmem:s17], [sflag:$0x1] =	stream.indirect.gather [spmem:s3], $0x40, s25, s16, $0xb8;
	[tilespmem:$0x1ED00] =	vst v63  }
0x5e: {  	_ =	swait.ge [sflag:s26], $0x2000  }
0x5f: {  	[sflag:s26] =	ssyncset.done $0x0  }
0x60: {  	[sflag:s26] =	ssyncadd.s32 $0xFFFFE000  }
0x61: {  	[spmem:s2] =	stream.indirect.scatter.add.f32 [tilespmem:s20], [sflag:$0x6], $0x40, s23, s16, $0xb8;
	[tilespmem:$0x1ED00] =	vst v63  }
.Ltmp3:
0x62: {  	_ = 	snop;
	(pc) =	sbr.rel .LBB2_2-.Ltmp3, $4  }
0x63: {  	_ =	swait.ge [sflag:s29], $0x2000  }
0x64: {  	[sflag:s29] =	ssyncset.done $0x0  }
0x65: {  	s1 =	sadd.s32 $0x600, s1;
	s25 =	sadd.s32 $0x380, s19;
	[sflag:s29] =	ssyncadd.s32 $0xFFFFE000  }
0x66: {  	[tilespmem:s18], [sflag:$0x2] =	stream.indirect.gather [spmem:s3], $0x40, s25, s16, $0xb8;
	[tilespmem:$0x1ED00] =	vst v63  }
.LBB2_5:
0x67: {  	_ =	sfence.sel $0x180000  }
0x68: {  	[bflag:$0x0] =	sbarrier.arrive $0xFFFF  }
0x69: {  	_ =	strace $0x9000004D  }
0x6a: {  	s0 =	stileid.u32;
	[bflag:$0x2] =	sbarrier.arrive $0xFFFF  }
0x6b: {  	p0 =	sne.s32 s0, $0x0;
	s0 =	rddreg [dreg:$0x3]  }
0x6c: {  	s0 =	sadd.s32 @!p0 $0x100000, s0  }
0x6d: {  	[sflag:s0] =	ssyncadd.tile.s32 @!p0 $0x1;
	_ =	shalt  }
.Lfunc_end2:
_tile_overlayer_lowered:
.L_overlay_start_2:
0x6e: {  	(tag) =	ssettag $0x2  }
0x6f: {  	s0 =	rddreg [dreg:$0x0];
	s2 =	stileid.u32  }
0x70: {  	s1 =	rddreg [dreg:$0x1];
	p0 =	sne.s32 s2, $0x0  }
0x71: {  	s3 =	rddreg [dreg:$0x2];
	[bflag:$0x3] =	sbarrier.arrive $0xFFFF;
	s2 =	simm.s32 @!p0 $0x1C07  }
0x72: {  	[timem:s3], [sflag:s2] =	dma.local @!p0 [hbm:s0], s1  }
0x73: {  	s0 =	simm.s32 @!p0 $0x7  }
0x74: {  	_ =	swait.ge @!p0 [sflag:s0], s1  }
0x75: {  	s1 =	ssub.s32 @!p0 $0x0, s1;
	[sflag:s0] =	ssyncset.done @!p0 $0x0  }
0x76: {  	[sflag:s0] =	ssyncadd.s32 @!p0 s1  }
0x77: {  	[bflag:$0x3] =	sbarrier.arrive $0xFFFF  }
0x78: {  	_ =	shalt  }

// kernel: kernel.26.cloned.1.call-start
scs
__scs_entry_jumppad:
0x0: {  	(pc) =	sbr.rel $0x88, $3  }
0x1: {  	(tag) =	ssettag $0x0;
	lr =	simm.s32 $0x1  }
0x2: {  	[smem:$0x3F95] =	sst lr;
	_ =	strace $0xD0000000  }
0x3: {  	_ = 	snop  }
0x4: {  	_ = 	snop  }
0x5: {  	_ = 	snop  }
0x6: {  	_ = 	snop  }
0x7: {  	_ = 	snop  }
__scs_overlays_trampoline_lowered:
0x8: {  	[smem:$0x3FA4] =	sst s0  }
0x9: {  	[smem:$0x3FA5] =	sst s1  }
0xa: {  	[smem:$0x3FA6] =	sst s2  }
0xb: {  	[smem:$0x3FA7] =	sst s3  }
0xc: {  	[smem:$0x3FA8] =	sst s4  }
0xd: {  	[smem:$0x3FA9] =	sst s5  }
0xe: {  	[smem:$0x3FAA] =	sst s6  }
0xf: {  	[smem:$0x3FAB] =	sst s7  }
0x10: {  	[smem:$0x3FAC] =	sst s8  }
0x11: {  	[smem:$0x3FAD] =	sst s9;
	s0 =	simm.s32 @!p0 $0x0  }
0x12: {  	s1 =	sld [smem:$0x3F93];
	s0 =	simm.s32 @p0 $0x1  }
0x13: {  	[smem:$0x3FAE] =	sst s0;
	s0 =	simm.s32 @!p1 $0x0  }
0x14: {  	s2 =	sld [smem:$0x3F92];
	s0 =	simm.s32 @p1 $0x1  }
0x15: {  	[smem:$0x3FAF] =	sst s0;
	s0 =	simm.s32 @!p2 $0x0  }
0x16: {  	s3 =	sld [smem:$0x3FDB];
	s0 =	simm.s32 @p2 $0x1  }
0x17: {  	s4 =	simm.s32 $0x1BF5;
	[smem:$0x3FB1] =	sst s0  }
0x18: {  	s0 =	sld [smem:$0x3F94];
	_ =	swait.ge [sflag:s4], $0x0  }
0x19: {  	s7 =	sld [smem:$0x3F95]  }
0x1a: {  	s8 =	sadd.s32 $0xFFFFE003, lr  }
0x1b: {  	s9 =	sadd.s32 $0xFFFFFEF7, lr;
	s5 =	simm.s32 $0xFFFFFFFF;
	p2 =	slt.u32 s8, $0xFFFFF086  }
0x1c: {  	p1 =	slt.u32 s9, $0xF7A;
	s5 =	simm.s32 @!p2 $0x0  }
0x1d: {  	s5 =	simm.s32 @p1 $0x1;
	p0 =	seq.s32 s7, s2  }
0x1e: {  	s7 =	smul.u32 @!p0 $0xF7A, s2;
	p2 =	seq.s32 @!p0 s5, $0x0  }
0x1f: {  	s9 =	smul.u32 $0xF7A, s1;
	s8 =	simm.s32 @!p0 $0x1BF5;
	p2 =	por !p2, p0  }
0x20: {  	[sflag:s8] =	ssyncset.s32 @!p0 $0xFFFFF086;
	s6 =	sadd.s32 @!p0 s3, s7;
	s7 =	simm.s32 @!p0 $0x108  }
0x21: {  	s3 =	sadd.s32 s3, s9;
	s6 =	sadd.s32 @!p0 $0x88, s6;
	s7 =	simm.s32 @p2 $0x1082  }
0x22: {  	[simem:s7], [sflag:s8] =	dma.local @!p0 [hbm:s6], $0xF7A  }
0x23: {  	s9 =	sor.u32 $0xD0000000, s2;
	s6 =	simm.s32 $0x108;
	_ =	swait.ge @!p0 [sflag:s8], $0x0  }
0x24: {  	s3 =	sadd.s32 $0x88, s3;
	s6 =	simm.s32 @!p1 $0x1082;
	[sflag:s4] =	ssyncset.s32 $0xFFFFF086  }
0x25: {  	[simem:s6], [sflag:s4] =	dma.local [hbm:s3], $0xF7A  }
0x26: {  	[smem:$0x3F95] =	sst s1;
	(tag) =	ssettag s2;
	_ =	strace s9  }
0x27: {  	s1 =	sld [smem:$0x3FA5]  }
0x28: {  	s2 =	sld [smem:$0x3FA6]  }
0x29: {  	s4 =	sld [smem:$0x3FA8]  }
0x2a: {  	p0 =	seq.s32 s5, $0x0;
	s5 =	sld [smem:$0x3FA9]  }
0x2b: {  	s6 =	sld [smem:$0x3FAA]  }
0x2c: {  	s7 =	sld [smem:$0x3FAB]  }
0x2d: {  	s3 =	simm.s32 $0x108;
	s8 =	sld [smem:$0x3FAC]  }
0x2e: {  	s3 =	simm.s32 @!p0 $0x1082;
	s9 =	sld [smem:$0x3FAD]  }
0x2f: {  	lr =	sadd.s32 s0, s3;
	s0 =	sld [smem:$0x3FA4]  }
0x30: {  	s3 =	sld [smem:$0x3FA7]  }
0x31: {  	[smem:$0x3FB0] =	sst s10  }
0x32: {  	s10 =	sld [smem:$0x3FAE];
	_ =	sdelay $0x3  }
0x33: {  	p0 =	seq.s32 s10, $0x1;
	s10 =	sld [smem:$0x3FB0];
	_ =	sdelay $0x3  }
0x34: {  	[smem:$0x3FB0] =	sst s10  }
0x35: {  	s10 =	sld [smem:$0x3FAF];
	_ =	sdelay $0x3  }
0x36: {  	p1 =	seq.s32 s10, $0x1;
	s10 =	sld [smem:$0x3FB0];
	_ =	sdelay $0x3  }
0x37: {  	[smem:$0x3FB0] =	sst s10  }
0x38: {  	s10 =	sld [smem:$0x3FB1]  }
0x39: {  	_ = 	snop;
	(pc) =	sbr.ind lr, $3  }
0x3a: {  	_ = 	snop  }
0x3b: {  	_ = 	snop  }
0x3c: {  	p2 =	seq.s32 s10, $0x1;
	s10 =	sld [smem:$0x3FB0]  }
0x3d: {  	_ =	shalt  }
0x3e: {  	_ =	shalt  }
0x3f: {  	_ =	shalt  }
0x40: {  	_ =	shalt  }
0x41: {  	_ =	shalt  }
0x42: {  	_ =	shalt  }
0x43: {  	_ =	shalt  }
0x44: {  	_ =	shalt  }
0x45: {  	_ =	shalt  }
0x46: {  	_ =	shalt  }
0x47: {  	_ =	shalt  }
0x48: {  	_ =	shalt  }
0x49: {  	_ =	shalt  }
0x4a: {  	_ =	shalt  }
0x4b: {  	_ =	shalt  }
0x4c: {  	_ =	shalt  }
0x4d: {  	_ =	shalt  }
0x4e: {  	_ =	shalt  }
0x4f: {  	_ =	shalt  }
0x50: {  	_ =	shalt  }
0x51: {  	_ =	shalt  }
0x52: {  	_ =	shalt  }
0x53: {  	_ =	shalt  }
0x54: {  	_ =	shalt  }
0x55: {  	_ =	shalt  }
0x56: {  	_ =	shalt  }
0x57: {  	_ =	shalt  }
0x58: {  	_ =	shalt  }
0x59: {  	_ =	shalt  }
0x5a: {  	_ =	shalt  }
0x5b: {  	_ =	shalt  }
0x5c: {  	_ =	shalt  }
0x5d: {  	_ =	shalt  }
0x5e: {  	_ =	shalt  }
0x5f: {  	_ =	shalt  }
0x60: {  	_ =	shalt  }
0x61: {  	_ =	shalt  }
0x62: {  	_ =	shalt  }
0x63: {  	_ =	shalt  }
0x64: {  	_ =	shalt  }
0x65: {  	_ =	shalt  }
0x66: {  	_ =	shalt  }
0x67: {  	_ =	shalt  }
0x68: {  	_ =	shalt  }
0x69: {  	_ =	shalt  }
0x6a: {  	_ =	shalt  }
0x6b: {  	_ =	shalt  }
0x6c: {  	_ =	shalt  }
0x6d: {  	_ =	shalt  }
0x6e: {  	_ =	shalt  }
0x6f: {  	_ =	shalt  }
0x70: {  	_ =	shalt  }
0x71: {  	_ =	shalt  }
0x72: {  	_ =	shalt  }
0x73: {  	_ =	shalt  }
0x74: {  	_ =	shalt  }
0x75: {  	_ =	shalt  }
0x76: {  	_ =	shalt  }
0x77: {  	_ =	shalt  }
0x78: {  	_ =	shalt  }
0x79: {  	_ =	shalt  }
0x7a: {  	_ =	shalt  }
0x7b: {  	_ =	shalt  }
0x7c: {  	_ =	shalt  }
0x7d: {  	_ =	shalt  }
0x7e: {  	_ =	shalt  }
0x7f: {  	_ =	shalt  }
0x80: {  	_ =	shalt  }
0x81: {  	_ =	shalt  }
0x82: {  	_ =	shalt  }
0x83: {  	_ =	shalt  }
0x84: {  	_ =	shalt  }
0x85: {  	_ =	shalt  }
0x86: {  	_ =	shalt  }
0x87: {  	_ =	shalt  }
.Lfunc_end0:
.L_simem_size_0:
called_computation.3_lowered:
.L_overlay_start_0:
0x88: {  	s2 =	sld [smem:$0x3FD9]  }
0x89: {  	s3 =	sld [smem:$0x3FFE];
	_ =	sdelay $0x1  }
0x8a: {  	s1 =	srdreg.scid  }
0x8b: {  	s0 =	sand.u32 $0x1, s1  }
0x8c: {  	s16 =	sshll.u32 s0, $0xA;
	s2 =	sadd.s32 s3, s2  }
0x8d: {  	s2 =	sadd.s32 s2, s16  }
0x8e: {  	[smem:$0x3FBC] =	sst s2  }
0x8f: {  	_ = 	snop  }
0x90: {  	(tm) =	ssettm $0x1  }
0x91: {  	s17 =	sld [smem:$0x3FFB];
	_ =	sdelay $0x3  }
0x92: {  	_ =	strace s17  }
0x93: {  	s2 =	sld [smem:$0x3FFC];
	_ =	sdelay $0x3  }
0x94: {  	_ =	strace s2  }
0x95: {  	s2 =	sld [smem:$0x3FFD];
	_ =	sdelay $0x3  }
0x96: {  	_ =	strace s2  }
0x97: {  	_ =	strace $0x8FFFFFFF  }
0x98: {  	s18 =	sld [smem:$0x3FDB];
	_ =	sdelay $0x1  }
0x99: {  	s19 =	simm.s32 $_scs_section_size  }
0x9a: {  	s4 =	simm.s32 $_size__tile_overlayer_lowered;
	s5 =	simm.s32 $_tile_overlayer_lowered  }
0x9b: {  	s22 =	simm.s32 $0x1BFF;
	s21 =	sshll.u32 s5, $0x1;
	s2 =	sadd.s32 s19, s18  }
0x9c: {  	s6 =	simm.s32 $0x0;
	s20 =	sshll.u32 s4, $0x1;
	s4 =	sadd.s32 s21, s2  }
0x9d: {  	[timem:s6], [sflag:s22] =	dma.local [hbm:s4], s20  }
0x9e: {  	_ =	swait.ge [sflag:s22], s20  }
0x9f: {  	s3 =	ssub.s32 $0x0, s20;
	[sflag:s22] =	ssyncset.done $0x0  }
0xa0: {  	[sflag:s22] =	ssyncadd.s32 s3;
	_ =	sdelay $0x1  }
0xa1: {  	s23 =	simm.s32 $0x1B8B  }
0xa2: {  	_ =	swait.ge [sflag:s23], $0x1  }
0xa3: {  	[sflag:s23] =	ssyncset.done $0x0  }
0xa4: {  	s25 =	simm.s32 $0x1B8E;
	s24 =	sld [smem:$0x3FFE];
	[sflag:s23] =	ssyncadd.s32 $0xFFFFFFFF  }
0xa5: {  	s26 =	simm.s32 $execute0_lowered;
	[smem:$0x3FD2] =	sst s25  }
0xa6: {  	s4 =	sshll.u32 s26, $0x1;
	_ =	strace $0x8000004F;
	[dreg:$0x1] =	wrdreg $0xFFFFFFFF  }
0xa7: {  	s28 =	simm.s32 $_size_execute0_lowered;
	s2 =	sadd.s32 s2, s4;
	[dreg:$0x0] =	wrdreg $0x0  }
0xa8: {  	s4 =	sshll.u32 s28, $0x1;
	[dreg:$0x2] =	wrdreg s2  }
0xa9: {  	[dreg:$0x3] =	wrdreg s4  }
0xaa: {  	[dreg:$0x4] =	wrdreg $0xC0  }
0xab: {  	_ =	task [dreg:s6], $0x5FFFF  }
0xac: {  	[dreg:$0x1] =	wrdreg $0xFFFFFFFF  }
0xad: {  	[dreg:$0x0] =	wrdreg $0x60  }
0xae: {  	[dreg:$0x2] =	wrdreg s24  }
0xaf: {  	[dreg:$0x3] =	wrdreg $0x14F000  }
0xb0: {  	[dreg:$0x4] =	wrdreg $0xB1000  }
0xb1: {  	[dreg:$0x5] =	wrdreg $0x9  }
0xb2: {  	_ =	task.clear_ibuf [dreg:s6], $0x6FFFF;
	_ =	strace $0x9000004F  }
0xb3: {  	s29 =	simm.s32 $0x9;
	_ =	strace $0x80000051  }
0xb4: {  	_ =	swait.ge [sflag:s29], $0x1  }
0xb5: {  	[sflag:s29] =	ssyncadd.s32 $0xFFFFFFFF  }
0xb6: {  	_ =	strace $0x90000051  }
0xb7: {  	_ =	sfence  }
0xb8: {  	s30 =	sld [smem:$0x0];
	_ =	sdelay $0x2  }
0xb9: {  	s31 =	sshll.u32 s1, $0xD;
	s1 =	sshrl.u32 s1, $0x2  }
0xba: {  	s3 =	sand.u32 $0x4000, s31;
	s1 =	sadd.s32 s1, s30  }
0xbb: {  	s0 =	sor.u32 s3, s0;
	s1 =	sshll.u32 s1, $0x11  }
0xbc: {  	s0 =	sor.u32 s1, s0  }
0xbd: {  	s0 =	sadd.s32 $0x8F2B, s0  }
0xbe: {  	[sflag:s0] =	ssyncadd.remote.s32 $0x1  }
0xbf: {  	_ =	sfence.sel $0xFFFF  }
0xc0: {  	[dreg:$0x0] =	wrdreg $0xFFFFFFFF;
	(pc) =	sbr.abs _section_cstart, $3  }
0xc1: {  	[dreg:$0x1] =	wrdreg $0xFFFFFFFF  }
0xc2: {  	_ =	task.clear_ibuf [dreg:s6], $0x2FFFF;
	_ =	strace $0x9FFFFFFF  }
0xc3: {  	(tm) =	ssettm $0x7FFFFFFF  }
tec
execute0_lowered:
.L_overlay_start_1:
0x0: {  	(tag) =	ssettag $0x1  }
0x1: {  	s0 =	rddreg [dreg:$0x0]  }
0x2: {  	s2 =	rddreg [dreg:$0x1]  }
0x3: {  	s3 =	rddreg [dreg:$0x2]  }
0x4: {  	s11 =	stileid.u32;
	s1 =	srdreg.scid;
	s4 =	simm.s32 $0x0  }
0x5: {  	s13 =	simm.s32 $0x7;
	s15 =	simm.s32 $0x2880;
	s16 =	simm.s32 $0x80  }
0x6: {  	s17 =	simm.s32 $0x5100;
	s18 =	simm.s32 $0x7100;
	s20 =	simm.s32 $0x9100  }
0x7: {  	s21 =	simm.s32 $0x1;
	s22 =	simm.s32 $0x2;
	s24 =	simm.s32 $0x4  }
0x8: {  	s28 =	simm.s32 $0x2980;
	s29 =	simm.s32 $0x5;
	s30 =	simm.s32 $0x200  }
0x9: {  	s31 =	simm.s32 $0x6;
	s7 =	smul.u32 $0x9E00, s11;
	s1 =	sand.u32 $0x1, s1  }
0xa: {  	[smem:$0x7FF] =	sst s4;
	s5 =	sshll.u32 s11, $0x1;
	s26 =	sshll.u32 s11, $0x6  }
0xb: {  	s6 =	smul.u32 $0x9E000, s1;
	_ =	strace $0x80000050;
	s5 =	sor.u32 s1, s5  }
0xc: {  	s1 =	ssub.s32 $0x2, s1;
	s8 =	sshrl.u32 s7, $0x3;
	s5 =	smul.u32 $0x510, s5  }
0xd: {  	s9 =	sshrl.u32 s1, $0x1;
	s12 =	sadd.s32 s7, s2;
	s14 =	sadd.s32 s7, s3  }
0xe: {  	s6 =	sadd.s32 s7, s6;
	s8 =	sadd.s32 s8, s0;
	s1 =	ssub.s32 s1, s9  }
.Ltmp0:
0xf: {  	s12 =	sshrl.u32 s12, $0x3;
	s14 =	sshrl.u32 s14, $0x3;
	(pc) =	sbr.rel .LBB2_1-.Ltmp0, $4  }
0x10: {  	s6 =	sshrl.u32 s6, $0x3;
	s10 =	sadd.s32 s5, s0;
	s5 =	sadd.s32 $0x7D200, s8  }
0x11: {  	s7 =	sadd.s32 $0x69600, s8;
	s11 =	smax.u32 s1, $0x1;
	s0 =	sadd.s32 s6, s0  }
0x12: {  	s6 =	sor.u32 $0x1C07, s26;
	s8 =	sadd.s32 $0xF400, s10;
	s9 =	sadd.s32 $0x23800, s10  }
0x13: {  	s26 =	simm.s32 $0x3;
	s10 =	sadd.s32 $0xDFE00, s0;
	s0 =	simm.s32 $0x0  }
.LBB2_4:
0x14: {  	_ =	swait.ge [sflag:s26], $0x2000  }
0x15: {  	[sflag:s26] =	ssyncset.done $0x0  }
0x16: {  	[sflag:s26] =	ssyncadd.s32 $0xFFFFE000  }
0x17: {  	[spmem:s2] =	stream.indirect.scatter.add.f32 [tilespmem:s20], [sflag:$0x6], $0x40, s23, s16, $0xb8;
	[tilespmem:$0x1ED00] =	vst v63  }
0x18: {  	_ =	swait.ge [sflag:s29], $0x2000  }
0x19: {  	[sflag:s29] =	ssyncset.done $0x0  }
0x1a: {  	[sflag:s29] =	ssyncadd.s32 $0xFFFFE000  }
0x1b: {  	_ =	swait.ge [sflag:s31], $0x2000  }
0x1c: {  	s0 =	sadd.s32 $0x1, s0;
	[sflag:s31] =	ssyncset.done $0x0  }
0x1d: {  	p0 =	sne.s32 s0, s11;
	[sflag:s31] =	ssyncadd.s32 $0xFFFFE000  }
.Ltmp1:
0x1e: {  	[bflag:$0x0] =	sbarrier.arrive $0xFFFF;
	(pc) =	sbr.rel @!p0 .LBB2_5-.Ltmp1, $4  }
0x1f: {  	[hbm:s10], [sflag:s6] =	dma.local [spmem:s12], $0x13C0  }
0x20: {  	_ =	swait.ge [sflag:s13], $0x13C0  }
0x21: {  	[sflag:s13] =	ssyncset.done $0x0  }
0x22: {  	[sflag:s13] =	ssyncadd.s32 $0xFFFFEC40  }
.LBB2_1:
0x23: {  	[spmem:s12], [sflag:s6] =	dma.local [hbm:s5], $0x13C0  }
0x24: {  	_ =	swait.ge [sflag:s13], $0x13C0  }
0x25: {  	[sflag:s13] =	ssyncset.done $0x0  }
0x26: {  	[sflag:s13] =	ssyncadd.s32 $0xFFFFEC40  }
0x27: {  	[spmem:s14], [sflag:s6] =	dma.local [hbm:s7], $0x13C0  }
0x28: {  	_ =	swait.ge [sflag:s13], $0x13C0  }
0x29: {  	[sflag:s13] =	ssyncset.done $0x0  }
0x2a: {  	[sflag:s13] =	ssyncadd.s32 $0xFFFFEC40  }
0x2b: {  	[tilespmem:s4], [sflag:$0x7] =	stream.linear.gather [hbm4b:s8+s4], $0x2880, $0x38;
	[tilespmem:$0x1ED00] =	vst v63  }
0x2c: {  	_ =	swait.ge [sflag:s13], $0x2880  }
0x2d: {  	[sflag:s13] =	ssyncset.done $0x0  }
0x2e: {  	[sflag:s13] =	ssyncadd.s32 $0xFFFFD780  }
0x2f: {  	[tilespmem:s15], [sflag:$0x7] =	stream.linear.gather [hbm4b:s9+s4], $0x2880, $0x38;
	[tilespmem:$0x1ED00] =	vst v63  }
0x30: {  	_ =	swait.ge [sflag:s13], $0x2880  }
0x31: {  	[sflag:s13] =	ssyncset.done $0x0  }
0x32: {  	[sflag:s13] =	ssyncadd.s32 $0xFFFFD780  }
0x33: {  	[bflag:$0x0] =	sbarrier.arrive $0xFFFF  }
0x34: {  	[tilespmem:s17], [sflag:$0x1] =	stream.indirect.gather [spmem:s3], $0x40, s4, s16, $0xb8;
	[tilespmem:$0x1ED00] =	vst v63  }
0x35: {  	_ = 	snop  }
0x36: {  	[tilespmem:s18], [sflag:$0x2] =	stream.indirect.gather [spmem:s3], $0x40, s16, s16, $0xb8;
	[tilespmem:$0x1ED00] =	vst v63  }
0x37: {  	s1 =	simm.s32 $0x100  }
0x38: {  	[tilespmem:s20], [sflag:$0x3] =	stream.indirect.gather [spmem:s3], $0x40, s1, s16, $0xb8;
	[tilespmem:$0x1ED00] =	vst v63  }
0x39: {  	_ =	swait.ge [sflag:s21], $0x2000  }
0x3a: {  	[sflag:s21] =	ssyncset.done $0x0  }
0x3b: {  	[sflag:s21] =	ssyncadd.s32 $0xFFFFE000  }
0x3c: {  	[spmem:s2] =	stream.indirect.scatter.add.f32 [tilespmem:s17], [sflag:$0x4], $0x40, s15, s16, $0xb8;
	[tilespmem:$0x1ED00] =	vst v63  }
0x3d: {  	_ =	swait.ge [sflag:s22], $0x2000  }
0x3e: {  	[sflag:s22] =	ssyncset.done $0x0  }
0x3f: {  	s23 =	simm.s32 $0x2900;
	[sflag:s22] =	ssyncadd.s32 $0xFFFFE000  }
0x40: {  	[spmem:s2] =	stream.indirect.scatter.add.f32 [tilespmem:s18], [sflag:$0x5], $0x40, s23, s16, $0xb8;
	[tilespmem:$0x1ED00] =	vst v63  }
0x41: {  	_ =	swait.ge [sflag:s24], $0x2000  }
0x42: {  	[sflag:s24] =	ssyncset.done $0x0  }
0x43: {  	s25 =	simm.s32 $0x180;
	[sflag:s24] =	ssyncadd.s32 $0xFFFFE000  }
0x44: {  	[tilespmem:s17], [sflag:$0x1] =	stream.indirect.gather [spmem:s3], $0x40, s25, s16, $0xb8;
	[tilespmem:$0x1ED00] =	vst v63  }
0x45: {  	_ =	swait.ge [sflag:s26], $0x2000  }
0x46: {  	[sflag:s26] =	ssyncset.done $0x0  }
0x47: {  	[sflag:s26] =	ssyncadd.s32 $0xFFFFE000  }
0x48: {  	[spmem:s2] =	stream.indirect.scatter.add.f32 [tilespmem:s20], [sflag:$0x6], $0x40, s28, s16, $0xb8;
	[tilespmem:$0x1ED00] =	vst v63  }
0x49: {  	_ =	swait.ge [sflag:s29], $0x2000  }
0x4a: {  	[sflag:s29] =	ssyncset.done $0x0  }
0x4b: {  	s1 =	simm.s32 $0x0;
	[sflag:s29] =	ssyncadd.s32 $0xFFFFE000  }
0x4c: {  	[tilespmem:s18], [sflag:$0x2] =	stream.indirect.gather [spmem:s3], $0x40, s30, s16, $0xb8;
	[tilespmem:$0x1ED00] =	vst v63  }
.LBB2_2:
0x4d: {  	_ =	swait.ge [sflag:s21], $0x2000  }
0x4e: {  	s19 =	sshra.s32 s1, $0x2;
	[sflag:s21] =	ssyncset.done $0x0  }
0x4f: {  	s23 =	sadd.s32 $0x2A00, s19;
	[sflag:s21] =	ssyncadd.s32 $0xFFFFE000  }
0x50: {  	[spmem:s2] =	stream.indirect.scatter.add.f32 [tilespmem:s17], [sflag:$0x4], $0x40, s23, s16, $0xb8;
	[tilespmem:$0x1ED00] =	vst v63  }
0x51: {  	_ =	swait.ge [sflag:s31], $0x2000  }
0x52: {  	[sflag:s31] =	ssyncset.done $0x0  }
0x53: {  	s25 =	sadd.s32 $0x280, s19;
	[sflag:s31] =	ssyncadd.s32 $0xFFFFE000  }
0x54: {  	[tilespmem:s20], [sflag:$0x3] =	stream.indirect.gather [spmem:s3], $0x40, s25, s16, $0xb8;
	[tilespmem:$0x1ED00] =	vst v63  }
0x55: {  	_ =	swait.ge [sflag:s22], $0x2000  }
0x56: {  	p0 =	seq.s32 s1, $0x9600;
	[sflag:s22] =	ssyncset.done $0x0  }
.Ltmp2:
0x57: {  	s25 =	sadd.s32 $0x2A80, s19;
	[sflag:s22] =	ssyncadd.s32 $0xFFFFE000;
	(pc) =	sbr.rel @p0 .LBB2_4-.Ltmp2, $4  }
0x58: {  	[spmem:s2] =	stream.indirect.scatter.add.f32 [tilespmem:s18], [sflag:$0x5], $0x40, s25, s16, $0xb8;
	[tilespmem:$0x1ED00] =	vst v63  }
0x59: {  	_ =	swait.ge [sflag:s24], $0x2000  }
0x5a: {  	[sflag:s24] =	ssyncset.done $0x0  }
0x5b: {  	s23 =	sadd.s32 $0x2B00, s19;
	[sflag:s24] =	ssyncadd.s32 $0xFFFFE000  }
0x5c: {  	s25 =	sadd.s32 $0x300, s19  }
0x5d: {  	[tilespmem:s17], [sflag:$0x1] =	stream.indirect.gather [spmem:s3], $0x40, s25, s16, $0xb8;
	[tilespmem:$0x1ED00] =	vst v63  }
0x5e: {  	_ =	swait.ge [sflag:s26], $0x2000  }
0x5f: {  	[sflag:s26] =	ssyncset.done $0x0  }
0x60: {  	[sflag:s26] =	ssyncadd.s32 $0xFFFFE000  }
0x61: {  	[spmem:s2] =	stream.indirect.scatter.add.f32 [tilespmem:s20], [sflag:$0x6], $0x40, s23, s16, $0xb8;
	[tilespmem:$0x1ED00] =	vst v63  }
.Ltmp3:
0x62: {  	_ = 	snop;
	(pc) =	sbr.rel .LBB2_2-.Ltmp3, $4  }
0x63: {  	_ =	swait.ge [sflag:s29], $0x2000  }
0x64: {  	[sflag:s29] =	ssyncset.done $0x0  }
0x65: {  	s1 =	sadd.s32 $0x600, s1;
	s25 =	sadd.s32 $0x380, s19;
	[sflag:s29] =	ssyncadd.s32 $0xFFFFE000  }
0x66: {  	[tilespmem:s18], [sflag:$0x2] =	stream.indirect.gather [spmem:s3], $0x40, s25, s16, $0xb8;
	[tilespmem:$0x1ED00] =	vst v63  }
.LBB2_5:
0x67: {  	_ =	sfence.sel $0x180000  }
0x68: {  	[bflag:$0x0] =	sbarrier.arrive $0xFFFF  }
0x69: {  	_ =	strace $0x90000050  }
0x6a: {  	s0 =	stileid.u32;
	[bflag:$0x2] =	sbarrier.arrive $0xFFFF  }
0x6b: {  	p0 =	sne.s32 s0, $0x0;
	s0 =	rddreg [dreg:$0x3]  }
0x6c: {  	s0 =	sadd.s32 @!p0 $0x100000, s0  }
0x6d: {  	[sflag:s0] =	ssyncadd.tile.s32 @!p0 $0x1;
	_ =	shalt  }
.Lfunc_end2:
_tile_overlayer_lowered:
.L_overlay_start_2:
0x6e: {  	(tag) =	ssettag $0x2  }
0x6f: {  	s0 =	rddreg [dreg:$0x0];
	s2 =	stileid.u32  }
0x70: {  	s1 =	rddreg [dreg:$0x1];
	p0 =	sne.s32 s2, $0x0  }
0x71: {  	s3 =	rddreg [dreg:$0x2];
	[bflag:$0x3] =	sbarrier.arrive $0xFFFF;
	s2 =	simm.s32 @!p0 $0x1C07  }
0x72: {  	[timem:s3], [sflag:s2] =	dma.local @!p0 [hbm:s0], s1  }
0x73: {  	s0 =	simm.s32 @!p0 $0x7  }
0x74: {  	_ =	swait.ge @!p0 [sflag:s0], s1  }
0x75: {  	s1 =	ssub.s32 @!p0 $0x0, s1;
	[sflag:s0] =	ssyncset.done @!p0 $0x0  }
0x76: {  	[sflag:s0] =	ssyncadd.s32 @!p0 s1  }
0x77: {  	[bflag:$0x3] =	sbarrier.arrive $0xFFFF  }
0x78: {  	_ =	shalt  }

// kernel: kernel.29.cloned.1.call-start
scs
__scs_entry_jumppad:
0x0: {  	(pc) =	sbr.rel $0x88, $3  }
0x1: {  	(tag) =	ssettag $0x0;
	lr =	simm.s32 $0x1  }
0x2: {  	[smem:$0x3F95] =	sst lr;
	_ =	strace $0xD0000000  }
0x3: {  	_ = 	snop  }
0x4: {  	_ = 	snop  }
0x5: {  	_ = 	snop  }
0x6: {  	_ = 	snop  }
0x7: {  	_ = 	snop  }
__scs_overlays_trampoline_lowered:
0x8: {  	[smem:$0x3FA4] =	sst s0  }
0x9: {  	[smem:$0x3FA5] =	sst s1  }
0xa: {  	[smem:$0x3FA6] =	sst s2  }
0xb: {  	[smem:$0x3FA7] =	sst s3  }
0xc: {  	[smem:$0x3FA8] =	sst s4  }
0xd: {  	[smem:$0x3FA9] =	sst s5  }
0xe: {  	[smem:$0x3FAA] =	sst s6  }
0xf: {  	[smem:$0x3FAB] =	sst s7  }
0x10: {  	[smem:$0x3FAC] =	sst s8  }
0x11: {  	[smem:$0x3FAD] =	sst s9;
	s0 =	simm.s32 @!p0 $0x0  }
0x12: {  	s1 =	sld [smem:$0x3F93];
	s0 =	simm.s32 @p0 $0x1  }
0x13: {  	[smem:$0x3FAE] =	sst s0;
	s0 =	simm.s32 @!p1 $0x0  }
0x14: {  	s2 =	sld [smem:$0x3F92];
	s0 =	simm.s32 @p1 $0x1  }
0x15: {  	[smem:$0x3FAF] =	sst s0;
	s0 =	simm.s32 @!p2 $0x0  }
0x16: {  	s3 =	sld [smem:$0x3FDB];
	s0 =	simm.s32 @p2 $0x1  }
0x17: {  	s4 =	simm.s32 $0x1BF5;
	[smem:$0x3FB1] =	sst s0  }
0x18: {  	s0 =	sld [smem:$0x3F94];
	_ =	swait.ge [sflag:s4], $0x0  }
0x19: {  	s7 =	sld [smem:$0x3F95]  }
0x1a: {  	s8 =	sadd.s32 $0xFFFFE003, lr  }
0x1b: {  	s9 =	sadd.s32 $0xFFFFFEF7, lr;
	s5 =	simm.s32 $0xFFFFFFFF;
	p2 =	slt.u32 s8, $0xFFFFF086  }
0x1c: {  	p1 =	slt.u32 s9, $0xF7A;
	s5 =	simm.s32 @!p2 $0x0  }
0x1d: {  	s5 =	simm.s32 @p1 $0x1;
	p0 =	seq.s32 s7, s2  }
0x1e: {  	s7 =	smul.u32 @!p0 $0xF7A, s2;
	p2 =	seq.s32 @!p0 s5, $0x0  }
0x1f: {  	s9 =	smul.u32 $0xF7A, s1;
	s8 =	simm.s32 @!p0 $0x1BF5;
	p2 =	por !p2, p0  }
0x20: {  	[sflag:s8] =	ssyncset.s32 @!p0 $0xFFFFF086;
	s6 =	sadd.s32 @!p0 s3, s7;
	s7 =	simm.s32 @!p0 $0x108  }
0x21: {  	s3 =	sadd.s32 s3, s9;
	s6 =	sadd.s32 @!p0 $0x88, s6;
	s7 =	simm.s32 @p2 $0x1082  }
0x22: {  	[simem:s7], [sflag:s8] =	dma.local @!p0 [hbm:s6], $0xF7A  }
0x23: {  	s9 =	sor.u32 $0xD0000000, s2;
	s6 =	simm.s32 $0x108;
	_ =	swait.ge @!p0 [sflag:s8], $0x0  }
0x24: {  	s3 =	sadd.s32 $0x88, s3;
	s6 =	simm.s32 @!p1 $0x1082;
	[sflag:s4] =	ssyncset.s32 $0xFFFFF086  }
0x25: {  	[simem:s6], [sflag:s4] =	dma.local [hbm:s3], $0xF7A  }
0x26: {  	[smem:$0x3F95] =	sst s1;
	(tag) =	ssettag s2;
	_ =	strace s9  }
0x27: {  	s1 =	sld [smem:$0x3FA5]  }
0x28: {  	s2 =	sld [smem:$0x3FA6]  }
0x29: {  	s4 =	sld [smem:$0x3FA8]  }
0x2a: {  	p0 =	seq.s32 s5, $0x0;
	s5 =	sld [smem:$0x3FA9]  }
0x2b: {  	s6 =	sld [smem:$0x3FAA]  }
0x2c: {  	s7 =	sld [smem:$0x3FAB]  }
0x2d: {  	s3 =	simm.s32 $0x108;
	s8 =	sld [smem:$0x3FAC]  }
0x2e: {  	s3 =	simm.s32 @!p0 $0x1082;
	s9 =	sld [smem:$0x3FAD]  }
0x2f: {  	lr =	sadd.s32 s0, s3;
	s0 =	sld [smem:$0x3FA4]  }
0x30: {  	s3 =	sld [smem:$0x3FA7]  }
0x31: {  	[smem:$0x3FB0] =	sst s10  }
0x32: {  	s10 =	sld [smem:$0x3FAE];
	_ =	sdelay $0x3  }
0x33: {  	p0 =	seq.s32 s10, $0x1;
	s10 =	sld [smem:$0x3FB0];
	_ =	sdelay $0x3  }
0x34: {  	[smem:$0x3FB0] =	sst s10  }
0x35: {  	s10 =	sld [smem:$0x3FAF];
	_ =	sdelay $0x3  }
0x36: {  	p1 =	seq.s32 s10, $0x1;
	s10 =	sld [smem:$0x3FB0];
	_ =	sdelay $0x3  }
0x37: {  	[smem:$0x3FB0] =	sst s10  }
0x38: {  	s10 =	sld [smem:$0x3FB1]  }
0x39: {  	_ = 	snop;
	(pc) =	sbr.ind lr, $3  }
0x3a: {  	_ = 	snop  }
0x3b: {  	_ = 	snop  }
0x3c: {  	p2 =	seq.s32 s10, $0x1;
	s10 =	sld [smem:$0x3FB0]  }
0x3d: {  	_ =	shalt  }
0x3e: {  	_ =	shalt  }
0x3f: {  	_ =	shalt  }
0x40: {  	_ =	shalt  }
0x41: {  	_ =	shalt  }
0x42: {  	_ =	shalt  }
0x43: {  	_ =	shalt  }
0x44: {  	_ =	shalt  }
0x45: {  	_ =	shalt  }
0x46: {  	_ =	shalt  }
0x47: {  	_ =	shalt  }
0x48: {  	_ =	shalt  }
0x49: {  	_ =	shalt  }
0x4a: {  	_ =	shalt  }
0x4b: {  	_ =	shalt  }
0x4c: {  	_ =	shalt  }
0x4d: {  	_ =	shalt  }
0x4e: {  	_ =	shalt  }
0x4f: {  	_ =	shalt  }
0x50: {  	_ =	shalt  }
0x51: {  	_ =	shalt  }
0x52: {  	_ =	shalt  }
0x53: {  	_ =	shalt  }
0x54: {  	_ =	shalt  }
0x55: {  	_ =	shalt  }
0x56: {  	_ =	shalt  }
0x57: {  	_ =	shalt  }
0x58: {  	_ =	shalt  }
0x59: {  	_ =	shalt  }
0x5a: {  	_ =	shalt  }
0x5b: {  	_ =	shalt  }
0x5c: {  	_ =	shalt  }
0x5d: {  	_ =	shalt  }
0x5e: {  	_ =	shalt  }
0x5f: {  	_ =	shalt  }
0x60: {  	_ =	shalt  }
0x61: {  	_ =	shalt  }
0x62: {  	_ =	shalt  }
0x63: {  	_ =	shalt  }
0x64: {  	_ =	shalt  }
0x65: {  	_ =	shalt  }
0x66: {  	_ =	shalt  }
0x67: {  	_ =	shalt  }
0x68: {  	_ =	shalt  }
0x69: {  	_ =	shalt  }
0x6a: {  	_ =	shalt  }
0x6b: {  	_ =	shalt  }
0x6c: {  	_ =	shalt  }
0x6d: {  	_ =	shalt  }
0x6e: {  	_ =	shalt  }
0x6f: {  	_ =	shalt  }
0x70: {  	_ =	shalt  }
0x71: {  	_ =	shalt  }
0x72: {  	_ =	shalt  }
0x73: {  	_ =	shalt  }
0x74: {  	_ =	shalt  }
0x75: {  	_ =	shalt  }
0x76: {  	_ =	shalt  }
0x77: {  	_ =	shalt  }
0x78: {  	_ =	shalt  }
0x79: {  	_ =	shalt  }
0x7a: {  	_ =	shalt  }
0x7b: {  	_ =	shalt  }
0x7c: {  	_ =	shalt  }
0x7d: {  	_ =	shalt  }
0x7e: {  	_ =	shalt  }
0x7f: {  	_ =	shalt  }
0x80: {  	_ =	shalt  }
0x81: {  	_ =	shalt  }
0x82: {  	_ =	shalt  }
0x83: {  	_ =	shalt  }
0x84: {  	_ =	shalt  }
0x85: {  	_ =	shalt  }
0x86: {  	_ =	shalt  }
0x87: {  	_ =	shalt  }
.Lfunc_end0:
.L_simem_size_0:
called_computation.4_lowered:
.L_overlay_start_0:
0x88: {  	s2 =	sld [smem:$0x3FD9]  }
0x89: {  	s3 =	sld [smem:$0x3FFE];
	_ =	sdelay $0x1  }
0x8a: {  	s1 =	srdreg.scid  }
0x8b: {  	s0 =	sand.u32 $0x1, s1  }
0x8c: {  	s16 =	sshll.u32 s0, $0xA;
	s2 =	sadd.s32 s3, s2  }
0x8d: {  	s2 =	sadd.s32 s2, s16  }
0x8e: {  	[smem:$0x3FBC] =	sst s2  }
0x8f: {  	_ = 	snop  }
0x90: {  	(tm) =	ssettm $0x1  }
0x91: {  	s17 =	sld [smem:$0x3FFB];
	_ =	sdelay $0x3  }
0x92: {  	_ =	strace s17  }
0x93: {  	s2 =	sld [smem:$0x3FFC];
	_ =	sdelay $0x3  }
0x94: {  	_ =	strace s2  }
0x95: {  	s2 =	sld [smem:$0x3FFD];
	_ =	sdelay $0x3  }
0x96: {  	_ =	strace s2  }
0x97: {  	_ =	strace $0x8FFFFFFF  }
0x98: {  	s18 =	sld [smem:$0x3FDB];
	_ =	sdelay $0x1  }
0x99: {  	s19 =	simm.s32 $_scs_section_size  }
0x9a: {  	s4 =	simm.s32 $_size__tile_overlayer_lowered;
	s5 =	simm.s32 $_tile_overlayer_lowered  }
0x9b: {  	s22 =	simm.s32 $0x1BFF;
	s21 =	sshll.u32 s5, $0x1;
	s2 =	sadd.s32 s19, s18  }
0x9c: {  	s6 =	simm.s32 $0x0;
	s20 =	sshll.u32 s4, $0x1;
	s4 =	sadd.s32 s21, s2  }
0x9d: {  	[timem:s6], [sflag:s22] =	dma.local [hbm:s4], s20  }
0x9e: {  	_ =	swait.ge [sflag:s22], s20  }
0x9f: {  	s3 =	ssub.s32 $0x0, s20;
	[sflag:s22] =	ssyncset.done $0x0  }
0xa0: {  	[sflag:s22] =	ssyncadd.s32 s3;
	_ =	sdelay $0x1  }
0xa1: {  	s23 =	simm.s32 $0x1B8B  }
0xa2: {  	_ =	swait.ge [sflag:s23], $0x1  }
0xa3: {  	[sflag:s23] =	ssyncset.done $0x0  }
0xa4: {  	s25 =	simm.s32 $0x1B8E;
	s24 =	sld [smem:$0x3FFE];
	[sflag:s23] =	ssyncadd.s32 $0xFFFFFFFF  }
0xa5: {  	s26 =	simm.s32 $execute0_lowered;
	[smem:$0x3FD2] =	sst s25  }
0xa6: {  	s4 =	sshll.u32 s26, $0x1;
	_ =	strace $0x80000052;
	[dreg:$0x1] =	wrdreg $0xFFFFFFFF  }
0xa7: {  	s28 =	simm.s32 $_size_execute0_lowered;
	s2 =	sadd.s32 s2, s4;
	[dreg:$0x0] =	wrdreg $0x0  }
0xa8: {  	s4 =	sshll.u32 s28, $0x1;
	[dreg:$0x2] =	wrdreg s2  }
0xa9: {  	[dreg:$0x3] =	wrdreg s4  }
0xaa: {  	[dreg:$0x4] =	wrdreg $0xC0  }
0xab: {  	_ =	task [dreg:s6], $0x5FFFF  }
0xac: {  	[dreg:$0x1] =	wrdreg $0xFFFFFFFF  }
0xad: {  	[dreg:$0x0] =	wrdreg $0x60  }
0xae: {  	[dreg:$0x2] =	wrdreg s24  }
0xaf: {  	[dreg:$0x3] =	wrdreg $0x14F000  }
0xb0: {  	[dreg:$0x4] =	wrdreg $0xB1000  }
0xb1: {  	[dreg:$0x5] =	wrdreg $0x9  }
0xb2: {  	_ =	task.clear_ibuf [dreg:s6], $0x6FFFF;
	_ =	strace $0x90000052  }
0xb3: {  	s29 =	simm.s32 $0x9;
	_ =	strace $0x80000054  }
0xb4: {  	_ =	swait.ge [sflag:s29], $0x1  }
0xb5: {  	[sflag:s29] =	ssyncadd.s32 $0xFFFFFFFF  }
0xb6: {  	_ =	strace $0x90000054  }
0xb7: {  	_ =	sfence  }
0xb8: {  	s30 =	sld [smem:$0x0];
	_ =	sdelay $0x2  }
0xb9: {  	s31 =	sshll.u32 s1, $0xD;
	s1 =	sshrl.u32 s1, $0x2  }
0xba: {  	s3 =	sand.u32 $0x4000, s31;
	s1 =	sadd.s32 s1, s30  }
0xbb: {  	s0 =	sor.u32 s3, s0;
	s1 =	sshll.u32 s1, $0x11  }
0xbc: {  	s0 =	sor.u32 s1, s0  }
0xbd: {  	s0 =	sadd.s32 $0x8F2B, s0  }
0xbe: {  	[sflag:s0] =	ssyncadd.remote.s32 $0x1  }
0xbf: {  	_ =	sfence.sel $0xFFFF  }
0xc0: {  	[dreg:$0x0] =	wrdreg $0xFFFFFFFF;
	(pc) =	sbr.abs _section_cstart, $3  }
0xc1: {  	[dreg:$0x1] =	wrdreg $0xFFFFFFFF  }
0xc2: {  	_ =	task.clear_ibuf [dreg:s6], $0x2FFFF;
	_ =	strace $0x9FFFFFFF  }
0xc3: {  	(tm) =	ssettm $0x7FFFFFFF  }
tec
execute0_lowered:
.L_overlay_start_1:
0x0: {  	(tag) =	ssettag $0x1  }
0x1: {  	s0 =	rddreg [dreg:$0x0]  }
0x2: {  	s2 =	rddreg [dreg:$0x1]  }
0x3: {  	s3 =	rddreg [dreg:$0x2]  }
0x4: {  	s11 =	stileid.u32;
	s1 =	srdreg.scid;
	s4 =	simm.s32 $0x0  }
0x5: {  	s13 =	simm.s32 $0x7;
	s15 =	simm.s32 $0x2880;
	s16 =	simm.s32 $0x80  }
0x6: {  	s17 =	simm.s32 $0x5100;
	s18 =	simm.s32 $0x7100;
	s20 =	simm.s32 $0x9100  }
0x7: {  	s21 =	simm.s32 $0x1;
	s22 =	simm.s32 $0x2;
	s24 =	simm.s32 $0x4  }
0x8: {  	s28 =	simm.s32 $0x2980;
	s29 =	simm.s32 $0x5;
	s30 =	simm.s32 $0x200  }
0x9: {  	s31 =	simm.s32 $0x6;
	s7 =	smul.u32 $0x9E00, s11;
	s1 =	sand.u32 $0x1, s1  }
0xa: {  	[smem:$0x7FF] =	sst s4;
	s5 =	sshll.u32 s11, $0x1;
	s26 =	sshll.u32 s11, $0x6  }
0xb: {  	s6 =	smul.u32 $0x9E000, s1;
	_ =	strace $0x80000053;
	s5 =	sor.u32 s1, s5  }
0xc: {  	s1 =	ssub.s32 $0x2, s1;
	s8 =	sshrl.u32 s7, $0x3;
	s5 =	smul.u32 $0x510, s5  }
0xd: {  	s9 =	sshrl.u32 s1, $0x1;
	s12 =	sadd.s32 s7, s2;
	s14 =	sadd.s32 s7, s3  }
0xe: {  	s6 =	sadd.s32 s7, s6;
	s8 =	sadd.s32 s8, s0;
	s1 =	ssub.s32 s1, s9  }
.Ltmp0:
0xf: {  	s12 =	sshrl.u32 s12, $0x3;
	s14 =	sshrl.u32 s14, $0x3;
	(pc) =	sbr.rel .LBB2_1-.Ltmp0, $4  }
0x10: {  	s6 =	sshrl.u32 s6, $0x3;
	s10 =	sadd.s32 s5, s0;
	s5 =	sadd.s32 $0x7D200, s8  }
0x11: {  	s7 =	sadd.s32 $0x69600, s8;
	s11 =	smax.u32 s1, $0x1;
	s0 =	sadd.s32 s6, s0  }
0x12: {  	s6 =	sor.u32 $0x1C07, s26;
	s8 =	sadd.s32 $0xF400, s10;
	s9 =	sadd.s32 $0x23800, s10  }
0x13: {  	s26 =	simm.s32 $0x3;
	s10 =	sadd.s32 $0x107600, s0;
	s0 =	simm.s32 $0x0  }
.LBB2_4:
0x14: {  	_ =	swait.ge [sflag:s26], $0x2000  }
0x15: {  	[sflag:s26] =	ssyncset.done $0x0  }
0x16: {  	[sflag:s26] =	ssyncadd.s32 $0xFFFFE000  }
0x17: {  	[spmem:s2] =	stream.indirect.scatter.add.f32 [tilespmem:s20], [sflag:$0x6], $0x40, s23, s16, $0xb8;
	[tilespmem:$0x1ED00] =	vst v63  }
0x18: {  	_ =	swait.ge [sflag:s29], $0x2000  }
0x19: {  	[sflag:s29] =	ssyncset.done $0x0  }
0x1a: {  	[sflag:s29] =	ssyncadd.s32 $0xFFFFE000  }
0x1b: {  	_ =	swait.ge [sflag:s31], $0x2000  }
0x1c: {  	s0 =	sadd.s32 $0x1, s0;
	[sflag:s31] =	ssyncset.done $0x0  }
0x1d: {  	p0 =	sne.s32 s0, s11;
	[sflag:s31] =	ssyncadd.s32 $0xFFFFE000  }
.Ltmp1:
0x1e: {  	[bflag:$0x0] =	sbarrier.arrive $0xFFFF;
	(pc) =	sbr.rel @!p0 .LBB2_5-.Ltmp1, $4  }
0x1f: {  	[hbm:s10], [sflag:s6] =	dma.local [spmem:s12], $0x13C0  }
0x20: {  	_ =	swait.ge [sflag:s13], $0x13C0  }
0x21: {  	[sflag:s13] =	ssyncset.done $0x0  }
0x22: {  	[sflag:s13] =	ssyncadd.s32 $0xFFFFEC40  }
.LBB2_1:
0x23: {  	[spmem:s12], [sflag:s6] =	dma.local [hbm:s5], $0x13C0  }
0x24: {  	_ =	swait.ge [sflag:s13], $0x13C0  }
0x25: {  	[sflag:s13] =	ssyncset.done $0x0  }
0x26: {  	[sflag:s13] =	ssyncadd.s32 $0xFFFFEC40  }
0x27: {  	[spmem:s14], [sflag:s6] =	dma.local [hbm:s7], $0x13C0  }
0x28: {  	_ =	swait.ge [sflag:s13], $0x13C0  }
0x29: {  	[sflag:s13] =	ssyncset.done $0x0  }
0x2a: {  	[sflag:s13] =	ssyncadd.s32 $0xFFFFEC40  }
0x2b: {  	[tilespmem:s4], [sflag:$0x7] =	stream.linear.gather [hbm4b:s8+s4], $0x2880, $0x38;
	[tilespmem:$0x1ED00] =	vst v63  }
0x2c: {  	_ =	swait.ge [sflag:s13], $0x2880  }
0x2d: {  	[sflag:s13] =	ssyncset.done $0x0  }
0x2e: {  	[sflag:s13] =	ssyncadd.s32 $0xFFFFD780  }
0x2f: {  	[tilespmem:s15], [sflag:$0x7] =	stream.linear.gather [hbm4b:s9+s4], $0x2880, $0x38;
	[tilespmem:$0x1ED00] =	vst v63  }
0x30: {  	_ =	swait.ge [sflag:s13], $0x2880  }
0x31: {  	[sflag:s13] =	ssyncset.done $0x0  }
0x32: {  	[sflag:s13] =	ssyncadd.s32 $0xFFFFD780  }
0x33: {  	[bflag:$0x0] =	sbarrier.arrive $0xFFFF  }
0x34: {  	[tilespmem:s17], [sflag:$0x1] =	stream.indirect.gather [spmem:s3], $0x40, s4, s16, $0xb8;
	[tilespmem:$0x1ED00] =	vst v63  }
0x35: {  	_ = 	snop  }
0x36: {  	[tilespmem:s18], [sflag:$0x2] =	stream.indirect.gather [spmem:s3], $0x40, s16, s16, $0xb8;
	[tilespmem:$0x1ED00] =	vst v63  }
0x37: {  	s1 =	simm.s32 $0x100  }
0x38: {  	[tilespmem:s20], [sflag:$0x3] =	stream.indirect.gather [spmem:s3], $0x40, s1, s16, $0xb8;
	[tilespmem:$0x1ED00] =	vst v63  }
0x39: {  	_ =	swait.ge [sflag:s21], $0x2000  }
0x3a: {  	[sflag:s21] =	ssyncset.done $0x0  }
0x3b: {  	[sflag:s21] =	ssyncadd.s32 $0xFFFFE000  }
0x3c: {  	[spmem:s2] =	stream.indirect.scatter.add.f32 [tilespmem:s17], [sflag:$0x4], $0x40, s15, s16, $0xb8;
	[tilespmem:$0x1ED00] =	vst v63  }
0x3d: {  	_ =	swait.ge [sflag:s22], $0x2000  }
0x3e: {  	[sflag:s22] =	ssyncset.done $0x0  }
0x3f: {  	s23 =	simm.s32 $0x2900;
	[sflag:s22] =	ssyncadd.s32 $0xFFFFE000  }
0x40: {  	[spmem:s2] =	stream.indirect.scatter.add.f32 [tilespmem:s18], [sflag:$0x5], $0x40, s23, s16, $0xb8;
	[tilespmem:$0x1ED00] =	vst v63  }
0x41: {  	_ =	swait.ge [sflag:s24], $0x2000  }
0x42: {  	[sflag:s24] =	ssyncset.done $0x0  }
0x43: {  	s25 =	simm.s32 $0x180;
	[sflag:s24] =	ssyncadd.s32 $0xFFFFE000  }
0x44: {  	[tilespmem:s17], [sflag:$0x1] =	stream.indirect.gather [spmem:s3], $0x40, s25, s16, $0xb8;
	[tilespmem:$0x1ED00] =	vst v63  }
0x45: {  	_ =	swait.ge [sflag:s26], $0x2000  }
0x46: {  	[sflag:s26] =	ssyncset.done $0x0  }
0x47: {  	[sflag:s26] =	ssyncadd.s32 $0xFFFFE000  }
0x48: {  	[spmem:s2] =	stream.indirect.scatter.add.f32 [tilespmem:s20], [sflag:$0x6], $0x40, s28, s16, $0xb8;
	[tilespmem:$0x1ED00] =	vst v63  }
0x49: {  	_ =	swait.ge [sflag:s29], $0x2000  }
0x4a: {  	[sflag:s29] =	ssyncset.done $0x0  }
0x4b: {  	s1 =	simm.s32 $0x0;
	[sflag:s29] =	ssyncadd.s32 $0xFFFFE000  }
0x4c: {  	[tilespmem:s18], [sflag:$0x2] =	stream.indirect.gather [spmem:s3], $0x40, s30, s16, $0xb8;
	[tilespmem:$0x1ED00] =	vst v63  }
.LBB2_2:
0x4d: {  	_ =	swait.ge [sflag:s21], $0x2000  }
0x4e: {  	s19 =	sshra.s32 s1, $0x2;
	[sflag:s21] =	ssyncset.done $0x0  }
0x4f: {  	s23 =	sadd.s32 $0x2A00, s19;
	[sflag:s21] =	ssyncadd.s32 $0xFFFFE000  }
0x50: {  	[spmem:s2] =	stream.indirect.scatter.add.f32 [tilespmem:s17], [sflag:$0x4], $0x40, s23, s16, $0xb8;
	[tilespmem:$0x1ED00] =	vst v63  }
0x51: {  	_ =	swait.ge [sflag:s31], $0x2000  }
0x52: {  	[sflag:s31] =	ssyncset.done $0x0  }
0x53: {  	s25 =	sadd.s32 $0x280, s19;
	[sflag:s31] =	ssyncadd.s32 $0xFFFFE000  }
0x54: {  	[tilespmem:s20], [sflag:$0x3] =	stream.indirect.gather [spmem:s3], $0x40, s25, s16, $0xb8;
	[tilespmem:$0x1ED00] =	vst v63  }
0x55: {  	_ =	swait.ge [sflag:s22], $0x2000  }
0x56: {  	p0 =	seq.s32 s1, $0x9600;
	[sflag:s22] =	ssyncset.done $0x0  }
.Ltmp2:
0x57: {  	s25 =	sadd.s32 $0x2A80, s19;
	[sflag:s22] =	ssyncadd.s32 $0xFFFFE000;
	(pc) =	sbr.rel @p0 .LBB2_4-.Ltmp2, $4  }
0x58: {  	[spmem:s2] =	stream.indirect.scatter.add.f32 [tilespmem:s18], [sflag:$0x5], $0x40, s25, s16, $0xb8;
	[tilespmem:$0x1ED00] =	vst v63  }
0x59: {  	_ =	swait.ge [sflag:s24], $0x2000  }
0x5a: {  	[sflag:s24] =	ssyncset.done $0x0  }
0x5b: {  	s23 =	sadd.s32 $0x2B00, s19;
	[sflag:s24] =	ssyncadd.s32 $0xFFFFE000  }
0x5c: {  	s25 =	sadd.s32 $0x300, s19  }
0x5d: {  	[tilespmem:s17], [sflag:$0x1] =	stream.indirect.gather [spmem:s3], $0x40, s25, s16, $0xb8;
	[tilespmem:$0x1ED00] =	vst v63  }
0x5e: {  	_ =	swait.ge [sflag:s26], $0x2000  }
0x5f: {  	[sflag:s26] =	ssyncset.done $0x0  }
0x60: {  	[sflag:s26] =	ssyncadd.s32 $0xFFFFE000  }
0x61: {  	[spmem:s2] =	stream.indirect.scatter.add.f32 [tilespmem:s20], [sflag:$0x6], $0x40, s23, s16, $0xb8;
	[tilespmem:$0x1ED00] =	vst v63  }
.Ltmp3:
0x62: {  	_ = 	snop;
	(pc) =	sbr.rel .LBB2_2-.Ltmp3, $4  }
0x63: {  	_ =	swait.ge [sflag:s29], $0x2000  }
0x64: {  	[sflag:s29] =	ssyncset.done $0x0  }
0x65: {  	s1 =	sadd.s32 $0x600, s1;
	s25 =	sadd.s32 $0x380, s19;
	[sflag:s29] =	ssyncadd.s32 $0xFFFFE000  }
0x66: {  	[tilespmem:s18], [sflag:$0x2] =	stream.indirect.gather [spmem:s3], $0x40, s25, s16, $0xb8;
	[tilespmem:$0x1ED00] =	vst v63  }
.LBB2_5:
0x67: {  	_ =	sfence.sel $0x180000  }
0x68: {  	[bflag:$0x0] =	sbarrier.arrive $0xFFFF  }
0x69: {  	_ =	strace $0x90000053  }
0x6a: {  	s0 =	stileid.u32;
	[bflag:$0x2] =	sbarrier.arrive $0xFFFF  }
0x6b: {  	p0 =	sne.s32 s0, $0x0;
	s0 =	rddreg [dreg:$0x3]  }
0x6c: {  	s0 =	sadd.s32 @!p0 $0x100000, s0  }
0x6d: {  	[sflag:s0] =	ssyncadd.tile.s32 @!p0 $0x1;
	_ =	shalt  }
.Lfunc_end2:
_tile_overlayer_lowered:
.L_overlay_start_2:
0x6e: {  	(tag) =	ssettag $0x2  }
0x6f: {  	s0 =	rddreg [dreg:$0x0];
	s2 =	stileid.u32  }
0x70: {  	s1 =	rddreg [dreg:$0x1];
	p0 =	sne.s32 s2, $0x0  }
0x71: {  	s3 =	rddreg [dreg:$0x2];
	[bflag:$0x3] =	sbarrier.arrive $0xFFFF;
	s2 =	simm.s32 @!p0 $0x1C07  }
0x72: {  	[timem:s3], [sflag:s2] =	dma.local @!p0 [hbm:s0], s1  }
0x73: {  	s0 =	simm.s32 @!p0 $0x7  }
0x74: {  	_ =	swait.ge @!p0 [sflag:s0], s1  }
0x75: {  	s1 =	ssub.s32 @!p0 $0x0, s1;
	[sflag:s0] =	ssyncset.done @!p0 $0x0  }
0x76: {  	[sflag:s0] =	ssyncadd.s32 @!p0 s1  }
0x77: {  	[bflag:$0x3] =	sbarrier.arrive $0xFFFF  }
0x78: {  	_ =	shalt  }

// kernel: kernel.32.cloned.1.call-start
scs
__scs_entry_jumppad:
0x0: {  	(pc) =	sbr.rel $0x88, $3  }
0x1: {  	(tag) =	ssettag $0x0;
	lr =	simm.s32 $0x1  }
0x2: {  	[smem:$0x3F95] =	sst lr;
	_ =	strace $0xD0000000  }
0x3: {  	_ = 	snop  }
0x4: {  	_ = 	snop  }
0x5: {  	_ = 	snop  }
0x6: {  	_ = 	snop  }
0x7: {  	_ = 	snop  }
__scs_overlays_trampoline_lowered:
0x8: {  	[smem:$0x3FA4] =	sst s0  }
0x9: {  	[smem:$0x3FA5] =	sst s1  }
0xa: {  	[smem:$0x3FA6] =	sst s2  }
0xb: {  	[smem:$0x3FA7] =	sst s3  }
0xc: {  	[smem:$0x3FA8] =	sst s4  }
0xd: {  	[smem:$0x3FA9] =	sst s5  }
0xe: {  	[smem:$0x3FAA] =	sst s6  }
0xf: {  	[smem:$0x3FAB] =	sst s7  }
0x10: {  	[smem:$0x3FAC] =	sst s8  }
0x11: {  	[smem:$0x3FAD] =	sst s9;
	s0 =	simm.s32 @!p0 $0x0  }
0x12: {  	s1 =	sld [smem:$0x3F93];
	s0 =	simm.s32 @p0 $0x1  }
0x13: {  	[smem:$0x3FAE] =	sst s0;
	s0 =	simm.s32 @!p1 $0x0  }
0x14: {  	s2 =	sld [smem:$0x3F92];
	s0 =	simm.s32 @p1 $0x1  }
0x15: {  	[smem:$0x3FAF] =	sst s0;
	s0 =	simm.s32 @!p2 $0x0  }
0x16: {  	s3 =	sld [smem:$0x3FDB];
	s0 =	simm.s32 @p2 $0x1  }
0x17: {  	s4 =	simm.s32 $0x1BF5;
	[smem:$0x3FB1] =	sst s0  }
0x18: {  	s0 =	sld [smem:$0x3F94];
	_ =	swait.ge [sflag:s4], $0x0  }
0x19: {  	s7 =	sld [smem:$0x3F95]  }
0x1a: {  	s8 =	sadd.s32 $0xFFFFE003, lr  }
0x1b: {  	s9 =	sadd.s32 $0xFFFFFEF7, lr;
	s5 =	simm.s32 $0xFFFFFFFF;
	p2 =	slt.u32 s8, $0xFFFFF086  }
0x1c: {  	p1 =	slt.u32 s9, $0xF7A;
	s5 =	simm.s32 @!p2 $0x0  }
0x1d: {  	s5 =	simm.s32 @p1 $0x1;
	p0 =	seq.s32 s7, s2  }
0x1e: {  	s7 =	smul.u32 @!p0 $0xF7A, s2;
	p2 =	seq.s32 @!p0 s5, $0x0  }
0x1f: {  	s9 =	smul.u32 $0xF7A, s1;
	s8 =	simm.s32 @!p0 $0x1BF5;
	p2 =	por !p2, p0  }
0x20: {  	[sflag:s8] =	ssyncset.s32 @!p0 $0xFFFFF086;
	s6 =	sadd.s32 @!p0 s3, s7;
	s7 =	simm.s32 @!p0 $0x108  }
0x21: {  	s3 =	sadd.s32 s3, s9;
	s6 =	sadd.s32 @!p0 $0x88, s6;
	s7 =	simm.s32 @p2 $0x1082  }
0x22: {  	[simem:s7], [sflag:s8] =	dma.local @!p0 [hbm:s6], $0xF7A  }
0x23: {  	s9 =	sor.u32 $0xD0000000, s2;
	s6 =	simm.s32 $0x108;
	_ =	swait.ge @!p0 [sflag:s8], $0x0  }
0x24: {  	s3 =	sadd.s32 $0x88, s3;
	s6 =	simm.s32 @!p1 $0x1082;
	[sflag:s4] =	ssyncset.s32 $0xFFFFF086  }
0x25: {  	[simem:s6], [sflag:s4] =	dma.local [hbm:s3], $0xF7A  }
0x26: {  	[smem:$0x3F95] =	sst s1;
	(tag) =	ssettag s2;
	_ =	strace s9  }
0x27: {  	s1 =	sld [smem:$0x3FA5]  }
0x28: {  	s2 =	sld [smem:$0x3FA6]  }
0x29: {  	s4 =	sld [smem:$0x3FA8]  }
0x2a: {  	p0 =	seq.s32 s5, $0x0;
	s5 =	sld [smem:$0x3FA9]  }
0x2b: {  	s6 =	sld [smem:$0x3FAA]  }
0x2c: {  	s7 =	sld [smem:$0x3FAB]  }
0x2d: {  	s3 =	simm.s32 $0x108;
	s8 =	sld [smem:$0x3FAC]  }
0x2e: {  	s3 =	simm.s32 @!p0 $0x1082;
	s9 =	sld [smem:$0x3FAD]  }
0x2f: {  	lr =	sadd.s32 s0, s3;
	s0 =	sld [smem:$0x3FA4]  }
0x30: {  	s3 =	sld [smem:$0x3FA7]  }
0x31: {  	[smem:$0x3FB0] =	sst s10  }
0x32: {  	s10 =	sld [smem:$0x3FAE];
	_ =	sdelay $0x3  }
0x33: {  	p0 =	seq.s32 s10, $0x1;
	s10 =	sld [smem:$0x3FB0];
	_ =	sdelay $0x3  }
0x34: {  	[smem:$0x3FB0] =	sst s10  }
0x35: {  	s10 =	sld [smem:$0x3FAF];
	_ =	sdelay $0x3  }
0x36: {  	p1 =	seq.s32 s10, $0x1;
	s10 =	sld [smem:$0x3FB0];
	_ =	sdelay $0x3  }
0x37: {  	[smem:$0x3FB0] =	sst s10  }
0x38: {  	s10 =	sld [smem:$0x3FB1]  }
0x39: {  	_ = 	snop;
	(pc) =	sbr.ind lr, $3  }
0x3a: {  	_ = 	snop  }
0x3b: {  	_ = 	snop  }
0x3c: {  	p2 =	seq.s32 s10, $0x1;
	s10 =	sld [smem:$0x3FB0]  }
0x3d: {  	_ =	shalt  }
0x3e: {  	_ =	shalt  }
0x3f: {  	_ =	shalt  }
0x40: {  	_ =	shalt  }
0x41: {  	_ =	shalt  }
0x42: {  	_ =	shalt  }
0x43: {  	_ =	shalt  }
0x44: {  	_ =	shalt  }
0x45: {  	_ =	shalt  }
0x46: {  	_ =	shalt  }
0x47: {  	_ =	shalt  }
0x48: {  	_ =	shalt  }
0x49: {  	_ =	shalt  }
0x4a: {  	_ =	shalt  }
0x4b: {  	_ =	shalt  }
0x4c: {  	_ =	shalt  }
0x4d: {  	_ =	shalt  }
0x4e: {  	_ =	shalt  }
0x4f: {  	_ =	shalt  }
0x50: {  	_ =	shalt  }
0x51: {  	_ =	shalt  }
0x52: {  	_ =	shalt  }
0x53: {  	_ =	shalt  }
0x54: {  	_ =	shalt  }
0x55: {  	_ =	shalt  }
0x56: {  	_ =	shalt  }
0x57: {  	_ =	shalt  }
0x58: {  	_ =	shalt  }
0x59: {  	_ =	shalt  }
0x5a: {  	_ =	shalt  }
0x5b: {  	_ =	shalt  }
0x5c: {  	_ =	shalt  }
0x5d: {  	_ =	shalt  }
0x5e: {  	_ =	shalt  }
0x5f: {  	_ =	shalt  }
0x60: {  	_ =	shalt  }
0x61: {  	_ =	shalt  }
0x62: {  	_ =	shalt  }
0x63: {  	_ =	shalt  }
0x64: {  	_ =	shalt  }
0x65: {  	_ =	shalt  }
0x66: {  	_ =	shalt  }
0x67: {  	_ =	shalt  }
0x68: {  	_ =	shalt  }
0x69: {  	_ =	shalt  }
0x6a: {  	_ =	shalt  }
0x6b: {  	_ =	shalt  }
0x6c: {  	_ =	shalt  }
0x6d: {  	_ =	shalt  }
0x6e: {  	_ =	shalt  }
0x6f: {  	_ =	shalt  }
0x70: {  	_ =	shalt  }
0x71: {  	_ =	shalt  }
0x72: {  	_ =	shalt  }
0x73: {  	_ =	shalt  }
0x74: {  	_ =	shalt  }
0x75: {  	_ =	shalt  }
0x76: {  	_ =	shalt  }
0x77: {  	_ =	shalt  }
0x78: {  	_ =	shalt  }
0x79: {  	_ =	shalt  }
0x7a: {  	_ =	shalt  }
0x7b: {  	_ =	shalt  }
0x7c: {  	_ =	shalt  }
0x7d: {  	_ =	shalt  }
0x7e: {  	_ =	shalt  }
0x7f: {  	_ =	shalt  }
0x80: {  	_ =	shalt  }
0x81: {  	_ =	shalt  }
0x82: {  	_ =	shalt  }
0x83: {  	_ =	shalt  }
0x84: {  	_ =	shalt  }
0x85: {  	_ =	shalt  }
0x86: {  	_ =	shalt  }
0x87: {  	_ =	shalt  }
.Lfunc_end0:
.L_simem_size_0:
called_computation.5_lowered:
.L_overlay_start_0:
0x88: {  	s2 =	sld [smem:$0x3FD9]  }
0x89: {  	s3 =	sld [smem:$0x3FFE];
	_ =	sdelay $0x1  }
0x8a: {  	s1 =	srdreg.scid  }
0x8b: {  	s0 =	sand.u32 $0x1, s1  }
0x8c: {  	s16 =	sshll.u32 s0, $0xA;
	s2 =	sadd.s32 s3, s2  }
0x8d: {  	s2 =	sadd.s32 s2, s16  }
0x8e: {  	[smem:$0x3FBC] =	sst s2  }
0x8f: {  	_ = 	snop  }
0x90: {  	(tm) =	ssettm $0x1  }
0x91: {  	s17 =	sld [smem:$0x3FFB];
	_ =	sdelay $0x3  }
0x92: {  	_ =	strace s17  }
0x93: {  	s2 =	sld [smem:$0x3FFC];
	_ =	sdelay $0x3  }
0x94: {  	_ =	strace s2  }
0x95: {  	s2 =	sld [smem:$0x3FFD];
	_ =	sdelay $0x3  }
0x96: {  	_ =	strace s2  }
0x97: {  	_ =	strace $0x8FFFFFFF  }
0x98: {  	s18 =	sld [smem:$0x3FDB];
	_ =	sdelay $0x1  }
0x99: {  	s19 =	simm.s32 $_scs_section_size  }
0x9a: {  	s4 =	simm.s32 $_size__tile_overlayer_lowered;
	s5 =	simm.s32 $_tile_overlayer_lowered  }
0x9b: {  	s22 =	simm.s32 $0x1BFF;
	s21 =	sshll.u32 s5, $0x1;
	s2 =	sadd.s32 s19, s18  }
0x9c: {  	s6 =	simm.s32 $0x0;
	s20 =	sshll.u32 s4, $0x1;
	s4 =	sadd.s32 s21, s2  }
0x9d: {  	[timem:s6], [sflag:s22] =	dma.local [hbm:s4], s20  }
0x9e: {  	_ =	swait.ge [sflag:s22], s20  }
0x9f: {  	s3 =	ssub.s32 $0x0, s20;
	[sflag:s22] =	ssyncset.done $0x0  }
0xa0: {  	[sflag:s22] =	ssyncadd.s32 s3;
	_ =	sdelay $0x1  }
0xa1: {  	s23 =	simm.s32 $0x1B8B  }
0xa2: {  	_ =	swait.ge [sflag:s23], $0x1  }
0xa3: {  	[sflag:s23] =	ssyncset.done $0x0  }
0xa4: {  	s25 =	simm.s32 $0x1B8E;
	s24 =	sld [smem:$0x3FFE];
	[sflag:s23] =	ssyncadd.s32 $0xFFFFFFFF  }
0xa5: {  	s26 =	simm.s32 $execute0_lowered;
	[smem:$0x3FD2] =	sst s25  }
0xa6: {  	s4 =	sshll.u32 s26, $0x1;
	_ =	strace $0x80000055;
	[dreg:$0x1] =	wrdreg $0xFFFFFFFF  }
0xa7: {  	s28 =	simm.s32 $_size_execute0_lowered;
	s2 =	sadd.s32 s2, s4;
	[dreg:$0x0] =	wrdreg $0x0  }
0xa8: {  	s4 =	sshll.u32 s28, $0x1;
	[dreg:$0x2] =	wrdreg s2  }
0xa9: {  	[dreg:$0x3] =	wrdreg s4  }
0xaa: {  	[dreg:$0x4] =	wrdreg $0xC0  }
0xab: {  	_ =	task [dreg:s6], $0x5FFFF  }
0xac: {  	[dreg:$0x1] =	wrdreg $0xFFFFFFFF  }
0xad: {  	[dreg:$0x0] =	wrdreg $0x60  }
0xae: {  	[dreg:$0x2] =	wrdreg s24  }
0xaf: {  	[dreg:$0x3] =	wrdreg $0x14F000  }
0xb0: {  	[dreg:$0x4] =	wrdreg $0xB1000  }
0xb1: {  	[dreg:$0x5] =	wrdreg $0x9  }
0xb2: {  	_ =	task.clear_ibuf [dreg:s6], $0x6FFFF;
	_ =	strace $0x90000055  }
0xb3: {  	s29 =	simm.s32 $0x9;
	_ =	strace $0x80000057  }
0xb4: {  	_ =	swait.ge [sflag:s29], $0x1  }
0xb5: {  	[sflag:s29] =	ssyncadd.s32 $0xFFFFFFFF  }
0xb6: {  	_ =	strace $0x90000057  }
0xb7: {  	_ =	sfence  }
0xb8: {  	s30 =	sld [smem:$0x0];
	_ =	sdelay $0x2  }
0xb9: {  	s31 =	sshll.u32 s1, $0xD;
	s1 =	sshrl.u32 s1, $0x2  }
0xba: {  	s3 =	sand.u32 $0x4000, s31;
	s1 =	sadd.s32 s1, s30  }
0xbb: {  	s0 =	sor.u32 s3, s0;
	s1 =	sshll.u32 s1, $0x11  }
0xbc: {  	s0 =	sor.u32 s1, s0  }
0xbd: {  	s0 =	sadd.s32 $0x8F2B, s0  }
0xbe: {  	[sflag:s0] =	ssyncadd.remote.s32 $0x1  }
0xbf: {  	_ =	sfence.sel $0xFFFF  }
0xc0: {  	[dreg:$0x0] =	wrdreg $0xFFFFFFFF;
	(pc) =	sbr.abs _section_cstart, $3  }
0xc1: {  	[dreg:$0x1] =	wrdreg $0xFFFFFFFF  }
0xc2: {  	_ =	task.clear_ibuf [dreg:s6], $0x2FFFF;
	_ =	strace $0x9FFFFFFF  }
0xc3: {  	(tm) =	ssettm $0x7FFFFFFF  }
tec
execute0_lowered:
.L_overlay_start_1:
0x0: {  	(tag) =	ssettag $0x1  }
0x1: {  	s0 =	rddreg [dreg:$0x0]  }
0x2: {  	s2 =	rddreg [dreg:$0x1]  }
0x3: {  	s3 =	rddreg [dreg:$0x2]  }
0x4: {  	s11 =	stileid.u32;
	s1 =	srdreg.scid;
	s4 =	simm.s32 $0x0  }
0x5: {  	s13 =	simm.s32 $0x7;
	s15 =	simm.s32 $0x2880;
	s16 =	simm.s32 $0x80  }
0x6: {  	s17 =	simm.s32 $0x5100;
	s18 =	simm.s32 $0x7100;
	s20 =	simm.s32 $0x9100  }
0x7: {  	s21 =	simm.s32 $0x1;
	s22 =	simm.s32 $0x2;
	s24 =	simm.s32 $0x4  }
0x8: {  	s28 =	simm.s32 $0x2980;
	s29 =	simm.s32 $0x5;
	s30 =	simm.s32 $0x200  }
0x9: {  	s31 =	simm.s32 $0x6;
	s7 =	smul.u32 $0x9E00, s11;
	s1 =	sand.u32 $0x1, s1  }
0xa: {  	[smem:$0x7FF] =	sst s4;
	s5 =	sshll.u32 s11, $0x1;
	s26 =	sshll.u32 s11, $0x6  }
0xb: {  	s6 =	smul.u32 $0x9E000, s1;
	_ =	strace $0x80000056;
	s5 =	sor.u32 s1, s5  }
0xc: {  	s1 =	ssub.s32 $0x2, s1;
	s8 =	sshrl.u32 s7, $0x3;
	s5 =	smul.u32 $0x510, s5  }
0xd: {  	s9 =	sshrl.u32 s1, $0x1;
	s12 =	sadd.s32 s7, s2;
	s14 =	sadd.s32 s7, s3  }
0xe: {  	s6 =	sadd.s32 s7, s6;
	s8 =	sadd.s32 s8, s0;
	s1 =	ssub.s32 s1, s9  }
.Ltmp0:
0xf: {  	s12 =	sshrl.u32 s12, $0x3;
	s14 =	sshrl.u32 s14, $0x3;
	(pc) =	sbr.rel .LBB2_1-.Ltmp0, $4  }
0x10: {  	s6 =	sshrl.u32 s6, $0x3;
	s10 =	sadd.s32 s5, s0;
	s5 =	sadd.s32 $0x7D200, s8  }
0x11: {  	s7 =	sadd.s32 $0x69600, s8;
	s11 =	smax.u32 s1, $0x1;
	s0 =	sadd.s32 s6, s0  }
0x12: {  	s6 =	sor.u32 $0x1C07, s26;
	s8 =	sadd.s32 $0x19600, s10;
	s9 =	sadd.s32 $0x37C00, s10  }
0x13: {  	s26 =	simm.s32 $0x3;
	s10 =	sadd.s32 $0xB8600, s0;
	s0 =	simm.s32 $0x0  }
.LBB2_4:
0x14: {  	_ =	swait.ge [sflag:s26], $0x2000  }
0x15: {  	[sflag:s26] =	ssyncset.done $0x0  }
0x16: {  	[sflag:s26] =	ssyncadd.s32 $0xFFFFE000  }
0x17: {  	[spmem:s2] =	stream.indirect.scatter.add.f32 [tilespmem:s20], [sflag:$0x6], $0x40, s23, s16, $0xb8;
	[tilespmem:$0x1ED00] =	vst v63  }
0x18: {  	_ =	swait.ge [sflag:s29], $0x2000  }
0x19: {  	[sflag:s29] =	ssyncset.done $0x0  }
0x1a: {  	[sflag:s29] =	ssyncadd.s32 $0xFFFFE000  }
0x1b: {  	_ =	swait.ge [sflag:s31], $0x2000  }
0x1c: {  	s0 =	sadd.s32 $0x1, s0;
	[sflag:s31] =	ssyncset.done $0x0  }
0x1d: {  	p0 =	sne.s32 s0, s11;
	[sflag:s31] =	ssyncadd.s32 $0xFFFFE000  }
.Ltmp1:
0x1e: {  	[bflag:$0x0] =	sbarrier.arrive $0xFFFF;
	(pc) =	sbr.rel @!p0 .LBB2_5-.Ltmp1, $4  }
0x1f: {  	[hbm:s10], [sflag:s6] =	dma.local [spmem:s12], $0x13C0  }
0x20: {  	_ =	swait.ge [sflag:s13], $0x13C0  }
0x21: {  	[sflag:s13] =	ssyncset.done $0x0  }
0x22: {  	[sflag:s13] =	ssyncadd.s32 $0xFFFFEC40  }
.LBB2_1:
0x23: {  	[spmem:s12], [sflag:s6] =	dma.local [hbm:s5], $0x13C0  }
0x24: {  	_ =	swait.ge [sflag:s13], $0x13C0  }
0x25: {  	[sflag:s13] =	ssyncset.done $0x0  }
0x26: {  	[sflag:s13] =	ssyncadd.s32 $0xFFFFEC40  }
0x27: {  	[spmem:s14], [sflag:s6] =	dma.local [hbm:s7], $0x13C0  }
0x28: {  	_ =	swait.ge [sflag:s13], $0x13C0  }
0x29: {  	[sflag:s13] =	ssyncset.done $0x0  }
0x2a: {  	[sflag:s13] =	ssyncadd.s32 $0xFFFFEC40  }
0x2b: {  	[tilespmem:s4], [sflag:$0x7] =	stream.linear.gather [hbm4b:s8+s4], $0x2880, $0x38;
	[tilespmem:$0x1ED00] =	vst v63  }
0x2c: {  	_ =	swait.ge [sflag:s13], $0x2880  }
0x2d: {  	[sflag:s13] =	ssyncset.done $0x0  }
0x2e: {  	[sflag:s13] =	ssyncadd.s32 $0xFFFFD780  }
0x2f: {  	[tilespmem:s15], [sflag:$0x7] =	stream.linear.gather [hbm4b:s9+s4], $0x2880, $0x38;
	[tilespmem:$0x1ED00] =	vst v63  }
0x30: {  	_ =	swait.ge [sflag:s13], $0x2880  }
0x31: {  	[sflag:s13] =	ssyncset.done $0x0  }
0x32: {  	[sflag:s13] =	ssyncadd.s32 $0xFFFFD780  }
0x33: {  	[bflag:$0x0] =	sbarrier.arrive $0xFFFF  }
0x34: {  	[tilespmem:s17], [sflag:$0x1] =	stream.indirect.gather [spmem:s3], $0x40, s4, s16, $0xb8;
	[tilespmem:$0x1ED00] =	vst v63  }
0x35: {  	_ = 	snop  }
0x36: {  	[tilespmem:s18], [sflag:$0x2] =	stream.indirect.gather [spmem:s3], $0x40, s16, s16, $0xb8;
	[tilespmem:$0x1ED00] =	vst v63  }
0x37: {  	s1 =	simm.s32 $0x100  }
0x38: {  	[tilespmem:s20], [sflag:$0x3] =	stream.indirect.gather [spmem:s3], $0x40, s1, s16, $0xb8;
	[tilespmem:$0x1ED00] =	vst v63  }
0x39: {  	_ =	swait.ge [sflag:s21], $0x2000  }
0x3a: {  	[sflag:s21] =	ssyncset.done $0x0  }
0x3b: {  	[sflag:s21] =	ssyncadd.s32 $0xFFFFE000  }
0x3c: {  	[spmem:s2] =	stream.indirect.scatter.add.f32 [tilespmem:s17], [sflag:$0x4], $0x40, s15, s16, $0xb8;
	[tilespmem:$0x1ED00] =	vst v63  }
0x3d: {  	_ =	swait.ge [sflag:s22], $0x2000  }
0x3e: {  	[sflag:s22] =	ssyncset.done $0x0  }
0x3f: {  	s23 =	simm.s32 $0x2900;
	[sflag:s22] =	ssyncadd.s32 $0xFFFFE000  }
0x40: {  	[spmem:s2] =	stream.indirect.scatter.add.f32 [tilespmem:s18], [sflag:$0x5], $0x40, s23, s16, $0xb8;
	[tilespmem:$0x1ED00] =	vst v63  }
0x41: {  	_ =	swait.ge [sflag:s24], $0x2000  }
0x42: {  	[sflag:s24] =	ssyncset.done $0x0  }
0x43: {  	s25 =	simm.s32 $0x180;
	[sflag:s24] =	ssyncadd.s32 $0xFFFFE000  }
0x44: {  	[tilespmem:s17], [sflag:$0x1] =	stream.indirect.gather [spmem:s3], $0x40, s25, s16, $0xb8;
	[tilespmem:$0x1ED00] =	vst v63  }
0x45: {  	_ =	swait.ge [sflag:s26], $0x2000  }
0x46: {  	[sflag:s26] =	ssyncset.done $0x0  }
0x47: {  	[sflag:s26] =	ssyncadd.s32 $0xFFFFE000  }
0x48: {  	[spmem:s2] =	stream.indirect.scatter.add.f32 [tilespmem:s20], [sflag:$0x6], $0x40, s28, s16, $0xb8;
	[tilespmem:$0x1ED00] =	vst v63  }
0x49: {  	_ =	swait.ge [sflag:s29], $0x2000  }
0x4a: {  	[sflag:s29] =	ssyncset.done $0x0  }
0x4b: {  	s1 =	simm.s32 $0x0;
	[sflag:s29] =	ssyncadd.s32 $0xFFFFE000  }
0x4c: {  	[tilespmem:s18], [sflag:$0x2] =	stream.indirect.gather [spmem:s3], $0x40, s30, s16, $0xb8;
	[tilespmem:$0x1ED00] =	vst v63  }
.LBB2_2:
0x4d: {  	_ =	swait.ge [sflag:s21], $0x2000  }
0x4e: {  	s19 =	sshra.s32 s1, $0x2;
	[sflag:s21] =	ssyncset.done $0x0  }
0x4f: {  	s23 =	sadd.s32 $0x2A00, s19;
	[sflag:s21] =	ssyncadd.s32 $0xFFFFE000  }
0x50: {  	[spmem:s2] =	stream.indirect.scatter.add.f32 [tilespmem:s17], [sflag:$0x4], $0x40, s23, s16, $0xb8;
	[tilespmem:$0x1ED00] =	vst v63  }
0x51: {  	_ =	swait.ge [sflag:s31], $0x2000  }
0x52: {  	[sflag:s31] =	ssyncset.done $0x0  }
0x53: {  	s25 =	sadd.s32 $0x280, s19;
	[sflag:s31] =	ssyncadd.s32 $0xFFFFE000  }
0x54: {  	[tilespmem:s20], [sflag:$0x3] =	stream.indirect.gather [spmem:s3], $0x40, s25, s16, $0xb8;
	[tilespmem:$0x1ED00] =	vst v63  }
0x55: {  	_ =	swait.ge [sflag:s22], $0x2000  }
0x56: {  	p0 =	seq.s32 s1, $0x9600;
	[sflag:s22] =	ssyncset.done $0x0  }
.Ltmp2:
0x57: {  	s25 =	sadd.s32 $0x2A80, s19;
	[sflag:s22] =	ssyncadd.s32 $0xFFFFE000;
	(pc) =	sbr.rel @p0 .LBB2_4-.Ltmp2, $4  }
0x58: {  	[spmem:s2] =	stream.indirect.scatter.add.f32 [tilespmem:s18], [sflag:$0x5], $0x40, s25, s16, $0xb8;
	[tilespmem:$0x1ED00] =	vst v63  }
0x59: {  	_ =	swait.ge [sflag:s24], $0x2000  }
0x5a: {  	[sflag:s24] =	ssyncset.done $0x0  }
0x5b: {  	s23 =	sadd.s32 $0x2B00, s19;
	[sflag:s24] =	ssyncadd.s32 $0xFFFFE000  }
0x5c: {  	s25 =	sadd.s32 $0x300, s19  }
0x5d: {  	[tilespmem:s17], [sflag:$0x1] =	stream.indirect.gather [spmem:s3], $0x40, s25, s16, $0xb8;
	[tilespmem:$0x1ED00] =	vst v63  }
0x5e: {  	_ =	swait.ge [sflag:s26], $0x2000  }
0x5f: {  	[sflag:s26] =	ssyncset.done $0x0  }
0x60: {  	[sflag:s26] =	ssyncadd.s32 $0xFFFFE000  }
0x61: {  	[spmem:s2] =	stream.indirect.scatter.add.f32 [tilespmem:s20], [sflag:$0x6], $0x40, s23, s16, $0xb8;
	[tilespmem:$0x1ED00] =	vst v63  }
.Ltmp3:
0x62: {  	_ = 	snop;
	(pc) =	sbr.rel .LBB2_2-.Ltmp3, $4  }
0x63: {  	_ =	swait.ge [sflag:s29], $0x2000  }
0x64: {  	[sflag:s29] =	ssyncset.done $0x0  }
0x65: {  	s1 =	sadd.s32 $0x600, s1;
	s25 =	sadd.s32 $0x380, s19;
	[sflag:s29] =	ssyncadd.s32 $0xFFFFE000  }
0x66: {  	[tilespmem:s18], [sflag:$0x2] =	stream.indirect.gather [spmem:s3], $0x40, s25, s16, $0xb8;
	[tilespmem:$0x1ED00] =	vst v63  }
.LBB2_5:
0x67: {  	_ =	sfence.sel $0x180000  }
0x68: {  	[bflag:$0x0] =	sbarrier.arrive $0xFFFF  }
0x69: {  	_ =	strace $0x90000056  }
0x6a: {  	s0 =	stileid.u32;
	[bflag:$0x2] =	sbarrier.arrive $0xFFFF  }
0x6b: {  	p0 =	sne.s32 s0, $0x0;
	s0 =	rddreg [dreg:$0x3]  }
0x6c: {  	s0 =	sadd.s32 @!p0 $0x100000, s0  }
0x6d: {  	[sflag:s0] =	ssyncadd.tile.s32 @!p0 $0x1;
	_ =	shalt  }
.Lfunc_end2:
_tile_overlayer_lowered:
.L_overlay_start_2:
0x6e: {  	(tag) =	ssettag $0x2  }
0x6f: {  	s0 =	rddreg [dreg:$0x0];
	s2 =	stileid.u32  }
0x70: {  	s1 =	rddreg [dreg:$0x1];
	p0 =	sne.s32 s2, $0x0  }
0x71: {  	s3 =	rddreg [dreg:$0x2];
	[bflag:$0x3] =	sbarrier.arrive $0xFFFF;
	s2 =	simm.s32 @!p0 $0x1C07  }
0x72: {  	[timem:s3], [sflag:s2] =	dma.local @!p0 [hbm:s0], s1  }
0x73: {  	s0 =	simm.s32 @!p0 $0x7  }
0x74: {  	_ =	swait.ge @!p0 [sflag:s0], s1  }
0x75: {  	s1 =	ssub.s32 @!p0 $0x0, s1;
	[sflag:s0] =	ssyncset.done @!p0 $0x0  }
0x76: {  	[sflag:s0] =	ssyncadd.s32 @!p0 s1  }
0x77: {  	[bflag:$0x3] =	sbarrier.arrive $0xFFFF  }
0x78: {  	_ =	shalt  }

// kernel: kernel.35.cloned.1.call-start
scs
__scs_entry_jumppad:
0x0: {  	(pc) =	sbr.rel $0x88, $3  }
0x1: {  	(tag) =	ssettag $0x0;
	lr =	simm.s32 $0x1  }
0x2: {  	[smem:$0x3F95] =	sst lr;
	_ =	strace $0xD0000000  }
0x3: {  	_ = 	snop  }
0x4: {  	_ = 	snop  }
0x5: {  	_ = 	snop  }
0x6: {  	_ = 	snop  }
0x7: {  	_ = 	snop  }
__scs_overlays_trampoline_lowered:
0x8: {  	[smem:$0x3FA4] =	sst s0  }
0x9: {  	[smem:$0x3FA5] =	sst s1  }
0xa: {  	[smem:$0x3FA6] =	sst s2  }
0xb: {  	[smem:$0x3FA7] =	sst s3  }
0xc: {  	[smem:$0x3FA8] =	sst s4  }
0xd: {  	[smem:$0x3FA9] =	sst s5  }
0xe: {  	[smem:$0x3FAA] =	sst s6  }
0xf: {  	[smem:$0x3FAB] =	sst s7  }
0x10: {  	[smem:$0x3FAC] =	sst s8  }
0x11: {  	[smem:$0x3FAD] =	sst s9;
	s0 =	simm.s32 @!p0 $0x0  }
0x12: {  	s1 =	sld [smem:$0x3F93];
	s0 =	simm.s32 @p0 $0x1  }
0x13: {  	[smem:$0x3FAE] =	sst s0;
	s0 =	simm.s32 @!p1 $0x0  }
0x14: {  	s2 =	sld [smem:$0x3F92];
	s0 =	simm.s32 @p1 $0x1  }
0x15: {  	[smem:$0x3FAF] =	sst s0;
	s0 =	simm.s32 @!p2 $0x0  }
0x16: {  	s3 =	sld [smem:$0x3FDB];
	s0 =	simm.s32 @p2 $0x1  }
0x17: {  	s4 =	simm.s32 $0x1BF5;
	[smem:$0x3FB1] =	sst s0  }
0x18: {  	s0 =	sld [smem:$0x3F94];
	_ =	swait.ge [sflag:s4], $0x0  }
0x19: {  	s7 =	sld [smem:$0x3F95]  }
0x1a: {  	s8 =	sadd.s32 $0xFFFFE003, lr  }
0x1b: {  	s9 =	sadd.s32 $0xFFFFFEF7, lr;
	s5 =	simm.s32 $0xFFFFFFFF;
	p2 =	slt.u32 s8, $0xFFFFF086  }
0x1c: {  	p1 =	slt.u32 s9, $0xF7A;
	s5 =	simm.s32 @!p2 $0x0  }
0x1d: {  	s5 =	simm.s32 @p1 $0x1;
	p0 =	seq.s32 s7, s2  }
0x1e: {  	s7 =	smul.u32 @!p0 $0xF7A, s2;
	p2 =	seq.s32 @!p0 s5, $0x0  }
0x1f: {  	s9 =	smul.u32 $0xF7A, s1;
	s8 =	simm.s32 @!p0 $0x1BF5;
	p2 =	por !p2, p0  }
0x20: {  	[sflag:s8] =	ssyncset.s32 @!p0 $0xFFFFF086;
	s6 =	sadd.s32 @!p0 s3, s7;
	s7 =	simm.s32 @!p0 $0x108  }
0x21: {  	s3 =	sadd.s32 s3, s9;
	s6 =	sadd.s32 @!p0 $0x88, s6;
	s7 =	simm.s32 @p2 $0x1082  }
0x22: {  	[simem:s7], [sflag:s8] =	dma.local @!p0 [hbm:s6], $0xF7A  }
0x23: {  	s9 =	sor.u32 $0xD0000000, s2;
	s6 =	simm.s32 $0x108;
	_ =	swait.ge @!p0 [sflag:s8], $0x0  }
0x24: {  	s3 =	sadd.s32 $0x88, s3;
	s6 =	simm.s32 @!p1 $0x1082;
	[sflag:s4] =	ssyncset.s32 $0xFFFFF086  }
0x25: {  	[simem:s6], [sflag:s4] =	dma.local [hbm:s3], $0xF7A  }
0x26: {  	[smem:$0x3F95] =	sst s1;
	(tag) =	ssettag s2;
	_ =	strace s9  }
0x27: {  	s1 =	sld [smem:$0x3FA5]  }
0x28: {  	s2 =	sld [smem:$0x3FA6]  }
0x29: {  	s4 =	sld [smem:$0x3FA8]  }
0x2a: {  	p0 =	seq.s32 s5, $0x0;
	s5 =	sld [smem:$0x3FA9]  }
0x2b: {  	s6 =	sld [smem:$0x3FAA]  }
0x2c: {  	s7 =	sld [smem:$0x3FAB]  }
0x2d: {  	s3 =	simm.s32 $0x108;
	s8 =	sld [smem:$0x3FAC]  }
0x2e: {  	s3 =	simm.s32 @!p0 $0x1082;
	s9 =	sld [smem:$0x3FAD]  }
0x2f: {  	lr =	sadd.s32 s0, s3;
	s0 =	sld [smem:$0x3FA4]  }
0x30: {  	s3 =	sld [smem:$0x3FA7]  }
0x31: {  	[smem:$0x3FB0] =	sst s10  }
0x32: {  	s10 =	sld [smem:$0x3FAE];
	_ =	sdelay $0x3  }
0x33: {  	p0 =	seq.s32 s10, $0x1;
	s10 =	sld [smem:$0x3FB0];
	_ =	sdelay $0x3  }
0x34: {  	[smem:$0x3FB0] =	sst s10  }
0x35: {  	s10 =	sld [smem:$0x3FAF];
	_ =	sdelay $0x3  }
0x36: {  	p1 =	seq.s32 s10, $0x1;
	s10 =	sld [smem:$0x3FB0];
	_ =	sdelay $0x3  }
0x37: {  	[smem:$0x3FB0] =	sst s10  }
0x38: {  	s10 =	sld [smem:$0x3FB1]  }
0x39: {  	_ = 	snop;
	(pc) =	sbr.ind lr, $3  }
0x3a: {  	_ = 	snop  }
0x3b: {  	_ = 	snop  }
0x3c: {  	p2 =	seq.s32 s10, $0x1;
	s10 =	sld [smem:$0x3FB0]  }
0x3d: {  	_ =	shalt  }
0x3e: {  	_ =	shalt  }
0x3f: {  	_ =	shalt  }
0x40: {  	_ =	shalt  }
0x41: {  	_ =	shalt  }
0x42: {  	_ =	shalt  }
0x43: {  	_ =	shalt  }
0x44: {  	_ =	shalt  }
0x45: {  	_ =	shalt  }
0x46: {  	_ =	shalt  }
0x47: {  	_ =	shalt  }
0x48: {  	_ =	shalt  }
0x49: {  	_ =	shalt  }
0x4a: {  	_ =	shalt  }
0x4b: {  	_ =	shalt  }
0x4c: {  	_ =	shalt  }
0x4d: {  	_ =	shalt  }
0x4e: {  	_ =	shalt  }
0x4f: {  	_ =	shalt  }
0x50: {  	_ =	shalt  }
0x51: {  	_ =	shalt  }
0x52: {  	_ =	shalt  }
0x53: {  	_ =	shalt  }
0x54: {  	_ =	shalt  }
0x55: {  	_ =	shalt  }
0x56: {  	_ =	shalt  }
0x57: {  	_ =	shalt  }
0x58: {  	_ =	shalt  }
0x59: {  	_ =	shalt  }
0x5a: {  	_ =	shalt  }
0x5b: {  	_ =	shalt  }
0x5c: {  	_ =	shalt  }
0x5d: {  	_ =	shalt  }
0x5e: {  	_ =	shalt  }
0x5f: {  	_ =	shalt  }
0x60: {  	_ =	shalt  }
0x61: {  	_ =	shalt  }
0x62: {  	_ =	shalt  }
0x63: {  	_ =	shalt  }
0x64: {  	_ =	shalt  }
0x65: {  	_ =	shalt  }
0x66: {  	_ =	shalt  }
0x67: {  	_ =	shalt  }
0x68: {  	_ =	shalt  }
0x69: {  	_ =	shalt  }
0x6a: {  	_ =	shalt  }
0x6b: {  	_ =	shalt  }
0x6c: {  	_ =	shalt  }
0x6d: {  	_ =	shalt  }
0x6e: {  	_ =	shalt  }
0x6f: {  	_ =	shalt  }
0x70: {  	_ =	shalt  }
0x71: {  	_ =	shalt  }
0x72: {  	_ =	shalt  }
0x73: {  	_ =	shalt  }
0x74: {  	_ =	shalt  }
0x75: {  	_ =	shalt  }
0x76: {  	_ =	shalt  }
0x77: {  	_ =	shalt  }
0x78: {  	_ =	shalt  }
0x79: {  	_ =	shalt  }
0x7a: {  	_ =	shalt  }
0x7b: {  	_ =	shalt  }
0x7c: {  	_ =	shalt  }
0x7d: {  	_ =	shalt  }
0x7e: {  	_ =	shalt  }
0x7f: {  	_ =	shalt  }
0x80: {  	_ =	shalt  }
0x81: {  	_ =	shalt  }
0x82: {  	_ =	shalt  }
0x83: {  	_ =	shalt  }
0x84: {  	_ =	shalt  }
0x85: {  	_ =	shalt  }
0x86: {  	_ =	shalt  }
0x87: {  	_ =	shalt  }
.Lfunc_end0:
.L_simem_size_0:
called_computation.6_lowered:
.L_overlay_start_0:
0x88: {  	s2 =	sld [smem:$0x3FD9]  }
0x89: {  	s3 =	sld [smem:$0x3FFE];
	_ =	sdelay $0x1  }
0x8a: {  	s1 =	srdreg.scid  }
0x8b: {  	s0 =	sand.u32 $0x1, s1  }
0x8c: {  	s16 =	sshll.u32 s0, $0xA;
	s2 =	sadd.s32 s3, s2  }
0x8d: {  	s2 =	sadd.s32 s2, s16  }
0x8e: {  	[smem:$0x3FBC] =	sst s2  }
0x8f: {  	_ = 	snop  }
0x90: {  	(tm) =	ssettm $0x1  }
0x91: {  	s17 =	sld [smem:$0x3FFB];
	_ =	sdelay $0x3  }
0x92: {  	_ =	strace s17  }
0x93: {  	s2 =	sld [smem:$0x3FFC];
	_ =	sdelay $0x3  }
0x94: {  	_ =	strace s2  }
0x95: {  	s2 =	sld [smem:$0x3FFD];
	_ =	sdelay $0x3  }
0x96: {  	_ =	strace s2  }
0x97: {  	_ =	strace $0x8FFFFFFF  }
0x98: {  	s18 =	sld [smem:$0x3FDB];
	_ =	sdelay $0x1  }
0x99: {  	s19 =	simm.s32 $_scs_section_size  }
0x9a: {  	s4 =	simm.s32 $_size__tile_overlayer_lowered;
	s5 =	simm.s32 $_tile_overlayer_lowered  }
0x9b: {  	s22 =	simm.s32 $0x1BFF;
	s21 =	sshll.u32 s5, $0x1;
	s2 =	sadd.s32 s19, s18  }
0x9c: {  	s6 =	simm.s32 $0x0;
	s20 =	sshll.u32 s4, $0x1;
	s4 =	sadd.s32 s21, s2  }
0x9d: {  	[timem:s6], [sflag:s22] =	dma.local [hbm:s4], s20  }
0x9e: {  	_ =	swait.ge [sflag:s22], s20  }
0x9f: {  	s3 =	ssub.s32 $0x0, s20;
	[sflag:s22] =	ssyncset.done $0x0  }
0xa0: {  	[sflag:s22] =	ssyncadd.s32 s3;
	_ =	sdelay $0x1  }
0xa1: {  	s23 =	simm.s32 $0x1B8B  }
0xa2: {  	_ =	swait.ge [sflag:s23], $0x1  }
0xa3: {  	[sflag:s23] =	ssyncset.done $0x0  }
0xa4: {  	s25 =	simm.s32 $0x1B8E;
	s24 =	sld [smem:$0x3FFE];
	[sflag:s23] =	ssyncadd.s32 $0xFFFFFFFF  }
0xa5: {  	s26 =	simm.s32 $execute0_lowered;
	[smem:$0x3FD2] =	sst s25  }
0xa6: {  	s4 =	sshll.u32 s26, $0x1;
	_ =	strace $0x80000058;
	[dreg:$0x1] =	wrdreg $0xFFFFFFFF  }
0xa7: {  	s28 =	simm.s32 $_size_execute0_lowered;
	s2 =	sadd.s32 s2, s4;
	[dreg:$0x0] =	wrdreg $0x0  }
0xa8: {  	s4 =	sshll.u32 s28, $0x1;
	[dreg:$0x2] =	wrdreg s2  }
0xa9: {  	[dreg:$0x3] =	wrdreg s4  }
0xaa: {  	[dreg:$0x4] =	wrdreg $0xC0  }
0xab: {  	_ =	task [dreg:s6], $0x5FFFF  }
0xac: {  	[dreg:$0x1] =	wrdreg $0xFFFFFFFF  }
0xad: {  	[dreg:$0x0] =	wrdreg $0x60  }
0xae: {  	[dreg:$0x2] =	wrdreg s24  }
0xaf: {  	[dreg:$0x3] =	wrdreg $0x14F000  }
0xb0: {  	[dreg:$0x4] =	wrdreg $0xB1000  }
0xb1: {  	[dreg:$0x5] =	wrdreg $0x9  }
0xb2: {  	_ =	task.clear_ibuf [dreg:s6], $0x6FFFF;
	_ =	strace $0x90000058  }
0xb3: {  	s29 =	simm.s32 $0x9;
	_ =	strace $0x8000005A  }
0xb4: {  	_ =	swait.ge [sflag:s29], $0x1  }
0xb5: {  	[sflag:s29] =	ssyncadd.s32 $0xFFFFFFFF  }
0xb6: {  	_ =	strace $0x9000005A  }
0xb7: {  	_ =	sfence  }
0xb8: {  	s30 =	sld [smem:$0x0];
	_ =	sdelay $0x2  }
0xb9: {  	s31 =	sshll.u32 s1, $0xD;
	s1 =	sshrl.u32 s1, $0x2  }
0xba: {  	s3 =	sand.u32 $0x4000, s31;
	s1 =	sadd.s32 s1, s30  }
0xbb: {  	s0 =	sor.u32 s3, s0;
	s1 =	sshll.u32 s1, $0x11  }
0xbc: {  	s0 =	sor.u32 s1, s0  }
0xbd: {  	s0 =	sadd.s32 $0x8F2B, s0  }
0xbe: {  	[sflag:s0] =	ssyncadd.remote.s32 $0x1  }
0xbf: {  	_ =	sfence.sel $0xFFFF  }
0xc0: {  	[dreg:$0x0] =	wrdreg $0xFFFFFFFF;
	(pc) =	sbr.abs _section_cstart, $3  }
0xc1: {  	[dreg:$0x1] =	wrdreg $0xFFFFFFFF  }
0xc2: {  	_ =	task.clear_ibuf [dreg:s6], $0x2FFFF;
	_ =	strace $0x9FFFFFFF  }
0xc3: {  	(tm) =	ssettm $0x7FFFFFFF  }
tec
execute0_lowered:
.L_overlay_start_1:
0x0: {  	(tag) =	ssettag $0x1  }
0x1: {  	s0 =	rddreg [dreg:$0x0]  }
0x2: {  	s2 =	rddreg [dreg:$0x1]  }
0x3: {  	s3 =	rddreg [dreg:$0x2]  }
0x4: {  	s11 =	stileid.u32;
	s1 =	srdreg.scid;
	s4 =	simm.s32 $0x0  }
0x5: {  	s13 =	simm.s32 $0x7;
	s15 =	simm.s32 $0x2880;
	s16 =	simm.s32 $0x80  }
0x6: {  	s17 =	simm.s32 $0x5100;
	s18 =	simm.s32 $0x7100;
	s20 =	simm.s32 $0x9100  }
0x7: {  	s21 =	simm.s32 $0x1;
	s22 =	simm.s32 $0x2;
	s24 =	simm.s32 $0x4  }
0x8: {  	s28 =	simm.s32 $0x2980;
	s29 =	simm.s32 $0x5;
	s30 =	simm.s32 $0x200  }
0x9: {  	s31 =	simm.s32 $0x6;
	s7 =	smul.u32 $0x9E00, s11;
	s1 =	sand.u32 $0x1, s1  }
0xa: {  	[smem:$0x7FF] =	sst s4;
	s5 =	sshll.u32 s11, $0x1;
	s26 =	sshll.u32 s11, $0x6  }
0xb: {  	s6 =	smul.u32 $0x9E000, s1;
	_ =	strace $0x80000059;
	s5 =	sor.u32 s1, s5  }
0xc: {  	s1 =	ssub.s32 $0x2, s1;
	s8 =	sshrl.u32 s7, $0x3;
	s5 =	smul.u32 $0x510, s5  }
0xd: {  	s9 =	sshrl.u32 s1, $0x1;
	s12 =	sadd.s32 s7, s2;
	s14 =	sadd.s32 s7, s3  }
0xe: {  	s6 =	sadd.s32 s7, s6;
	s8 =	sadd.s32 s8, s0;
	s1 =	ssub.s32 s1, s9  }
.Ltmp0:
0xf: {  	s12 =	sshrl.u32 s12, $0x3;
	s14 =	sshrl.u32 s14, $0x3;
	(pc) =	sbr.rel .LBB2_1-.Ltmp0, $4  }
0x10: {  	s6 =	sshrl.u32 s6, $0x3;
	s10 =	sadd.s32 s5, s0;
	s5 =	sadd.s32 $0x7D200, s8  }
0x11: {  	s7 =	sadd.s32 $0x5200, s8;
	s11 =	smax.u32 s1, $0x1;
	s0 =	sadd.s32 s6, s0  }
0x12: {  	s6 =	sor.u32 $0x1C07, s26;
	s8 =	sadd.s32 $0x19600, s10;
	s9 =	sadd.s32 $0x37C00, s10  }
0x13: {  	s26 =	simm.s32 $0x3;
	s10 =	sadd.s32 $0x41E00, s0;
	s0 =	simm.s32 $0x0  }
.LBB2_4:
0x14: {  	_ =	swait.ge [sflag:s26], $0x2000  }
0x15: {  	[sflag:s26] =	ssyncset.done $0x0  }
0x16: {  	[sflag:s26] =	ssyncadd.s32 $0xFFFFE000  }
0x17: {  	[spmem:s2] =	stream.indirect.scatter.add.f32 [tilespmem:s20], [sflag:$0x6], $0x40, s23, s16, $0xb8;
	[tilespmem:$0x1ED00] =	vst v63  }
0x18: {  	_ =	swait.ge [sflag:s29], $0x2000  }
0x19: {  	[sflag:s29] =	ssyncset.done $0x0  }
0x1a: {  	[sflag:s29] =	ssyncadd.s32 $0xFFFFE000  }
0x1b: {  	_ =	swait.ge [sflag:s31], $0x2000  }
0x1c: {  	s0 =	sadd.s32 $0x1, s0;
	[sflag:s31] =	ssyncset.done $0x0  }
0x1d: {  	p0 =	sne.s32 s0, s11;
	[sflag:s31] =	ssyncadd.s32 $0xFFFFE000  }
.Ltmp1:
0x1e: {  	[bflag:$0x0] =	sbarrier.arrive $0xFFFF;
	(pc) =	sbr.rel @!p0 .LBB2_5-.Ltmp1, $4  }
0x1f: {  	[hbm:s10], [sflag:s6] =	dma.local [spmem:s12], $0x13C0  }
0x20: {  	_ =	swait.ge [sflag:s13], $0x13C0  }
0x21: {  	[sflag:s13] =	ssyncset.done $0x0  }
0x22: {  	[sflag:s13] =	ssyncadd.s32 $0xFFFFEC40  }
.LBB2_1:
0x23: {  	[spmem:s12], [sflag:s6] =	dma.local [hbm:s5], $0x13C0  }
0x24: {  	_ =	swait.ge [sflag:s13], $0x13C0  }
0x25: {  	[sflag:s13] =	ssyncset.done $0x0  }
0x26: {  	[sflag:s13] =	ssyncadd.s32 $0xFFFFEC40  }
0x27: {  	[spmem:s14], [sflag:s6] =	dma.local [hbm:s7], $0x13C0  }
0x28: {  	_ =	swait.ge [sflag:s13], $0x13C0  }
0x29: {  	[sflag:s13] =	ssyncset.done $0x0  }
0x2a: {  	[sflag:s13] =	ssyncadd.s32 $0xFFFFEC40  }
0x2b: {  	[tilespmem:s4], [sflag:$0x7] =	stream.linear.gather [hbm4b:s8+s4], $0x2880, $0x38;
	[tilespmem:$0x1ED00] =	vst v63  }
0x2c: {  	_ =	swait.ge [sflag:s13], $0x2880  }
0x2d: {  	[sflag:s13] =	ssyncset.done $0x0  }
0x2e: {  	[sflag:s13] =	ssyncadd.s32 $0xFFFFD780  }
0x2f: {  	[tilespmem:s15], [sflag:$0x7] =	stream.linear.gather [hbm4b:s9+s4], $0x2880, $0x38;
	[tilespmem:$0x1ED00] =	vst v63  }
0x30: {  	_ =	swait.ge [sflag:s13], $0x2880  }
0x31: {  	[sflag:s13] =	ssyncset.done $0x0  }
0x32: {  	[sflag:s13] =	ssyncadd.s32 $0xFFFFD780  }
0x33: {  	[bflag:$0x0] =	sbarrier.arrive $0xFFFF  }
0x34: {  	[tilespmem:s17], [sflag:$0x1] =	stream.indirect.gather [spmem:s3], $0x40, s4, s16, $0xb8;
	[tilespmem:$0x1ED00] =	vst v63  }
0x35: {  	_ = 	snop  }
0x36: {  	[tilespmem:s18], [sflag:$0x2] =	stream.indirect.gather [spmem:s3], $0x40, s16, s16, $0xb8;
	[tilespmem:$0x1ED00] =	vst v63  }
0x37: {  	s1 =	simm.s32 $0x100  }
0x38: {  	[tilespmem:s20], [sflag:$0x3] =	stream.indirect.gather [spmem:s3], $0x40, s1, s16, $0xb8;
	[tilespmem:$0x1ED00] =	vst v63  }
0x39: {  	_ =	swait.ge [sflag:s21], $0x2000  }
0x3a: {  	[sflag:s21] =	ssyncset.done $0x0  }
0x3b: {  	[sflag:s21] =	ssyncadd.s32 $0xFFFFE000  }
0x3c: {  	[spmem:s2] =	stream.indirect.scatter.add.f32 [tilespmem:s17], [sflag:$0x4], $0x40, s15, s16, $0xb8;
	[tilespmem:$0x1ED00] =	vst v63  }
0x3d: {  	_ =	swait.ge [sflag:s22], $0x2000  }
0x3e: {  	[sflag:s22] =	ssyncset.done $0x0  }
0x3f: {  	s23 =	simm.s32 $0x2900;
	[sflag:s22] =	ssyncadd.s32 $0xFFFFE000  }
0x40: {  	[spmem:s2] =	stream.indirect.scatter.add.f32 [tilespmem:s18], [sflag:$0x5], $0x40, s23, s16, $0xb8;
	[tilespmem:$0x1ED00] =	vst v63  }
0x41: {  	_ =	swait.ge [sflag:s24], $0x2000  }
0x42: {  	[sflag:s24] =	ssyncset.done $0x0  }
0x43: {  	s25 =	simm.s32 $0x180;
	[sflag:s24] =	ssyncadd.s32 $0xFFFFE000  }
0x44: {  	[tilespmem:s17], [sflag:$0x1] =	stream.indirect.gather [spmem:s3], $0x40, s25, s16, $0xb8;
	[tilespmem:$0x1ED00] =	vst v63  }
0x45: {  	_ =	swait.ge [sflag:s26], $0x2000  }
0x46: {  	[sflag:s26] =	ssyncset.done $0x0  }
0x47: {  	[sflag:s26] =	ssyncadd.s32 $0xFFFFE000  }
0x48: {  	[spmem:s2] =	stream.indirect.scatter.add.f32 [tilespmem:s20], [sflag:$0x6], $0x40, s28, s16, $0xb8;
	[tilespmem:$0x1ED00] =	vst v63  }
0x49: {  	_ =	swait.ge [sflag:s29], $0x2000  }
0x4a: {  	[sflag:s29] =	ssyncset.done $0x0  }
0x4b: {  	s1 =	simm.s32 $0x0;
	[sflag:s29] =	ssyncadd.s32 $0xFFFFE000  }
0x4c: {  	[tilespmem:s18], [sflag:$0x2] =	stream.indirect.gather [spmem:s3], $0x40, s30, s16, $0xb8;
	[tilespmem:$0x1ED00] =	vst v63  }
.LBB2_2:
0x4d: {  	_ =	swait.ge [sflag:s21], $0x2000  }
0x4e: {  	s19 =	sshra.s32 s1, $0x2;
	[sflag:s21] =	ssyncset.done $0x0  }
0x4f: {  	s23 =	sadd.s32 $0x2A00, s19;
	[sflag:s21] =	ssyncadd.s32 $0xFFFFE000  }
0x50: {  	[spmem:s2] =	stream.indirect.scatter.add.f32 [tilespmem:s17], [sflag:$0x4], $0x40, s23, s16, $0xb8;
	[tilespmem:$0x1ED00] =	vst v63  }
0x51: {  	_ =	swait.ge [sflag:s31], $0x2000  }
0x52: {  	[sflag:s31] =	ssyncset.done $0x0  }
0x53: {  	s25 =	sadd.s32 $0x280, s19;
	[sflag:s31] =	ssyncadd.s32 $0xFFFFE000  }
0x54: {  	[tilespmem:s20], [sflag:$0x3] =	stream.indirect.gather [spmem:s3], $0x40, s25, s16, $0xb8;
	[tilespmem:$0x1ED00] =	vst v63  }
0x55: {  	_ =	swait.ge [sflag:s22], $0x2000  }
0x56: {  	p0 =	seq.s32 s1, $0x9600;
	[sflag:s22] =	ssyncset.done $0x0  }
.Ltmp2:
0x57: {  	s25 =	sadd.s32 $0x2A80, s19;
	[sflag:s22] =	ssyncadd.s32 $0xFFFFE000;
	(pc) =	sbr.rel @p0 .LBB2_4-.Ltmp2, $4  }
0x58: {  	[spmem:s2] =	stream.indirect.scatter.add.f32 [tilespmem:s18], [sflag:$0x5], $0x40, s25, s16, $0xb8;
	[tilespmem:$0x1ED00] =	vst v63  }
0x59: {  	_ =	swait.ge [sflag:s24], $0x2000  }
0x5a: {  	[sflag:s24] =	ssyncset.done $0x0  }
0x5b: {  	s23 =	sadd.s32 $0x2B00, s19;
	[sflag:s24] =	ssyncadd.s32 $0xFFFFE000  }
0x5c: {  	s25 =	sadd.s32 $0x300, s19  }
0x5d: {  	[tilespmem:s17], [sflag:$0x1] =	stream.indirect.gather [spmem:s3], $0x40, s25, s16, $0xb8;
	[tilespmem:$0x1ED00] =	vst v63  }
0x5e: {  	_ =	swait.ge [sflag:s26], $0x2000  }
0x5f: {  	[sflag:s26] =	ssyncset.done $0x0  }
0x60: {  	[sflag:s26] =	ssyncadd.s32 $0xFFFFE000  }
0x61: {  	[spmem:s2] =	stream.indirect.scatter.add.f32 [tilespmem:s20], [sflag:$0x6], $0x40, s23, s16, $0xb8;
	[tilespmem:$0x1ED00] =	vst v63  }
.Ltmp3:
0x62: {  	_ = 	snop;
	(pc) =	sbr.rel .LBB2_2-.Ltmp3, $4  }
0x63: {  	_ =	swait.ge [sflag:s29], $0x2000  }
0x64: {  	[sflag:s29] =	ssyncset.done $0x0  }
0x65: {  	s1 =	sadd.s32 $0x600, s1;
	s25 =	sadd.s32 $0x380, s19;
	[sflag:s29] =	ssyncadd.s32 $0xFFFFE000  }
0x66: {  	[tilespmem:s18], [sflag:$0x2] =	stream.indirect.gather [spmem:s3], $0x40, s25, s16, $0xb8;
	[tilespmem:$0x1ED00] =	vst v63  }
.LBB2_5:
0x67: {  	_ =	sfence.sel $0x180000  }
0x68: {  	[bflag:$0x0] =	sbarrier.arrive $0xFFFF  }
0x69: {  	_ =	strace $0x90000059  }
0x6a: {  	s0 =	stileid.u32;
	[bflag:$0x2] =	sbarrier.arrive $0xFFFF  }
0x6b: {  	p0 =	sne.s32 s0, $0x0;
	s0 =	rddreg [dreg:$0x3]  }
0x6c: {  	s0 =	sadd.s32 @!p0 $0x100000, s0  }
0x6d: {  	[sflag:s0] =	ssyncadd.tile.s32 @!p0 $0x1;
	_ =	shalt  }
.Lfunc_end2:
_tile_overlayer_lowered:
.L_overlay_start_2:
0x6e: {  	(tag) =	ssettag $0x2  }
0x6f: {  	s0 =	rddreg [dreg:$0x0];
	s2 =	stileid.u32  }
0x70: {  	s1 =	rddreg [dreg:$0x1];
	p0 =	sne.s32 s2, $0x0  }
0x71: {  	s3 =	rddreg [dreg:$0x2];
	[bflag:$0x3] =	sbarrier.arrive $0xFFFF;
	s2 =	simm.s32 @!p0 $0x1C07  }
0x72: {  	[timem:s3], [sflag:s2] =	dma.local @!p0 [hbm:s0], s1  }
0x73: {  	s0 =	simm.s32 @!p0 $0x7  }
0x74: {  	_ =	swait.ge @!p0 [sflag:s0], s1  }
0x75: {  	s1 =	ssub.s32 @!p0 $0x0, s1;
	[sflag:s0] =	ssyncset.done @!p0 $0x0  }
0x76: {  	[sflag:s0] =	ssyncadd.s32 @!p0 s1  }
0x77: {  	[bflag:$0x3] =	sbarrier.arrive $0xFFFF  }
0x78: {  	_ =	shalt  }

</sc_bundles>
